<compile_context>
chip_gen: v7x
topology: tpu7x:2x2x1
jax: 0.10.2.dev20260603
libtpu: 0.0.44.dev20260713+nightly
codegen_flags: <defaults>
</compile_context>

<pallas_src>
import functools

import jax
import jax.numpy as jnp
import numpy as np
from jax import lax
from jax.experimental import pallas as pl
from jax.experimental.pallas import tpu as pltpu
from jax.experimental.pallas import tpu_sc as plsc

_SKEL = np.array(
    [[15, 13], [13, 11], [16, 14], [14, 12], [11, 12], [5, 11], [6, 12],
     [5, 6], [5, 7], [6, 8], [7, 9], [8, 10], [1, 2], [0, 1], [0, 2],
     [1, 3], [2, 4], [3, 5], [4, 6]], dtype=np.int32)

_PEAK_THRESH = 0.1
_PAF_SCORE_THRESH = 0.05
_MAX_PEAKS = 20
_N_SAMPLES = 10
_NEG = -1e9
_H = 128
_W = 128
_NINF = float("-inf")


_G = 8


def _peaks_body(h_ref, px_ref, py_ref, scr_ref, val_ref, msk_ref):
    h = h_ref[...]
    col_ninf = jnp.full((_G, _H, 1), _NINF, jnp.float32)
    s_l = jnp.concatenate([h[:, :, 1:], col_ninf], axis=2)
    s_r = jnp.concatenate([col_ninf, h[:, :, :-1]], axis=2)
    rmax = jnp.maximum(h, jnp.maximum(s_l, s_r))
    row_ninf = jnp.full((_G, 1, _W), _NINF, jnp.float32)
    s_u = jnp.concatenate([rmax[:, 1:, :], row_ninf], axis=1)
    s_d = jnp.concatenate([row_ninf, rmax[:, :-1, :]], axis=1)
    pooled = jnp.maximum(rmax, jnp.maximum(s_u, s_d))

    is_peak = (h == pooled) & (h > _PEAK_THRESH)
    masked = jnp.where(is_peak, h, jnp.float32(_NEG))
    msk_ref[...] = masked
    rm0 = jnp.max(masked, axis=2)

    siG = lax.broadcasted_iota(jnp.int32, (_G, _H), 1)
    ciG = lax.broadcasted_iota(jnp.int32, (_G, _W), 1)
    li20 = lax.broadcasted_iota(jnp.int32, (_G, _MAX_PEAKS), 1)
    zmat = jnp.zeros((_G, _MAX_PEAKS), jnp.float32)
    big = jnp.int32(1 << 30)

    def body(n, carry):
        rm, px_m, py_m, scr_m, val_m = carry
        m = jnp.max(rm, axis=1, keepdims=True)
        ysel = jnp.min(jnp.where(rm == m, siG, big), axis=1, keepdims=True)
        rows = []
        rows_p = []
        rows_m = []
        for i in range(_G):
            yv = ysel[i, 0]
            rows.append(msk_ref[i, pl.ds(yv, 1), :])
            rows_p.append(h_ref[i, pl.ds(jnp.minimum(yv + 1, _H - 1), 1), :])
            rows_m.append(h_ref[i, pl.ds(jnp.maximum(yv - 1, 0), 1), :])
        R = jnp.concatenate(rows, axis=0)
        Hp = jnp.concatenate(rows_p, axis=0)
        Hm = jnp.concatenate(rows_m, axis=0)
        xsel = jnp.min(jnp.where(R == m, ciG, big), axis=1, keepdims=True)
        newR = jnp.where(ciG == xsel, jnp.float32(-2e9), R)
        for i in range(_G):
            msk_ref[i, pl.ds(ysel[i, 0], 1), :] = newR[i:i + 1, :]
        rm = jnp.where(siG == ysel, jnp.max(newR, axis=1, keepdims=True), rm)

        rows_0 = []
        for i in range(_G):
            rows_0.append(h_ref[i, pl.ds(ysel[i, 0], 1), :])
        H0 = jnp.concatenate(rows_0, axis=0)

        def pick(rowmat, xx):
            return jnp.sum(jnp.where(ciG == xx, rowmat, 0.0),
                           axis=1, keepdims=True)

        xp = jnp.minimum(xsel + 1, _W - 1)
        xm = jnp.maximum(xsel - 1, 0)
        v0 = pick(H0, xsel)
        vxp = pick(H0, xp)
        vxm = pick(H0, xm)
        vyp = pick(Hp, xsel)
        vym = pick(Hm, xsel)
        dx_raw = 0.5 * (vxp - vxm)
        dy_raw = 0.5 * (vyp - vym)
        dxx = vxp + vxm - 2.0 * v0
        dyy = vyp + vym - 2.0 * v0
        gx = jnp.abs(dxx) > 1e-6
        gy = jnp.abs(dyy) > 1e-6
        dx = jnp.where(gx, dx_raw / -jnp.where(gx, dxx, 1.0), dx_raw)
        dy = jnp.where(gy, dy_raw / -jnp.where(gy, dyy, 1.0), dy_raw)
        interior = (xsel > 0) & (xsel < _W - 1) & (ysel > 0) & (ysel < _H - 1)
        pxv = xsel.astype(jnp.float32) + jnp.where(interior, dx, 0.0)
        pyv = ysel.astype(jnp.float32) + jnp.where(interior, dy, 0.0)
        validn = m > _PEAK_THRESH
        hit = li20 == n
        px_m = jnp.where(hit, pxv, px_m)
        py_m = jnp.where(hit, pyv, py_m)
        scr_m = jnp.where(hit, jnp.where(validn, m, 0.0), scr_m)
        val_m = jnp.where(hit, jnp.where(validn, 1.0, 0.0), val_m)
        return rm, px_m, py_m, scr_m, val_m

    _, px_m, py_m, scr_m, val_m = lax.fori_loop(
        0, _MAX_PEAKS, body, (rm0, zmat, zmat, zmat, zmat))
    px_ref[...] = px_m
    py_ref[...] = py_m
    scr_ref[...] = scr_m
    val_ref[...] = val_m


def _geom_body(pxa_ref, pya_ref, sa_ref, va_ref, pxb_ref, pyb_ref, sb_ref,
               vb_ref, t_ref, lin_ref, ux_ref, uy_ref, vm_ref, at_ref):
    rows = pxa_ref.shape[0]
    shp = (rows, _MAX_PEAKS, _MAX_PEAKS)
    ax = jnp.broadcast_to(pxa_ref[...][:, :, None], shp)
    ay = jnp.broadcast_to(pya_ref[...][:, :, None], shp)
    bx = jnp.broadcast_to(pxb_ref[...][:, None, :], shp)
    by = jnp.broadcast_to(pyb_ref[...][:, None, :], shp)
    ddx = bx - ax
    ddy = by - ay
    norm = jnp.sqrt(ddx * ddx + ddy * ddy + 1e-12) + 1e-8
    ux_ref[...] = ddx / norm
    uy_ref[...] = ddy / norm
    va = jnp.broadcast_to(va_ref[...][:, :, None], shp)
    vb = jnp.broadcast_to(vb_ref[...][:, None, :], shp)
    vm_ref[...] = va * vb
    sa = jnp.broadcast_to(sa_ref[...][:, :, None], shp)
    sb = jnp.broadcast_to(sb_ref[...][:, None, :], shp)
    at_ref[...] = 0.5 * (sa + sb)
    for s in range(_N_SAMPLES):
        ts = t_ref[0, 0, s]
        xl = ax + ddx * ts
        yl = ay + ddy * ts
        ix = jnp.clip(jnp.round(xl).astype(jnp.int32), 0, _W - 1)
        iy = jnp.clip(jnp.round(yl).astype(jnp.int32), 0, _H - 1)
        lin_ref[:, s] = iy * _W + ix


def _sc_body(paf_hbm, lin_hbm, ux_hbm, uy_hbm, vm_hbm, at_hbm,
             out_hbm, pafx_v, pafy_v, lin_v, ux_v, uy_v, vm_v, at_v, acc_v):
    n_items = lin_hbm.shape[0]
    n_conn = _SKEL.shape[0]
    wid = lax.axis_index("s") * 2 + lax.axis_index("c")
    n_workers = 32
    n_iters = (n_items + n_workers - 1) // n_workers
    n_chunks = (_MAX_PEAKS * _MAX_PEAKS) // 16
    for it in range(n_iters):
        bc = wid + n_workers * it

        @pl.when(bc < n_items)
        def _():
            pltpu.sync_copy(paf_hbm.at[2 * bc], pafx_v)
            pltpu.sync_copy(paf_hbm.at[2 * bc + 1], pafy_v)
            pltpu.sync_copy(lin_hbm.at[bc], lin_v)
            pltpu.sync_copy(ux_hbm.at[bc], ux_v)
            pltpu.sync_copy(uy_hbm.at[bc], uy_v)
            pltpu.sync_copy(vm_hbm.at[bc], vm_v)
            pltpu.sync_copy(at_hbm.at[bc], at_v)

            def pbody(p, carry):
                off = pl.multiple_of(p * 16, 16)
                uxv = ux_v[pl.ds(off, 16)]
                uyv = uy_v[pl.ds(off, 16)]
                vmv = vm_v[pl.ds(off, 16)]
                atv = at_v[pl.ds(off, 16)]
                acc = jnp.zeros((16,), jnp.float32)
                cnt = jnp.zeros((16,), jnp.float32)
                for s in range(_N_SAMPLES):
                    linv = lin_v[s, pl.ds(off, 16)]
                    sx = plsc.load_gather(pafx_v, [linv])
                    sy = plsc.load_gather(pafy_v, [linv])
                    vec = sx * uxv + sy * uyv
                    acc = acc + vec
                    cnt = cnt + jnp.where(
                        vec > _PAF_SCORE_THRESH,
                        jnp.float32(1.0), jnp.float32(0.0))
                mean = acc / jnp.float32(_N_SAMPLES)
                ok = (mean > 0.0) & (cnt > 8.0) & (vmv > 0.5)
                acc_v[pl.ds(off, 16)] = jnp.where(ok, mean + atv, 0.0)
                return carry

            lax.fori_loop(0, n_chunks, pbody, 0)
            pltpu.sync_copy(acc_v, out_hbm.at[bc])


def _run_peaks(h3):
    n = h3.shape[0]
    out = jax.ShapeDtypeStruct((n, _MAX_PEAKS), jnp.float32)
    return pl.pallas_call(
        _peaks_body,
        grid=(n // _G,),
        in_specs=[pl.BlockSpec((_G, _H, _W), lambda i: (i, 0, 0))],
        out_specs=[pl.BlockSpec((_G, _MAX_PEAKS), lambda i: (i, 0))] * 4,
        out_shape=[out] * 4,
        scratch_shapes=[pltpu.VMEM((_G, _H, _W), jnp.float32)],
    )(h3)


def _run_geom(pxa, pya, sa, va, pxb, pyb, sb, vb, t16):
    n = pxa.shape[0]
    rows = 8
    grid = (n // rows,)
    vec_spec = pl.BlockSpec((rows, _MAX_PEAKS), lambda i: (i, 0))
    mat_spec = pl.BlockSpec((rows, _MAX_PEAKS, _MAX_PEAKS),
                            lambda i: (i, 0, 0))
    lin_spec = pl.BlockSpec((rows, _N_SAMPLES, _MAX_PEAKS, _MAX_PEAKS),
                            lambda i: (i, 0, 0, 0))
    return pl.pallas_call(
        _geom_body,
        grid=grid,
        in_specs=[vec_spec] * 8 + [
            pl.BlockSpec((1, 1, 16), lambda i: (0, 0, 0))],
        out_specs=[lin_spec, mat_spec, mat_spec, mat_spec, mat_spec],
        out_shape=[
            jax.ShapeDtypeStruct(
                (n, _N_SAMPLES, _MAX_PEAKS, _MAX_PEAKS), jnp.int32),
            jax.ShapeDtypeStruct((n, _MAX_PEAKS, _MAX_PEAKS), jnp.float32),
            jax.ShapeDtypeStruct((n, _MAX_PEAKS, _MAX_PEAKS), jnp.float32),
            jax.ShapeDtypeStruct((n, _MAX_PEAKS, _MAX_PEAKS), jnp.float32),
            jax.ShapeDtypeStruct((n, _MAX_PEAKS, _MAX_PEAKS), jnp.float32),
        ],
    )(pxa, pya, sa, va, pxb, pyb, sb, vb, t16)


def _run_sc(paf2, lin, ux, uy, vm, at):
    n = lin.shape[0]
    npair = _MAX_PEAKS * _MAX_PEAKS
    mesh = plsc.VectorSubcoreMesh(core_axis_name="c", subcore_axis_name="s")
    fn = functools.partial(
        pl.kernel,
        out_type=jax.ShapeDtypeStruct((n, npair), jnp.float32),
        mesh=mesh,
        compiler_params=pltpu.CompilerParams(needs_layout_passes=False),
        scratch_types=[
            pltpu.VMEM((_H * _W,), jnp.float32),
            pltpu.VMEM((_H * _W,), jnp.float32),
            pltpu.VMEM((_N_SAMPLES, npair), jnp.int32),
            pltpu.VMEM((npair,), jnp.float32),
            pltpu.VMEM((npair,), jnp.float32),
            pltpu.VMEM((npair,), jnp.float32),
            pltpu.VMEM((npair,), jnp.float32),
            pltpu.VMEM((npair,), jnp.float32),
        ],
    )(_sc_body)
    return fn(paf2, lin, ux, uy, vm, at)


def kernel(heat_pred, paf_pred):
    B, K, H, W = heat_pred.shape
    h3 = heat_pred.reshape(B * K, H, W)
    px3, py3, scr3, val3 = _run_peaks(h3)
    px = px3.reshape(B, K, _MAX_PEAKS)
    py = py3.reshape(B, K, _MAX_PEAKS)
    scr = scr3.reshape(B, K, _MAX_PEAKS)
    valf = val3.reshape(B, K, _MAX_PEAKS)

    a_idx = jnp.asarray(_SKEL[:, 0])
    b_idx = jnp.asarray(_SKEL[:, 1])
    C = _SKEL.shape[0]
    n = B * C
    pxa = px[:, a_idx].reshape(n, _MAX_PEAKS)
    pya = py[:, a_idx].reshape(n, _MAX_PEAKS)
    sa = scr[:, a_idx].reshape(n, _MAX_PEAKS)
    va = valf[:, a_idx].reshape(n, _MAX_PEAKS)
    pxb = px[:, b_idx].reshape(n, _MAX_PEAKS)
    pyb = py[:, b_idx].reshape(n, _MAX_PEAKS)
    sb = scr[:, b_idx].reshape(n, _MAX_PEAKS)
    vb = valf[:, b_idx].reshape(n, _MAX_PEAKS)

    t = jnp.linspace(0.0, 1.0, _N_SAMPLES).astype(jnp.float32)
    t16 = jnp.zeros((1, 1, 16), jnp.float32).at[0, 0, :_N_SAMPLES].set(t)

    lin, ux, uy, vm, at = _run_geom(pxa, pya, sa, va, pxb, pyb, sb, vb, t16)
    npair = _MAX_PEAKS * _MAX_PEAKS
    lin = lin.reshape(n, _N_SAMPLES, npair)
    ux = ux.reshape(n, npair)
    uy = uy.reshape(n, npair)
    vm = vm.reshape(n, npair)
    at = at.reshape(n, npair)

    paf2 = paf_pred.reshape(B * paf_pred.shape[1], H * W)
    conn = _run_sc(paf2, lin, ux, uy, vm, at)
    conn_scores = conn.reshape(B, C, _MAX_PEAKS, _MAX_PEAKS)
    return (px, py, scr, conn_scores)

# --- scband reference (transcript-rebuilt; emitter-appended) ---
"""Pipeline reference for scband-post-process-31035433681270 (READ-ONLY COPY).

The authoritative reference and input builder live on the scoring server;
editing this copy changes nothing except your own understanding.
"""

import jax, jax.numpy as jnp
import numpy as np

SKELETON = np.array([[15,13],[13,11],[16,14],[14,12],[11,12],[5,11],[6,12],[5,6],[5,7],[6,8],[7,9],[8,10],[1,2],[0,1],[0,2],[1,3],[2,4],[3,5],[4,6]], dtype=np.int32)
PEAK_THRESH = 0.1
PAF_SCORE_THRESH = 0.05
PAF_COUNT_THRESH = 0.8
MAX_PEAKS = 20
N_SAMPLES = 10
NEG = -1e9


def setup_inputs(seed: int = 0):
    key = jax.random.key(seed)
    k1, k2 = jax.random.split(key)
    heat_pred = jax.random.uniform(k1, (8, 17, 128, 128), dtype=jnp.float32)
    paf_pred = jax.random.normal(k2, (8, 38, 128, 128), dtype=jnp.float32)
    return {"heat_pred": heat_pred, "paf_pred": paf_pred}


def reference(heat_pred, paf_pred):
    B, K, H, W = heat_pred.shape
    # 3x3 max-pool NMS (== F.max_pool2d(k=3, s=1, p=1))
    pooled = jax.lax.reduce_window(heat_pred, -jnp.inf, jax.lax.max, (1, 1, 3, 3), (1, 1, 1, 1), 'SAME')
    is_peak = (heat_pred == pooled) & (heat_pred > PEAK_THRESH)
    flat = heat_pred.reshape(B, K, H * W)
    masked = jnp.where(is_peak.reshape(B, K, H * W), flat, NEG)
    peak_scores, peak_idx = jax.lax.top_k(masked, MAX_PEAKS)
    valid = peak_scores > PEAK_THRESH
    ys = peak_idx // W
    xs = peak_idx % W

    def val_at(yy, xx):
        yy = jnp.clip(yy, 0, H - 1)
        xx = jnp.clip(xx, 0, W - 1)
        return jnp.take_along_axis(flat, yy * W + xx, axis=-1)

    # quadratic sub-pixel refinement, same math as torch loop
    v0 = val_at(ys, xs)
    vxp = val_at(ys, xs + 1)
    vxm = val_at(ys, xs - 1)
    vyp = val_at(ys + 1, xs)
    vym = val_at(ys - 1, xs)
    dx_raw = 0.5 * (vxp - vxm)
    dy_raw = 0.5 * (vyp - vym)
    dxx = vxp + vxm - 2.0 * v0
    dyy = vyp + vym - 2.0 * v0
    safe_dxx = jnp.where(jnp.abs(dxx) > 1e-6, dxx, 1.0)
    safe_dyy = jnp.where(jnp.abs(dyy) > 1e-6, dyy, 1.0)
    dx = jnp.where(jnp.abs(dxx) > 1e-6, dx_raw / -safe_dxx, dx_raw)
    dy = jnp.where(jnp.abs(dyy) > 1e-6, dy_raw / -safe_dyy, dy_raw)
    interior = (xs > 0) & (xs < W - 1) & (ys > 0) & (ys < H - 1)
    px = xs.astype(jnp.float32) + jnp.where(interior, dx, 0.0)
    py = ys.astype(jnp.float32) + jnp.where(interior, dy, 0.0)

    # dense pairwise PAF line-integral scoring for all skeleton connections
    a_idx = jnp.asarray(SKELETON[:, 0])
    b_idx = jnp.asarray(SKELETON[:, 1])
    C = SKELETON.shape[0]
    scr = jnp.where(valid, peak_scores, 0.0)
    ax = px[:, a_idx][:, :, :, None]
    ay = py[:, a_idx][:, :, :, None]
    sa = scr[:, a_idx][:, :, :, None]
    va = valid[:, a_idx][:, :, :, None]
    bx = px[:, b_idx][:, :, None, :]
    by = py[:, b_idx][:, :, None, :]
    sb = scr[:, b_idx][:, :, None, :]
    vb = valid[:, b_idx][:, :, None, :]
    ddx = bx - ax
    ddy = by - ay
    norm = jnp.sqrt(ddx * ddx + ddy * ddy + 1e-12) + 1e-8
    ux = ddx / norm
    uy = ddy / norm
    t = jnp.linspace(0.0, 1.0, N_SAMPLES)
    xs_line = ax[..., None] + ddx[..., None] * t
    ys_line = ay[..., None] + ddy[..., None] * t
    ix = jnp.clip(jnp.round(xs_line).astype(jnp.int32), 0, W - 1)
    iy = jnp.clip(jnp.round(ys_line).astype(jnp.int32), 0, H - 1)
    lin = (iy * W + ix).reshape(B, C, -1)
    ch = 2 * jnp.arange(C)
    paf_x = paf_pred[:, ch].reshape(B, C, H * W)
    paf_y = paf_pred[:, ch + 1].reshape(B, C, H * W)
    sx = jnp.take_along_axis(paf_x, lin, axis=-1).reshape(B, C, MAX_PEAKS, MAX_PEAKS, N_SAMPLES)
    sy = jnp.take_along_axis(paf_y, lin, axis=-1).reshape(B, C, MAX_PEAKS, MAX_PEAKS, N_SAMPLES)
    vecs = sx * ux[..., None] + sy * uy[..., None]
    mean_score = vecs.mean(axis=-1)
    valid_ratio = (vecs > PAF_SCORE_THRESH).astype(jnp.float32).mean(axis=-1)
    ok = (mean_score > 0.0) & (valid_ratio > PAF_COUNT_THRESH) & va & vb
    conn_scores = jnp.where(ok, mean_score + 0.5 * (sa + sb), 0.0)
    return (px, py, scr, conn_scores)

if __name__ == "__main__":
    import jax
    _d = setup_inputs()
    print(jax.jit(kernel)(*tuple(_d.values())))

</pallas_src>

<mosaic_0001>
#map = affine_map<(d0, d1) -> (0, 0)>
#map1 = affine_map<(d0, d1) -> (0, 0, 0)>
module attributes {stable_mosaic.version = 14 : i64} {
  func.func @_sc_body(%arg0: i32, %arg1: i32, %arg2: memref<304x16384xf32, #tpu.memory_space<hbm>>, %arg3: memref<152x10x400xi32, #tpu.memory_space<hbm>>, %arg4: memref<152x400xf32, #tpu.memory_space<hbm>>, %arg5: memref<152x400xf32, #tpu.memory_space<hbm>>, %arg6: memref<152x400xf32, #tpu.memory_space<hbm>>, %arg7: memref<152x400xf32, #tpu.memory_space<hbm>>, %arg8: memref<152x400xf32, #tpu.memory_space<hbm>>, %arg9: memref<16384xf32, #tpu.memory_space<vmem>>, %arg10: memref<16384xf32, #tpu.memory_space<vmem>>, %arg11: memref<10x400xi32, #tpu.memory_space<vmem>>, %arg12: memref<400xf32, #tpu.memory_space<vmem>>, %arg13: memref<400xf32, #tpu.memory_space<vmem>>, %arg14: memref<400xf32, #tpu.memory_space<vmem>>, %arg15: memref<400xf32, #tpu.memory_space<vmem>>, %arg16: memref<400xf32, #tpu.memory_space<vmem>>) attributes {dimension_semantics = [#tpu.dimension_semantics<core_parallel>, #tpu.dimension_semantics<subcore_parallel>], iteration_bounds = array<i64: 2, 16>, scalar_prefetch = 0 : i64, scratch_operands = 8 : i64, tpu.core_type = #tpu.core_type<sc_vector_subcore>, window_params = [{transform_indices = #map}, {transform_indices = #map1}, {transform_indices = #map}, {transform_indices = #map}, {transform_indices = #map}, {transform_indices = #map}, {transform_indices = #map}]} {
    %mul3A = arith.constant 2 : i32
    %mul3A_0 = arith.muli %arg1, %mul3A : i32
    %add3A = arith.addi %mul3A_0, %arg0 : i32
    %add3A_1 = arith.constant 0 : i32
    %add3A_2 = arith.addi %add3A, %add3A_1 : i32
    %lt3A = arith.constant 152 : i32
    %lt3A_3 = arith.cmpi slt, %add3A_2, %lt3A : i32
    %convert_element_type3A = arith.extui %lt3A_3 : i1 to i32
    %cond3A = arith.constant 0 : i32
    %cond3A_4 = arith.cmpi ne, %convert_element_type3A, %cond3A : i32
    scf.if %cond3A_4 {
      %mul3A_33 = arith.constant 2 : i32
      %mul3A_34 = arith.muli %mul3A_33, %add3A_2 : i32
      "tpu.region"() ({
        %run_scoped3A = tpu.sem_alloc : memref<!tpu.dma_semaphore, #tpu.memory_space<semaphore_mem>>
        %dma_start3A = arith.constant 0 : i32
        %dma_start3A_44 = tpu.memref_slice %arg2[%mul3A_34, %dma_start3A] : memref<304x16384xf32, #tpu.memory_space<hbm>> -> memref<1x16384xf32, #tpu.memory_space<hbm>>
        %dma_start3A_45 = tpu.memref_squeeze %dma_start3A_44 : memref<1x16384xf32, #tpu.memory_space<hbm>> -> memref<16384xf32, #tpu.memory_space<hbm>>
        %dma_start3A_46 = arith.constant 0 : i32
        %dma_start3A_47 = tpu.memref_slice %arg2[%mul3A_34, %dma_start3A_46] : memref<304x16384xf32, #tpu.memory_space<hbm>> -> memref<1x16384xf32, #tpu.memory_space<hbm>>
        %dma_start3A_48 = tpu.memref_squeeze %dma_start3A_47 : memref<1x16384xf32, #tpu.memory_space<hbm>> -> memref<16384xf32, #tpu.memory_space<hbm>>
        tpu.enqueue_dma source(%dma_start3A_48 : memref<16384xf32, #tpu.memory_space<hbm>>) target(%arg9 : memref<16384xf32, #tpu.memory_space<vmem>>) target_semaphore(%run_scoped3A : memref<!tpu.dma_semaphore, #tpu.memory_space<semaphore_mem>>)
        %dma_wait3A = arith.constant 0 : i32
        %dma_wait3A_49 = tpu.memref_slice %arg2[%mul3A_34, %dma_wait3A] : memref<304x16384xf32, #tpu.memory_space<hbm>> -> memref<1x16384xf32, #tpu.memory_space<hbm>>
        %dma_wait3A_50 = tpu.memref_squeeze %dma_wait3A_49 : memref<1x16384xf32, #tpu.memory_space<hbm>> -> memref<16384xf32, #tpu.memory_space<hbm>>
        %dma_wait3A_51 = arith.constant 0 : i32
        %dma_wait3A_52 = tpu.memref_slice %arg2[%mul3A_34, %dma_wait3A_51] : memref<304x16384xf32, #tpu.memory_space<hbm>> -> memref<1x16384xf32, #tpu.memory_space<hbm>>
        %dma_wait3A_53 = tpu.memref_squeeze %dma_wait3A_52 : memref<1x16384xf32, #tpu.memory_space<hbm>> -> memref<16384xf32, #tpu.memory_space<hbm>>
        tpu.wait_dma2 semaphore(%run_scoped3A : memref<!tpu.dma_semaphore, #tpu.memory_space<semaphore_mem>>) src(%dma_wait3A_53 : memref<16384xf32, #tpu.memory_space<hbm>>) dst(%arg9 : memref<16384xf32, #tpu.memory_space<vmem>>)
        tpu.yield
      }) : () -> ()
      %mul3A_35 = arith.constant 2 : i32
      %mul3A_36 = arith.muli %mul3A_35, %add3A_2 : i32
      %add3A_37 = arith.constant 1 : i32
      %add3A_38 = arith.addi %mul3A_36, %add3A_37 : i32
      "tpu.region"() ({
        %run_scoped3A = tpu.sem_alloc : memref<!tpu.dma_semaphore, #tpu.memory_space<semaphore_mem>>
        %dma_start3A = arith.constant 0 : i32
        %dma_start3A_44 = tpu.memref_slice %arg2[%add3A_38, %dma_start3A] : memref<304x16384xf32, #tpu.memory_space<hbm>> -> memref<1x16384xf32, #tpu.memory_space<hbm>>
        %dma_start3A_45 = tpu.memref_squeeze %dma_start3A_44 : memref<1x16384xf32, #tpu.memory_space<hbm>> -> memref<16384xf32, #tpu.memory_space<hbm>>
        %dma_start3A_46 = arith.constant 0 : i32
        %dma_start3A_47 = tpu.memref_slice %arg2[%add3A_38, %dma_start3A_46] : memref<304x16384xf32, #tpu.memory_space<hbm>> -> memref<1x16384xf32, #tpu.memory_space<hbm>>
        %dma_start3A_48 = tpu.memref_squeeze %dma_start3A_47 : memref<1x16384xf32, #tpu.memory_space<hbm>> -> memref<16384xf32, #tpu.memory_space<hbm>>
        tpu.enqueue_dma source(%dma_start3A_48 : memref<16384xf32, #tpu.memory_space<hbm>>) target(%arg10 : memref<16384xf32, #tpu.memory_space<vmem>>) target_semaphore(%run_scoped3A : memref<!tpu.dma_semaphore, #tpu.memory_space<semaphore_mem>>)
        %dma_wait3A = arith.constant 0 : i32
        %dma_wait3A_49 = tpu.memref_slice %arg2[%add3A_38, %dma_wait3A] : memref<304x16384xf32, #tpu.memory_space<hbm>> -> memref<1x16384xf32, #tpu.memory_space<hbm>>
        %dma_wait3A_50 = tpu.memref_squeeze %dma_wait3A_49 : memref<1x16384xf32, #tpu.memory_space<hbm>> -> memref<16384xf32, #tpu.memory_space<hbm>>
        %dma_wait3A_51 = arith.constant 0 : i32
        %dma_wait3A_52 = tpu.memref_slice %arg2[%add3A_38, %dma_wait3A_51] : memref<304x16384xf32, #tpu.memory_space<hbm>> -> memref<1x16384xf32, #tpu.memory_space<hbm>>
        %dma_wait3A_53 = tpu.memref_squeeze %dma_wait3A_52 : memref<1x16384xf32, #tpu.memory_space<hbm>> -> memref<16384xf32, #tpu.memory_space<hbm>>
        tpu.wait_dma2 semaphore(%run_scoped3A : memref<!tpu.dma_semaphore, #tpu.memory_space<semaphore_mem>>) src(%dma_wait3A_53 : memref<16384xf32, #tpu.memory_space<hbm>>) dst(%arg10 : memref<16384xf32, #tpu.memory_space<vmem>>)
        tpu.yield
      }) : () -> ()
      "tpu.region"() ({
        %run_scoped3A = tpu.sem_alloc : memref<!tpu.dma_semaphore, #tpu.memory_space<semaphore_mem>>
        %dma_start3A = arith.constant 0 : i32
        %dma_start3A_44 = arith.constant 0 : i32
        %dma_start3A_45 = tpu.memref_slice %arg3[%add3A_2, %dma_start3A, %dma_start3A_44] : memref<152x10x400xi32, #tpu.memory_space<hbm>> -> memref<1x10x400xi32, #tpu.memory_space<hbm>>
        %dma_start3A_46 = tpu.memref_squeeze %dma_start3A_45 : memref<1x10x400xi32, #tpu.memory_space<hbm>> -> memref<10x400xi32, #tpu.memory_space<hbm>>
        %dma_start3A_47 = arith.constant 0 : i32
        %dma_start3A_48 = arith.constant 0 : i32
        %dma_start3A_49 = tpu.memref_slice %arg3[%add3A_2, %dma_start3A_47, %dma_start3A_48] : memref<152x10x400xi32, #tpu.memory_space<hbm>> -> memref<1x10x400xi32, #tpu.memory_space<hbm>>
        %dma_start3A_50 = tpu.memref_squeeze %dma_start3A_49 : memref<1x10x400xi32, #tpu.memory_space<hbm>> -> memref<10x400xi32, #tpu.memory_space<hbm>>
        tpu.enqueue_dma source(%dma_start3A_50 : memref<10x400xi32, #tpu.memory_space<hbm>>) target(%arg11 : memref<10x400xi32, #tpu.memory_space<vmem>>) target_semaphore(%run_scoped3A : memref<!tpu.dma_semaphore, #tpu.memory_space<semaphore_mem>>)
        %dma_wait3A = arith.constant 0 : i32
        %dma_wait3A_51 = arith.constant 0 : i32
        %dma_wait3A_52 = tpu.memref_slice %arg3[%add3A_2, %dma_wait3A, %dma_wait3A_51] : memref<152x10x400xi32, #tpu.memory_space<hbm>> -> memref<1x10x400xi32, #tpu.memory_space<hbm>>
        %dma_wait3A_53 = tpu.memref_squeeze %dma_wait3A_52 : memref<1x10x400xi32, #tpu.memory_space<hbm>> -> memref<10x400xi32, #tpu.memory_space<hbm>>
        %dma_wait3A_54 = arith.constant 0 : i32
        %dma_wait3A_55 = arith.constant 0 : i32
        %dma_wait3A_56 = tpu.memref_slice %arg3[%add3A_2, %dma_wait3A_54, %dma_wait3A_55] : memref<152x10x400xi32, #tpu.memory_space<hbm>> -> memref<1x10x400xi32, #tpu.memory_space<hbm>>
        %dma_wait3A_57 = tpu.memref_squeeze %dma_wait3A_56 : memref<1x10x400xi32, #tpu.memory_space<hbm>> -> memref<10x400xi32, #tpu.memory_space<hbm>>
        tpu.wait_dma2 semaphore(%run_scoped3A : memref<!tpu.dma_semaphore, #tpu.memory_space<semaphore_mem>>) src(%dma_wait3A_57 : memref<10x400xi32, #tpu.memory_space<hbm>>) dst(%arg11 : memref<10x400xi32, #tpu.memory_space<vmem>>)
        tpu.yield
      }) : () -> ()
      "tpu.region"() ({
        %run_scoped3A = tpu.sem_alloc : memref<!tpu.dma_semaphore, #tpu.memory_space<semaphore_mem>>
        %dma_start3A = arith.constant 0 : i32
        %dma_start3A_44 = tpu.memref_slice %arg4[%add3A_2, %dma_start3A] : memref<152x400xf32, #tpu.memory_space<hbm>> -> memref<1x400xf32, #tpu.memory_space<hbm>>
        %dma_start3A_45 = tpu.memref_squeeze %dma_start3A_44 : memref<1x400xf32, #tpu.memory_space<hbm>> -> memref<400xf32, #tpu.memory_space<hbm>>
        %dma_start3A_46 = arith.constant 0 : i32
        %dma_start3A_47 = tpu.memref_slice %arg4[%add3A_2, %dma_start3A_46] : memref<152x400xf32, #tpu.memory_space<hbm>> -> memref<1x400xf32, #tpu.memory_space<hbm>>
        %dma_start3A_48 = tpu.memref_squeeze %dma_start3A_47 : memref<1x400xf32, #tpu.memory_space<hbm>> -> memref<400xf32, #tpu.memory_space<hbm>>
        tpu.enqueue_dma source(%dma_start3A_48 : memref<400xf32, #tpu.memory_space<hbm>>) target(%arg12 : memref<400xf32, #tpu.memory_space<vmem>>) target_semaphore(%run_scoped3A : memref<!tpu.dma_semaphore, #tpu.memory_space<semaphore_mem>>)
        %dma_wait3A = arith.constant 0 : i32
        %dma_wait3A_49 = tpu.memref_slice %arg4[%add3A_2, %dma_wait3A] : memref<152x400xf32, #tpu.memory_space<hbm>> -> memref<1x400xf32, #tpu.memory_space<hbm>>
        %dma_wait3A_50 = tpu.memref_squeeze %dma_wait3A_49 : memref<1x400xf32, #tpu.memory_space<hbm>> -> memref<400xf32, #tpu.memory_space<hbm>>
        %dma_wait3A_51 = arith.constant 0 : i32
        %dma_wait3A_52 = tpu.memref_slice %arg4[%add3A_2, %dma_wait3A_51] : memref<152x400xf32, #tpu.memory_space<hbm>> -> memref<1x400xf32, #tpu.memory_space<hbm>>
        %dma_wait3A_53 = tpu.memref_squeeze %dma_wait3A_52 : memref<1x400xf32, #tpu.memory_space<hbm>> -> memref<400xf32, #tpu.memory_space<hbm>>
        tpu.wait_dma2 semaphore(%run_scoped3A : memref<!tpu.dma_semaphore, #tpu.memory_space<semaphore_mem>>) src(%dma_wait3A_53 : memref<400xf32, #tpu.memory_space<hbm>>) dst(%arg12 : memref<400xf32, #tpu.memory_space<vmem>>)
        tpu.yield
      }) : () -> ()
      "tpu.region"() ({
        %run_scoped3A = tpu.sem_alloc : memref<!tpu.dma_semaphore, #tpu.memory_space<semaphore_mem>>
        %dma_start3A = arith.constant 0 : i32
        %dma_start3A_44 = tpu.memref_slice %arg5[%add3A_2, %dma_start3A] : memref<152x400xf32, #tpu.memory_space<hbm>> -> memref<1x400xf32, #tpu.memory_space<hbm>>
        %dma_start3A_45 = tpu.memref_squeeze %dma_start3A_44 : memref<1x400xf32, #tpu.memory_space<hbm>> -> memref<400xf32, #tpu.memory_space<hbm>>
        %dma_start3A_46 = arith.constant 0 : i32
        %dma_start3A_47 = tpu.memref_slice %arg5[%add3A_2, %dma_start3A_46] : memref<152x400xf32, #tpu.memory_space<hbm>> -> memref<1x400xf32, #tpu.memory_space<hbm>>
        %dma_start3A_48 = tpu.memref_squeeze %dma_start3A_47 : memref<1x400xf32, #tpu.memory_space<hbm>> -> memref<400xf32, #tpu.memory_space<hbm>>
        tpu.enqueue_dma source(%dma_start3A_48 : memref<400xf32, #tpu.memory_space<hbm>>) target(%arg13 : memref<400xf32, #tpu.memory_space<vmem>>) target_semaphore(%run_scoped3A : memref<!tpu.dma_semaphore, #tpu.memory_space<semaphore_mem>>)
        %dma_wait3A = arith.constant 0 : i32
        %dma_wait3A_49 = tpu.memref_slice %arg5[%add3A_2, %dma_wait3A] : memref<152x400xf32, #tpu.memory_space<hbm>> -> memref<1x400xf32, #tpu.memory_space<hbm>>
        %dma_wait3A_50 = tpu.memref_squeeze %dma_wait3A_49 : memref<1x400xf32, #tpu.memory_space<hbm>> -> memref<400xf32, #tpu.memory_space<hbm>>
        %dma_wait3A_51 = arith.constant 0 : i32
        %dma_wait3A_52 = tpu.memref_slice %arg5[%add3A_2, %dma_wait3A_51] : memref<152x400xf32, #tpu.memory_space<hbm>> -> memref<1x400xf32, #tpu.memory_space<hbm>>
        %dma_wait3A_53 = tpu.memref_squeeze %dma_wait3A_52 : memref<1x400xf32, #tpu.memory_space<hbm>> -> memref<400xf32, #tpu.memory_space<hbm>>
        tpu.wait_dma2 semaphore(%run_scoped3A : memref<!tpu.dma_semaphore, #tpu.memory_space<semaphore_mem>>) src(%dma_wait3A_53 : memref<400xf32, #tpu.memory_space<hbm>>) dst(%arg13 : memref<400xf32, #tpu.memory_space<vmem>>)
        tpu.yield
      }) : () -> ()
      "tpu.region"() ({
        %run_scoped3A = tpu.sem_alloc : memref<!tpu.dma_semaphore, #tpu.memory_space<semaphore_mem>>
        %dma_start3A = arith.constant 0 : i32
        %dma_start3A_44 = tpu.memref_slice %arg6[%add3A_2, %dma_start3A] : memref<152x400xf32, #tpu.memory_space<hbm>> -> memref<1x400xf32, #tpu.memory_space<hbm>>
        %dma_start3A_45 = tpu.memref_squeeze %dma_start3A_44 : memref<1x400xf32, #tpu.memory_space<hbm>> -> memref<400xf32, #tpu.memory_space<hbm>>
        %dma_start3A_46 = arith.constant 0 : i32
        %dma_start3A_47 = tpu.memref_slice %arg6[%add3A_2, %dma_start3A_46] : memref<152x400xf32, #tpu.memory_space<hbm>> -> memref<1x400xf32, #tpu.memory_space<hbm>>
        %dma_start3A_48 = tpu.memref_squeeze %dma_start3A_47 : memref<1x400xf32, #tpu.memory_space<hbm>> -> memref<400xf32, #tpu.memory_space<hbm>>
        tpu.enqueue_dma source(%dma_start3A_48 : memref<400xf32, #tpu.memory_space<hbm>>) target(%arg14 : memref<400xf32, #tpu.memory_space<vmem>>) target_semaphore(%run_scoped3A : memref<!tpu.dma_semaphore, #tpu.memory_space<semaphore_mem>>)
        %dma_wait3A = arith.constant 0 : i32
        %dma_wait3A_49 = tpu.memref_slice %arg6[%add3A_2, %dma_wait3A] : memref<152x400xf32, #tpu.memory_space<hbm>> -> memref<1x400xf32, #tpu.memory_space<hbm>>
        %dma_wait3A_50 = tpu.memref_squeeze %dma_wait3A_49 : memref<1x400xf32, #tpu.memory_space<hbm>> -> memref<400xf32, #tpu.memory_space<hbm>>
        %dma_wait3A_51 = arith.constant 0 : i32
        %dma_wait3A_52 = tpu.memref_slice %arg6[%add3A_2, %dma_wait3A_51] : memref<152x400xf32, #tpu.memory_space<hbm>> -> memref<1x400xf32, #tpu.memory_space<hbm>>
        %dma_wait3A_53 = tpu.memref_squeeze %dma_wait3A_52 : memref<1x400xf32, #tpu.memory_space<hbm>> -> memref<400xf32, #tpu.memory_space<hbm>>
        tpu.wait_dma2 semaphore(%run_scoped3A : memref<!tpu.dma_semaphore, #tpu.memory_space<semaphore_mem>>) src(%dma_wait3A_53 : memref<400xf32, #tpu.memory_space<hbm>>) dst(%arg14 : memref<400xf32, #tpu.memory_space<vmem>>)
        tpu.yield
      }) : () -> ()
      "tpu.region"() ({
        %run_scoped3A = tpu.sem_alloc : memref<!tpu.dma_semaphore, #tpu.memory_space<semaphore_mem>>
        %dma_start3A = arith.constant 0 : i32
        %dma_start3A_44 = tpu.memref_slice %arg7[%add3A_2, %dma_start3A] : memref<152x400xf32, #tpu.memory_space<hbm>> -> memref<1x400xf32, #tpu.memory_space<hbm>>
        %dma_start3A_45 = tpu.memref_squeeze %dma_start3A_44 : memref<1x400xf32, #tpu.memory_space<hbm>> -> memref<400xf32, #tpu.memory_space<hbm>>
        %dma_start3A_46 = arith.constant 0 : i32
        %dma_start3A_47 = tpu.memref_slice %arg7[%add3A_2, %dma_start3A_46] : memref<152x400xf32, #tpu.memory_space<hbm>> -> memref<1x400xf32, #tpu.memory_space<hbm>>
        %dma_start3A_48 = tpu.memref_squeeze %dma_start3A_47 : memref<1x400xf32, #tpu.memory_space<hbm>> -> memref<400xf32, #tpu.memory_space<hbm>>
        tpu.enqueue_dma source(%dma_start3A_48 : memref<400xf32, #tpu.memory_space<hbm>>) target(%arg15 : memref<400xf32, #tpu.memory_space<vmem>>) target_semaphore(%run_scoped3A : memref<!tpu.dma_semaphore, #tpu.memory_space<semaphore_mem>>)
        %dma_wait3A = arith.constant 0 : i32
        %dma_wait3A_49 = tpu.memref_slice %arg7[%add3A_2, %dma_wait3A] : memref<152x400xf32, #tpu.memory_space<hbm>> -> memref<1x400xf32, #tpu.memory_space<hbm>>
        %dma_wait3A_50 = tpu.memref_squeeze %dma_wait3A_49 : memref<1x400xf32, #tpu.memory_space<hbm>> -> memref<400xf32, #tpu.memory_space<hbm>>
        %dma_wait3A_51 = arith.constant 0 : i32
        %dma_wait3A_52 = tpu.memref_slice %arg7[%add3A_2, %dma_wait3A_51] : memref<152x400xf32, #tpu.memory_space<hbm>> -> memref<1x400xf32, #tpu.memory_space<hbm>>
        %dma_wait3A_53 = tpu.memref_squeeze %dma_wait3A_52 : memref<1x400xf32, #tpu.memory_space<hbm>> -> memref<400xf32, #tpu.memory_space<hbm>>
        tpu.wait_dma2 semaphore(%run_scoped3A : memref<!tpu.dma_semaphore, #tpu.memory_space<semaphore_mem>>) src(%dma_wait3A_53 : memref<400xf32, #tpu.memory_space<hbm>>) dst(%arg15 : memref<400xf32, #tpu.memory_space<vmem>>)
        tpu.yield
      }) : () -> ()
      %scan3A = arith.constant 0 : i32
      %scan3A_39 = arith.constant 0 : i32
      %scan3A_40 = arith.constant 25 : i32
      %scan3A_41 = arith.addi %scan3A_39, %scan3A_40 : i32
      %scan3A_42 = arith.constant 1 : i32
      scf.for %scan3A_44 = %scan3A_39 to %scan3A_41 step %scan3A_42  : i32 {
        %mul3A_45 = arith.constant 16 : i32
        %mul3A_46 = arith.muli %scan3A_44, %mul3A_45 : i32
        %multiple_of3A = tpu.assume_multiple %mul3A_46, 16 : i32
        %get3A = arith.index_cast %multiple_of3A : i32 to index
        %get3A_47 = tpu.vector_load %arg12[%get3A] {strides = array<i32>} : memref<400xf32, #tpu.memory_space<vmem>>, vector<16xf32>,
        %get3A_48 = arith.index_cast %multiple_of3A : i32 to index
        %get3A_49 = tpu.vector_load %arg13[%get3A_48] {strides = array<i32>} : memref<400xf32, #tpu.memory_space<vmem>>, vector<16xf32>,
        %get3A_50 = arith.index_cast %multiple_of3A : i32 to index
        %get3A_51 = tpu.vector_load %arg14[%get3A_50] {strides = array<i32>} : memref<400xf32, #tpu.memory_space<vmem>>, vector<16xf32>,
        %get3A_52 = arith.index_cast %multiple_of3A : i32 to index
        %get3A_53 = tpu.vector_load %arg15[%get3A_52] {strides = array<i32>} : memref<400xf32, #tpu.memory_space<vmem>>, vector<16xf32>,
        %broadcast_in_dim3A = arith.constant 0.000000e+00 : f32
        %broadcast_in_dim3A_54 = vector.broadcast %broadcast_in_dim3A : f32 to vector<16xf32>
        %broadcast_in_dim3A_55 = arith.constant 0.000000e+00 : f32
        %broadcast_in_dim3A_56 = vector.broadcast %broadcast_in_dim3A_55 : f32 to vector<16xf32>
        %get3A_57 = arith.constant 0 : i32
        %get3A_58 = arith.index_cast %get3A_57 : i32 to index
        %get3A_59 = arith.index_cast %multiple_of3A : i32 to index
        %get3A_60 = tpu.vector_load %arg11[%get3A_58, %get3A_59] {strides = array<i32>} : memref<10x400xi32, #tpu.memory_space<vmem>>, vector<16xi32>,
        %gather3A = tpu.vector_load_idx %arg9[%get3A_60] : memref<16384xf32, #tpu.memory_space<vmem>>[vector<16xi32>], vector<16xf32>,
        %gather3A_61 = tpu.vector_load_idx %arg10[%get3A_60] : memref<16384xf32, #tpu.memory_space<vmem>>[vector<16xi32>], vector<16xf32>,
        %mul3A_62 = arith.mulf %gather3A, %get3A_47 : vector<16xf32>
        %mul3A_63 = arith.mulf %gather3A_61, %get3A_49 : vector<16xf32>
        %add3A_64 = arith.addf %mul3A_62, %mul3A_63 : vector<16xf32>
        %add3A_65 = arith.addf %broadcast_in_dim3A_54, %add3A_64 : vector<16xf32>
        %gt3A = arith.constant 5.000000e-02 : f32
        %gt3A_66 = vector.broadcast %gt3A : f32 to vector<16xf32>
        %gt3A_67 = arith.cmpf ogt, %add3A_64, %gt3A_66 : vector<16xf32>
        %jit3A = arith.constant 1.000000e+00 : f32
        %jit3A_68 = arith.constant 0.000000e+00 : f32
        %broadcast_in_dim3A_69 = vector.broadcast %jit3A : f32 to vector<16xf32>
        %broadcast_in_dim3A_70 = vector.broadcast %jit3A_68 : f32 to vector<16xf32>
        %select_n3A = arith.select %gt3A_67, %broadcast_in_dim3A_69, %broadcast_in_dim3A_70 : vector<16xi1>, vector<16xf32>
        %add3A_71 = arith.addf %broadcast_in_dim3A_56, %select_n3A : vector<16xf32>
        %get3A_72 = arith.constant 1 : i32
        %get3A_73 = arith.index_cast %get3A_72 : i32 to index
        %get3A_74 = arith.index_cast %multiple_of3A : i32 to index
        %get3A_75 = tpu.vector_load %arg11[%get3A_73, %get3A_74] {strides = array<i32>} : memref<10x400xi32, #tpu.memory_space<vmem>>, vector<16xi32>,
        %gather3A_76 = tpu.vector_load_idx %arg9[%get3A_75] : memref<16384xf32, #tpu.memory_space<vmem>>[vector<16xi32>], vector<16xf32>,
        %gather3A_77 = tpu.vector_load_idx %arg10[%get3A_75] : memref<16384xf32, #tpu.memory_space<vmem>>[vector<16xi32>], vector<16xf32>,
        %mul3A_78 = arith.mulf %gather3A_76, %get3A_47 : vector<16xf32>
        %mul3A_79 = arith.mulf %gather3A_77, %get3A_49 : vector<16xf32>
        %add3A_80 = arith.addf %mul3A_78, %mul3A_79 : vector<16xf32>
        %add3A_81 = arith.addf %add3A_65, %add3A_80 : vector<16xf32>
        %gt3A_82 = arith.constant 5.000000e-02 : f32
        %gt3A_83 = vector.broadcast %gt3A_82 : f32 to vector<16xf32>
        %gt3A_84 = arith.cmpf ogt, %add3A_80, %gt3A_83 : vector<16xf32>
        %jit3A_85 = arith.constant 1.000000e+00 : f32
        %jit3A_86 = arith.constant 0.000000e+00 : f32
        %broadcast_in_dim3A_87 = vector.broadcast %jit3A_85 : f32 to vector<16xf32>
        %broadcast_in_dim3A_88 = vector.broadcast %jit3A_86 : f32 to vector<16xf32>
        %select_n3A_89 = arith.select %gt3A_84, %broadcast_in_dim3A_87, %broadcast_in_dim3A_88 : vector<16xi1>, vector<16xf32>
        %add3A_90 = arith.addf %add3A_71, %select_n3A_89 : vector<16xf32>
        %get3A_91 = arith.constant 2 : i32
        %get3A_92 = arith.index_cast %get3A_91 : i32 to index
        %get3A_93 = arith.index_cast %multiple_of3A : i32 to index
        %get3A_94 = tpu.vector_load %arg11[%get3A_92, %get3A_93] {strides = array<i32>} : memref<10x400xi32, #tpu.memory_space<vmem>>, vector<16xi32>,
        %gather3A_95 = tpu.vector_load_idx %arg9[%get3A_94] : memref<16384xf32, #tpu.memory_space<vmem>>[vector<16xi32>], vector<16xf32>,
        %gather3A_96 = tpu.vector_load_idx %arg10[%get3A_94] : memref<16384xf32, #tpu.memory_space<vmem>>[vector<16xi32>], vector<16xf32>,
        %mul3A_97 = arith.mulf %gather3A_95, %get3A_47 : vector<16xf32>
        %mul3A_98 = arith.mulf %gather3A_96, %get3A_49 : vector<16xf32>
        %add3A_99 = arith.addf %mul3A_97, %mul3A_98 : vector<16xf32>
        %add3A_100 = arith.addf %add3A_81, %add3A_99 : vector<16xf32>
        %gt3A_101 = arith.constant 5.000000e-02 : f32
        %gt3A_102 = vector.broadcast %gt3A_101 : f32 to vector<16xf32>
        %gt3A_103 = arith.cmpf ogt, %add3A_99, %gt3A_102 : vector<16xf32>
        %jit3A_104 = arith.constant 1.000000e+00 : f32
        %jit3A_105 = arith.constant 0.000000e+00 : f32
        %broadcast_in_dim3A_106 = vector.broadcast %jit3A_104 : f32 to vector<16xf32>
        %broadcast_in_dim3A_107 = vector.broadcast %jit3A_105 : f32 to vector<16xf32>
        %select_n3A_108 = arith.select %gt3A_103, %broadcast_in_dim3A_106, %broadcast_in_dim3A_107 : vector<16xi1>, vector<16xf32>
        %add3A_109 = arith.addf %add3A_90, %select_n3A_108 : vector<16xf32>
        %get3A_110 = arith.constant 3 : i32
        %get3A_111 = arith.index_cast %get3A_110 : i32 to index
        %get3A_112 = arith.index_cast %multiple_of3A : i32 to index
        %get3A_113 = tpu.vector_load %arg11[%get3A_111, %get3A_112] {strides = array<i32>} : memref<10x400xi32, #tpu.memory_space<vmem>>, vector<16xi32>,
        %gather3A_114 = tpu.vector_load_idx %arg9[%get3A_113] : memref<16384xf32, #tpu.memory_space<vmem>>[vector<16xi32>], vector<16xf32>,
        %gather3A_115 = tpu.vector_load_idx %arg10[%get3A_113] : memref<16384xf32, #tpu.memory_space<vmem>>[vector<16xi32>], vector<16xf32>,
        %mul3A_116 = arith.mulf %gather3A_114, %get3A_47 : vector<16xf32>
        %mul3A_117 = arith.mulf %gather3A_115, %get3A_49 : vector<16xf32>
        %add3A_118 = arith.addf %mul3A_116, %mul3A_117 : vector<16xf32>
        %add3A_119 = arith.addf %add3A_100, %add3A_118 : vector<16xf32>
        %gt3A_120 = arith.constant 5.000000e-02 : f32
        %gt3A_121 = vector.broadcast %gt3A_120 : f32 to vector<16xf32>
        %gt3A_122 = arith.cmpf ogt, %add3A_118, %gt3A_121 : vector<16xf32>
        %jit3A_123 = arith.constant 1.000000e+00 : f32
        %jit3A_124 = arith.constant 0.000000e+00 : f32
        %broadcast_in_dim3A_125 = vector.broadcast %jit3A_123 : f32 to vector<16xf32>
        %broadcast_in_dim3A_126 = vector.broadcast %jit3A_124 : f32 to vector<16xf32>
        %select_n3A_127 = arith.select %gt3A_122, %broadcast_in_dim3A_125, %broadcast_in_dim3A_126 : vector<16xi1>, vector<16xf32>
        %add3A_128 = arith.addf %add3A_109, %select_n3A_127 : vector<16xf32>
        %get3A_129 = arith.constant 4 : i32
        %get3A_130 = arith.index_cast %get3A_129 : i32 to index
        %get3A_131 = arith.index_cast %multiple_of3A : i32 to index
        %get3A_132 = tpu.vector_load %arg11[%get3A_130, %get3A_131] {strides = array<i32>} : memref<10x400xi32, #tpu.memory_space<vmem>>, vector<16xi32>,
        %gather3A_133 = tpu.vector_load_idx %arg9[%get3A_132] : memref<16384xf32, #tpu.memory_space<vmem>>[vector<16xi32>], vector<16xf32>,
        %gather3A_134 = tpu.vector_load_idx %arg10[%get3A_132] : memref<16384xf32, #tpu.memory_space<vmem>>[vector<16xi32>], vector<16xf32>,
        %mul3A_135 = arith.mulf %gather3A_133, %get3A_47 : vector<16xf32>
        %mul3A_136 = arith.mulf %gather3A_134, %get3A_49 : vector<16xf32>
        %add3A_137 = arith.addf %mul3A_135, %mul3A_136 : vector<16xf32>
        %add3A_138 = arith.addf %add3A_119, %add3A_137 : vector<16xf32>
        %gt3A_139 = arith.constant 5.000000e-02 : f32
        %gt3A_140 = vector.broadcast %gt3A_139 : f32 to vector<16xf32>
        %gt3A_141 = arith.cmpf ogt, %add3A_137, %gt3A_140 : vector<16xf32>
        %jit3A_142 = arith.constant 1.000000e+00 : f32
        %jit3A_143 = arith.constant 0.000000e+00 : f32
        %broadcast_in_dim3A_144 = vector.broadcast %jit3A_142 : f32 to vector<16xf32>
        %broadcast_in_dim3A_145 = vector.broadcast %jit3A_143 : f32 to vector<16xf32>
        %select_n3A_146 = arith.select %gt3A_141, %broadcast_in_dim3A_144, %broadcast_in_dim3A_145 : vector<16xi1>, vector<16xf32>
        %add3A_147 = arith.addf %add3A_128, %select_n3A_146 : vector<16xf32>
        %get3A_148 = arith.constant 5 : i32
        %get3A_149 = arith.index_cast %get3A_148 : i32 to index
        %get3A_150 = arith.index_cast %multiple_of3A : i32 to index
        %get3A_151 = tpu.vector_load %arg11[%get3A_149, %get3A_150] {strides = array<i32>} : memref<10x400xi32, #tpu.memory_space<vmem>>, vector<16xi32>,
        %gather3A_152 = tpu.vector_load_idx %arg9[%get3A_151] : memref<16384xf32, #tpu.memory_space<vmem>>[vector<16xi32>], vector<16xf32>,
        %gather3A_153 = tpu.vector_load_idx %arg10[%get3A_151] : memref<16384xf32, #tpu.memory_space<vmem>>[vector<16xi32>], vector<16xf32>,
        %mul3A_154 = arith.mulf %gather3A_152, %get3A_47 : vector<16xf32>
        %mul3A_155 = arith.mulf %gather3A_153, %get3A_49 : vector<16xf32>
        %add3A_156 = arith.addf %mul3A_154, %mul3A_155 : vector<16xf32>
        %add3A_157 = arith.addf %add3A_138, %add3A_156 : vector<16xf32>
        %gt3A_158 = arith.constant 5.000000e-02 : f32
        %gt3A_159 = vector.broadcast %gt3A_158 : f32 to vector<16xf32>
        %gt3A_160 = arith.cmpf ogt, %add3A_156, %gt3A_159 : vector<16xf32>
        %jit3A_161 = arith.constant 1.000000e+00 : f32
        %jit3A_162 = arith.constant 0.000000e+00 : f32
        %broadcast_in_dim3A_163 = vector.broadcast %jit3A_161 : f32 to vector<16xf32>
        %broadcast_in_dim3A_164 = vector.broadcast %jit3A_162 : f32 to vector<16xf32>
        %select_n3A_165 = arith.select %gt3A_160, %broadcast_in_dim3A_163, %broadcast_in_dim3A_164 : vector<16xi1>, vector<16xf32>
        %add3A_166 = arith.addf %add3A_147, %select_n3A_165 : vector<16xf32>
        %get3A_167 = arith.constant 6 : i32
        %get3A_168 = arith.index_cast %get3A_167 : i32 to index
        %get3A_169 = arith.index_cast %multiple_of3A : i32 to index
        %get3A_170 = tpu.vector_load %arg11[%get3A_168, %get3A_169] {strides = array<i32>} : memref<10x400xi32, #tpu.memory_space<vmem>>, vector<16xi32>,
        %gather3A_171 = tpu.vector_load_idx %arg9[%get3A_170] : memref<16384xf32, #tpu.memory_space<vmem>>[vector<16xi32>], vector<16xf32>,
        %gather3A_172 = tpu.vector_load_idx %arg10[%get3A_170] : memref<16384xf32, #tpu.memory_space<vmem>>[vector<16xi32>], vector<16xf32>,
        %mul3A_173 = arith.mulf %gather3A_171, %get3A_47 : vector<16xf32>
        %mul3A_174 = arith.mulf %gather3A_172, %get3A_49 : vector<16xf32>
        %add3A_175 = arith.addf %mul3A_173, %mul3A_174 : vector<16xf32>
        %add3A_176 = arith.addf %add3A_157, %add3A_175 : vector<16xf32>
        %gt3A_177 = arith.constant 5.000000e-02 : f32
        %gt3A_178 = vector.broadcast %gt3A_177 : f32 to vector<16xf32>
        %gt3A_179 = arith.cmpf ogt, %add3A_175, %gt3A_178 : vector<16xf32>
        %jit3A_180 = arith.constant 1.000000e+00 : f32
        %jit3A_181 = arith.constant 0.000000e+00 : f32
        %broadcast_in_dim3A_182 = vector.broadcast %jit3A_180 : f32 to vector<16xf32>
        %broadcast_in_dim3A_183 = vector.broadcast %jit3A_181 : f32 to vector<16xf32>
        %select_n3A_184 = arith.select %gt3A_179, %broadcast_in_dim3A_182, %broadcast_in_dim3A_183 : vector<16xi1>, vector<16xf32>
        %add3A_185 = arith.addf %add3A_166, %select_n3A_184 : vector<16xf32>
        %get3A_186 = arith.constant 7 : i32
        %get3A_187 = arith.index_cast %get3A_186 : i32 to index
        %get3A_188 = arith.index_cast %multiple_of3A : i32 to index
        %get3A_189 = tpu.vector_load %arg11[%get3A_187, %get3A_188] {strides = array<i32>} : memref<10x400xi32, #tpu.memory_space<vmem>>, vector<16xi32>,
        %gather3A_190 = tpu.vector_load_idx %arg9[%get3A_189] : memref<16384xf32, #tpu.memory_space<vmem>>[vector<16xi32>], vector<16xf32>,
        %gather3A_191 = tpu.vector_load_idx %arg10[%get3A_189] : memref<16384xf32, #tpu.memory_space<vmem>>[vector<16xi32>], vector<16xf32>,
        %mul3A_192 = arith.mulf %gather3A_190, %get3A_47 : vector<16xf32>
        %mul3A_193 = arith.mulf %gather3A_191, %get3A_49 : vector<16xf32>
        %add3A_194 = arith.addf %mul3A_192, %mul3A_193 : vector<16xf32>
        %add3A_195 = arith.addf %add3A_176, %add3A_194 : vector<16xf32>
        %gt3A_196 = arith.constant 5.000000e-02 : f32
        %gt3A_197 = vector.broadcast %gt3A_196 : f32 to vector<16xf32>
        %gt3A_198 = arith.cmpf ogt, %add3A_194, %gt3A_197 : vector<16xf32>
        %jit3A_199 = arith.constant 1.000000e+00 : f32
        %jit3A_200 = arith.constant 0.000000e+00 : f32
        %broadcast_in_dim3A_201 = vector.broadcast %jit3A_199 : f32 to vector<16xf32>
        %broadcast_in_dim3A_202 = vector.broadcast %jit3A_200 : f32 to vector<16xf32>
        %select_n3A_203 = arith.select %gt3A_198, %broadcast_in_dim3A_201, %broadcast_in_dim3A_202 : vector<16xi1>, vector<16xf32>
        %add3A_204 = arith.addf %add3A_185, %select_n3A_203 : vector<16xf32>
        %get3A_205 = arith.constant 8 : i32
        %get3A_206 = arith.index_cast %get3A_205 : i32 to index
        %get3A_207 = arith.index_cast %multiple_of3A : i32 to index
        %get3A_208 = tpu.vector_load %arg11[%get3A_206, %get3A_207] {strides = array<i32>} : memref<10x400xi32, #tpu.memory_space<vmem>>, vector<16xi32>,
        %gather3A_209 = tpu.vector_load_idx %arg9[%get3A_208] : memref<16384xf32, #tpu.memory_space<vmem>>[vector<16xi32>], vector<16xf32>,
        %gather3A_210 = tpu.vector_load_idx %arg10[%get3A_208] : memref<16384xf32, #tpu.memory_space<vmem>>[vector<16xi32>], vector<16xf32>,
        %mul3A_211 = arith.mulf %gather3A_209, %get3A_47 : vector<16xf32>
        %mul3A_212 = arith.mulf %gather3A_210, %get3A_49 : vector<16xf32>
        %add3A_213 = arith.addf %mul3A_211, %mul3A_212 : vector<16xf32>
        %add3A_214 = arith.addf %add3A_195, %add3A_213 : vector<16xf32>
        %gt3A_215 = arith.constant 5.000000e-02 : f32
        %gt3A_216 = vector.broadcast %gt3A_215 : f32 to vector<16xf32>
        %gt3A_217 = arith.cmpf ogt, %add3A_213, %gt3A_216 : vector<16xf32>
        %jit3A_218 = arith.constant 1.000000e+00 : f32
        %jit3A_219 = arith.constant 0.000000e+00 : f32
        %broadcast_in_dim3A_220 = vector.broadcast %jit3A_218 : f32 to vector<16xf32>
        %broadcast_in_dim3A_221 = vector.broadcast %jit3A_219 : f32 to vector<16xf32>
        %select_n3A_222 = arith.select %gt3A_217, %broadcast_in_dim3A_220, %broadcast_in_dim3A_221 : vector<16xi1>, vector<16xf32>
        %add3A_223 = arith.addf %add3A_204, %select_n3A_222 : vector<16xf32>
        %get3A_224 = arith.constant 9 : i32
        %get3A_225 = arith.index_cast %get3A_224 : i32 to index
        %get3A_226 = arith.index_cast %multiple_of3A : i32 to index
        %get3A_227 = tpu.vector_load %arg11[%get3A_225, %get3A_226] {strides = array<i32>} : memref<10x400xi32, #tpu.memory_space<vmem>>, vector<16xi32>,
        %gather3A_228 = tpu.vector_load_idx %arg9[%get3A_227] : memref<16384xf32, #tpu.memory_space<vmem>>[vector<16xi32>], vector<16xf32>,
        %gather3A_229 = tpu.vector_load_idx %arg10[%get3A_227] : memref<16384xf32, #tpu.memory_space<vmem>>[vector<16xi32>], vector<16xf32>,
        %mul3A_230 = arith.mulf %gather3A_228, %get3A_47 : vector<16xf32>
        %mul3A_231 = arith.mulf %gather3A_229, %get3A_49 : vector<16xf32>
        %add3A_232 = arith.addf %mul3A_230, %mul3A_231 : vector<16xf32>
        %add3A_233 = arith.addf %add3A_214, %add3A_232 : vector<16xf32>
        %gt3A_234 = arith.constant 5.000000e-02 : f32
        %gt3A_235 = vector.broadcast %gt3A_234 : f32 to vector<16xf32>
        %gt3A_236 = arith.cmpf ogt, %add3A_232, %gt3A_235 : vector<16xf32>
        %jit3A_237 = arith.constant 1.000000e+00 : f32
        %jit3A_238 = arith.constant 0.000000e+00 : f32
        %broadcast_in_dim3A_239 = vector.broadcast %jit3A_237 : f32 to vector<16xf32>
        %broadcast_in_dim3A_240 = vector.broadcast %jit3A_238 : f32 to vector<16xf32>
        %select_n3A_241 = arith.select %gt3A_236, %broadcast_in_dim3A_239, %broadcast_in_dim3A_240 : vector<16xi1>, vector<16xf32>
        %add3A_242 = arith.addf %add3A_223, %select_n3A_241 : vector<16xf32>
        %div3A = arith.constant 1.000000e+01 : f32
        %div3A_243 = vector.broadcast %div3A : f32 to vector<16xf32>
        %div3A_244 = arith.divf %add3A_233, %div3A_243 : vector<16xf32>
        %gt3A_245 = arith.constant 0.000000e+00 : f32
        %gt3A_246 = vector.broadcast %gt3A_245 : f32 to vector<16xf32>
        %gt3A_247 = arith.cmpf ogt, %div3A_244, %gt3A_246 : vector<16xf32>
        %gt3A_248 = arith.constant 8.000000e+00 : f32
        %gt3A_249 = vector.broadcast %gt3A_248 : f32 to vector<16xf32>
        %gt3A_250 = arith.cmpf ogt, %add3A_242, %gt3A_249 : vector<16xf32>
        %and3A = arith.andi %gt3A_247, %gt3A_250 : vector<16xi1>
        %gt3A_251 = arith.constant 5.000000e-01 : f32
        %gt3A_252 = vector.broadcast %gt3A_251 : f32 to vector<16xf32>
        %gt3A_253 = arith.cmpf ogt, %get3A_51, %gt3A_252 : vector<16xf32>
        %and3A_254 = arith.andi %and3A, %gt3A_253 : vector<16xi1>
        %add3A_255 = arith.addf %div3A_244, %get3A_53 : vector<16xf32>
        %jit3A_256 = arith.constant 0.000000e+00 : f32
        %broadcast_in_dim3A_257 = vector.broadcast %jit3A_256 : f32 to vector<16xf32>
        %select_n3A_258 = arith.select %and3A_254, %add3A_255, %broadcast_in_dim3A_257 : vector<16xi1>, vector<16xf32>
        %swap3A = arith.index_cast %multiple_of3A : i32 to index
        %swap3A_259 = tpu.vector_load %arg16[%swap3A] {strides = array<i32>} : memref<400xf32, #tpu.memory_space<vmem>>, vector<16xf32>,
        tpu.vector_store %arg16[%swap3A], %select_n3A_258 {strides = array<i32>} : memref<400xf32, #tpu.memory_space<vmem>>, vector<16xf32>,
      }
      %scan3A_43 = arith.constant 25 : i32
      "tpu.region"() ({
        %run_scoped3A = tpu.sem_alloc : memref<!tpu.dma_semaphore, #tpu.memory_space<semaphore_mem>>
        %dma_start3A = arith.constant 0 : i32
        %dma_start3A_44 = tpu.memref_slice %arg8[%add3A_2, %dma_start3A] : memref<152x400xf32, #tpu.memory_space<hbm>> -> memref<1x400xf32, #tpu.memory_space<hbm>>
        %dma_start3A_45 = tpu.memref_squeeze %dma_start3A_44 : memref<1x400xf32, #tpu.memory_space<hbm>> -> memref<400xf32, #tpu.memory_space<hbm>>
        %dma_start3A_46 = arith.constant 0 : i32
        %dma_start3A_47 = tpu.memref_slice %arg8[%add3A_2, %dma_start3A_46] : memref<152x400xf32, #tpu.memory_space<hbm>> -> memref<1x400xf32, #tpu.memory_space<hbm>>
        %dma_start3A_48 = tpu.memref_squeeze %dma_start3A_47 : memref<1x400xf32, #tpu.memory_space<hbm>> -> memref<400xf32, #tpu.memory_space<hbm>>
        tpu.enqueue_dma source(%arg16 : memref<400xf32, #tpu.memory_space<vmem>>) target(%dma_start3A_48 : memref<400xf32, #tpu.memory_space<hbm>>) target_semaphore(%run_scoped3A : memref<!tpu.dma_semaphore, #tpu.memory_space<semaphore_mem>>)
        %dma_wait3A = arith.constant 0 : i32
        %dma_wait3A_49 = tpu.memref_slice %arg8[%add3A_2, %dma_wait3A] : memref<152x400xf32, #tpu.memory_space<hbm>> -> memref<1x400xf32, #tpu.memory_space<hbm>>
        %dma_wait3A_50 = tpu.memref_squeeze %dma_wait3A_49 : memref<1x400xf32, #tpu.memory_space<hbm>> -> memref<400xf32, #tpu.memory_space<hbm>>
        %dma_wait3A_51 = arith.constant 0 : i32
        %dma_wait3A_52 = tpu.memref_slice %arg8[%add3A_2, %dma_wait3A_51] : memref<152x400xf32, #tpu.memory_space<hbm>> -> memref<1x400xf32, #tpu.memory_space<hbm>>
        %dma_wait3A_53 = tpu.memref_squeeze %dma_wait3A_52 : memref<1x400xf32, #tpu.memory_space<hbm>> -> memref<400xf32, #tpu.memory_space<hbm>>
        tpu.wait_dma2 semaphore(%run_scoped3A : memref<!tpu.dma_semaphore, #tpu.memory_space<semaphore_mem>>) src(%arg16 : memref<400xf32, #tpu.memory_space<vmem>>) dst(%dma_wait3A_53 : memref<400xf32, #tpu.memory_space<hbm>>)
        tpu.yield
      }) : () -> ()
    } else {
    }
    %add3A_5 = arith.constant 32 : i32
    %add3A_6 = arith.addi %add3A, %add3A_5 : i32
    %lt3A_7 = arith.constant 152 : i32
    %lt3A_8 = arith.cmpi slt, %add3A_6, %lt3A_7 : i32
    %convert_element_type3A_9 = arith.extui %lt3A_8 : i1 to i32
    %cond3A_10 = arith.constant 0 : i32
    %cond3A_11 = arith.cmpi ne, %convert_element_type3A_9, %cond3A_10 : i32
    scf.if %cond3A_11 {
      %mul3A_33 = arith.constant 2 : i32
      %mul3A_34 = arith.muli %mul3A_33, %add3A_6 : i32
      "tpu.region"() ({
        %run_scoped3A = tpu.sem_alloc : memref<!tpu.dma_semaphore, #tpu.memory_space<semaphore_mem>>
        %dma_start3A = arith.constant 0 : i32
        %dma_start3A_44 = tpu.memref_slice %arg2[%mul3A_34, %dma_start3A] : memref<304x16384xf32, #tpu.memory_space<hbm>> -> memref<1x16384xf32, #tpu.memory_space<hbm>>
        %dma_start3A_45 = tpu.memref_squeeze %dma_start3A_44 : memref<1x16384xf32, #tpu.memory_space<hbm>> -> memref<16384xf32, #tpu.memory_space<hbm>>
        %dma_start3A_46 = arith.constant 0 : i32
        %dma_start3A_47 = tpu.memref_slice %arg2[%mul3A_34, %dma_start3A_46] : memref<304x16384xf32, #tpu.memory_space<hbm>> -> memref<1x16384xf32, #tpu.memory_space<hbm>>
        %dma_start3A_48 = tpu.memref_squeeze %dma_start3A_47 : memref<1x16384xf32, #tpu.memory_space<hbm>> -> memref<16384xf32, #tpu.memory_space<hbm>>
        tpu.enqueue_dma source(%dma_start3A_48 : memref<16384xf32, #tpu.memory_space<hbm>>) target(%arg9 : memref<16384xf32, #tpu.memory_space<vmem>>) target_semaphore(%run_scoped3A : memref<!tpu.dma_semaphore, #tpu.memory_space<semaphore_mem>>)
        %dma_wait3A = arith.constant 0 : i32
        %dma_wait3A_49 = tpu.memref_slice %arg2[%mul3A_34, %dma_wait3A] : memref<304x16384xf32, #tpu.memory_space<hbm>> -> memref<1x16384xf32, #tpu.memory_space<hbm>>
        %dma_wait3A_50 = tpu.memref_squeeze %dma_wait3A_49 : memref<1x16384xf32, #tpu.memory_space<hbm>> -> memref<16384xf32, #tpu.memory_space<hbm>>
        %dma_wait3A_51 = arith.constant 0 : i32
        %dma_wait3A_52 = tpu.memref_slice %arg2[%mul3A_34, %dma_wait3A_51] : memref<304x16384xf32, #tpu.memory_space<hbm>> -> memref<1x16384xf32, #tpu.memory_space<hbm>>
        %dma_wait3A_53 = tpu.memref_squeeze %dma_wait3A_52 : memref<1x16384xf32, #tpu.memory_space<hbm>> -> memref<16384xf32, #tpu.memory_space<hbm>>
        tpu.wait_dma2 semaphore(%run_scoped3A : memref<!tpu.dma_semaphore, #tpu.memory_space<semaphore_mem>>) src(%dma_wait3A_53 : memref<16384xf32, #tpu.memory_space<hbm>>) dst(%arg9 : memref<16384xf32, #tpu.memory_space<vmem>>)
        tpu.yield
      }) : () -> ()
      %mul3A_35 = arith.constant 2 : i32
      %mul3A_36 = arith.muli %mul3A_35, %add3A_6 : i32
      %add3A_37 = arith.constant 1 : i32
      %add3A_38 = arith.addi %mul3A_36, %add3A_37 : i32
      "tpu.region"() ({
        %run_scoped3A = tpu.sem_alloc : memref<!tpu.dma_semaphore, #tpu.memory_space<semaphore_mem>>
        %dma_start3A = arith.constant 0 : i32
        %dma_start3A_44 = tpu.memref_slice %arg2[%add3A_38, %dma_start3A] : memref<304x16384xf32, #tpu.memory_space<hbm>> -> memref<1x16384xf32, #tpu.memory_space<hbm>>
        %dma_start3A_45 = tpu.memref_squeeze %dma_start3A_44 : memref<1x16384xf32, #tpu.memory_space<hbm>> -> memref<16384xf32, #tpu.memory_space<hbm>>
        %dma_start3A_46 = arith.constant 0 : i32
        %dma_start3A_47 = tpu.memref_slice %arg2[%add3A_38, %dma_start3A_46] : memref<304x16384xf32, #tpu.memory_space<hbm>> -> memref<1x16384xf32, #tpu.memory_space<hbm>>
        %dma_start3A_48 = tpu.memref_squeeze %dma_start3A_47 : memref<1x16384xf32, #tpu.memory_space<hbm>> -> memref<16384xf32, #tpu.memory_space<hbm>>
        tpu.enqueue_dma source(%dma_start3A_48 : memref<16384xf32, #tpu.memory_space<hbm>>) target(%arg10 : memref<16384xf32, #tpu.memory_space<vmem>>) target_semaphore(%run_scoped3A : memref<!tpu.dma_semaphore, #tpu.memory_space<semaphore_mem>>)
        %dma_wait3A = arith.constant 0 : i32
        %dma_wait3A_49 = tpu.memref_slice %arg2[%add3A_38, %dma_wait3A] : memref<304x16384xf32, #tpu.memory_space<hbm>> -> memref<1x16384xf32, #tpu.memory_space<hbm>>
        %dma_wait3A_50 = tpu.memref_squeeze %dma_wait3A_49 : memref<1x16384xf32, #tpu.memory_space<hbm>> -> memref<16384xf32, #tpu.memory_space<hbm>>
        %dma_wait3A_51 = arith.constant 0 : i32
        %dma_wait3A_52 = tpu.memref_slice %arg2[%add3A_38, %dma_wait3A_51] : memref<304x16384xf32, #tpu.memory_space<hbm>> -> memref<1x16384xf32, #tpu.memory_space<hbm>>
        %dma_wait3A_53 = tpu.memref_squeeze %dma_wait3A_52 : memref<1x16384xf32, #tpu.memory_space<hbm>> -> memref<16384xf32, #tpu.memory_space<hbm>>
        tpu.wait_dma2 semaphore(%run_scoped3A : memref<!tpu.dma_semaphore, #tpu.memory_space<semaphore_mem>>) src(%dma_wait3A_53 : memref<16384xf32, #tpu.memory_space<hbm>>) dst(%arg10 : memref<16384xf32, #tpu.memory_space<vmem>>)
        tpu.yield
      }) : () -> ()
      "tpu.region"() ({
        %run_scoped3A = tpu.sem_alloc : memref<!tpu.dma_semaphore, #tpu.memory_space<semaphore_mem>>
        %dma_start3A = arith.constant 0 : i32
        %dma_start3A_44 = arith.constant 0 : i32
        %dma_start3A_45 = tpu.memref_slice %arg3[%add3A_6, %dma_start3A, %dma_start3A_44] : memref<152x10x400xi32, #tpu.memory_space<hbm>> -> memref<1x10x400xi32, #tpu.memory_space<hbm>>
        %dma_start3A_46 = tpu.memref_squeeze %dma_start3A_45 : memref<1x10x400xi32, #tpu.memory_space<hbm>> -> memref<10x400xi32, #tpu.memory_space<hbm>>
        %dma_start3A_47 = arith.constant 0 : i32
        %dma_start3A_48 = arith.constant 0 : i32
        %dma_start3A_49 = tpu.memref_slice %arg3[%add3A_6, %dma_start3A_47, %dma_start3A_48] : memref<152x10x400xi32, #tpu.memory_space<hbm>> -> memref<1x10x400xi32, #tpu.memory_space<hbm>>
        %dma_start3A_50 = tpu.memref_squeeze %dma_start3A_49 : memref<1x10x400xi32, #tpu.memory_space<hbm>> -> memref<10x400xi32, #tpu.memory_space<hbm>>
        tpu.enqueue_dma source(%dma_start3A_50 : memref<10x400xi32, #tpu.memory_space<hbm>>) target(%arg11 : memref<10x400xi32, #tpu.memory_space<vmem>>) target_semaphore(%run_scoped3A : memref<!tpu.dma_semaphore, #tpu.memory_space<semaphore_mem>>)
        %dma_wait3A = arith.constant 0 : i32
        %dma_wait3A_51 = arith.constant 0 : i32
        %dma_wait3A_52 = tpu.memref_slice %arg3[%add3A_6, %dma_wait3A, %dma_wait3A_51] : memref<152x10x400xi32, #tpu.memory_space<hbm>> -> memref<1x10x400xi32, #tpu.memory_space<hbm>>
        %dma_wait3A_53 = tpu.memref_squeeze %dma_wait3A_52 : memref<1x10x400xi32, #tpu.memory_space<hbm>> -> memref<10x400xi32, #tpu.memory_space<hbm>>
        %dma_wait3A_54 = arith.constant 0 : i32
        %dma_wait3A_55 = arith.constant 0 : i32
        %dma_wait3A_56 = tpu.memref_slice %arg3[%add3A_6, %dma_wait3A_54, %dma_wait3A_55] : memref<152x10x400xi32, #tpu.memory_space<hbm>> -> memref<1x10x400xi32, #tpu.memory_space<hbm>>
        %dma_wait3A_57 = tpu.memref_squeeze %dma_wait3A_56 : memref<1x10x400xi32, #tpu.memory_space<hbm>> -> memref<10x400xi32, #tpu.memory_space<hbm>>
        tpu.wait_dma2 semaphore(%run_scoped3A : memref<!tpu.dma_semaphore, #tpu.memory_space<semaphore_mem>>) src(%dma_wait3A_57 : memref<10x400xi32, #tpu.memory_space<hbm>>) dst(%arg11 : memref<10x400xi32, #tpu.memory_space<vmem>>)
        tpu.yield
      }) : () -> ()
      "tpu.region"() ({
        %run_scoped3A = tpu.sem_alloc : memref<!tpu.dma_semaphore, #tpu.memory_space<semaphore_mem>>
        %dma_start3A = arith.constant 0 : i32
        %dma_start3A_44 = tpu.memref_slice %arg4[%add3A_6, %dma_start3A] : memref<152x400xf32, #tpu.memory_space<hbm>> -> memref<1x400xf32, #tpu.memory_space<hbm>>
        %dma_start3A_45 = tpu.memref_squeeze %dma_start3A_44 : memref<1x400xf32, #tpu.memory_space<hbm>> -> memref<400xf32, #tpu.memory_space<hbm>>
        %dma_start3A_46 = arith.constant 0 : i32
        %dma_start3A_47 = tpu.memref_slice %arg4[%add3A_6, %dma_start3A_46] : memref<152x400xf32, #tpu.memory_space<hbm>> -> memref<1x400xf32, #tpu.memory_space<hbm>>
        %dma_start3A_48 = tpu.memref_squeeze %dma_start3A_47 : memref<1x400xf32, #tpu.memory_space<hbm>> -> memref<400xf32, #tpu.memory_space<hbm>>
        tpu.enqueue_dma source(%dma_start3A_48 : memref<400xf32, #tpu.memory_space<hbm>>) target(%arg12 : memref<400xf32, #tpu.memory_space<vmem>>) target_semaphore(%run_scoped3A : memref<!tpu.dma_semaphore, #tpu.memory_space<semaphore_mem>>)
        %dma_wait3A = arith.constant 0 : i32
        %dma_wait3A_49 = tpu.memref_slice %arg4[%add3A_6, %dma_wait3A] : memref<152x400xf32, #tpu.memory_space<hbm>> -> memref<1x400xf32, #tpu.memory_space<hbm>>
        %dma_wait3A_50 = tpu.memref_squeeze %dma_wait3A_49 : memref<1x400xf32, #tpu.memory_space<hbm>> -> memref<400xf32, #tpu.memory_space<hbm>>
        %dma_wait3A_51 = arith.constant 0 : i32
        %dma_wait3A_52 = tpu.memref_slice %arg4[%add3A_6, %dma_wait3A_51] : memref<152x400xf32, #tpu.memory_space<hbm>> -> memref<1x400xf32, #tpu.memory_space<hbm>>
        %dma_wait3A_53 = tpu.memref_squeeze %dma_wait3A_52 : memref<1x400xf32, #tpu.memory_space<hbm>> -> memref<400xf32, #tpu.memory_space<hbm>>
        tpu.wait_dma2 semaphore(%run_scoped3A : memref<!tpu.dma_semaphore, #tpu.memory_space<semaphore_mem>>) src(%dma_wait3A_53 : memref<400xf32, #tpu.memory_space<hbm>>) dst(%arg12 : memref<400xf32, #tpu.memory_space<vmem>>)
        tpu.yield
      }) : () -> ()
      "tpu.region"() ({
        %run_scoped3A = tpu.sem_alloc : memref<!tpu.dma_semaphore, #tpu.memory_space<semaphore_mem>>
        %dma_start3A = arith.constant 0 : i32
        %dma_start3A_44 = tpu.memref_slice %arg5[%add3A_6, %dma_start3A] : memref<152x400xf32, #tpu.memory_space<hbm>> -> memref<1x400xf32, #tpu.memory_space<hbm>>
        %dma_start3A_45 = tpu.memref_squeeze %dma_start3A_44 : memref<1x400xf32, #tpu.memory_space<hbm>> -> memref<400xf32, #tpu.memory_space<hbm>>
        %dma_start3A_46 = arith.constant 0 : i32
        %dma_start3A_47 = tpu.memref_slice %arg5[%add3A_6, %dma_start3A_46] : memref<152x400xf32, #tpu.memory_space<hbm>> -> memref<1x400xf32, #tpu.memory_space<hbm>>
        %dma_start3A_48 = tpu.memref_squeeze %dma_start3A_47 : memref<1x400xf32, #tpu.memory_space<hbm>> -> memref<400xf32, #tpu.memory_space<hbm>>
        tpu.enqueue_dma source(%dma_start3A_48 : memref<400xf32, #tpu.memory_space<hbm>>) target(%arg13 : memref<400xf32, #tpu.memory_space<vmem>>) target_semaphore(%run_scoped3A : memref<!tpu.dma_semaphore, #tpu.memory_space<semaphore_mem>>)
        %dma_wait3A = arith.constant 0 : i32
        %dma_wait3A_49 = tpu.memref_slice %arg5[%add3A_6, %dma_wait3A] : memref<152x400xf32, #tpu.memory_space<hbm>> -> memref<1x400xf32, #tpu.memory_space<hbm>>
        %dma_wait3A_50 = tpu.memref_squeeze %dma_wait3A_49 : memref<1x400xf32, #tpu.memory_space<hbm>> -> memref<400xf32, #tpu.memory_space<hbm>>
        %dma_wait3A_51 = arith.constant 0 : i32
        %dma_wait3A_52 = tpu.memref_slice %arg5[%add3A_6, %dma_wait3A_51] : memref<152x400xf32, #tpu.memory_space<hbm>> -> memref<1x400xf32, #tpu.memory_space<hbm>>
        %dma_wait3A_53 = tpu.memref_squeeze %dma_wait3A_52 : memref<1x400xf32, #tpu.memory_space<hbm>> -> memref<400xf32, #tpu.memory_space<hbm>>
        tpu.wait_dma2 semaphore(%run_scoped3A : memref<!tpu.dma_semaphore, #tpu.memory_space<semaphore_mem>>) src(%dma_wait3A_53 : memref<400xf32, #tpu.memory_space<hbm>>) dst(%arg13 : memref<400xf32, #tpu.memory_space<vmem>>)
        tpu.yield
      }) : () -> ()
      "tpu.region"() ({
        %run_scoped3A = tpu.sem_alloc : memref<!tpu.dma_semaphore, #tpu.memory_space<semaphore_mem>>
        %dma_start3A = arith.constant 0 : i32
        %dma_start3A_44 = tpu.memref_slice %arg6[%add3A_6, %dma_start3A] : memref<152x400xf32, #tpu.memory_space<hbm>> -> memref<1x400xf32, #tpu.memory_space<hbm>>
        %dma_start3A_45 = tpu.memref_squeeze %dma_start3A_44 : memref<1x400xf32, #tpu.memory_space<hbm>> -> memref<400xf32, #tpu.memory_space<hbm>>
        %dma_start3A_46 = arith.constant 0 : i32
        %dma_start3A_47 = tpu.memref_slice %arg6[%add3A_6, %dma_start3A_46] : memref<152x400xf32, #tpu.memory_space<hbm>> -> memref<1x400xf32, #tpu.memory_space<hbm>>
        %dma_start3A_48 = tpu.memref_squeeze %dma_start3A_47 : memref<1x400xf32, #tpu.memory_space<hbm>> -> memref<400xf32, #tpu.memory_space<hbm>>
        tpu.enqueue_dma source(%dma_start3A_48 : memref<400xf32, #tpu.memory_space<hbm>>) target(%arg14 : memref<400xf32, #tpu.memory_space<vmem>>) target_semaphore(%run_scoped3A : memref<!tpu.dma_semaphore, #tpu.memory_space<semaphore_mem>>)
        %dma_wait3A = arith.constant 0 : i32
        %dma_wait3A_49 = tpu.memref_slice %arg6[%add3A_6, %dma_wait3A] : memref<152x400xf32, #tpu.memory_space<hbm>> -> memref<1x400xf32, #tpu.memory_space<hbm>>
        %dma_wait3A_50 = tpu.memref_squeeze %dma_wait3A_49 : memref<1x400xf32, #tpu.memory_space<hbm>> -> memref<400xf32, #tpu.memory_space<hbm>>
        %dma_wait3A_51 = arith.constant 0 : i32
        %dma_wait3A_52 = tpu.memref_slice %arg6[%add3A_6, %dma_wait3A_51] : memref<152x400xf32, #tpu.memory_space<hbm>> -> memref<1x400xf32, #tpu.memory_space<hbm>>
        %dma_wait3A_53 = tpu.memref_squeeze %dma_wait3A_52 : memref<1x400xf32, #tpu.memory_space<hbm>> -> memref<400xf32, #tpu.memory_space<hbm>>
        tpu.wait_dma2 semaphore(%run_scoped3A : memref<!tpu.dma_semaphore, #tpu.memory_space<semaphore_mem>>) src(%dma_wait3A_53 : memref<400xf32, #tpu.memory_space<hbm>>) dst(%arg14 : memref<400xf32, #tpu.memory_space<vmem>>)
        tpu.yield
      }) : () -> ()
      "tpu.region"() ({
        %run_scoped3A = tpu.sem_alloc : memref<!tpu.dma_semaphore, #tpu.memory_space<semaphore_mem>>
        %dma_start3A = arith.constant 0 : i32
        %dma_start3A_44 = tpu.memref_slice %arg7[%add3A_6, %dma_start3A] : memref<152x400xf32, #tpu.memory_space<hbm>> -> memref<1x400xf32, #tpu.memory_space<hbm>>
        %dma_start3A_45 = tpu.memref_squeeze %dma_start3A_44 : memref<1x400xf32, #tpu.memory_space<hbm>> -> memref<400xf32, #tpu.memory_space<hbm>>
        %dma_start3A_46 = arith.constant 0 : i32
        %dma_start3A_47 = tpu.memref_slice %arg7[%add3A_6, %dma_start3A_46] : memref<152x400xf32, #tpu.memory_space<hbm>> -> memref<1x400xf32, #tpu.memory_space<hbm>>
        %dma_start3A_48 = tpu.memref_squeeze %dma_start3A_47 : memref<1x400xf32, #tpu.memory_space<hbm>> -> memref<400xf32, #tpu.memory_space<hbm>>
        tpu.enqueue_dma source(%dma_start3A_48 : memref<400xf32, #tpu.memory_space<hbm>>) target(%arg15 : memref<400xf32, #tpu.memory_space<vmem>>) target_semaphore(%run_scoped3A : memref<!tpu.dma_semaphore, #tpu.memory_space<semaphore_mem>>)
        %dma_wait3A = arith.constant 0 : i32
        %dma_wait3A_49 = tpu.memref_slice %arg7[%add3A_6, %dma_wait3A] : memref<152x400xf32, #tpu.memory_space<hbm>> -> memref<1x400xf32, #tpu.memory_space<hbm>>
        %dma_wait3A_50 = tpu.memref_squeeze %dma_wait3A_49 : memref<1x400xf32, #tpu.memory_space<hbm>> -> memref<400xf32, #tpu.memory_space<hbm>>
        %dma_wait3A_51 = arith.constant 0 : i32
        %dma_wait3A_52 = tpu.memref_slice %arg7[%add3A_6, %dma_wait3A_51] : memref<152x400xf32, #tpu.memory_space<hbm>> -> memref<1x400xf32, #tpu.memory_space<hbm>>
        %dma_wait3A_53 = tpu.memref_squeeze %dma_wait3A_52 : memref<1x400xf32, #tpu.memory_space<hbm>> -> memref<400xf32, #tpu.memory_space<hbm>>
        tpu.wait_dma2 semaphore(%run_scoped3A : memref<!tpu.dma_semaphore, #tpu.memory_space<semaphore_mem>>) src(%dma_wait3A_53 : memref<400xf32, #tpu.memory_space<hbm>>) dst(%arg15 : memref<400xf32, #tpu.memory_space<vmem>>)
        tpu.yield
      }) : () -> ()
      %scan3A = arith.constant 0 : i32
      %scan3A_39 = arith.constant 0 : i32
      %scan3A_40 = arith.constant 25 : i32
      %scan3A_41 = arith.addi %scan3A_39, %scan3A_40 : i32
      %scan3A_42 = arith.constant 1 : i32
      scf.for %scan3A_44 = %scan3A_39 to %scan3A_41 step %scan3A_42  : i32 {
        %mul3A_45 = arith.constant 16 : i32
        %mul3A_46 = arith.muli %scan3A_44, %mul3A_45 : i32
        %multiple_of3A = tpu.assume_multiple %mul3A_46, 16 : i32
        %get3A = arith.index_cast %multiple_of3A : i32 to index
        %get3A_47 = tpu.vector_load %arg12[%get3A] {strides = array<i32>} : memref<400xf32, #tpu.memory_space<vmem>>, vector<16xf32>,
        %get3A_48 = arith.index_cast %multiple_of3A : i32 to index
        %get3A_49 = tpu.vector_load %arg13[%get3A_48] {strides = array<i32>} : memref<400xf32, #tpu.memory_space<vmem>>, vector<16xf32>,
        %get3A_50 = arith.index_cast %multiple_of3A : i32 to index
        %get3A_51 = tpu.vector_load %arg14[%get3A_50] {strides = array<i32>} : memref<400xf32, #tpu.memory_space<vmem>>, vector<16xf32>,
        %get3A_52 = arith.index_cast %multiple_of3A : i32 to index
        %get3A_53 = tpu.vector_load %arg15[%get3A_52] {strides = array<i32>} : memref<400xf32, #tpu.memory_space<vmem>>, vector<16xf32>,
        %broadcast_in_dim3A = arith.constant 0.000000e+00 : f32
        %broadcast_in_dim3A_54 = vector.broadcast %broadcast_in_dim3A : f32 to vector<16xf32>
        %broadcast_in_dim3A_55 = arith.constant 0.000000e+00 : f32
        %broadcast_in_dim3A_56 = vector.broadcast %broadcast_in_dim3A_55 : f32 to vector<16xf32>
        %get3A_57 = arith.constant 0 : i32
        %get3A_58 = arith.index_cast %get3A_57 : i32 to index
        %get3A_59 = arith.index_cast %multiple_of3A : i32 to index
        %get3A_60 = tpu.vector_load %arg11[%get3A_58, %get3A_59] {strides = array<i32>} : memref<10x400xi32, #tpu.memory_space<vmem>>, vector<16xi32>,
        %gather3A = tpu.vector_load_idx %arg9[%get3A_60] : memref<16384xf32, #tpu.memory_space<vmem>>[vector<16xi32>], vector<16xf32>,
        %gather3A_61 = tpu.vector_load_idx %arg10[%get3A_60] : memref<16384xf32, #tpu.memory_space<vmem>>[vector<16xi32>], vector<16xf32>,
        %mul3A_62 = arith.mulf %gather3A, %get3A_47 : vector<16xf32>
        %mul3A_63 = arith.mulf %gather3A_61, %get3A_49 : vector<16xf32>
        %add3A_64 = arith.addf %mul3A_62, %mul3A_63 : vector<16xf32>
        %add3A_65 = arith.addf %broadcast_in_dim3A_54, %add3A_64 : vector<16xf32>
        %gt3A = arith.constant 5.000000e-02 : f32
        %gt3A_66 = vector.broadcast %gt3A : f32 to vector<16xf32>
        %gt3A_67 = arith.cmpf ogt, %add3A_64, %gt3A_66 : vector<16xf32>
        %jit3A = arith.constant 1.000000e+00 : f32
        %jit3A_68 = arith.constant 0.000000e+00 : f32
        %broadcast_in_dim3A_69 = vector.broadcast %jit3A : f32 to vector<16xf32>
        %broadcast_in_dim3A_70 = vector.broadcast %jit3A_68 : f32 to vector<16xf32>
        %select_n3A = arith.select %gt3A_67, %broadcast_in_dim3A_69, %broadcast_in_dim3A_70 : vector<16xi1>, vector<16xf32>
        %add3A_71 = arith.addf %broadcast_in_dim3A_56, %select_n3A : vector<16xf32>
        %get3A_72 = arith.constant 1 : i32
        %get3A_73 = arith.index_cast %get3A_72 : i32 to index
        %get3A_74 = arith.index_cast %multiple_of3A : i32 to index
        %get3A_75 = tpu.vector_load %arg11[%get3A_73, %get3A_74] {strides = array<i32>} : memref<10x400xi32, #tpu.memory_space<vmem>>, vector<16xi32>,
        %gather3A_76 = tpu.vector_load_idx %arg9[%get3A_75] : memref<16384xf32, #tpu.memory_space<vmem>>[vector<16xi32>], vector<16xf32>,
        %gather3A_77 = tpu.vector_load_idx %arg10[%get3A_75] : memref<16384xf32, #tpu.memory_space<vmem>>[vector<16xi32>], vector<16xf32>,
        %mul3A_78 = arith.mulf %gather3A_76, %get3A_47 : vector<16xf32>
        %mul3A_79 = arith.mulf %gather3A_77, %get3A_49 : vector<16xf32>
        %add3A_80 = arith.addf %mul3A_78, %mul3A_79 : vector<16xf32>
        %add3A_81 = arith.addf %add3A_65, %add3A_80 : vector<16xf32>
        %gt3A_82 = arith.constant 5.000000e-02 : f32
        %gt3A_83 = vector.broadcast %gt3A_82 : f32 to vector<16xf32>
        %gt3A_84 = arith.cmpf ogt, %add3A_80, %gt3A_83 : vector<16xf32>
        %jit3A_85 = arith.constant 1.000000e+00 : f32
        %jit3A_86 = arith.constant 0.000000e+00 : f32
        %broadcast_in_dim3A_87 = vector.broadcast %jit3A_85 : f32 to vector<16xf32>
        %broadcast_in_dim3A_88 = vector.broadcast %jit3A_86 : f32 to vector<16xf32>
        %select_n3A_89 = arith.select %gt3A_84, %broadcast_in_dim3A_87, %broadcast_in_dim3A_88 : vector<16xi1>, vector<16xf32>
        %add3A_90 = arith.addf %add3A_71, %select_n3A_89 : vector<16xf32>
        %get3A_91 = arith.constant 2 : i32
        %get3A_92 = arith.index_cast %get3A_91 : i32 to index
        %get3A_93 = arith.index_cast %multiple_of3A : i32 to index
        %get3A_94 = tpu.vector_load %arg11[%get3A_92, %get3A_93] {strides = array<i32>} : memref<10x400xi32, #tpu.memory_space<vmem>>, vector<16xi32>,
        %gather3A_95 = tpu.vector_load_idx %arg9[%get3A_94] : memref<16384xf32, #tpu.memory_space<vmem>>[vector<16xi32>], vector<16xf32>,
        %gather3A_96 = tpu.vector_load_idx %arg10[%get3A_94] : memref<16384xf32, #tpu.memory_space<vmem>>[vector<16xi32>], vector<16xf32>,
        %mul3A_97 = arith.mulf %gather3A_95, %get3A_47 : vector<16xf32>
        %mul3A_98 = arith.mulf %gather3A_96, %get3A_49 : vector<16xf32>
        %add3A_99 = arith.addf %mul3A_97, %mul3A_98 : vector<16xf32>
        %add3A_100 = arith.addf %add3A_81, %add3A_99 : vector<16xf32>
        %gt3A_101 = arith.constant 5.000000e-02 : f32
        %gt3A_102 = vector.broadcast %gt3A_101 : f32 to vector<16xf32>
        %gt3A_103 = arith.cmpf ogt, %add3A_99, %gt3A_102 : vector<16xf32>
        %jit3A_104 = arith.constant 1.000000e+00 : f32
        %jit3A_105 = arith.constant 0.000000e+00 : f32
        %broadcast_in_dim3A_106 = vector.broadcast %jit3A_104 : f32 to vector<16xf32>
        %broadcast_in_dim3A_107 = vector.broadcast %jit3A_105 : f32 to vector<16xf32>
        %select_n3A_108 = arith.select %gt3A_103, %broadcast_in_dim3A_106, %broadcast_in_dim3A_107 : vector<16xi1>, vector<16xf32>
        %add3A_109 = arith.addf %add3A_90, %select_n3A_108 : vector<16xf32>
        %get3A_110 = arith.constant 3 : i32
        %get3A_111 = arith.index_cast %get3A_110 : i32 to index
        %get3A_112 = arith.index_cast %multiple_of3A : i32 to index
        %get3A_113 = tpu.vector_load %arg11[%get3A_111, %get3A_112] {strides = array<i32>} : memref<10x400xi32, #tpu.memory_space<vmem>>, vector<16xi32>,
        %gather3A_114 = tpu.vector_load_idx %arg9[%get3A_113] : memref<16384xf32, #tpu.memory_space<vmem>>[vector<16xi32>], vector<16xf32>,
        %gather3A_115 = tpu.vector_load_idx %arg10[%get3A_113] : memref<16384xf32, #tpu.memory_space<vmem>>[vector<16xi32>], vector<16xf32>,
        %mul3A_116 = arith.mulf %gather3A_114, %get3A_47 : vector<16xf32>
        %mul3A_117 = arith.mulf %gather3A_115, %get3A_49 : vector<16xf32>
        %add3A_118 = arith.addf %mul3A_116, %mul3A_117 : vector<16xf32>
        %add3A_119 = arith.addf %add3A_100, %add3A_118 : vector<16xf32>
        %gt3A_120 = arith.constant 5.000000e-02 : f32
        %gt3A_121 = vector.broadcast %gt3A_120 : f32 to vector<16xf32>
        %gt3A_122 = arith.cmpf ogt, %add3A_118, %gt3A_121 : vector<16xf32>
        %jit3A_123 = arith.constant 1.000000e+00 : f32
        %jit3A_124 = arith.constant 0.000000e+00 : f32
        %broadcast_in_dim3A_125 = vector.broadcast %jit3A_123 : f32 to vector<16xf32>
        %broadcast_in_dim3A_126 = vector.broadcast %jit3A_124 : f32 to vector<16xf32>
        %select_n3A_127 = arith.select %gt3A_122, %broadcast_in_dim3A_125, %broadcast_in_dim3A_126 : vector<16xi1>, vector<16xf32>
        %add3A_128 = arith.addf %add3A_109, %select_n3A_127 : vector<16xf32>
        %get3A_129 = arith.constant 4 : i32
        %get3A_130 = arith.index_cast %get3A_129 : i32 to index
        %get3A_131 = arith.index_cast %multiple_of3A : i32 to index
        %get3A_132 = tpu.vector_load %arg11[%get3A_130, %get3A_131] {strides = array<i32>} : memref<10x400xi32, #tpu.memory_space<vmem>>, vector<16xi32>,
        %gather3A_133 = tpu.vector_load_idx %arg9[%get3A_132] : memref<16384xf32, #tpu.memory_space<vmem>>[vector<16xi32>], vector<16xf32>,
        %gather3A_134 = tpu.vector_load_idx %arg10[%get3A_132] : memref<16384xf32, #tpu.memory_space<vmem>>[vector<16xi32>], vector<16xf32>,
        %mul3A_135 = arith.mulf %gather3A_133, %get3A_47 : vector<16xf32>
        %mul3A_136 = arith.mulf %gather3A_134, %get3A_49 : vector<16xf32>
        %add3A_137 = arith.addf %mul3A_135, %mul3A_136 : vector<16xf32>
        %add3A_138 = arith.addf %add3A_119, %add3A_137 : vector<16xf32>
        %gt3A_139 = arith.constant 5.000000e-02 : f32
        %gt3A_140 = vector.broadcast %gt3A_139 : f32 to vector<16xf32>
        %gt3A_141 = arith.cmpf ogt, %add3A_137, %gt3A_140 : vector<16xf32>
        %jit3A_142 = arith.constant 1.000000e+00 : f32
        %jit3A_143 = arith.constant 0.000000e+00 : f32
        %broadcast_in_dim3A_144 = vector.broadcast %jit3A_142 : f32 to vector<16xf32>
        %broadcast_in_dim3A_145 = vector.broadcast %jit3A_143 : f32 to vector<16xf32>
        %select_n3A_146 = arith.select %gt3A_141, %broadcast_in_dim3A_144, %broadcast_in_dim3A_145 : vector<16xi1>, vector<16xf32>
        %add3A_147 = arith.addf %add3A_128, %select_n3A_146 : vector<16xf32>
        %get3A_148 = arith.constant 5 : i32
        %get3A_149 = arith.index_cast %get3A_148 : i32 to index
        %get3A_150 = arith.index_cast %multiple_of3A : i32 to index
        %get3A_151 = tpu.vector_load %arg11[%get3A_149, %get3A_150] {strides = array<i32>} : memref<10x400xi32, #tpu.memory_space<vmem>>, vector<16xi32>,
        %gather3A_152 = tpu.vector_load_idx %arg9[%get3A_151] : memref<16384xf32, #tpu.memory_space<vmem>>[vector<16xi32>], vector<16xf32>,
        %gather3A_153 = tpu.vector_load_idx %arg10[%get3A_151] : memref<16384xf32, #tpu.memory_space<vmem>>[vector<16xi32>], vector<16xf32>,
        %mul3A_154 = arith.mulf %gather3A_152, %get3A_47 : vector<16xf32>
        %mul3A_155 = arith.mulf %gather3A_153, %get3A_49 : vector<16xf32>
        %add3A_156 = arith.addf %mul3A_154, %mul3A_155 : vector<16xf32>
        %add3A_157 = arith.addf %add3A_138, %add3A_156 : vector<16xf32>
        %gt3A_158 = arith.constant 5.000000e-02 : f32
        %gt3A_159 = vector.broadcast %gt3A_158 : f32 to vector<16xf32>
        %gt3A_160 = arith.cmpf ogt, %add3A_156, %gt3A_159 : vector<16xf32>
        %jit3A_161 = arith.constant 1.000000e+00 : f32
        %jit3A_162 = arith.constant 0.000000e+00 : f32
        %broadcast_in_dim3A_163 = vector.broadcast %jit3A_161 : f32 to vector<16xf32>
        %broadcast_in_dim3A_164 = vector.broadcast %jit3A_162 : f32 to vector<16xf32>
        %select_n3A_165 = arith.select %gt3A_160, %broadcast_in_dim3A_163, %broadcast_in_dim3A_164 : vector<16xi1>, vector<16xf32>
        %add3A_166 = arith.addf %add3A_147, %select_n3A_165 : vector<16xf32>
        %get3A_167 = arith.constant 6 : i32
        %get3A_168 = arith.index_cast %get3A_167 : i32 to index
        %get3A_169 = arith.index_cast %multiple_of3A : i32 to index
        %get3A_170 = tpu.vector_load %arg11[%get3A_168, %get3A_169] {strides = array<i32>} : memref<10x400xi32, #tpu.memory_space<vmem>>, vector<16xi32>,
        %gather3A_171 = tpu.vector_load_idx %arg9[%get3A_170] : memref<16384xf32, #tpu.memory_space<vmem>>[vector<16xi32>], vector<16xf32>,
        %gather3A_172 = tpu.vector_load_idx %arg10[%get3A_170] : memref<16384xf32, #tpu.memory_space<vmem>>[vector<16xi32>], vector<16xf32>,
        %mul3A_173 = arith.mulf %gather3A_171, %get3A_47 : vector<16xf32>
        %mul3A_174 = arith.mulf %gather3A_172, %get3A_49 : vector<16xf32>
        %add3A_175 = arith.addf %mul3A_173, %mul3A_174 : vector<16xf32>
        %add3A_176 = arith.addf %add3A_157, %add3A_175 : vector<16xf32>
        %gt3A_177 = arith.constant 5.000000e-02 : f32
        %gt3A_178 = vector.broadcast %gt3A_177 : f32 to vector<16xf32>
        %gt3A_179 = arith.cmpf ogt, %add3A_175, %gt3A_178 : vector<16xf32>
        %jit3A_180 = arith.constant 1.000000e+00 : f32
        %jit3A_181 = arith.constant 0.000000e+00 : f32
        %broadcast_in_dim3A_182 = vector.broadcast %jit3A_180 : f32 to vector<16xf32>
        %broadcast_in_dim3A_183 = vector.broadcast %jit3A_181 : f32 to vector<16xf32>
        %select_n3A_184 = arith.select %gt3A_179, %broadcast_in_dim3A_182, %broadcast_in_dim3A_183 : vector<16xi1>, vector<16xf32>
        %add3A_185 = arith.addf %add3A_166, %select_n3A_184 : vector<16xf32>
        %get3A_186 = arith.constant 7 : i32
        %get3A_187 = arith.index_cast %get3A_186 : i32 to index
        %get3A_188 = arith.index_cast %multiple_of3A : i32 to index
        %get3A_189 = tpu.vector_load %arg11[%get3A_187, %get3A_188] {strides = array<i32>} : memref<10x400xi32, #tpu.memory_space<vmem>>, vector<16xi32>,
        %gather3A_190 = tpu.vector_load_idx %arg9[%get3A_189] : memref<16384xf32, #tpu.memory_space<vmem>>[vector<16xi32>], vector<16xf32>,
        %gather3A_191 = tpu.vector_load_idx %arg10[%get3A_189] : memref<16384xf32, #tpu.memory_space<vmem>>[vector<16xi32>], vector<16xf32>,
        %mul3A_192 = arith.mulf %gather3A_190, %get3A_47 : vector<16xf32>
        %mul3A_193 = arith.mulf %gather3A_191, %get3A_49 : vector<16xf32>
        %add3A_194 = arith.addf %mul3A_192, %mul3A_193 : vector<16xf32>
        %add3A_195 = arith.addf %add3A_176, %add3A_194 : vector<16xf32>
        %gt3A_196 = arith.constant 5.000000e-02 : f32
        %gt3A_197 = vector.broadcast %gt3A_196 : f32 to vector<16xf32>
        %gt3A_198 = arith.cmpf ogt, %add3A_194, %gt3A_197 : vector<16xf32>
        %jit3A_199 = arith.constant 1.000000e+00 : f32
        %jit3A_200 = arith.constant 0.000000e+00 : f32
        %broadcast_in_dim3A_201 = vector.broadcast %jit3A_199 : f32 to vector<16xf32>
        %broadcast_in_dim3A_202 = vector.broadcast %jit3A_200 : f32 to vector<16xf32>
        %select_n3A_203 = arith.select %gt3A_198, %broadcast_in_dim3A_201, %broadcast_in_dim3A_202 : vector<16xi1>, vector<16xf32>
        %add3A_204 = arith.addf %add3A_185, %select_n3A_203 : vector<16xf32>
        %get3A_205 = arith.constant 8 : i32
        %get3A_206 = arith.index_cast %get3A_205 : i32 to index
        %get3A_207 = arith.index_cast %multiple_of3A : i32 to index
        %get3A_208 = tpu.vector_load %arg11[%get3A_206, %get3A_207] {strides = array<i32>} : memref<10x400xi32, #tpu.memory_space<vmem>>, vector<16xi32>,
        %gather3A_209 = tpu.vector_load_idx %arg9[%get3A_208] : memref<16384xf32, #tpu.memory_space<vmem>>[vector<16xi32>], vector<16xf32>,
        %gather3A_210 = tpu.vector_load_idx %arg10[%get3A_208] : memref<16384xf32, #tpu.memory_space<vmem>>[vector<16xi32>], vector<16xf32>,
        %mul3A_211 = arith.mulf %gather3A_209, %get3A_47 : vector<16xf32>
        %mul3A_212 = arith.mulf %gather3A_210, %get3A_49 : vector<16xf32>
        %add3A_213 = arith.addf %mul3A_211, %mul3A_212 : vector<16xf32>
        %add3A_214 = arith.addf %add3A_195, %add3A_213 : vector<16xf32>
        %gt3A_215 = arith.constant 5.000000e-02 : f32
        %gt3A_216 = vector.broadcast %gt3A_215 : f32 to vector<16xf32>
        %gt3A_217 = arith.cmpf ogt, %add3A_213, %gt3A_216 : vector<16xf32>
        %jit3A_218 = arith.constant 1.000000e+00 : f32
        %jit3A_219 = arith.constant 0.000000e+00 : f32
        %broadcast_in_dim3A_220 = vector.broadcast %jit3A_218 : f32 to vector<16xf32>
        %broadcast_in_dim3A_221 = vector.broadcast %jit3A_219 : f32 to vector<16xf32>
        %select_n3A_222 = arith.select %gt3A_217, %broadcast_in_dim3A_220, %broadcast_in_dim3A_221 : vector<16xi1>, vector<16xf32>
        %add3A_223 = arith.addf %add3A_204, %select_n3A_222 : vector<16xf32>
        %get3A_224 = arith.constant 9 : i32
        %get3A_225 = arith.index_cast %get3A_224 : i32 to index
        %get3A_226 = arith.index_cast %multiple_of3A : i32 to index
        %get3A_227 = tpu.vector_load %arg11[%get3A_225, %get3A_226] {strides = array<i32>} : memref<10x400xi32, #tpu.memory_space<vmem>>, vector<16xi32>,
        %gather3A_228 = tpu.vector_load_idx %arg9[%get3A_227] : memref<16384xf32, #tpu.memory_space<vmem>>[vector<16xi32>], vector<16xf32>,
        %gather3A_229 = tpu.vector_load_idx %arg10[%get3A_227] : memref<16384xf32, #tpu.memory_space<vmem>>[vector<16xi32>], vector<16xf32>,
        %mul3A_230 = arith.mulf %gather3A_228, %get3A_47 : vector<16xf32>
        %mul3A_231 = arith.mulf %gather3A_229, %get3A_49 : vector<16xf32>
        %add3A_232 = arith.addf %mul3A_230, %mul3A_231 : vector<16xf32>
        %add3A_233 = arith.addf %add3A_214, %add3A_232 : vector<16xf32>
        %gt3A_234 = arith.constant 5.000000e-02 : f32
        %gt3A_235 = vector.broadcast %gt3A_234 : f32 to vector<16xf32>
        %gt3A_236 = arith.cmpf ogt, %add3A_232, %gt3A_235 : vector<16xf32>
        %jit3A_237 = arith.constant 1.000000e+00 : f32
        %jit3A_238 = arith.constant 0.000000e+00 : f32
        %broadcast_in_dim3A_239 = vector.broadcast %jit3A_237 : f32 to vector<16xf32>
        %broadcast_in_dim3A_240 = vector.broadcast %jit3A_238 : f32 to vector<16xf32>
        %select_n3A_241 = arith.select %gt3A_236, %broadcast_in_dim3A_239, %broadcast_in_dim3A_240 : vector<16xi1>, vector<16xf32>
        %add3A_242 = arith.addf %add3A_223, %select_n3A_241 : vector<16xf32>
        %div3A = arith.constant 1.000000e+01 : f32
        %div3A_243 = vector.broadcast %div3A : f32 to vector<16xf32>
        %div3A_244 = arith.divf %add3A_233, %div3A_243 : vector<16xf32>
        %gt3A_245 = arith.constant 0.000000e+00 : f32
        %gt3A_246 = vector.broadcast %gt3A_245 : f32 to vector<16xf32>
        %gt3A_247 = arith.cmpf ogt, %div3A_244, %gt3A_246 : vector<16xf32>
        %gt3A_248 = arith.constant 8.000000e+00 : f32
        %gt3A_249 = vector.broadcast %gt3A_248 : f32 to vector<16xf32>
        %gt3A_250 = arith.cmpf ogt, %add3A_242, %gt3A_249 : vector<16xf32>
        %and3A = arith.andi %gt3A_247, %gt3A_250 : vector<16xi1>
        %gt3A_251 = arith.constant 5.000000e-01 : f32
        %gt3A_252 = vector.broadcast %gt3A_251 : f32 to vector<16xf32>
        %gt3A_253 = arith.cmpf ogt, %get3A_51, %gt3A_252 : vector<16xf32>
        %and3A_254 = arith.andi %and3A, %gt3A_253 : vector<16xi1>
        %add3A_255 = arith.addf %div3A_244, %get3A_53 : vector<16xf32>
        %jit3A_256 = arith.constant 0.000000e+00 : f32
        %broadcast_in_dim3A_257 = vector.broadcast %jit3A_256 : f32 to vector<16xf32>
        %select_n3A_258 = arith.select %and3A_254, %add3A_255, %broadcast_in_dim3A_257 : vector<16xi1>, vector<16xf32>
        %swap3A = arith.index_cast %multiple_of3A : i32 to index
        %swap3A_259 = tpu.vector_load %arg16[%swap3A] {strides = array<i32>} : memref<400xf32, #tpu.memory_space<vmem>>, vector<16xf32>,
        tpu.vector_store %arg16[%swap3A], %select_n3A_258 {strides = array<i32>} : memref<400xf32, #tpu.memory_space<vmem>>, vector<16xf32>,
      }
      %scan3A_43 = arith.constant 25 : i32
      "tpu.region"() ({
        %run_scoped3A = tpu.sem_alloc : memref<!tpu.dma_semaphore, #tpu.memory_space<semaphore_mem>>
        %dma_start3A = arith.constant 0 : i32
        %dma_start3A_44 = tpu.memref_slice %arg8[%add3A_6, %dma_start3A] : memref<152x400xf32, #tpu.memory_space<hbm>> -> memref<1x400xf32, #tpu.memory_space<hbm>>
        %dma_start3A_45 = tpu.memref_squeeze %dma_start3A_44 : memref<1x400xf32, #tpu.memory_space<hbm>> -> memref<400xf32, #tpu.memory_space<hbm>>
        %dma_start3A_46 = arith.constant 0 : i32
        %dma_start3A_47 = tpu.memref_slice %arg8[%add3A_6, %dma_start3A_46] : memref<152x400xf32, #tpu.memory_space<hbm>> -> memref<1x400xf32, #tpu.memory_space<hbm>>
        %dma_start3A_48 = tpu.memref_squeeze %dma_start3A_47 : memref<1x400xf32, #tpu.memory_space<hbm>> -> memref<400xf32, #tpu.memory_space<hbm>>
        tpu.enqueue_dma source(%arg16 : memref<400xf32, #tpu.memory_space<vmem>>) target(%dma_start3A_48 : memref<400xf32, #tpu.memory_space<hbm>>) target_semaphore(%run_scoped3A : memref<!tpu.dma_semaphore, #tpu.memory_space<semaphore_mem>>)
        %dma_wait3A = arith.constant 0 : i32
        %dma_wait3A_49 = tpu.memref_slice %arg8[%add3A_6, %dma_wait3A] : memref<152x400xf32, #tpu.memory_space<hbm>> -> memref<1x400xf32, #tpu.memory_space<hbm>>
        %dma_wait3A_50 = tpu.memref_squeeze %dma_wait3A_49 : memref<1x400xf32, #tpu.memory_space<hbm>> -> memref<400xf32, #tpu.memory_space<hbm>>
        %dma_wait3A_51 = arith.constant 0 : i32
        %dma_wait3A_52 = tpu.memref_slice %arg8[%add3A_6, %dma_wait3A_51] : memref<152x400xf32, #tpu.memory_space<hbm>> -> memref<1x400xf32, #tpu.memory_space<hbm>>
        %dma_wait3A_53 = tpu.memref_squeeze %dma_wait3A_52 : memref<1x400xf32, #tpu.memory_space<hbm>> -> memref<400xf32, #tpu.memory_space<hbm>>
        tpu.wait_dma2 semaphore(%run_scoped3A : memref<!tpu.dma_semaphore, #tpu.memory_space<semaphore_mem>>) src(%arg16 : memref<400xf32, #tpu.memory_space<vmem>>) dst(%dma_wait3A_53 : memref<400xf32, #tpu.memory_space<hbm>>)
        tpu.yield
      }) : () -> ()
    } else {
    }
    %add3A_12 = arith.constant 64 : i32
    %add3A_13 = arith.addi %add3A, %add3A_12 : i32
    %lt3A_14 = arith.constant 152 : i32
    %lt3A_15 = arith.cmpi slt, %add3A_13, %lt3A_14 : i32
    %convert_element_type3A_16 = arith.extui %lt3A_15 : i1 to i32
    %cond3A_17 = arith.constant 0 : i32
    %cond3A_18 = arith.cmpi ne, %convert_element_type3A_16, %cond3A_17 : i32
    scf.if %cond3A_18 {
      %mul3A_33 = arith.constant 2 : i32
      %mul3A_34 = arith.muli %mul3A_33, %add3A_13 : i32
      "tpu.region"() ({
        %run_scoped3A = tpu.sem_alloc : memref<!tpu.dma_semaphore, #tpu.memory_space<semaphore_mem>>
        %dma_start3A = arith.constant 0 : i32
        %dma_start3A_44 = tpu.memref_slice %arg2[%mul3A_34, %dma_start3A] : memref<304x16384xf32, #tpu.memory_space<hbm>> -> memref<1x16384xf32, #tpu.memory_space<hbm>>
        %dma_start3A_45 = tpu.memref_squeeze %dma_start3A_44 : memref<1x16384xf32, #tpu.memory_space<hbm>> -> memref<16384xf32, #tpu.memory_space<hbm>>
        %dma_start3A_46 = arith.constant 0 : i32
        %dma_start3A_47 = tpu.memref_slice %arg2[%mul3A_34, %dma_start3A_46] : memref<304x16384xf32, #tpu.memory_space<hbm>> -> memref<1x16384xf32, #tpu.memory_space<hbm>>
        %dma_start3A_48 = tpu.memref_squeeze %dma_start3A_47 : memref<1x16384xf32, #tpu.memory_space<hbm>> -> memref<16384xf32, #tpu.memory_space<hbm>>
        tpu.enqueue_dma source(%dma_start3A_48 : memref<16384xf32, #tpu.memory_space<hbm>>) target(%arg9 : memref<16384xf32, #tpu.memory_space<vmem>>) target_semaphore(%run_scoped3A : memref<!tpu.dma_semaphore, #tpu.memory_space<semaphore_mem>>)
        %dma_wait3A = arith.constant 0 : i32
        %dma_wait3A_49 = tpu.memref_slice %arg2[%mul3A_34, %dma_wait3A] : memref<304x16384xf32, #tpu.memory_space<hbm>> -> memref<1x16384xf32, #tpu.memory_space<hbm>>
        %dma_wait3A_50 = tpu.memref_squeeze %dma_wait3A_49 : memref<1x16384xf32, #tpu.memory_space<hbm>> -> memref<16384xf32, #tpu.memory_space<hbm>>
        %dma_wait3A_51 = arith.constant 0 : i32
        %dma_wait3A_52 = tpu.memref_slice %arg2[%mul3A_34, %dma_wait3A_51] : memref<304x16384xf32, #tpu.memory_space<hbm>> -> memref<1x16384xf32, #tpu.memory_space<hbm>>
        %dma_wait3A_53 = tpu.memref_squeeze %dma_wait3A_52 : memref<1x16384xf32, #tpu.memory_space<hbm>> -> memref<16384xf32, #tpu.memory_space<hbm>>
        tpu.wait_dma2 semaphore(%run_scoped3A : memref<!tpu.dma_semaphore, #tpu.memory_space<semaphore_mem>>) src(%dma_wait3A_53 : memref<16384xf32, #tpu.memory_space<hbm>>) dst(%arg9 : memref<16384xf32, #tpu.memory_space<vmem>>)
        tpu.yield
      }) : () -> ()
      %mul3A_35 = arith.constant 2 : i32
      %mul3A_36 = arith.muli %mul3A_35, %add3A_13 : i32
      %add3A_37 = arith.constant 1 : i32
      %add3A_38 = arith.addi %mul3A_36, %add3A_37 : i32
      "tpu.region"() ({
        %run_scoped3A = tpu.sem_alloc : memref<!tpu.dma_semaphore, #tpu.memory_space<semaphore_mem>>
        %dma_start3A = arith.constant 0 : i32
        %dma_start3A_44 = tpu.memref_slice %arg2[%add3A_38, %dma_start3A] : memref<304x16384xf32, #tpu.memory_space<hbm>> -> memref<1x16384xf32, #tpu.memory_space<hbm>>
        %dma_start3A_45 = tpu.memref_squeeze %dma_start3A_44 : memref<1x16384xf32, #tpu.memory_space<hbm>> -> memref<16384xf32, #tpu.memory_space<hbm>>
        %dma_start3A_46 = arith.constant 0 : i32
        %dma_start3A_47 = tpu.memref_slice %arg2[%add3A_38, %dma_start3A_46] : memref<304x16384xf32, #tpu.memory_space<hbm>> -> memref<1x16384xf32, #tpu.memory_space<hbm>>
        %dma_start3A_48 = tpu.memref_squeeze %dma_start3A_47 : memref<1x16384xf32, #tpu.memory_space<hbm>> -> memref<16384xf32, #tpu.memory_space<hbm>>
        tpu.enqueue_dma source(%dma_start3A_48 : memref<16384xf32, #tpu.memory_space<hbm>>) target(%arg10 : memref<16384xf32, #tpu.memory_space<vmem>>) target_semaphore(%run_scoped3A : memref<!tpu.dma_semaphore, #tpu.memory_space<semaphore_mem>>)
        %dma_wait3A = arith.constant 0 : i32
        %dma_wait3A_49 = tpu.memref_slice %arg2[%add3A_38, %dma_wait3A] : memref<304x16384xf32, #tpu.memory_space<hbm>> -> memref<1x16384xf32, #tpu.memory_space<hbm>>
        %dma_wait3A_50 = tpu.memref_squeeze %dma_wait3A_49 : memref<1x16384xf32, #tpu.memory_space<hbm>> -> memref<16384xf32, #tpu.memory_space<hbm>>
        %dma_wait3A_51 = arith.constant 0 : i32
        %dma_wait3A_52 = tpu.memref_slice %arg2[%add3A_38, %dma_wait3A_51] : memref<304x16384xf32, #tpu.memory_space<hbm>> -> memref<1x16384xf32, #tpu.memory_space<hbm>>
        %dma_wait3A_53 = tpu.memref_squeeze %dma_wait3A_52 : memref<1x16384xf32, #tpu.memory_space<hbm>> -> memref<16384xf32, #tpu.memory_space<hbm>>
        tpu.wait_dma2 semaphore(%run_scoped3A : memref<!tpu.dma_semaphore, #tpu.memory_space<semaphore_mem>>) src(%dma_wait3A_53 : memref<16384xf32, #tpu.memory_space<hbm>>) dst(%arg10 : memref<16384xf32, #tpu.memory_space<vmem>>)
        tpu.yield
      }) : () -> ()
      "tpu.region"() ({
        %run_scoped3A = tpu.sem_alloc : memref<!tpu.dma_semaphore, #tpu.memory_space<semaphore_mem>>
        %dma_start3A = arith.constant 0 : i32
        %dma_start3A_44 = arith.constant 0 : i32
        %dma_start3A_45 = tpu.memref_slice %arg3[%add3A_13, %dma_start3A, %dma_start3A_44] : memref<152x10x400xi32, #tpu.memory_space<hbm>> -> memref<1x10x400xi32, #tpu.memory_space<hbm>>
        %dma_start3A_46 = tpu.memref_squeeze %dma_start3A_45 : memref<1x10x400xi32, #tpu.memory_space<hbm>> -> memref<10x400xi32, #tpu.memory_space<hbm>>
        %dma_start3A_47 = arith.constant 0 : i32
        %dma_start3A_48 = arith.constant 0 : i32
        %dma_start3A_49 = tpu.memref_slice %arg3[%add3A_13, %dma_start3A_47, %dma_start3A_48] : memref<152x10x400xi32, #tpu.memory_space<hbm>> -> memref<1x10x400xi32, #tpu.memory_space<hbm>>
        %dma_start3A_50 = tpu.memref_squeeze %dma_start3A_49 : memref<1x10x400xi32, #tpu.memory_space<hbm>> -> memref<10x400xi32, #tpu.memory_space<hbm>>
        tpu.enqueue_dma source(%dma_start3A_50 : memref<10x400xi32, #tpu.memory_space<hbm>>) target(%arg11 : memref<10x400xi32, #tpu.memory_space<vmem>>) target_semaphore(%run_scoped3A : memref<!tpu.dma_semaphore, #tpu.memory_space<semaphore_mem>>)
        %dma_wait3A = arith.constant 0 : i32
        %dma_wait3A_51 = arith.constant 0 : i32
        %dma_wait3A_52 = tpu.memref_slice %arg3[%add3A_13, %dma_wait3A, %dma_wait3A_51] : memref<152x10x400xi32, #tpu.memory_space<hbm>> -> memref<1x10x400xi32, #tpu.memory_space<hbm>>
        %dma_wait3A_53 = tpu.memref_squeeze %dma_wait3A_52 : memref<1x10x400xi32, #tpu.memory_space<hbm>> -> memref<10x400xi32, #tpu.memory_space<hbm>>
        %dma_wait3A_54 = arith.constant 0 : i32
        %dma_wait3A_55 = arith.constant 0 : i32
        %dma_wait3A_56 = tpu.memref_slice %arg3[%add3A_13, %dma_wait3A_54, %dma_wait3A_55] : memref<152x10x400xi32, #tpu.memory_space<hbm>> -> memref<1x10x400xi32, #tpu.memory_space<hbm>>
        %dma_wait3A_57 = tpu.memref_squeeze %dma_wait3A_56 : memref<1x10x400xi32, #tpu.memory_space<hbm>> -> memref<10x400xi32, #tpu.memory_space<hbm>>
        tpu.wait_dma2 semaphore(%run_scoped3A : memref<!tpu.dma_semaphore, #tpu.memory_space<semaphore_mem>>) src(%dma_wait3A_57 : memref<10x400xi32, #tpu.memory_space<hbm>>) dst(%arg11 : memref<10x400xi32, #tpu.memory_space<vmem>>)
        tpu.yield
      }) : () -> ()
      "tpu.region"() ({
        %run_scoped3A = tpu.sem_alloc : memref<!tpu.dma_semaphore, #tpu.memory_space<semaphore_mem>>
        %dma_start3A = arith.constant 0 : i32
        %dma_start3A_44 = tpu.memref_slice %arg4[%add3A_13, %dma_start3A] : memref<152x400xf32, #tpu.memory_space<hbm>> -> memref<1x400xf32, #tpu.memory_space<hbm>>
        %dma_start3A_45 = tpu.memref_squeeze %dma_start3A_44 : memref<1x400xf32, #tpu.memory_space<hbm>> -> memref<400xf32, #tpu.memory_space<hbm>>
        %dma_start3A_46 = arith.constant 0 : i32
        %dma_start3A_47 = tpu.memref_slice %arg4[%add3A_13, %dma_start3A_46] : memref<152x400xf32, #tpu.memory_space<hbm>> -> memref<1x400xf32, #tpu.memory_space<hbm>>
        %dma_start3A_48 = tpu.memref_squeeze %dma_start3A_47 : memref<1x400xf32, #tpu.memory_space<hbm>> -> memref<400xf32, #tpu.memory_space<hbm>>
        tpu.enqueue_dma source(%dma_start3A_48 : memref<400xf32, #tpu.memory_space<hbm>>) target(%arg12 : memref<400xf32, #tpu.memory_space<vmem>>) target_semaphore(%run_scoped3A : memref<!tpu.dma_semaphore, #tpu.memory_space<semaphore_mem>>)
        %dma_wait3A = arith.constant 0 : i32
        %dma_wait3A_49 = tpu.memref_slice %arg4[%add3A_13, %dma_wait3A] : memref<152x400xf32, #tpu.memory_space<hbm>> -> memref<1x400xf32, #tpu.memory_space<hbm>>
        %dma_wait3A_50 = tpu.memref_squeeze %dma_wait3A_49 : memref<1x400xf32, #tpu.memory_space<hbm>> -> memref<400xf32, #tpu.memory_space<hbm>>
        %dma_wait3A_51 = arith.constant 0 : i32
        %dma_wait3A_52 = tpu.memref_slice %arg4[%add3A_13, %dma_wait3A_51] : memref<152x400xf32, #tpu.memory_space<hbm>> -> memref<1x400xf32, #tpu.memory_space<hbm>>
        %dma_wait3A_53 = tpu.memref_squeeze %dma_wait3A_52 : memref<1x400xf32, #tpu.memory_space<hbm>> -> memref<400xf32, #tpu.memory_space<hbm>>
        tpu.wait_dma2 semaphore(%run_scoped3A : memref<!tpu.dma_semaphore, #tpu.memory_space<semaphore_mem>>) src(%dma_wait3A_53 : memref<400xf32, #tpu.memory_space<hbm>>) dst(%arg12 : memref<400xf32, #tpu.memory_space<vmem>>)
        tpu.yield
      }) : () -> ()
      "tpu.region"() ({
        %run_scoped3A = tpu.sem_alloc : memref<!tpu.dma_semaphore, #tpu.memory_space<semaphore_mem>>
        %dma_start3A = arith.constant 0 : i32
        %dma_start3A_44 = tpu.memref_slice %arg5[%add3A_13, %dma_start3A] : memref<152x400xf32, #tpu.memory_space<hbm>> -> memref<1x400xf32, #tpu.memory_space<hbm>>
        %dma_start3A_45 = tpu.memref_squeeze %dma_start3A_44 : memref<1x400xf32, #tpu.memory_space<hbm>> -> memref<400xf32, #tpu.memory_space<hbm>>
        %dma_start3A_46 = arith.constant 0 : i32
        %dma_start3A_47 = tpu.memref_slice %arg5[%add3A_13, %dma_start3A_46] : memref<152x400xf32, #tpu.memory_space<hbm>> -> memref<1x400xf32, #tpu.memory_space<hbm>>
        %dma_start3A_48 = tpu.memref_squeeze %dma_start3A_47 : memref<1x400xf32, #tpu.memory_space<hbm>> -> memref<400xf32, #tpu.memory_space<hbm>>
        tpu.enqueue_dma source(%dma_start3A_48 : memref<400xf32, #tpu.memory_space<hbm>>) target(%arg13 : memref<400xf32, #tpu.memory_space<vmem>>) target_semaphore(%run_scoped3A : memref<!tpu.dma_semaphore, #tpu.memory_space<semaphore_mem>>)
        %dma_wait3A = arith.constant 0 : i32
        %dma_wait3A_49 = tpu.memref_slice %arg5[%add3A_13, %dma_wait3A] : memref<152x400xf32, #tpu.memory_space<hbm>> -> memref<1x400xf32, #tpu.memory_space<hbm>>
        %dma_wait3A_50 = tpu.memref_squeeze %dma_wait3A_49 : memref<1x400xf32, #tpu.memory_space<hbm>> -> memref<400xf32, #tpu.memory_space<hbm>>
        %dma_wait3A_51 = arith.constant 0 : i32
        %dma_wait3A_52 = tpu.memref_slice %arg5[%add3A_13, %dma_wait3A_51] : memref<152x400xf32, #tpu.memory_space<hbm>> -> memref<1x400xf32, #tpu.memory_space<hbm>>
        %dma_wait3A_53 = tpu.memref_squeeze %dma_wait3A_52 : memref<1x400xf32, #tpu.memory_space<hbm>> -> memref<400xf32, #tpu.memory_space<hbm>>
        tpu.wait_dma2 semaphore(%run_scoped3A : memref<!tpu.dma_semaphore, #tpu.memory_space<semaphore_mem>>) src(%dma_wait3A_53 : memref<400xf32, #tpu.memory_space<hbm>>) dst(%arg13 : memref<400xf32, #tpu.memory_space<vmem>>)
        tpu.yield
      }) : () -> ()
      "tpu.region"() ({
        %run_scoped3A = tpu.sem_alloc : memref<!tpu.dma_semaphore, #tpu.memory_space<semaphore_mem>>
        %dma_start3A = arith.constant 0 : i32
        %dma_start3A_44 = tpu.memref_slice %arg6[%add3A_13, %dma_start3A] : memref<152x400xf32, #tpu.memory_space<hbm>> -> memref<1x400xf32, #tpu.memory_space<hbm>>
        %dma_start3A_45 = tpu.memref_squeeze %dma_start3A_44 : memref<1x400xf32, #tpu.memory_space<hbm>> -> memref<400xf32, #tpu.memory_space<hbm>>
        %dma_start3A_46 = arith.constant 0 : i32
        %dma_start3A_47 = tpu.memref_slice %arg6[%add3A_13, %dma_start3A_46] : memref<152x400xf32, #tpu.memory_space<hbm>> -> memref<1x400xf32, #tpu.memory_space<hbm>>
        %dma_start3A_48 = tpu.memref_squeeze %dma_start3A_47 : memref<1x400xf32, #tpu.memory_space<hbm>> -> memref<400xf32, #tpu.memory_space<hbm>>
        tpu.enqueue_dma source(%dma_start3A_48 : memref<400xf32, #tpu.memory_space<hbm>>) target(%arg14 : memref<400xf32, #tpu.memory_space<vmem>>) target_semaphore(%run_scoped3A : memref<!tpu.dma_semaphore, #tpu.memory_space<semaphore_mem>>)
        %dma_wait3A = arith.constant 0 : i32
        %dma_wait3A_49 = tpu.memref_slice %arg6[%add3A_13, %dma_wait3A] : memref<152x400xf32, #tpu.memory_space<hbm>> -> memref<1x400xf32, #tpu.memory_space<hbm>>
        %dma_wait3A_50 = tpu.memref_squeeze %dma_wait3A_49 : memref<1x400xf32, #tpu.memory_space<hbm>> -> memref<400xf32, #tpu.memory_space<hbm>>
        %dma_wait3A_51 = arith.constant 0 : i32
        %dma_wait3A_52 = tpu.memref_slice %arg6[%add3A_13, %dma_wait3A_51] : memref<152x400xf32, #tpu.memory_space<hbm>> -> memref<1x400xf32, #tpu.memory_space<hbm>>
        %dma_wait3A_53 = tpu.memref_squeeze %dma_wait3A_52 : memref<1x400xf32, #tpu.memory_space<hbm>> -> memref<400xf32, #tpu.memory_space<hbm>>
        tpu.wait_dma2 semaphore(%run_scoped3A : memref<!tpu.dma_semaphore, #tpu.memory_space<semaphore_mem>>) src(%dma_wait3A_53 : memref<400xf32, #tpu.memory_space<hbm>>) dst(%arg14 : memref<400xf32, #tpu.memory_space<vmem>>)
        tpu.yield
      }) : () -> ()
      "tpu.region"() ({
        %run_scoped3A = tpu.sem_alloc : memref<!tpu.dma_semaphore, #tpu.memory_space<semaphore_mem>>
        %dma_start3A = arith.constant 0 : i32
        %dma_start3A_44 = tpu.memref_slice %arg7[%add3A_13, %dma_start3A] : memref<152x400xf32, #tpu.memory_space<hbm>> -> memref<1x400xf32, #tpu.memory_space<hbm>>
        %dma_start3A_45 = tpu.memref_squeeze %dma_start3A_44 : memref<1x400xf32, #tpu.memory_space<hbm>> -> memref<400xf32, #tpu.memory_space<hbm>>
        %dma_start3A_46 = arith.constant 0 : i32
        %dma_start3A_47 = tpu.memref_slice %arg7[%add3A_13, %dma_start3A_46] : memref<152x400xf32, #tpu.memory_space<hbm>> -> memref<1x400xf32, #tpu.memory_space<hbm>>
        %dma_start3A_48 = tpu.memref_squeeze %dma_start3A_47 : memref<1x400xf32, #tpu.memory_space<hbm>> -> memref<400xf32, #tpu.memory_space<hbm>>
        tpu.enqueue_dma source(%dma_start3A_48 : memref<400xf32, #tpu.memory_space<hbm>>) target(%arg15 : memref<400xf32, #tpu.memory_space<vmem>>) target_semaphore(%run_scoped3A : memref<!tpu.dma_semaphore, #tpu.memory_space<semaphore_mem>>)
        %dma_wait3A = arith.constant 0 : i32
        %dma_wait3A_49 = tpu.memref_slice %arg7[%add3A_13, %dma_wait3A] : memref<152x400xf32, #tpu.memory_space<hbm>> -> memref<1x400xf32, #tpu.memory_space<hbm>>
        %dma_wait3A_50 = tpu.memref_squeeze %dma_wait3A_49 : memref<1x400xf32, #tpu.memory_space<hbm>> -> memref<400xf32, #tpu.memory_space<hbm>>
        %dma_wait3A_51 = arith.constant 0 : i32
        %dma_wait3A_52 = tpu.memref_slice %arg7[%add3A_13, %dma_wait3A_51] : memref<152x400xf32, #tpu.memory_space<hbm>> -> memref<1x400xf32, #tpu.memory_space<hbm>>
        %dma_wait3A_53 = tpu.memref_squeeze %dma_wait3A_52 : memref<1x400xf32, #tpu.memory_space<hbm>> -> memref<400xf32, #tpu.memory_space<hbm>>
        tpu.wait_dma2 semaphore(%run_scoped3A : memref<!tpu.dma_semaphore, #tpu.memory_space<semaphore_mem>>) src(%dma_wait3A_53 : memref<400xf32, #tpu.memory_space<hbm>>) dst(%arg15 : memref<400xf32, #tpu.memory_space<vmem>>)
        tpu.yield
      }) : () -> ()
      %scan3A = arith.constant 0 : i32
      %scan3A_39 = arith.constant 0 : i32
      %scan3A_40 = arith.constant 25 : i32
      %scan3A_41 = arith.addi %scan3A_39, %scan3A_40 : i32
      %scan3A_42 = arith.constant 1 : i32
      scf.for %scan3A_44 = %scan3A_39 to %scan3A_41 step %scan3A_42  : i32 {
        %mul3A_45 = arith.constant 16 : i32
        %mul3A_46 = arith.muli %scan3A_44, %mul3A_45 : i32
        %multiple_of3A = tpu.assume_multiple %mul3A_46, 16 : i32
        %get3A = arith.index_cast %multiple_of3A : i32 to index
        %get3A_47 = tpu.vector_load %arg12[%get3A] {strides = array<i32>} : memref<400xf32, #tpu.memory_space<vmem>>, vector<16xf32>,
        %get3A_48 = arith.index_cast %multiple_of3A : i32 to index
        %get3A_49 = tpu.vector_load %arg13[%get3A_48] {strides = array<i32>} : memref<400xf32, #tpu.memory_space<vmem>>, vector<16xf32>,
        %get3A_50 = arith.index_cast %multiple_of3A : i32 to index
        %get3A_51 = tpu.vector_load %arg14[%get3A_50] {strides = array<i32>} : memref<400xf32, #tpu.memory_space<vmem>>, vector<16xf32>,
        %get3A_52 = arith.index_cast %multiple_of3A : i32 to index
        %get3A_53 = tpu.vector_load %arg15[%get3A_52] {strides = array<i32>} : memref<400xf32, #tpu.memory_space<vmem>>, vector<16xf32>,
        %broadcast_in_dim3A = arith.constant 0.000000e+00 : f32
        %broadcast_in_dim3A_54 = vector.broadcast %broadcast_in_dim3A : f32 to vector<16xf32>
        %broadcast_in_dim3A_55 = arith.constant 0.000000e+00 : f32
        %broadcast_in_dim3A_56 = vector.broadcast %broadcast_in_dim3A_55 : f32 to vector<16xf32>
        %get3A_57 = arith.constant 0 : i32
        %get3A_58 = arith.index_cast %get3A_57 : i32 to index
        %get3A_59 = arith.index_cast %multiple_of3A : i32 to index
        %get3A_60 = tpu.vector_load %arg11[%get3A_58, %get3A_59] {strides = array<i32>} : memref<10x400xi32, #tpu.memory_space<vmem>>, vector<16xi32>,
        %gather3A = tpu.vector_load_idx %arg9[%get3A_60] : memref<16384xf32, #tpu.memory_space<vmem>>[vector<16xi32>], vector<16xf32>,
        %gather3A_61 = tpu.vector_load_idx %arg10[%get3A_60] : memref<16384xf32, #tpu.memory_space<vmem>>[vector<16xi32>], vector<16xf32>,
        %mul3A_62 = arith.mulf %gather3A, %get3A_47 : vector<16xf32>
        %mul3A_63 = arith.mulf %gather3A_61, %get3A_49 : vector<16xf32>
        %add3A_64 = arith.addf %mul3A_62, %mul3A_63 : vector<16xf32>
        %add3A_65 = arith.addf %broadcast_in_dim3A_54, %add3A_64 : vector<16xf32>
        %gt3A = arith.constant 5.000000e-02 : f32
        %gt3A_66 = vector.broadcast %gt3A : f32 to vector<16xf32>
        %gt3A_67 = arith.cmpf ogt, %add3A_64, %gt3A_66 : vector<16xf32>
        %jit3A = arith.constant 1.000000e+00 : f32
        %jit3A_68 = arith.constant 0.000000e+00 : f32
        %broadcast_in_dim3A_69 = vector.broadcast %jit3A : f32 to vector<16xf32>
        %broadcast_in_dim3A_70 = vector.broadcast %jit3A_68 : f32 to vector<16xf32>
        %select_n3A = arith.select %gt3A_67, %broadcast_in_dim3A_69, %broadcast_in_dim3A_70 : vector<16xi1>, vector<16xf32>
        %add3A_71 = arith.addf %broadcast_in_dim3A_56, %select_n3A : vector<16xf32>
        %get3A_72 = arith.constant 1 : i32
        %get3A_73 = arith.index_cast %get3A_72 : i32 to index
        %get3A_74 = arith.index_cast %multiple_of3A : i32 to index
        %get3A_75 = tpu.vector_load %arg11[%get3A_73, %get3A_74] {strides = array<i32>} : memref<10x400xi32, #tpu.memory_space<vmem>>, vector<16xi32>,
        %gather3A_76 = tpu.vector_load_idx %arg9[%get3A_75] : memref<16384xf32, #tpu.memory_space<vmem>>[vector<16xi32>], vector<16xf32>,
        %gather3A_77 = tpu.vector_load_idx %arg10[%get3A_75] : memref<16384xf32, #tpu.memory_space<vmem>>[vector<16xi32>], vector<16xf32>,
        %mul3A_78 = arith.mulf %gather3A_76, %get3A_47 : vector<16xf32>
        %mul3A_79 = arith.mulf %gather3A_77, %get3A_49 : vector<16xf32>
        %add3A_80 = arith.addf %mul3A_78, %mul3A_79 : vector<16xf32>
        %add3A_81 = arith.addf %add3A_65, %add3A_80 : vector<16xf32>
        %gt3A_82 = arith.constant 5.000000e-02 : f32
        %gt3A_83 = vector.broadcast %gt3A_82 : f32 to vector<16xf32>
        %gt3A_84 = arith.cmpf ogt, %add3A_80, %gt3A_83 : vector<16xf32>
        %jit3A_85 = arith.constant 1.000000e+00 : f32
        %jit3A_86 = arith.constant 0.000000e+00 : f32
        %broadcast_in_dim3A_87 = vector.broadcast %jit3A_85 : f32 to vector<16xf32>
        %broadcast_in_dim3A_88 = vector.broadcast %jit3A_86 : f32 to vector<16xf32>
        %select_n3A_89 = arith.select %gt3A_84, %broadcast_in_dim3A_87, %broadcast_in_dim3A_88 : vector<16xi1>, vector<16xf32>
        %add3A_90 = arith.addf %add3A_71, %select_n3A_89 : vector<16xf32>
        %get3A_91 = arith.constant 2 : i32
        %get3A_92 = arith.index_cast %get3A_91 : i32 to index
        %get3A_93 = arith.index_cast %multiple_of3A : i32 to index
        %get3A_94 = tpu.vector_load %arg11[%get3A_92, %get3A_93] {strides = array<i32>} : memref<10x400xi32, #tpu.memory_space<vmem>>, vector<16xi32>,
        %gather3A_95 = tpu.vector_load_idx %arg9[%get3A_94] : memref<16384xf32, #tpu.memory_space<vmem>>[vector<16xi32>], vector<16xf32>,
        %gather3A_96 = tpu.vector_load_idx %arg10[%get3A_94] : memref<16384xf32, #tpu.memory_space<vmem>>[vector<16xi32>], vector<16xf32>,
        %mul3A_97 = arith.mulf %gather3A_95, %get3A_47 : vector<16xf32>
        %mul3A_98 = arith.mulf %gather3A_96, %get3A_49 : vector<16xf32>
        %add3A_99 = arith.addf %mul3A_97, %mul3A_98 : vector<16xf32>
        %add3A_100 = arith.addf %add3A_81, %add3A_99 : vector<16xf32>
        %gt3A_101 = arith.constant 5.000000e-02 : f32
        %gt3A_102 = vector.broadcast %gt3A_101 : f32 to vector<16xf32>
        %gt3A_103 = arith.cmpf ogt, %add3A_99, %gt3A_102 : vector<16xf32>
        %jit3A_104 = arith.constant 1.000000e+00 : f32
        %jit3A_105 = arith.constant 0.000000e+00 : f32
        %broadcast_in_dim3A_106 = vector.broadcast %jit3A_104 : f32 to vector<16xf32>
        %broadcast_in_dim3A_107 = vector.broadcast %jit3A_105 : f32 to vector<16xf32>
        %select_n3A_108 = arith.select %gt3A_103, %broadcast_in_dim3A_106, %broadcast_in_dim3A_107 : vector<16xi1>, vector<16xf32>
        %add3A_109 = arith.addf %add3A_90, %select_n3A_108 : vector<16xf32>
        %get3A_110 = arith.constant 3 : i32
        %get3A_111 = arith.index_cast %get3A_110 : i32 to index
        %get3A_112 = arith.index_cast %multiple_of3A : i32 to index
        %get3A_113 = tpu.vector_load %arg11[%get3A_111, %get3A_112] {strides = array<i32>} : memref<10x400xi32, #tpu.memory_space<vmem>>, vector<16xi32>,
        %gather3A_114 = tpu.vector_load_idx %arg9[%get3A_113] : memref<16384xf32, #tpu.memory_space<vmem>>[vector<16xi32>], vector<16xf32>,
        %gather3A_115 = tpu.vector_load_idx %arg10[%get3A_113] : memref<16384xf32, #tpu.memory_space<vmem>>[vector<16xi32>], vector<16xf32>,
        %mul3A_116 = arith.mulf %gather3A_114, %get3A_47 : vector<16xf32>
        %mul3A_117 = arith.mulf %gather3A_115, %get3A_49 : vector<16xf32>
        %add3A_118 = arith.addf %mul3A_116, %mul3A_117 : vector<16xf32>
        %add3A_119 = arith.addf %add3A_100, %add3A_118 : vector<16xf32>
        %gt3A_120 = arith.constant 5.000000e-02 : f32
        %gt3A_121 = vector.broadcast %gt3A_120 : f32 to vector<16xf32>
        %gt3A_122 = arith.cmpf ogt, %add3A_118, %gt3A_121 : vector<16xf32>
        %jit3A_123 = arith.constant 1.000000e+00 : f32
        %jit3A_124 = arith.constant 0.000000e+00 : f32
        %broadcast_in_dim3A_125 = vector.broadcast %jit3A_123 : f32 to vector<16xf32>
        %broadcast_in_dim3A_126 = vector.broadcast %jit3A_124 : f32 to vector<16xf32>
        %select_n3A_127 = arith.select %gt3A_122, %broadcast_in_dim3A_125, %broadcast_in_dim3A_126 : vector<16xi1>, vector<16xf32>
        %add3A_128 = arith.addf %add3A_109, %select_n3A_127 : vector<16xf32>
        %get3A_129 = arith.constant 4 : i32
        %get3A_130 = arith.index_cast %get3A_129 : i32 to index
        %get3A_131 = arith.index_cast %multiple_of3A : i32 to index
        %get3A_132 = tpu.vector_load %arg11[%get3A_130, %get3A_131] {strides = array<i32>} : memref<10x400xi32, #tpu.memory_space<vmem>>, vector<16xi32>,
        %gather3A_133 = tpu.vector_load_idx %arg9[%get3A_132] : memref<16384xf32, #tpu.memory_space<vmem>>[vector<16xi32>], vector<16xf32>,
        %gather3A_134 = tpu.vector_load_idx %arg10[%get3A_132] : memref<16384xf32, #tpu.memory_space<vmem>>[vector<16xi32>], vector<16xf32>,
        %mul3A_135 = arith.mulf %gather3A_133, %get3A_47 : vector<16xf32>
        %mul3A_136 = arith.mulf %gather3A_134, %get3A_49 : vector<16xf32>
        %add3A_137 = arith.addf %mul3A_135, %mul3A_136 : vector<16xf32>
        %add3A_138 = arith.addf %add3A_119, %add3A_137 : vector<16xf32>
        %gt3A_139 = arith.constant 5.000000e-02 : f32
        %gt3A_140 = vector.broadcast %gt3A_139 : f32 to vector<16xf32>
        %gt3A_141 = arith.cmpf ogt, %add3A_137, %gt3A_140 : vector<16xf32>
        %jit3A_142 = arith.constant 1.000000e+00 : f32
        %jit3A_143 = arith.constant 0.000000e+00 : f32
        %broadcast_in_dim3A_144 = vector.broadcast %jit3A_142 : f32 to vector<16xf32>
        %broadcast_in_dim3A_145 = vector.broadcast %jit3A_143 : f32 to vector<16xf32>
        %select_n3A_146 = arith.select %gt3A_141, %broadcast_in_dim3A_144, %broadcast_in_dim3A_145 : vector<16xi1>, vector<16xf32>
        %add3A_147 = arith.addf %add3A_128, %select_n3A_146 : vector<16xf32>
        %get3A_148 = arith.constant 5 : i32
        %get3A_149 = arith.index_cast %get3A_148 : i32 to index
        %get3A_150 = arith.index_cast %multiple_of3A : i32 to index
        %get3A_151 = tpu.vector_load %arg11[%get3A_149, %get3A_150] {strides = array<i32>} : memref<10x400xi32, #tpu.memory_space<vmem>>, vector<16xi32>,
        %gather3A_152 = tpu.vector_load_idx %arg9[%get3A_151] : memref<16384xf32, #tpu.memory_space<vmem>>[vector<16xi32>], vector<16xf32>,
        %gather3A_153 = tpu.vector_load_idx %arg10[%get3A_151] : memref<16384xf32, #tpu.memory_space<vmem>>[vector<16xi32>], vector<16xf32>,
        %mul3A_154 = arith.mulf %gather3A_152, %get3A_47 : vector<16xf32>
        %mul3A_155 = arith.mulf %gather3A_153, %get3A_49 : vector<16xf32>
        %add3A_156 = arith.addf %mul3A_154, %mul3A_155 : vector<16xf32>
        %add3A_157 = arith.addf %add3A_138, %add3A_156 : vector<16xf32>
        %gt3A_158 = arith.constant 5.000000e-02 : f32
        %gt3A_159 = vector.broadcast %gt3A_158 : f32 to vector<16xf32>
        %gt3A_160 = arith.cmpf ogt, %add3A_156, %gt3A_159 : vector<16xf32>
        %jit3A_161 = arith.constant 1.000000e+00 : f32
        %jit3A_162 = arith.constant 0.000000e+00 : f32
        %broadcast_in_dim3A_163 = vector.broadcast %jit3A_161 : f32 to vector<16xf32>
        %broadcast_in_dim3A_164 = vector.broadcast %jit3A_162 : f32 to vector<16xf32>
        %select_n3A_165 = arith.select %gt3A_160, %broadcast_in_dim3A_163, %broadcast_in_dim3A_164 : vector<16xi1>, vector<16xf32>
        %add3A_166 = arith.addf %add3A_147, %select_n3A_165 : vector<16xf32>
        %get3A_167 = arith.constant 6 : i32
        %get3A_168 = arith.index_cast %get3A_167 : i32 to index
        %get3A_169 = arith.index_cast %multiple_of3A : i32 to index
        %get3A_170 = tpu.vector_load %arg11[%get3A_168, %get3A_169] {strides = array<i32>} : memref<10x400xi32, #tpu.memory_space<vmem>>, vector<16xi32>,
        %gather3A_171 = tpu.vector_load_idx %arg9[%get3A_170] : memref<16384xf32, #tpu.memory_space<vmem>>[vector<16xi32>], vector<16xf32>,
        %gather3A_172 = tpu.vector_load_idx %arg10[%get3A_170] : memref<16384xf32, #tpu.memory_space<vmem>>[vector<16xi32>], vector<16xf32>,
        %mul3A_173 = arith.mulf %gather3A_171, %get3A_47 : vector<16xf32>
        %mul3A_174 = arith.mulf %gather3A_172, %get3A_49 : vector<16xf32>
        %add3A_175 = arith.addf %mul3A_173, %mul3A_174 : vector<16xf32>
        %add3A_176 = arith.addf %add3A_157, %add3A_175 : vector<16xf32>
        %gt3A_177 = arith.constant 5.000000e-02 : f32
        %gt3A_178 = vector.broadcast %gt3A_177 : f32 to vector<16xf32>
        %gt3A_179 = arith.cmpf ogt, %add3A_175, %gt3A_178 : vector<16xf32>
        %jit3A_180 = arith.constant 1.000000e+00 : f32
        %jit3A_181 = arith.constant 0.000000e+00 : f32
        %broadcast_in_dim3A_182 = vector.broadcast %jit3A_180 : f32 to vector<16xf32>
        %broadcast_in_dim3A_183 = vector.broadcast %jit3A_181 : f32 to vector<16xf32>
        %select_n3A_184 = arith.select %gt3A_179, %broadcast_in_dim3A_182, %broadcast_in_dim3A_183 : vector<16xi1>, vector<16xf32>
        %add3A_185 = arith.addf %add3A_166, %select_n3A_184 : vector<16xf32>
        %get3A_186 = arith.constant 7 : i32
        %get3A_187 = arith.index_cast %get3A_186 : i32 to index
        %get3A_188 = arith.index_cast %multiple_of3A : i32 to index
        %get3A_189 = tpu.vector_load %arg11[%get3A_187, %get3A_188] {strides = array<i32>} : memref<10x400xi32, #tpu.memory_space<vmem>>, vector<16xi32>,
        %gather3A_190 = tpu.vector_load_idx %arg9[%get3A_189] : memref<16384xf32, #tpu.memory_space<vmem>>[vector<16xi32>], vector<16xf32>,
        %gather3A_191 = tpu.vector_load_idx %arg10[%get3A_189] : memref<16384xf32, #tpu.memory_space<vmem>>[vector<16xi32>], vector<16xf32>,
        %mul3A_192 = arith.mulf %gather3A_190, %get3A_47 : vector<16xf32>
        %mul3A_193 = arith.mulf %gather3A_191, %get3A_49 : vector<16xf32>
        %add3A_194 = arith.addf %mul3A_192, %mul3A_193 : vector<16xf32>
        %add3A_195 = arith.addf %add3A_176, %add3A_194 : vector<16xf32>
        %gt3A_196 = arith.constant 5.000000e-02 : f32
        %gt3A_197 = vector.broadcast %gt3A_196 : f32 to vector<16xf32>
        %gt3A_198 = arith.cmpf ogt, %add3A_194, %gt3A_197 : vector<16xf32>
        %jit3A_199 = arith.constant 1.000000e+00 : f32
        %jit3A_200 = arith.constant 0.000000e+00 : f32
        %broadcast_in_dim3A_201 = vector.broadcast %jit3A_199 : f32 to vector<16xf32>
        %broadcast_in_dim3A_202 = vector.broadcast %jit3A_200 : f32 to vector<16xf32>
        %select_n3A_203 = arith.select %gt3A_198, %broadcast_in_dim3A_201, %broadcast_in_dim3A_202 : vector<16xi1>, vector<16xf32>
        %add3A_204 = arith.addf %add3A_185, %select_n3A_203 : vector<16xf32>
        %get3A_205 = arith.constant 8 : i32
        %get3A_206 = arith.index_cast %get3A_205 : i32 to index
        %get3A_207 = arith.index_cast %multiple_of3A : i32 to index
        %get3A_208 = tpu.vector_load %arg11[%get3A_206, %get3A_207] {strides = array<i32>} : memref<10x400xi32, #tpu.memory_space<vmem>>, vector<16xi32>,
        %gather3A_209 = tpu.vector_load_idx %arg9[%get3A_208] : memref<16384xf32, #tpu.memory_space<vmem>>[vector<16xi32>], vector<16xf32>,
        %gather3A_210 = tpu.vector_load_idx %arg10[%get3A_208] : memref<16384xf32, #tpu.memory_space<vmem>>[vector<16xi32>], vector<16xf32>,
        %mul3A_211 = arith.mulf %gather3A_209, %get3A_47 : vector<16xf32>
        %mul3A_212 = arith.mulf %gather3A_210, %get3A_49 : vector<16xf32>
        %add3A_213 = arith.addf %mul3A_211, %mul3A_212 : vector<16xf32>
        %add3A_214 = arith.addf %add3A_195, %add3A_213 : vector<16xf32>
        %gt3A_215 = arith.constant 5.000000e-02 : f32
        %gt3A_216 = vector.broadcast %gt3A_215 : f32 to vector<16xf32>
        %gt3A_217 = arith.cmpf ogt, %add3A_213, %gt3A_216 : vector<16xf32>
        %jit3A_218 = arith.constant 1.000000e+00 : f32
        %jit3A_219 = arith.constant 0.000000e+00 : f32
        %broadcast_in_dim3A_220 = vector.broadcast %jit3A_218 : f32 to vector<16xf32>
        %broadcast_in_dim3A_221 = vector.broadcast %jit3A_219 : f32 to vector<16xf32>
        %select_n3A_222 = arith.select %gt3A_217, %broadcast_in_dim3A_220, %broadcast_in_dim3A_221 : vector<16xi1>, vector<16xf32>
        %add3A_223 = arith.addf %add3A_204, %select_n3A_222 : vector<16xf32>
        %get3A_224 = arith.constant 9 : i32
        %get3A_225 = arith.index_cast %get3A_224 : i32 to index
        %get3A_226 = arith.index_cast %multiple_of3A : i32 to index
        %get3A_227 = tpu.vector_load %arg11[%get3A_225, %get3A_226] {strides = array<i32>} : memref<10x400xi32, #tpu.memory_space<vmem>>, vector<16xi32>,
        %gather3A_228 = tpu.vector_load_idx %arg9[%get3A_227] : memref<16384xf32, #tpu.memory_space<vmem>>[vector<16xi32>], vector<16xf32>,
        %gather3A_229 = tpu.vector_load_idx %arg10[%get3A_227] : memref<16384xf32, #tpu.memory_space<vmem>>[vector<16xi32>], vector<16xf32>,
        %mul3A_230 = arith.mulf %gather3A_228, %get3A_47 : vector<16xf32>
        %mul3A_231 = arith.mulf %gather3A_229, %get3A_49 : vector<16xf32>
        %add3A_232 = arith.addf %mul3A_230, %mul3A_231 : vector<16xf32>
        %add3A_233 = arith.addf %add3A_214, %add3A_232 : vector<16xf32>
        %gt3A_234 = arith.constant 5.000000e-02 : f32
        %gt3A_235 = vector.broadcast %gt3A_234 : f32 to vector<16xf32>
        %gt3A_236 = arith.cmpf ogt, %add3A_232, %gt3A_235 : vector<16xf32>
        %jit3A_237 = arith.constant 1.000000e+00 : f32
        %jit3A_238 = arith.constant 0.000000e+00 : f32
        %broadcast_in_dim3A_239 = vector.broadcast %jit3A_237 : f32 to vector<16xf32>
        %broadcast_in_dim3A_240 = vector.broadcast %jit3A_238 : f32 to vector<16xf32>
        %select_n3A_241 = arith.select %gt3A_236, %broadcast_in_dim3A_239, %broadcast_in_dim3A_240 : vector<16xi1>, vector<16xf32>
        %add3A_242 = arith.addf %add3A_223, %select_n3A_241 : vector<16xf32>
        %div3A = arith.constant 1.000000e+01 : f32
        %div3A_243 = vector.broadcast %div3A : f32 to vector<16xf32>
        %div3A_244 = arith.divf %add3A_233, %div3A_243 : vector<16xf32>
        %gt3A_245 = arith.constant 0.000000e+00 : f32
        %gt3A_246 = vector.broadcast %gt3A_245 : f32 to vector<16xf32>
        %gt3A_247 = arith.cmpf ogt, %div3A_244, %gt3A_246 : vector<16xf32>
        %gt3A_248 = arith.constant 8.000000e+00 : f32
        %gt3A_249 = vector.broadcast %gt3A_248 : f32 to vector<16xf32>
        %gt3A_250 = arith.cmpf ogt, %add3A_242, %gt3A_249 : vector<16xf32>
        %and3A = arith.andi %gt3A_247, %gt3A_250 : vector<16xi1>
        %gt3A_251 = arith.constant 5.000000e-01 : f32
        %gt3A_252 = vector.broadcast %gt3A_251 : f32 to vector<16xf32>
        %gt3A_253 = arith.cmpf ogt, %get3A_51, %gt3A_252 : vector<16xf32>
        %and3A_254 = arith.andi %and3A, %gt3A_253 : vector<16xi1>
        %add3A_255 = arith.addf %div3A_244, %get3A_53 : vector<16xf32>
        %jit3A_256 = arith.constant 0.000000e+00 : f32
        %broadcast_in_dim3A_257 = vector.broadcast %jit3A_256 : f32 to vector<16xf32>
        %select_n3A_258 = arith.select %and3A_254, %add3A_255, %broadcast_in_dim3A_257 : vector<16xi1>, vector<16xf32>
        %swap3A = arith.index_cast %multiple_of3A : i32 to index
        %swap3A_259 = tpu.vector_load %arg16[%swap3A] {strides = array<i32>} : memref<400xf32, #tpu.memory_space<vmem>>, vector<16xf32>,
        tpu.vector_store %arg16[%swap3A], %select_n3A_258 {strides = array<i32>} : memref<400xf32, #tpu.memory_space<vmem>>, vector<16xf32>,
      }
      %scan3A_43 = arith.constant 25 : i32
      "tpu.region"() ({
        %run_scoped3A = tpu.sem_alloc : memref<!tpu.dma_semaphore, #tpu.memory_space<semaphore_mem>>
        %dma_start3A = arith.constant 0 : i32
        %dma_start3A_44 = tpu.memref_slice %arg8[%add3A_13, %dma_start3A] : memref<152x400xf32, #tpu.memory_space<hbm>> -> memref<1x400xf32, #tpu.memory_space<hbm>>
        %dma_start3A_45 = tpu.memref_squeeze %dma_start3A_44 : memref<1x400xf32, #tpu.memory_space<hbm>> -> memref<400xf32, #tpu.memory_space<hbm>>
        %dma_start3A_46 = arith.constant 0 : i32
        %dma_start3A_47 = tpu.memref_slice %arg8[%add3A_13, %dma_start3A_46] : memref<152x400xf32, #tpu.memory_space<hbm>> -> memref<1x400xf32, #tpu.memory_space<hbm>>
        %dma_start3A_48 = tpu.memref_squeeze %dma_start3A_47 : memref<1x400xf32, #tpu.memory_space<hbm>> -> memref<400xf32, #tpu.memory_space<hbm>>
        tpu.enqueue_dma source(%arg16 : memref<400xf32, #tpu.memory_space<vmem>>) target(%dma_start3A_48 : memref<400xf32, #tpu.memory_space<hbm>>) target_semaphore(%run_scoped3A : memref<!tpu.dma_semaphore, #tpu.memory_space<semaphore_mem>>)
        %dma_wait3A = arith.constant 0 : i32
        %dma_wait3A_49 = tpu.memref_slice %arg8[%add3A_13, %dma_wait3A] : memref<152x400xf32, #tpu.memory_space<hbm>> -> memref<1x400xf32, #tpu.memory_space<hbm>>
        %dma_wait3A_50 = tpu.memref_squeeze %dma_wait3A_49 : memref<1x400xf32, #tpu.memory_space<hbm>> -> memref<400xf32, #tpu.memory_space<hbm>>
        %dma_wait3A_51 = arith.constant 0 : i32
        %dma_wait3A_52 = tpu.memref_slice %arg8[%add3A_13, %dma_wait3A_51] : memref<152x400xf32, #tpu.memory_space<hbm>> -> memref<1x400xf32, #tpu.memory_space<hbm>>
        %dma_wait3A_53 = tpu.memref_squeeze %dma_wait3A_52 : memref<1x400xf32, #tpu.memory_space<hbm>> -> memref<400xf32, #tpu.memory_space<hbm>>
        tpu.wait_dma2 semaphore(%run_scoped3A : memref<!tpu.dma_semaphore, #tpu.memory_space<semaphore_mem>>) src(%arg16 : memref<400xf32, #tpu.memory_space<vmem>>) dst(%dma_wait3A_53 : memref<400xf32, #tpu.memory_space<hbm>>)
        tpu.yield
      }) : () -> ()
    } else {
    }
    %add3A_19 = arith.constant 96 : i32
    %add3A_20 = arith.addi %add3A, %add3A_19 : i32
    %lt3A_21 = arith.constant 152 : i32
    %lt3A_22 = arith.cmpi slt, %add3A_20, %lt3A_21 : i32
    %convert_element_type3A_23 = arith.extui %lt3A_22 : i1 to i32
    %cond3A_24 = arith.constant 0 : i32
    %cond3A_25 = arith.cmpi ne, %convert_element_type3A_23, %cond3A_24 : i32
    scf.if %cond3A_25 {
      %mul3A_33 = arith.constant 2 : i32
      %mul3A_34 = arith.muli %mul3A_33, %add3A_20 : i32
      "tpu.region"() ({
        %run_scoped3A = tpu.sem_alloc : memref<!tpu.dma_semaphore, #tpu.memory_space<semaphore_mem>>
        %dma_start3A = arith.constant 0 : i32
        %dma_start3A_44 = tpu.memref_slice %arg2[%mul3A_34, %dma_start3A] : memref<304x16384xf32, #tpu.memory_space<hbm>> -> memref<1x16384xf32, #tpu.memory_space<hbm>>
        %dma_start3A_45 = tpu.memref_squeeze %dma_start3A_44 : memref<1x16384xf32, #tpu.memory_space<hbm>> -> memref<16384xf32, #tpu.memory_space<hbm>>
        %dma_start3A_46 = arith.constant 0 : i32
        %dma_start3A_47 = tpu.memref_slice %arg2[%mul3A_34, %dma_start3A_46] : memref<304x16384xf32, #tpu.memory_space<hbm>> -> memref<1x16384xf32, #tpu.memory_space<hbm>>
        %dma_start3A_48 = tpu.memref_squeeze %dma_start3A_47 : memref<1x16384xf32, #tpu.memory_space<hbm>> -> memref<16384xf32, #tpu.memory_space<hbm>>
        tpu.enqueue_dma source(%dma_start3A_48 : memref<16384xf32, #tpu.memory_space<hbm>>) target(%arg9 : memref<16384xf32, #tpu.memory_space<vmem>>) target_semaphore(%run_scoped3A : memref<!tpu.dma_semaphore, #tpu.memory_space<semaphore_mem>>)
        %dma_wait3A = arith.constant 0 : i32
        %dma_wait3A_49 = tpu.memref_slice %arg2[%mul3A_34, %dma_wait3A] : memref<304x16384xf32, #tpu.memory_space<hbm>> -> memref<1x16384xf32, #tpu.memory_space<hbm>>
        %dma_wait3A_50 = tpu.memref_squeeze %dma_wait3A_49 : memref<1x16384xf32, #tpu.memory_space<hbm>> -> memref<16384xf32, #tpu.memory_space<hbm>>
        %dma_wait3A_51 = arith.constant 0 : i32
        %dma_wait3A_52 = tpu.memref_slice %arg2[%mul3A_34, %dma_wait3A_51] : memref<304x16384xf32, #tpu.memory_space<hbm>> -> memref<1x16384xf32, #tpu.memory_space<hbm>>
        %dma_wait3A_53 = tpu.memref_squeeze %dma_wait3A_52 : memref<1x16384xf32, #tpu.memory_space<hbm>> -> memref<16384xf32, #tpu.memory_space<hbm>>
        tpu.wait_dma2 semaphore(%run_scoped3A : memref<!tpu.dma_semaphore, #tpu.memory_space<semaphore_mem>>) src(%dma_wait3A_53 : memref<16384xf32, #tpu.memory_space<hbm>>) dst(%arg9 : memref<16384xf32, #tpu.memory_space<vmem>>)
        tpu.yield
      }) : () -> ()
      %mul3A_35 = arith.constant 2 : i32
      %mul3A_36 = arith.muli %mul3A_35, %add3A_20 : i32
      %add3A_37 = arith.constant 1 : i32
      %add3A_38 = arith.addi %mul3A_36, %add3A_37 : i32
      "tpu.region"() ({
        %run_scoped3A = tpu.sem_alloc : memref<!tpu.dma_semaphore, #tpu.memory_space<semaphore_mem>>
        %dma_start3A = arith.constant 0 : i32
        %dma_start3A_44 = tpu.memref_slice %arg2[%add3A_38, %dma_start3A] : memref<304x16384xf32, #tpu.memory_space<hbm>> -> memref<1x16384xf32, #tpu.memory_space<hbm>>
        %dma_start3A_45 = tpu.memref_squeeze %dma_start3A_44 : memref<1x16384xf32, #tpu.memory_space<hbm>> -> memref<16384xf32, #tpu.memory_space<hbm>>
        %dma_start3A_46 = arith.constant 0 : i32
        %dma_start3A_47 = tpu.memref_slice %arg2[%add3A_38, %dma_start3A_46] : memref<304x16384xf32, #tpu.memory_space<hbm>> -> memref<1x16384xf32, #tpu.memory_space<hbm>>
        %dma_start3A_48 = tpu.memref_squeeze %dma_start3A_47 : memref<1x16384xf32, #tpu.memory_space<hbm>> -> memref<16384xf32, #tpu.memory_space<hbm>>
        tpu.enqueue_dma source(%dma_start3A_48 : memref<16384xf32, #tpu.memory_space<hbm>>) target(%arg10 : memref<16384xf32, #tpu.memory_space<vmem>>) target_semaphore(%run_scoped3A : memref<!tpu.dma_semaphore, #tpu.memory_space<semaphore_mem>>)
        %dma_wait3A = arith.constant 0 : i32
        %dma_wait3A_49 = tpu.memref_slice %arg2[%add3A_38, %dma_wait3A] : memref<304x16384xf32, #tpu.memory_space<hbm>> -> memref<1x16384xf32, #tpu.memory_space<hbm>>
        %dma_wait3A_50 = tpu.memref_squeeze %dma_wait3A_49 : memref<1x16384xf32, #tpu.memory_space<hbm>> -> memref<16384xf32, #tpu.memory_space<hbm>>
        %dma_wait3A_51 = arith.constant 0 : i32
        %dma_wait3A_52 = tpu.memref_slice %arg2[%add3A_38, %dma_wait3A_51] : memref<304x16384xf32, #tpu.memory_space<hbm>> -> memref<1x16384xf32, #tpu.memory_space<hbm>>
        %dma_wait3A_53 = tpu.memref_squeeze %dma_wait3A_52 : memref<1x16384xf32, #tpu.memory_space<hbm>> -> memref<16384xf32, #tpu.memory_space<hbm>>
        tpu.wait_dma2 semaphore(%run_scoped3A : memref<!tpu.dma_semaphore, #tpu.memory_space<semaphore_mem>>) src(%dma_wait3A_53 : memref<16384xf32, #tpu.memory_space<hbm>>) dst(%arg10 : memref<16384xf32, #tpu.memory_space<vmem>>)
        tpu.yield
      }) : () -> ()
      "tpu.region"() ({
        %run_scoped3A = tpu.sem_alloc : memref<!tpu.dma_semaphore, #tpu.memory_space<semaphore_mem>>
        %dma_start3A = arith.constant 0 : i32
        %dma_start3A_44 = arith.constant 0 : i32
        %dma_start3A_45 = tpu.memref_slice %arg3[%add3A_20, %dma_start3A, %dma_start3A_44] : memref<152x10x400xi32, #tpu.memory_space<hbm>> -> memref<1x10x400xi32, #tpu.memory_space<hbm>>
        %dma_start3A_46 = tpu.memref_squeeze %dma_start3A_45 : memref<1x10x400xi32, #tpu.memory_space<hbm>> -> memref<10x400xi32, #tpu.memory_space<hbm>>
        %dma_start3A_47 = arith.constant 0 : i32
        %dma_start3A_48 = arith.constant 0 : i32
        %dma_start3A_49 = tpu.memref_slice %arg3[%add3A_20, %dma_start3A_47, %dma_start3A_48] : memref<152x10x400xi32, #tpu.memory_space<hbm>> -> memref<1x10x400xi32, #tpu.memory_space<hbm>>
        %dma_start3A_50 = tpu.memref_squeeze %dma_start3A_49 : memref<1x10x400xi32, #tpu.memory_space<hbm>> -> memref<10x400xi32, #tpu.memory_space<hbm>>
        tpu.enqueue_dma source(%dma_start3A_50 : memref<10x400xi32, #tpu.memory_space<hbm>>) target(%arg11 : memref<10x400xi32, #tpu.memory_space<vmem>>) target_semaphore(%run_scoped3A : memref<!tpu.dma_semaphore, #tpu.memory_space<semaphore_mem>>)
        %dma_wait3A = arith.constant 0 : i32
        %dma_wait3A_51 = arith.constant 0 : i32
        %dma_wait3A_52 = tpu.memref_slice %arg3[%add3A_20, %dma_wait3A, %dma_wait3A_51] : memref<152x10x400xi32, #tpu.memory_space<hbm>> -> memref<1x10x400xi32, #tpu.memory_space<hbm>>
        %dma_wait3A_53 = tpu.memref_squeeze %dma_wait3A_52 : memref<1x10x400xi32, #tpu.memory_space<hbm>> -> memref<10x400xi32, #tpu.memory_space<hbm>>
        %dma_wait3A_54 = arith.constant 0 : i32
        %dma_wait3A_55 = arith.constant 0 : i32
        %dma_wait3A_56 = tpu.memref_slice %arg3[%add3A_20, %dma_wait3A_54, %dma_wait3A_55] : memref<152x10x400xi32, #tpu.memory_space<hbm>> -> memref<1x10x400xi32, #tpu.memory_space<hbm>>
        %dma_wait3A_57 = tpu.memref_squeeze %dma_wait3A_56 : memref<1x10x400xi32, #tpu.memory_space<hbm>> -> memref<10x400xi32, #tpu.memory_space<hbm>>
        tpu.wait_dma2 semaphore(%run_scoped3A : memref<!tpu.dma_semaphore, #tpu.memory_space<semaphore_mem>>) src(%dma_wait3A_57 : memref<10x400xi32, #tpu.memory_space<hbm>>) dst(%arg11 : memref<10x400xi32, #tpu.memory_space<vmem>>)
        tpu.yield
      }) : () -> ()
      "tpu.region"() ({
        %run_scoped3A = tpu.sem_alloc : memref<!tpu.dma_semaphore, #tpu.memory_space<semaphore_mem>>
        %dma_start3A = arith.constant 0 : i32
        %dma_start3A_44 = tpu.memref_slice %arg4[%add3A_20, %dma_start3A] : memref<152x400xf32, #tpu.memory_space<hbm>> -> memref<1x400xf32, #tpu.memory_space<hbm>>
        %dma_start3A_45 = tpu.memref_squeeze %dma_start3A_44 : memref<1x400xf32, #tpu.memory_space<hbm>> -> memref<400xf32, #tpu.memory_space<hbm>>
        %dma_start3A_46 = arith.constant 0 : i32
        %dma_start3A_47 = tpu.memref_slice %arg4[%add3A_20, %dma_start3A_46] : memref<152x400xf32, #tpu.memory_space<hbm>> -> memref<1x400xf32, #tpu.memory_space<hbm>>
        %dma_start3A_48 = tpu.memref_squeeze %dma_start3A_47 : memref<1x400xf32, #tpu.memory_space<hbm>> -> memref<400xf32, #tpu.memory_space<hbm>>
        tpu.enqueue_dma source(%dma_start3A_48 : memref<400xf32, #tpu.memory_space<hbm>>) target(%arg12 : memref<400xf32, #tpu.memory_space<vmem>>) target_semaphore(%run_scoped3A : memref<!tpu.dma_semaphore, #tpu.memory_space<semaphore_mem>>)
        %dma_wait3A = arith.constant 0 : i32
        %dma_wait3A_49 = tpu.memref_slice %arg4[%add3A_20, %dma_wait3A] : memref<152x400xf32, #tpu.memory_space<hbm>> -> memref<1x400xf32, #tpu.memory_space<hbm>>
        %dma_wait3A_50 = tpu.memref_squeeze %dma_wait3A_49 : memref<1x400xf32, #tpu.memory_space<hbm>> -> memref<400xf32, #tpu.memory_space<hbm>>
        %dma_wait3A_51 = arith.constant 0 : i32
        %dma_wait3A_52 = tpu.memref_slice %arg4[%add3A_20, %dma_wait3A_51] : memref<152x400xf32, #tpu.memory_space<hbm>> -> memref<1x400xf32, #tpu.memory_space<hbm>>
        %dma_wait3A_53 = tpu.memref_squeeze %dma_wait3A_52 : memref<1x400xf32, #tpu.memory_space<hbm>> -> memref<400xf32, #tpu.memory_space<hbm>>
        tpu.wait_dma2 semaphore(%run_scoped3A : memref<!tpu.dma_semaphore, #tpu.memory_space<semaphore_mem>>) src(%dma_wait3A_53 : memref<400xf32, #tpu.memory_space<hbm>>) dst(%arg12 : memref<400xf32, #tpu.memory_space<vmem>>)
        tpu.yield
      }) : () -> ()
      "tpu.region"() ({
        %run_scoped3A = tpu.sem_alloc : memref<!tpu.dma_semaphore, #tpu.memory_space<semaphore_mem>>
        %dma_start3A = arith.constant 0 : i32
        %dma_start3A_44 = tpu.memref_slice %arg5[%add3A_20, %dma_start3A] : memref<152x400xf32, #tpu.memory_space<hbm>> -> memref<1x400xf32, #tpu.memory_space<hbm>>
        %dma_start3A_45 = tpu.memref_squeeze %dma_start3A_44 : memref<1x400xf32, #tpu.memory_space<hbm>> -> memref<400xf32, #tpu.memory_space<hbm>>
        %dma_start3A_46 = arith.constant 0 : i32
        %dma_start3A_47 = tpu.memref_slice %arg5[%add3A_20, %dma_start3A_46] : memref<152x400xf32, #tpu.memory_space<hbm>> -> memref<1x400xf32, #tpu.memory_space<hbm>>
        %dma_start3A_48 = tpu.memref_squeeze %dma_start3A_47 : memref<1x400xf32, #tpu.memory_space<hbm>> -> memref<400xf32, #tpu.memory_space<hbm>>
        tpu.enqueue_dma source(%dma_start3A_48 : memref<400xf32, #tpu.memory_space<hbm>>) target(%arg13 : memref<400xf32, #tpu.memory_space<vmem>>) target_semaphore(%run_scoped3A : memref<!tpu.dma_semaphore, #tpu.memory_space<semaphore_mem>>)
        %dma_wait3A = arith.constant 0 : i32
        %dma_wait3A_49 = tpu.memref_slice %arg5[%add3A_20, %dma_wait3A] : memref<152x400xf32, #tpu.memory_space<hbm>> -> memref<1x400xf32, #tpu.memory_space<hbm>>
        %dma_wait3A_50 = tpu.memref_squeeze %dma_wait3A_49 : memref<1x400xf32, #tpu.memory_space<hbm>> -> memref<400xf32, #tpu.memory_space<hbm>>
        %dma_wait3A_51 = arith.constant 0 : i32
        %dma_wait3A_52 = tpu.memref_slice %arg5[%add3A_20, %dma_wait3A_51] : memref<152x400xf32, #tpu.memory_space<hbm>> -> memref<1x400xf32, #tpu.memory_space<hbm>>
        %dma_wait3A_53 = tpu.memref_squeeze %dma_wait3A_52 : memref<1x400xf32, #tpu.memory_space<hbm>> -> memref<400xf32, #tpu.memory_space<hbm>>
        tpu.wait_dma2 semaphore(%run_scoped3A : memref<!tpu.dma_semaphore, #tpu.memory_space<semaphore_mem>>) src(%dma_wait3A_53 : memref<400xf32, #tpu.memory_space<hbm>>) dst(%arg13 : memref<400xf32, #tpu.memory_space<vmem>>)
        tpu.yield
      }) : () -> ()
      "tpu.region"() ({
        %run_scoped3A = tpu.sem_alloc : memref<!tpu.dma_semaphore, #tpu.memory_space<semaphore_mem>>
        %dma_start3A = arith.constant 0 : i32
        %dma_start3A_44 = tpu.memref_slice %arg6[%add3A_20, %dma_start3A] : memref<152x400xf32, #tpu.memory_space<hbm>> -> memref<1x400xf32, #tpu.memory_space<hbm>>
        %dma_start3A_45 = tpu.memref_squeeze %dma_start3A_44 : memref<1x400xf32, #tpu.memory_space<hbm>> -> memref<400xf32, #tpu.memory_space<hbm>>
        %dma_start3A_46 = arith.constant 0 : i32
        %dma_start3A_47 = tpu.memref_slice %arg6[%add3A_20, %dma_start3A_46] : memref<152x400xf32, #tpu.memory_space<hbm>> -> memref<1x400xf32, #tpu.memory_space<hbm>>
        %dma_start3A_48 = tpu.memref_squeeze %dma_start3A_47 : memref<1x400xf32, #tpu.memory_space<hbm>> -> memref<400xf32, #tpu.memory_space<hbm>>
        tpu.enqueue_dma source(%dma_start3A_48 : memref<400xf32, #tpu.memory_space<hbm>>) target(%arg14 : memref<400xf32, #tpu.memory_space<vmem>>) target_semaphore(%run_scoped3A : memref<!tpu.dma_semaphore, #tpu.memory_space<semaphore_mem>>)
        %dma_wait3A = arith.constant 0 : i32
        %dma_wait3A_49 = tpu.memref_slice %arg6[%add3A_20, %dma_wait3A] : memref<152x400xf32, #tpu.memory_space<hbm>> -> memref<1x400xf32, #tpu.memory_space<hbm>>
        %dma_wait3A_50 = tpu.memref_squeeze %dma_wait3A_49 : memref<1x400xf32, #tpu.memory_space<hbm>> -> memref<400xf32, #tpu.memory_space<hbm>>
        %dma_wait3A_51 = arith.constant 0 : i32
        %dma_wait3A_52 = tpu.memref_slice %arg6[%add3A_20, %dma_wait3A_51] : memref<152x400xf32, #tpu.memory_space<hbm>> -> memref<1x400xf32, #tpu.memory_space<hbm>>
        %dma_wait3A_53 = tpu.memref_squeeze %dma_wait3A_52 : memref<1x400xf32, #tpu.memory_space<hbm>> -> memref<400xf32, #tpu.memory_space<hbm>>
        tpu.wait_dma2 semaphore(%run_scoped3A : memref<!tpu.dma_semaphore, #tpu.memory_space<semaphore_mem>>) src(%dma_wait3A_53 : memref<400xf32, #tpu.memory_space<hbm>>) dst(%arg14 : memref<400xf32, #tpu.memory_space<vmem>>)
        tpu.yield
      }) : () -> ()
      "tpu.region"() ({
        %run_scoped3A = tpu.sem_alloc : memref<!tpu.dma_semaphore, #tpu.memory_space<semaphore_mem>>
        %dma_start3A = arith.constant 0 : i32
        %dma_start3A_44 = tpu.memref_slice %arg7[%add3A_20, %dma_start3A] : memref<152x400xf32, #tpu.memory_space<hbm>> -> memref<1x400xf32, #tpu.memory_space<hbm>>
        %dma_start3A_45 = tpu.memref_squeeze %dma_start3A_44 : memref<1x400xf32, #tpu.memory_space<hbm>> -> memref<400xf32, #tpu.memory_space<hbm>>
        %dma_start3A_46 = arith.constant 0 : i32
        %dma_start3A_47 = tpu.memref_slice %arg7[%add3A_20, %dma_start3A_46] : memref<152x400xf32, #tpu.memory_space<hbm>> -> memref<1x400xf32, #tpu.memory_space<hbm>>
        %dma_start3A_48 = tpu.memref_squeeze %dma_start3A_47 : memref<1x400xf32, #tpu.memory_space<hbm>> -> memref<400xf32, #tpu.memory_space<hbm>>
        tpu.enqueue_dma source(%dma_start3A_48 : memref<400xf32, #tpu.memory_space<hbm>>) target(%arg15 : memref<400xf32, #tpu.memory_space<vmem>>) target_semaphore(%run_scoped3A : memref<!tpu.dma_semaphore, #tpu.memory_space<semaphore_mem>>)
        %dma_wait3A = arith.constant 0 : i32
        %dma_wait3A_49 = tpu.memref_slice %arg7[%add3A_20, %dma_wait3A] : memref<152x400xf32, #tpu.memory_space<hbm>> -> memref<1x400xf32, #tpu.memory_space<hbm>>
        %dma_wait3A_50 = tpu.memref_squeeze %dma_wait3A_49 : memref<1x400xf32, #tpu.memory_space<hbm>> -> memref<400xf32, #tpu.memory_space<hbm>>
        %dma_wait3A_51 = arith.constant 0 : i32
        %dma_wait3A_52 = tpu.memref_slice %arg7[%add3A_20, %dma_wait3A_51] : memref<152x400xf32, #tpu.memory_space<hbm>> -> memref<1x400xf32, #tpu.memory_space<hbm>>
        %dma_wait3A_53 = tpu.memref_squeeze %dma_wait3A_52 : memref<1x400xf32, #tpu.memory_space<hbm>> -> memref<400xf32, #tpu.memory_space<hbm>>
        tpu.wait_dma2 semaphore(%run_scoped3A : memref<!tpu.dma_semaphore, #tpu.memory_space<semaphore_mem>>) src(%dma_wait3A_53 : memref<400xf32, #tpu.memory_space<hbm>>) dst(%arg15 : memref<400xf32, #tpu.memory_space<vmem>>)
        tpu.yield
      }) : () -> ()
      %scan3A = arith.constant 0 : i32
      %scan3A_39 = arith.constant 0 : i32
      %scan3A_40 = arith.constant 25 : i32
      %scan3A_41 = arith.addi %scan3A_39, %scan3A_40 : i32
      %scan3A_42 = arith.constant 1 : i32
      scf.for %scan3A_44 = %scan3A_39 to %scan3A_41 step %scan3A_42  : i32 {
        %mul3A_45 = arith.constant 16 : i32
        %mul3A_46 = arith.muli %scan3A_44, %mul3A_45 : i32
        %multiple_of3A = tpu.assume_multiple %mul3A_46, 16 : i32
        %get3A = arith.index_cast %multiple_of3A : i32 to index
        %get3A_47 = tpu.vector_load %arg12[%get3A] {strides = array<i32>} : memref<400xf32, #tpu.memory_space<vmem>>, vector<16xf32>,
        %get3A_48 = arith.index_cast %multiple_of3A : i32 to index
        %get3A_49 = tpu.vector_load %arg13[%get3A_48] {strides = array<i32>} : memref<400xf32, #tpu.memory_space<vmem>>, vector<16xf32>,
        %get3A_50 = arith.index_cast %multiple_of3A : i32 to index
        %get3A_51 = tpu.vector_load %arg14[%get3A_50] {strides = array<i32>} : memref<400xf32, #tpu.memory_space<vmem>>, vector<16xf32>,
        %get3A_52 = arith.index_cast %multiple_of3A : i32 to index
        %get3A_53 = tpu.vector_load %arg15[%get3A_52] {strides = array<i32>} : memref<400xf32, #tpu.memory_space<vmem>>, vector<16xf32>,
        %broadcast_in_dim3A = arith.constant 0.000000e+00 : f32
        %broadcast_in_dim3A_54 = vector.broadcast %broadcast_in_dim3A : f32 to vector<16xf32>
        %broadcast_in_dim3A_55 = arith.constant 0.000000e+00 : f32
        %broadcast_in_dim3A_56 = vector.broadcast %broadcast_in_dim3A_55 : f32 to vector<16xf32>
        %get3A_57 = arith.constant 0 : i32
        %get3A_58 = arith.index_cast %get3A_57 : i32 to index
        %get3A_59 = arith.index_cast %multiple_of3A : i32 to index
        %get3A_60 = tpu.vector_load %arg11[%get3A_58, %get3A_59] {strides = array<i32>} : memref<10x400xi32, #tpu.memory_space<vmem>>, vector<16xi32>,
        %gather3A = tpu.vector_load_idx %arg9[%get3A_60] : memref<16384xf32, #tpu.memory_space<vmem>>[vector<16xi32>], vector<16xf32>,
        %gather3A_61 = tpu.vector_load_idx %arg10[%get3A_60] : memref<16384xf32, #tpu.memory_space<vmem>>[vector<16xi32>], vector<16xf32>,
        %mul3A_62 = arith.mulf %gather3A, %get3A_47 : vector<16xf32>
        %mul3A_63 = arith.mulf %gather3A_61, %get3A_49 : vector<16xf32>
        %add3A_64 = arith.addf %mul3A_62, %mul3A_63 : vector<16xf32>
        %add3A_65 = arith.addf %broadcast_in_dim3A_54, %add3A_64 : vector<16xf32>
        %gt3A = arith.constant 5.000000e-02 : f32
        %gt3A_66 = vector.broadcast %gt3A : f32 to vector<16xf32>
        %gt3A_67 = arith.cmpf ogt, %add3A_64, %gt3A_66 : vector<16xf32>
        %jit3A = arith.constant 1.000000e+00 : f32
        %jit3A_68 = arith.constant 0.000000e+00 : f32
        %broadcast_in_dim3A_69 = vector.broadcast %jit3A : f32 to vector<16xf32>
        %broadcast_in_dim3A_70 = vector.broadcast %jit3A_68 : f32 to vector<16xf32>
        %select_n3A = arith.select %gt3A_67, %broadcast_in_dim3A_69, %broadcast_in_dim3A_70 : vector<16xi1>, vector<16xf32>
        %add3A_71 = arith.addf %broadcast_in_dim3A_56, %select_n3A : vector<16xf32>
        %get3A_72 = arith.constant 1 : i32
        %get3A_73 = arith.index_cast %get3A_72 : i32 to index
        %get3A_74 = arith.index_cast %multiple_of3A : i32 to index
        %get3A_75 = tpu.vector_load %arg11[%get3A_73, %get3A_74] {strides = array<i32>} : memref<10x400xi32, #tpu.memory_space<vmem>>, vector<16xi32>,
        %gather3A_76 = tpu.vector_load_idx %arg9[%get3A_75] : memref<16384xf32, #tpu.memory_space<vmem>>[vector<16xi32>], vector<16xf32>,
        %gather3A_77 = tpu.vector_load_idx %arg10[%get3A_75] : memref<16384xf32, #tpu.memory_space<vmem>>[vector<16xi32>], vector<16xf32>,
        %mul3A_78 = arith.mulf %gather3A_76, %get3A_47 : vector<16xf32>
        %mul3A_79 = arith.mulf %gather3A_77, %get3A_49 : vector<16xf32>
        %add3A_80 = arith.addf %mul3A_78, %mul3A_79 : vector<16xf32>
        %add3A_81 = arith.addf %add3A_65, %add3A_80 : vector<16xf32>
        %gt3A_82 = arith.constant 5.000000e-02 : f32
        %gt3A_83 = vector.broadcast %gt3A_82 : f32 to vector<16xf32>
        %gt3A_84 = arith.cmpf ogt, %add3A_80, %gt3A_83 : vector<16xf32>
        %jit3A_85 = arith.constant 1.000000e+00 : f32
        %jit3A_86 = arith.constant 0.000000e+00 : f32
        %broadcast_in_dim3A_87 = vector.broadcast %jit3A_85 : f32 to vector<16xf32>
        %broadcast_in_dim3A_88 = vector.broadcast %jit3A_86 : f32 to vector<16xf32>
        %select_n3A_89 = arith.select %gt3A_84, %broadcast_in_dim3A_87, %broadcast_in_dim3A_88 : vector<16xi1>, vector<16xf32>
        %add3A_90 = arith.addf %add3A_71, %select_n3A_89 : vector<16xf32>
        %get3A_91 = arith.constant 2 : i32
        %get3A_92 = arith.index_cast %get3A_91 : i32 to index
        %get3A_93 = arith.index_cast %multiple_of3A : i32 to index
        %get3A_94 = tpu.vector_load %arg11[%get3A_92, %get3A_93] {strides = array<i32>} : memref<10x400xi32, #tpu.memory_space<vmem>>, vector<16xi32>,
        %gather3A_95 = tpu.vector_load_idx %arg9[%get3A_94] : memref<16384xf32, #tpu.memory_space<vmem>>[vector<16xi32>], vector<16xf32>,
        %gather3A_96 = tpu.vector_load_idx %arg10[%get3A_94] : memref<16384xf32, #tpu.memory_space<vmem>>[vector<16xi32>], vector<16xf32>,
        %mul3A_97 = arith.mulf %gather3A_95, %get3A_47 : vector<16xf32>
        %mul3A_98 = arith.mulf %gather3A_96, %get3A_49 : vector<16xf32>
        %add3A_99 = arith.addf %mul3A_97, %mul3A_98 : vector<16xf32>
        %add3A_100 = arith.addf %add3A_81, %add3A_99 : vector<16xf32>
        %gt3A_101 = arith.constant 5.000000e-02 : f32
        %gt3A_102 = vector.broadcast %gt3A_101 : f32 to vector<16xf32>
        %gt3A_103 = arith.cmpf ogt, %add3A_99, %gt3A_102 : vector<16xf32>
        %jit3A_104 = arith.constant 1.000000e+00 : f32
        %jit3A_105 = arith.constant 0.000000e+00 : f32
        %broadcast_in_dim3A_106 = vector.broadcast %jit3A_104 : f32 to vector<16xf32>
        %broadcast_in_dim3A_107 = vector.broadcast %jit3A_105 : f32 to vector<16xf32>
        %select_n3A_108 = arith.select %gt3A_103, %broadcast_in_dim3A_106, %broadcast_in_dim3A_107 : vector<16xi1>, vector<16xf32>
        %add3A_109 = arith.addf %add3A_90, %select_n3A_108 : vector<16xf32>
        %get3A_110 = arith.constant 3 : i32
        %get3A_111 = arith.index_cast %get3A_110 : i32 to index
        %get3A_112 = arith.index_cast %multiple_of3A : i32 to index
        %get3A_113 = tpu.vector_load %arg11[%get3A_111, %get3A_112] {strides = array<i32>} : memref<10x400xi32, #tpu.memory_space<vmem>>, vector<16xi32>,
        %gather3A_114 = tpu.vector_load_idx %arg9[%get3A_113] : memref<16384xf32, #tpu.memory_space<vmem>>[vector<16xi32>], vector<16xf32>,
        %gather3A_115 = tpu.vector_load_idx %arg10[%get3A_113] : memref<16384xf32, #tpu.memory_space<vmem>>[vector<16xi32>], vector<16xf32>,
        %mul3A_116 = arith.mulf %gather3A_114, %get3A_47 : vector<16xf32>
        %mul3A_117 = arith.mulf %gather3A_115, %get3A_49 : vector<16xf32>
        %add3A_118 = arith.addf %mul3A_116, %mul3A_117 : vector<16xf32>
        %add3A_119 = arith.addf %add3A_100, %add3A_118 : vector<16xf32>
        %gt3A_120 = arith.constant 5.000000e-02 : f32
        %gt3A_121 = vector.broadcast %gt3A_120 : f32 to vector<16xf32>
        %gt3A_122 = arith.cmpf ogt, %add3A_118, %gt3A_121 : vector<16xf32>
        %jit3A_123 = arith.constant 1.000000e+00 : f32
        %jit3A_124 = arith.constant 0.000000e+00 : f32
        %broadcast_in_dim3A_125 = vector.broadcast %jit3A_123 : f32 to vector<16xf32>
        %broadcast_in_dim3A_126 = vector.broadcast %jit3A_124 : f32 to vector<16xf32>
        %select_n3A_127 = arith.select %gt3A_122, %broadcast_in_dim3A_125, %broadcast_in_dim3A_126 : vector<16xi1>, vector<16xf32>
        %add3A_128 = arith.addf %add3A_109, %select_n3A_127 : vector<16xf32>
        %get3A_129 = arith.constant 4 : i32
        %get3A_130 = arith.index_cast %get3A_129 : i32 to index
        %get3A_131 = arith.index_cast %multiple_of3A : i32 to index
        %get3A_132 = tpu.vector_load %arg11[%get3A_130, %get3A_131] {strides = array<i32>} : memref<10x400xi32, #tpu.memory_space<vmem>>, vector<16xi32>,
        %gather3A_133 = tpu.vector_load_idx %arg9[%get3A_132] : memref<16384xf32, #tpu.memory_space<vmem>>[vector<16xi32>], vector<16xf32>,
        %gather3A_134 = tpu.vector_load_idx %arg10[%get3A_132] : memref<16384xf32, #tpu.memory_space<vmem>>[vector<16xi32>], vector<16xf32>,
        %mul3A_135 = arith.mulf %gather3A_133, %get3A_47 : vector<16xf32>
        %mul3A_136 = arith.mulf %gather3A_134, %get3A_49 : vector<16xf32>
        %add3A_137 = arith.addf %mul3A_135, %mul3A_136 : vector<16xf32>
        %add3A_138 = arith.addf %add3A_119, %add3A_137 : vector<16xf32>
        %gt3A_139 = arith.constant 5.000000e-02 : f32
        %gt3A_140 = vector.broadcast %gt3A_139 : f32 to vector<16xf32>
        %gt3A_141 = arith.cmpf ogt, %add3A_137, %gt3A_140 : vector<16xf32>
        %jit3A_142 = arith.constant 1.000000e+00 : f32
        %jit3A_143 = arith.constant 0.000000e+00 : f32
        %broadcast_in_dim3A_144 = vector.broadcast %jit3A_142 : f32 to vector<16xf32>
        %broadcast_in_dim3A_145 = vector.broadcast %jit3A_143 : f32 to vector<16xf32>
        %select_n3A_146 = arith.select %gt3A_141, %broadcast_in_dim3A_144, %broadcast_in_dim3A_145 : vector<16xi1>, vector<16xf32>
        %add3A_147 = arith.addf %add3A_128, %select_n3A_146 : vector<16xf32>
        %get3A_148 = arith.constant 5 : i32
        %get3A_149 = arith.index_cast %get3A_148 : i32 to index
        %get3A_150 = arith.index_cast %multiple_of3A : i32 to index
        %get3A_151 = tpu.vector_load %arg11[%get3A_149, %get3A_150] {strides = array<i32>} : memref<10x400xi32, #tpu.memory_space<vmem>>, vector<16xi32>,
        %gather3A_152 = tpu.vector_load_idx %arg9[%get3A_151] : memref<16384xf32, #tpu.memory_space<vmem>>[vector<16xi32>], vector<16xf32>,
        %gather3A_153 = tpu.vector_load_idx %arg10[%get3A_151] : memref<16384xf32, #tpu.memory_space<vmem>>[vector<16xi32>], vector<16xf32>,
        %mul3A_154 = arith.mulf %gather3A_152, %get3A_47 : vector<16xf32>
        %mul3A_155 = arith.mulf %gather3A_153, %get3A_49 : vector<16xf32>
        %add3A_156 = arith.addf %mul3A_154, %mul3A_155 : vector<16xf32>
        %add3A_157 = arith.addf %add3A_138, %add3A_156 : vector<16xf32>
        %gt3A_158 = arith.constant 5.000000e-02 : f32
        %gt3A_159 = vector.broadcast %gt3A_158 : f32 to vector<16xf32>
        %gt3A_160 = arith.cmpf ogt, %add3A_156, %gt3A_159 : vector<16xf32>
        %jit3A_161 = arith.constant 1.000000e+00 : f32
        %jit3A_162 = arith.constant 0.000000e+00 : f32
        %broadcast_in_dim3A_163 = vector.broadcast %jit3A_161 : f32 to vector<16xf32>
        %broadcast_in_dim3A_164 = vector.broadcast %jit3A_162 : f32 to vector<16xf32>
        %select_n3A_165 = arith.select %gt3A_160, %broadcast_in_dim3A_163, %broadcast_in_dim3A_164 : vector<16xi1>, vector<16xf32>
        %add3A_166 = arith.addf %add3A_147, %select_n3A_165 : vector<16xf32>
        %get3A_167 = arith.constant 6 : i32
        %get3A_168 = arith.index_cast %get3A_167 : i32 to index
        %get3A_169 = arith.index_cast %multiple_of3A : i32 to index
        %get3A_170 = tpu.vector_load %arg11[%get3A_168, %get3A_169] {strides = array<i32>} : memref<10x400xi32, #tpu.memory_space<vmem>>, vector<16xi32>,
        %gather3A_171 = tpu.vector_load_idx %arg9[%get3A_170] : memref<16384xf32, #tpu.memory_space<vmem>>[vector<16xi32>], vector<16xf32>,
        %gather3A_172 = tpu.vector_load_idx %arg10[%get3A_170] : memref<16384xf32, #tpu.memory_space<vmem>>[vector<16xi32>], vector<16xf32>,
        %mul3A_173 = arith.mulf %gather3A_171, %get3A_47 : vector<16xf32>
        %mul3A_174 = arith.mulf %gather3A_172, %get3A_49 : vector<16xf32>
        %add3A_175 = arith.addf %mul3A_173, %mul3A_174 : vector<16xf32>
        %add3A_176 = arith.addf %add3A_157, %add3A_175 : vector<16xf32>
        %gt3A_177 = arith.constant 5.000000e-02 : f32
        %gt3A_178 = vector.broadcast %gt3A_177 : f32 to vector<16xf32>
        %gt3A_179 = arith.cmpf ogt, %add3A_175, %gt3A_178 : vector<16xf32>
        %jit3A_180 = arith.constant 1.000000e+00 : f32
        %jit3A_181 = arith.constant 0.000000e+00 : f32
        %broadcast_in_dim3A_182 = vector.broadcast %jit3A_180 : f32 to vector<16xf32>
        %broadcast_in_dim3A_183 = vector.broadcast %jit3A_181 : f32 to vector<16xf32>
        %select_n3A_184 = arith.select %gt3A_179, %broadcast_in_dim3A_182, %broadcast_in_dim3A_183 : vector<16xi1>, vector<16xf32>
        %add3A_185 = arith.addf %add3A_166, %select_n3A_184 : vector<16xf32>
        %get3A_186 = arith.constant 7 : i32
        %get3A_187 = arith.index_cast %get3A_186 : i32 to index
        %get3A_188 = arith.index_cast %multiple_of3A : i32 to index
        %get3A_189 = tpu.vector_load %arg11[%get3A_187, %get3A_188] {strides = array<i32>} : memref<10x400xi32, #tpu.memory_space<vmem>>, vector<16xi32>,
        %gather3A_190 = tpu.vector_load_idx %arg9[%get3A_189] : memref<16384xf32, #tpu.memory_space<vmem>>[vector<16xi32>], vector<16xf32>,
        %gather3A_191 = tpu.vector_load_idx %arg10[%get3A_189] : memref<16384xf32, #tpu.memory_space<vmem>>[vector<16xi32>], vector<16xf32>,
        %mul3A_192 = arith.mulf %gather3A_190, %get3A_47 : vector<16xf32>
        %mul3A_193 = arith.mulf %gather3A_191, %get3A_49 : vector<16xf32>
        %add3A_194 = arith.addf %mul3A_192, %mul3A_193 : vector<16xf32>
        %add3A_195 = arith.addf %add3A_176, %add3A_194 : vector<16xf32>
        %gt3A_196 = arith.constant 5.000000e-02 : f32
        %gt3A_197 = vector.broadcast %gt3A_196 : f32 to vector<16xf32>
        %gt3A_198 = arith.cmpf ogt, %add3A_194, %gt3A_197 : vector<16xf32>
        %jit3A_199 = arith.constant 1.000000e+00 : f32
        %jit3A_200 = arith.constant 0.000000e+00 : f32
        %broadcast_in_dim3A_201 = vector.broadcast %jit3A_199 : f32 to vector<16xf32>
        %broadcast_in_dim3A_202 = vector.broadcast %jit3A_200 : f32 to vector<16xf32>
        %select_n3A_203 = arith.select %gt3A_198, %broadcast_in_dim3A_201, %broadcast_in_dim3A_202 : vector<16xi1>, vector<16xf32>
        %add3A_204 = arith.addf %add3A_185, %select_n3A_203 : vector<16xf32>
        %get3A_205 = arith.constant 8 : i32
        %get3A_206 = arith.index_cast %get3A_205 : i32 to index
        %get3A_207 = arith.index_cast %multiple_of3A : i32 to index
        %get3A_208 = tpu.vector_load %arg11[%get3A_206, %get3A_207] {strides = array<i32>} : memref<10x400xi32, #tpu.memory_space<vmem>>, vector<16xi32>,
        %gather3A_209 = tpu.vector_load_idx %arg9[%get3A_208] : memref<16384xf32, #tpu.memory_space<vmem>>[vector<16xi32>], vector<16xf32>,
        %gather3A_210 = tpu.vector_load_idx %arg10[%get3A_208] : memref<16384xf32, #tpu.memory_space<vmem>>[vector<16xi32>], vector<16xf32>,
        %mul3A_211 = arith.mulf %gather3A_209, %get3A_47 : vector<16xf32>
        %mul3A_212 = arith.mulf %gather3A_210, %get3A_49 : vector<16xf32>
        %add3A_213 = arith.addf %mul3A_211, %mul3A_212 : vector<16xf32>
        %add3A_214 = arith.addf %add3A_195, %add3A_213 : vector<16xf32>
        %gt3A_215 = arith.constant 5.000000e-02 : f32
        %gt3A_216 = vector.broadcast %gt3A_215 : f32 to vector<16xf32>
        %gt3A_217 = arith.cmpf ogt, %add3A_213, %gt3A_216 : vector<16xf32>
        %jit3A_218 = arith.constant 1.000000e+00 : f32
        %jit3A_219 = arith.constant 0.000000e+00 : f32
        %broadcast_in_dim3A_220 = vector.broadcast %jit3A_218 : f32 to vector<16xf32>
        %broadcast_in_dim3A_221 = vector.broadcast %jit3A_219 : f32 to vector<16xf32>
        %select_n3A_222 = arith.select %gt3A_217, %broadcast_in_dim3A_220, %broadcast_in_dim3A_221 : vector<16xi1>, vector<16xf32>
        %add3A_223 = arith.addf %add3A_204, %select_n3A_222 : vector<16xf32>
        %get3A_224 = arith.constant 9 : i32
        %get3A_225 = arith.index_cast %get3A_224 : i32 to index
        %get3A_226 = arith.index_cast %multiple_of3A : i32 to index
        %get3A_227 = tpu.vector_load %arg11[%get3A_225, %get3A_226] {strides = array<i32>} : memref<10x400xi32, #tpu.memory_space<vmem>>, vector<16xi32>,
        %gather3A_228 = tpu.vector_load_idx %arg9[%get3A_227] : memref<16384xf32, #tpu.memory_space<vmem>>[vector<16xi32>], vector<16xf32>,
        %gather3A_229 = tpu.vector_load_idx %arg10[%get3A_227] : memref<16384xf32, #tpu.memory_space<vmem>>[vector<16xi32>], vector<16xf32>,
        %mul3A_230 = arith.mulf %gather3A_228, %get3A_47 : vector<16xf32>
        %mul3A_231 = arith.mulf %gather3A_229, %get3A_49 : vector<16xf32>
        %add3A_232 = arith.addf %mul3A_230, %mul3A_231 : vector<16xf32>
        %add3A_233 = arith.addf %add3A_214, %add3A_232 : vector<16xf32>
        %gt3A_234 = arith.constant 5.000000e-02 : f32
        %gt3A_235 = vector.broadcast %gt3A_234 : f32 to vector<16xf32>
        %gt3A_236 = arith.cmpf ogt, %add3A_232, %gt3A_235 : vector<16xf32>
        %jit3A_237 = arith.constant 1.000000e+00 : f32
        %jit3A_238 = arith.constant 0.000000e+00 : f32
        %broadcast_in_dim3A_239 = vector.broadcast %jit3A_237 : f32 to vector<16xf32>
        %broadcast_in_dim3A_240 = vector.broadcast %jit3A_238 : f32 to vector<16xf32>
        %select_n3A_241 = arith.select %gt3A_236, %broadcast_in_dim3A_239, %broadcast_in_dim3A_240 : vector<16xi1>, vector<16xf32>
        %add3A_242 = arith.addf %add3A_223, %select_n3A_241 : vector<16xf32>
        %div3A = arith.constant 1.000000e+01 : f32
        %div3A_243 = vector.broadcast %div3A : f32 to vector<16xf32>
        %div3A_244 = arith.divf %add3A_233, %div3A_243 : vector<16xf32>
        %gt3A_245 = arith.constant 0.000000e+00 : f32
        %gt3A_246 = vector.broadcast %gt3A_245 : f32 to vector<16xf32>
        %gt3A_247 = arith.cmpf ogt, %div3A_244, %gt3A_246 : vector<16xf32>
        %gt3A_248 = arith.constant 8.000000e+00 : f32
        %gt3A_249 = vector.broadcast %gt3A_248 : f32 to vector<16xf32>
        %gt3A_250 = arith.cmpf ogt, %add3A_242, %gt3A_249 : vector<16xf32>
        %and3A = arith.andi %gt3A_247, %gt3A_250 : vector<16xi1>
        %gt3A_251 = arith.constant 5.000000e-01 : f32
        %gt3A_252 = vector.broadcast %gt3A_251 : f32 to vector<16xf32>
        %gt3A_253 = arith.cmpf ogt, %get3A_51, %gt3A_252 : vector<16xf32>
        %and3A_254 = arith.andi %and3A, %gt3A_253 : vector<16xi1>
        %add3A_255 = arith.addf %div3A_244, %get3A_53 : vector<16xf32>
        %jit3A_256 = arith.constant 0.000000e+00 : f32
        %broadcast_in_dim3A_257 = vector.broadcast %jit3A_256 : f32 to vector<16xf32>
        %select_n3A_258 = arith.select %and3A_254, %add3A_255, %broadcast_in_dim3A_257 : vector<16xi1>, vector<16xf32>
        %swap3A = arith.index_cast %multiple_of3A : i32 to index
        %swap3A_259 = tpu.vector_load %arg16[%swap3A] {strides = array<i32>} : memref<400xf32, #tpu.memory_space<vmem>>, vector<16xf32>,
        tpu.vector_store %arg16[%swap3A], %select_n3A_258 {strides = array<i32>} : memref<400xf32, #tpu.memory_space<vmem>>, vector<16xf32>,
      }
      %scan3A_43 = arith.constant 25 : i32
      "tpu.region"() ({
        %run_scoped3A = tpu.sem_alloc : memref<!tpu.dma_semaphore, #tpu.memory_space<semaphore_mem>>
        %dma_start3A = arith.constant 0 : i32
        %dma_start3A_44 = tpu.memref_slice %arg8[%add3A_20, %dma_start3A] : memref<152x400xf32, #tpu.memory_space<hbm>> -> memref<1x400xf32, #tpu.memory_space<hbm>>
        %dma_start3A_45 = tpu.memref_squeeze %dma_start3A_44 : memref<1x400xf32, #tpu.memory_space<hbm>> -> memref<400xf32, #tpu.memory_space<hbm>>
        %dma_start3A_46 = arith.constant 0 : i32
        %dma_start3A_47 = tpu.memref_slice %arg8[%add3A_20, %dma_start3A_46] : memref<152x400xf32, #tpu.memory_space<hbm>> -> memref<1x400xf32, #tpu.memory_space<hbm>>
        %dma_start3A_48 = tpu.memref_squeeze %dma_start3A_47 : memref<1x400xf32, #tpu.memory_space<hbm>> -> memref<400xf32, #tpu.memory_space<hbm>>
        tpu.enqueue_dma source(%arg16 : memref<400xf32, #tpu.memory_space<vmem>>) target(%dma_start3A_48 : memref<400xf32, #tpu.memory_space<hbm>>) target_semaphore(%run_scoped3A : memref<!tpu.dma_semaphore, #tpu.memory_space<semaphore_mem>>)
        %dma_wait3A = arith.constant 0 : i32
        %dma_wait3A_49 = tpu.memref_slice %arg8[%add3A_20, %dma_wait3A] : memref<152x400xf32, #tpu.memory_space<hbm>> -> memref<1x400xf32, #tpu.memory_space<hbm>>
        %dma_wait3A_50 = tpu.memref_squeeze %dma_wait3A_49 : memref<1x400xf32, #tpu.memory_space<hbm>> -> memref<400xf32, #tpu.memory_space<hbm>>
        %dma_wait3A_51 = arith.constant 0 : i32
        %dma_wait3A_52 = tpu.memref_slice %arg8[%add3A_20, %dma_wait3A_51] : memref<152x400xf32, #tpu.memory_space<hbm>> -> memref<1x400xf32, #tpu.memory_space<hbm>>
        %dma_wait3A_53 = tpu.memref_squeeze %dma_wait3A_52 : memref<1x400xf32, #tpu.memory_space<hbm>> -> memref<400xf32, #tpu.memory_space<hbm>>
        tpu.wait_dma2 semaphore(%run_scoped3A : memref<!tpu.dma_semaphore, #tpu.memory_space<semaphore_mem>>) src(%arg16 : memref<400xf32, #tpu.memory_space<vmem>>) dst(%dma_wait3A_53 : memref<400xf32, #tpu.memory_space<hbm>>)
        tpu.yield
      }) : () -> ()
    } else {
    }
    %add3A_26 = arith.constant 128 : i32
    %add3A_27 = arith.addi %add3A, %add3A_26 : i32
    %lt3A_28 = arith.constant 152 : i32
    %lt3A_29 = arith.cmpi slt, %add3A_27, %lt3A_28 : i32
    %convert_element_type3A_30 = arith.extui %lt3A_29 : i1 to i32
    %cond3A_31 = arith.constant 0 : i32
    %cond3A_32 = arith.cmpi ne, %convert_element_type3A_30, %cond3A_31 : i32
    scf.if %cond3A_32 {
      %mul3A_33 = arith.constant 2 : i32
      %mul3A_34 = arith.muli %mul3A_33, %add3A_27 : i32
      "tpu.region"() ({
        %run_scoped3A = tpu.sem_alloc : memref<!tpu.dma_semaphore, #tpu.memory_space<semaphore_mem>>
        %dma_start3A = arith.constant 0 : i32
        %dma_start3A_44 = tpu.memref_slice %arg2[%mul3A_34, %dma_start3A] : memref<304x16384xf32, #tpu.memory_space<hbm>> -> memref<1x16384xf32, #tpu.memory_space<hbm>>
        %dma_start3A_45 = tpu.memref_squeeze %dma_start3A_44 : memref<1x16384xf32, #tpu.memory_space<hbm>> -> memref<16384xf32, #tpu.memory_space<hbm>>
        %dma_start3A_46 = arith.constant 0 : i32
        %dma_start3A_47 = tpu.memref_slice %arg2[%mul3A_34, %dma_start3A_46] : memref<304x16384xf32, #tpu.memory_space<hbm>> -> memref<1x16384xf32, #tpu.memory_space<hbm>>
        %dma_start3A_48 = tpu.memref_squeeze %dma_start3A_47 : memref<1x16384xf32, #tpu.memory_space<hbm>> -> memref<16384xf32, #tpu.memory_space<hbm>>
        tpu.enqueue_dma source(%dma_start3A_48 : memref<16384xf32, #tpu.memory_space<hbm>>) target(%arg9 : memref<16384xf32, #tpu.memory_space<vmem>>) target_semaphore(%run_scoped3A : memref<!tpu.dma_semaphore, #tpu.memory_space<semaphore_mem>>)
        %dma_wait3A = arith.constant 0 : i32
        %dma_wait3A_49 = tpu.memref_slice %arg2[%mul3A_34, %dma_wait3A] : memref<304x16384xf32, #tpu.memory_space<hbm>> -> memref<1x16384xf32, #tpu.memory_space<hbm>>
        %dma_wait3A_50 = tpu.memref_squeeze %dma_wait3A_49 : memref<1x16384xf32, #tpu.memory_space<hbm>> -> memref<16384xf32, #tpu.memory_space<hbm>>
        %dma_wait3A_51 = arith.constant 0 : i32
        %dma_wait3A_52 = tpu.memref_slice %arg2[%mul3A_34, %dma_wait3A_51] : memref<304x16384xf32, #tpu.memory_space<hbm>> -> memref<1x16384xf32, #tpu.memory_space<hbm>>
        %dma_wait3A_53 = tpu.memref_squeeze %dma_wait3A_52 : memref<1x16384xf32, #tpu.memory_space<hbm>> -> memref<16384xf32, #tpu.memory_space<hbm>>
        tpu.wait_dma2 semaphore(%run_scoped3A : memref<!tpu.dma_semaphore, #tpu.memory_space<semaphore_mem>>) src(%dma_wait3A_53 : memref<16384xf32, #tpu.memory_space<hbm>>) dst(%arg9 : memref<16384xf32, #tpu.memory_space<vmem>>)
        tpu.yield
      }) : () -> ()
      %mul3A_35 = arith.constant 2 : i32
      %mul3A_36 = arith.muli %mul3A_35, %add3A_27 : i32
      %add3A_37 = arith.constant 1 : i32
      %add3A_38 = arith.addi %mul3A_36, %add3A_37 : i32
      "tpu.region"() ({
        %run_scoped3A = tpu.sem_alloc : memref<!tpu.dma_semaphore, #tpu.memory_space<semaphore_mem>>
        %dma_start3A = arith.constant 0 : i32
        %dma_start3A_44 = tpu.memref_slice %arg2[%add3A_38, %dma_start3A] : memref<304x16384xf32, #tpu.memory_space<hbm>> -> memref<1x16384xf32, #tpu.memory_space<hbm>>
        %dma_start3A_45 = tpu.memref_squeeze %dma_start3A_44 : memref<1x16384xf32, #tpu.memory_space<hbm>> -> memref<16384xf32, #tpu.memory_space<hbm>>
        %dma_start3A_46 = arith.constant 0 : i32
        %dma_start3A_47 = tpu.memref_slice %arg2[%add3A_38, %dma_start3A_46] : memref<304x16384xf32, #tpu.memory_space<hbm>> -> memref<1x16384xf32, #tpu.memory_space<hbm>>
        %dma_start3A_48 = tpu.memref_squeeze %dma_start3A_47 : memref<1x16384xf32, #tpu.memory_space<hbm>> -> memref<16384xf32, #tpu.memory_space<hbm>>
        tpu.enqueue_dma source(%dma_start3A_48 : memref<16384xf32, #tpu.memory_space<hbm>>) target(%arg10 : memref<16384xf32, #tpu.memory_space<vmem>>) target_semaphore(%run_scoped3A : memref<!tpu.dma_semaphore, #tpu.memory_space<semaphore_mem>>)
        %dma_wait3A = arith.constant 0 : i32
        %dma_wait3A_49 = tpu.memref_slice %arg2[%add3A_38, %dma_wait3A] : memref<304x16384xf32, #tpu.memory_space<hbm>> -> memref<1x16384xf32, #tpu.memory_space<hbm>>
        %dma_wait3A_50 = tpu.memref_squeeze %dma_wait3A_49 : memref<1x16384xf32, #tpu.memory_space<hbm>> -> memref<16384xf32, #tpu.memory_space<hbm>>
        %dma_wait3A_51 = arith.constant 0 : i32
        %dma_wait3A_52 = tpu.memref_slice %arg2[%add3A_38, %dma_wait3A_51] : memref<304x16384xf32, #tpu.memory_space<hbm>> -> memref<1x16384xf32, #tpu.memory_space<hbm>>
        %dma_wait3A_53 = tpu.memref_squeeze %dma_wait3A_52 : memref<1x16384xf32, #tpu.memory_space<hbm>> -> memref<16384xf32, #tpu.memory_space<hbm>>
        tpu.wait_dma2 semaphore(%run_scoped3A : memref<!tpu.dma_semaphore, #tpu.memory_space<semaphore_mem>>) src(%dma_wait3A_53 : memref<16384xf32, #tpu.memory_space<hbm>>) dst(%arg10 : memref<16384xf32, #tpu.memory_space<vmem>>)
        tpu.yield
      }) : () -> ()
      "tpu.region"() ({
        %run_scoped3A = tpu.sem_alloc : memref<!tpu.dma_semaphore, #tpu.memory_space<semaphore_mem>>
        %dma_start3A = arith.constant 0 : i32
        %dma_start3A_44 = arith.constant 0 : i32
        %dma_start3A_45 = tpu.memref_slice %arg3[%add3A_27, %dma_start3A, %dma_start3A_44] : memref<152x10x400xi32, #tpu.memory_space<hbm>> -> memref<1x10x400xi32, #tpu.memory_space<hbm>>
        %dma_start3A_46 = tpu.memref_squeeze %dma_start3A_45 : memref<1x10x400xi32, #tpu.memory_space<hbm>> -> memref<10x400xi32, #tpu.memory_space<hbm>>
        %dma_start3A_47 = arith.constant 0 : i32
        %dma_start3A_48 = arith.constant 0 : i32
        %dma_start3A_49 = tpu.memref_slice %arg3[%add3A_27, %dma_start3A_47, %dma_start3A_48] : memref<152x10x400xi32, #tpu.memory_space<hbm>> -> memref<1x10x400xi32, #tpu.memory_space<hbm>>
        %dma_start3A_50 = tpu.memref_squeeze %dma_start3A_49 : memref<1x10x400xi32, #tpu.memory_space<hbm>> -> memref<10x400xi32, #tpu.memory_space<hbm>>
        tpu.enqueue_dma source(%dma_start3A_50 : memref<10x400xi32, #tpu.memory_space<hbm>>) target(%arg11 : memref<10x400xi32, #tpu.memory_space<vmem>>) target_semaphore(%run_scoped3A : memref<!tpu.dma_semaphore, #tpu.memory_space<semaphore_mem>>)
        %dma_wait3A = arith.constant 0 : i32
        %dma_wait3A_51 = arith.constant 0 : i32
        %dma_wait3A_52 = tpu.memref_slice %arg3[%add3A_27, %dma_wait3A, %dma_wait3A_51] : memref<152x10x400xi32, #tpu.memory_space<hbm>> -> memref<1x10x400xi32, #tpu.memory_space<hbm>>
        %dma_wait3A_53 = tpu.memref_squeeze %dma_wait3A_52 : memref<1x10x400xi32, #tpu.memory_space<hbm>> -> memref<10x400xi32, #tpu.memory_space<hbm>>
        %dma_wait3A_54 = arith.constant 0 : i32
        %dma_wait3A_55 = arith.constant 0 : i32
        %dma_wait3A_56 = tpu.memref_slice %arg3[%add3A_27, %dma_wait3A_54, %dma_wait3A_55] : memref<152x10x400xi32, #tpu.memory_space<hbm>> -> memref<1x10x400xi32, #tpu.memory_space<hbm>>
        %dma_wait3A_57 = tpu.memref_squeeze %dma_wait3A_56 : memref<1x10x400xi32, #tpu.memory_space<hbm>> -> memref<10x400xi32, #tpu.memory_space<hbm>>
        tpu.wait_dma2 semaphore(%run_scoped3A : memref<!tpu.dma_semaphore, #tpu.memory_space<semaphore_mem>>) src(%dma_wait3A_57 : memref<10x400xi32, #tpu.memory_space<hbm>>) dst(%arg11 : memref<10x400xi32, #tpu.memory_space<vmem>>)
        tpu.yield
      }) : () -> ()
      "tpu.region"() ({
        %run_scoped3A = tpu.sem_alloc : memref<!tpu.dma_semaphore, #tpu.memory_space<semaphore_mem>>
        %dma_start3A = arith.constant 0 : i32
        %dma_start3A_44 = tpu.memref_slice %arg4[%add3A_27, %dma_start3A] : memref<152x400xf32, #tpu.memory_space<hbm>> -> memref<1x400xf32, #tpu.memory_space<hbm>>
        %dma_start3A_45 = tpu.memref_squeeze %dma_start3A_44 : memref<1x400xf32, #tpu.memory_space<hbm>> -> memref<400xf32, #tpu.memory_space<hbm>>
        %dma_start3A_46 = arith.constant 0 : i32
        %dma_start3A_47 = tpu.memref_slice %arg4[%add3A_27, %dma_start3A_46] : memref<152x400xf32, #tpu.memory_space<hbm>> -> memref<1x400xf32, #tpu.memory_space<hbm>>
        %dma_start3A_48 = tpu.memref_squeeze %dma_start3A_47 : memref<1x400xf32, #tpu.memory_space<hbm>> -> memref<400xf32, #tpu.memory_space<hbm>>
        tpu.enqueue_dma source(%dma_start3A_48 : memref<400xf32, #tpu.memory_space<hbm>>) target(%arg12 : memref<400xf32, #tpu.memory_space<vmem>>) target_semaphore(%run_scoped3A : memref<!tpu.dma_semaphore, #tpu.memory_space<semaphore_mem>>)
        %dma_wait3A = arith.constant 0 : i32
        %dma_wait3A_49 = tpu.memref_slice %arg4[%add3A_27, %dma_wait3A] : memref<152x400xf32, #tpu.memory_space<hbm>> -> memref<1x400xf32, #tpu.memory_space<hbm>>
        %dma_wait3A_50 = tpu.memref_squeeze %dma_wait3A_49 : memref<1x400xf32, #tpu.memory_space<hbm>> -> memref<400xf32, #tpu.memory_space<hbm>>
        %dma_wait3A_51 = arith.constant 0 : i32
        %dma_wait3A_52 = tpu.memref_slice %arg4[%add3A_27, %dma_wait3A_51] : memref<152x400xf32, #tpu.memory_space<hbm>> -> memref<1x400xf32, #tpu.memory_space<hbm>>
        %dma_wait3A_53 = tpu.memref_squeeze %dma_wait3A_52 : memref<1x400xf32, #tpu.memory_space<hbm>> -> memref<400xf32, #tpu.memory_space<hbm>>
        tpu.wait_dma2 semaphore(%run_scoped3A : memref<!tpu.dma_semaphore, #tpu.memory_space<semaphore_mem>>) src(%dma_wait3A_53 : memref<400xf32, #tpu.memory_space<hbm>>) dst(%arg12 : memref<400xf32, #tpu.memory_space<vmem>>)
        tpu.yield
      }) : () -> ()
      "tpu.region"() ({
        %run_scoped3A = tpu.sem_alloc : memref<!tpu.dma_semaphore, #tpu.memory_space<semaphore_mem>>
        %dma_start3A = arith.constant 0 : i32
        %dma_start3A_44 = tpu.memref_slice %arg5[%add3A_27, %dma_start3A] : memref<152x400xf32, #tpu.memory_space<hbm>> -> memref<1x400xf32, #tpu.memory_space<hbm>>
        %dma_start3A_45 = tpu.memref_squeeze %dma_start3A_44 : memref<1x400xf32, #tpu.memory_space<hbm>> -> memref<400xf32, #tpu.memory_space<hbm>>
        %dma_start3A_46 = arith.constant 0 : i32
        %dma_start3A_47 = tpu.memref_slice %arg5[%add3A_27, %dma_start3A_46] : memref<152x400xf32, #tpu.memory_space<hbm>> -> memref<1x400xf32, #tpu.memory_space<hbm>>
        %dma_start3A_48 = tpu.memref_squeeze %dma_start3A_47 : memref<1x400xf32, #tpu.memory_space<hbm>> -> memref<400xf32, #tpu.memory_space<hbm>>
        tpu.enqueue_dma source(%dma_start3A_48 : memref<400xf32, #tpu.memory_space<hbm>>) target(%arg13 : memref<400xf32, #tpu.memory_space<vmem>>) target_semaphore(%run_scoped3A : memref<!tpu.dma_semaphore, #tpu.memory_space<semaphore_mem>>)
        %dma_wait3A = arith.constant 0 : i32
        %dma_wait3A_49 = tpu.memref_slice %arg5[%add3A_27, %dma_wait3A] : memref<152x400xf32, #tpu.memory_space<hbm>> -> memref<1x400xf32, #tpu.memory_space<hbm>>
        %dma_wait3A_50 = tpu.memref_squeeze %dma_wait3A_49 : memref<1x400xf32, #tpu.memory_space<hbm>> -> memref<400xf32, #tpu.memory_space<hbm>>
        %dma_wait3A_51 = arith.constant 0 : i32
        %dma_wait3A_52 = tpu.memref_slice %arg5[%add3A_27, %dma_wait3A_51] : memref<152x400xf32, #tpu.memory_space<hbm>> -> memref<1x400xf32, #tpu.memory_space<hbm>>
        %dma_wait3A_53 = tpu.memref_squeeze %dma_wait3A_52 : memref<1x400xf32, #tpu.memory_space<hbm>> -> memref<400xf32, #tpu.memory_space<hbm>>
        tpu.wait_dma2 semaphore(%run_scoped3A : memref<!tpu.dma_semaphore, #tpu.memory_space<semaphore_mem>>) src(%dma_wait3A_53 : memref<400xf32, #tpu.memory_space<hbm>>) dst(%arg13 : memref<400xf32, #tpu.memory_space<vmem>>)
        tpu.yield
      }) : () -> ()
      "tpu.region"() ({
        %run_scoped3A = tpu.sem_alloc : memref<!tpu.dma_semaphore, #tpu.memory_space<semaphore_mem>>
        %dma_start3A = arith.constant 0 : i32
        %dma_start3A_44 = tpu.memref_slice %arg6[%add3A_27, %dma_start3A] : memref<152x400xf32, #tpu.memory_space<hbm>> -> memref<1x400xf32, #tpu.memory_space<hbm>>
        %dma_start3A_45 = tpu.memref_squeeze %dma_start3A_44 : memref<1x400xf32, #tpu.memory_space<hbm>> -> memref<400xf32, #tpu.memory_space<hbm>>
        %dma_start3A_46 = arith.constant 0 : i32
        %dma_start3A_47 = tpu.memref_slice %arg6[%add3A_27, %dma_start3A_46] : memref<152x400xf32, #tpu.memory_space<hbm>> -> memref<1x400xf32, #tpu.memory_space<hbm>>
        %dma_start3A_48 = tpu.memref_squeeze %dma_start3A_47 : memref<1x400xf32, #tpu.memory_space<hbm>> -> memref<400xf32, #tpu.memory_space<hbm>>
        tpu.enqueue_dma source(%dma_start3A_48 : memref<400xf32, #tpu.memory_space<hbm>>) target(%arg14 : memref<400xf32, #tpu.memory_space<vmem>>) target_semaphore(%run_scoped3A : memref<!tpu.dma_semaphore, #tpu.memory_space<semaphore_mem>>)
        %dma_wait3A = arith.constant 0 : i32
        %dma_wait3A_49 = tpu.memref_slice %arg6[%add3A_27, %dma_wait3A] : memref<152x400xf32, #tpu.memory_space<hbm>> -> memref<1x400xf32, #tpu.memory_space<hbm>>
        %dma_wait3A_50 = tpu.memref_squeeze %dma_wait3A_49 : memref<1x400xf32, #tpu.memory_space<hbm>> -> memref<400xf32, #tpu.memory_space<hbm>>
        %dma_wait3A_51 = arith.constant 0 : i32
        %dma_wait3A_52 = tpu.memref_slice %arg6[%add3A_27, %dma_wait3A_51] : memref<152x400xf32, #tpu.memory_space<hbm>> -> memref<1x400xf32, #tpu.memory_space<hbm>>
        %dma_wait3A_53 = tpu.memref_squeeze %dma_wait3A_52 : memref<1x400xf32, #tpu.memory_space<hbm>> -> memref<400xf32, #tpu.memory_space<hbm>>
        tpu.wait_dma2 semaphore(%run_scoped3A : memref<!tpu.dma_semaphore, #tpu.memory_space<semaphore_mem>>) src(%dma_wait3A_53 : memref<400xf32, #tpu.memory_space<hbm>>) dst(%arg14 : memref<400xf32, #tpu.memory_space<vmem>>)
        tpu.yield
      }) : () -> ()
      "tpu.region"() ({
        %run_scoped3A = tpu.sem_alloc : memref<!tpu.dma_semaphore, #tpu.memory_space<semaphore_mem>>
        %dma_start3A = arith.constant 0 : i32
        %dma_start3A_44 = tpu.memref_slice %arg7[%add3A_27, %dma_start3A] : memref<152x400xf32, #tpu.memory_space<hbm>> -> memref<1x400xf32, #tpu.memory_space<hbm>>
        %dma_start3A_45 = tpu.memref_squeeze %dma_start3A_44 : memref<1x400xf32, #tpu.memory_space<hbm>> -> memref<400xf32, #tpu.memory_space<hbm>>
        %dma_start3A_46 = arith.constant 0 : i32
        %dma_start3A_47 = tpu.memref_slice %arg7[%add3A_27, %dma_start3A_46] : memref<152x400xf32, #tpu.memory_space<hbm>> -> memref<1x400xf32, #tpu.memory_space<hbm>>
        %dma_start3A_48 = tpu.memref_squeeze %dma_start3A_47 : memref<1x400xf32, #tpu.memory_space<hbm>> -> memref<400xf32, #tpu.memory_space<hbm>>
        tpu.enqueue_dma source(%dma_start3A_48 : memref<400xf32, #tpu.memory_space<hbm>>) target(%arg15 : memref<400xf32, #tpu.memory_space<vmem>>) target_semaphore(%run_scoped3A : memref<!tpu.dma_semaphore, #tpu.memory_space<semaphore_mem>>)
        %dma_wait3A = arith.constant 0 : i32
        %dma_wait3A_49 = tpu.memref_slice %arg7[%add3A_27, %dma_wait3A] : memref<152x400xf32, #tpu.memory_space<hbm>> -> memref<1x400xf32, #tpu.memory_space<hbm>>
        %dma_wait3A_50 = tpu.memref_squeeze %dma_wait3A_49 : memref<1x400xf32, #tpu.memory_space<hbm>> -> memref<400xf32, #tpu.memory_space<hbm>>
        %dma_wait3A_51 = arith.constant 0 : i32
        %dma_wait3A_52 = tpu.memref_slice %arg7[%add3A_27, %dma_wait3A_51] : memref<152x400xf32, #tpu.memory_space<hbm>> -> memref<1x400xf32, #tpu.memory_space<hbm>>
        %dma_wait3A_53 = tpu.memref_squeeze %dma_wait3A_52 : memref<1x400xf32, #tpu.memory_space<hbm>> -> memref<400xf32, #tpu.memory_space<hbm>>
        tpu.wait_dma2 semaphore(%run_scoped3A : memref<!tpu.dma_semaphore, #tpu.memory_space<semaphore_mem>>) src(%dma_wait3A_53 : memref<400xf32, #tpu.memory_space<hbm>>) dst(%arg15 : memref<400xf32, #tpu.memory_space<vmem>>)
        tpu.yield
      }) : () -> ()
      %scan3A = arith.constant 0 : i32
      %scan3A_39 = arith.constant 0 : i32
      %scan3A_40 = arith.constant 25 : i32
      %scan3A_41 = arith.addi %scan3A_39, %scan3A_40 : i32
      %scan3A_42 = arith.constant 1 : i32
      scf.for %scan3A_44 = %scan3A_39 to %scan3A_41 step %scan3A_42  : i32 {
        %mul3A_45 = arith.constant 16 : i32
        %mul3A_46 = arith.muli %scan3A_44, %mul3A_45 : i32
        %multiple_of3A = tpu.assume_multiple %mul3A_46, 16 : i32
        %get3A = arith.index_cast %multiple_of3A : i32 to index
        %get3A_47 = tpu.vector_load %arg12[%get3A] {strides = array<i32>} : memref<400xf32, #tpu.memory_space<vmem>>, vector<16xf32>,
        %get3A_48 = arith.index_cast %multiple_of3A : i32 to index
        %get3A_49 = tpu.vector_load %arg13[%get3A_48] {strides = array<i32>} : memref<400xf32, #tpu.memory_space<vmem>>, vector<16xf32>,
        %get3A_50 = arith.index_cast %multiple_of3A : i32 to index
        %get3A_51 = tpu.vector_load %arg14[%get3A_50] {strides = array<i32>} : memref<400xf32, #tpu.memory_space<vmem>>, vector<16xf32>,
        %get3A_52 = arith.index_cast %multiple_of3A : i32 to index
        %get3A_53 = tpu.vector_load %arg15[%get3A_52] {strides = array<i32>} : memref<400xf32, #tpu.memory_space<vmem>>, vector<16xf32>,
        %broadcast_in_dim3A = arith.constant 0.000000e+00 : f32
        %broadcast_in_dim3A_54 = vector.broadcast %broadcast_in_dim3A : f32 to vector<16xf32>
        %broadcast_in_dim3A_55 = arith.constant 0.000000e+00 : f32
        %broadcast_in_dim3A_56 = vector.broadcast %broadcast_in_dim3A_55 : f32 to vector<16xf32>
        %get3A_57 = arith.constant 0 : i32
        %get3A_58 = arith.index_cast %get3A_57 : i32 to index
        %get3A_59 = arith.index_cast %multiple_of3A : i32 to index
        %get3A_60 = tpu.vector_load %arg11[%get3A_58, %get3A_59] {strides = array<i32>} : memref<10x400xi32, #tpu.memory_space<vmem>>, vector<16xi32>,
        %gather3A = tpu.vector_load_idx %arg9[%get3A_60] : memref<16384xf32, #tpu.memory_space<vmem>>[vector<16xi32>], vector<16xf32>,
        %gather3A_61 = tpu.vector_load_idx %arg10[%get3A_60] : memref<16384xf32, #tpu.memory_space<vmem>>[vector<16xi32>], vector<16xf32>,
        %mul3A_62 = arith.mulf %gather3A, %get3A_47 : vector<16xf32>
        %mul3A_63 = arith.mulf %gather3A_61, %get3A_49 : vector<16xf32>
        %add3A_64 = arith.addf %mul3A_62, %mul3A_63 : vector<16xf32>
        %add3A_65 = arith.addf %broadcast_in_dim3A_54, %add3A_64 : vector<16xf32>
        %gt3A = arith.constant 5.000000e-02 : f32
        %gt3A_66 = vector.broadcast %gt3A : f32 to vector<16xf32>
        %gt3A_67 = arith.cmpf ogt, %add3A_64, %gt3A_66 : vector<16xf32>
        %jit3A = arith.constant 1.000000e+00 : f32
        %jit3A_68 = arith.constant 0.000000e+00 : f32
        %broadcast_in_dim3A_69 = vector.broadcast %jit3A : f32 to vector<16xf32>
        %broadcast_in_dim3A_70 = vector.broadcast %jit3A_68 : f32 to vector<16xf32>
        %select_n3A = arith.select %gt3A_67, %broadcast_in_dim3A_69, %broadcast_in_dim3A_70 : vector<16xi1>, vector<16xf32>
        %add3A_71 = arith.addf %broadcast_in_dim3A_56, %select_n3A : vector<16xf32>
        %get3A_72 = arith.constant 1 : i32
        %get3A_73 = arith.index_cast %get3A_72 : i32 to index
        %get3A_74 = arith.index_cast %multiple_of3A : i32 to index
        %get3A_75 = tpu.vector_load %arg11[%get3A_73, %get3A_74] {strides = array<i32>} : memref<10x400xi32, #tpu.memory_space<vmem>>, vector<16xi32>,
        %gather3A_76 = tpu.vector_load_idx %arg9[%get3A_75] : memref<16384xf32, #tpu.memory_space<vmem>>[vector<16xi32>], vector<16xf32>,
        %gather3A_77 = tpu.vector_load_idx %arg10[%get3A_75] : memref<16384xf32, #tpu.memory_space<vmem>>[vector<16xi32>], vector<16xf32>,
        %mul3A_78 = arith.mulf %gather3A_76, %get3A_47 : vector<16xf32>
        %mul3A_79 = arith.mulf %gather3A_77, %get3A_49 : vector<16xf32>
        %add3A_80 = arith.addf %mul3A_78, %mul3A_79 : vector<16xf32>
        %add3A_81 = arith.addf %add3A_65, %add3A_80 : vector<16xf32>
        %gt3A_82 = arith.constant 5.000000e-02 : f32
        %gt3A_83 = vector.broadcast %gt3A_82 : f32 to vector<16xf32>
        %gt3A_84 = arith.cmpf ogt, %add3A_80, %gt3A_83 : vector<16xf32>
        %jit3A_85 = arith.constant 1.000000e+00 : f32
        %jit3A_86 = arith.constant 0.000000e+00 : f32
        %broadcast_in_dim3A_87 = vector.broadcast %jit3A_85 : f32 to vector<16xf32>
        %broadcast_in_dim3A_88 = vector.broadcast %jit3A_86 : f32 to vector<16xf32>
        %select_n3A_89 = arith.select %gt3A_84, %broadcast_in_dim3A_87, %broadcast_in_dim3A_88 : vector<16xi1>, vector<16xf32>
        %add3A_90 = arith.addf %add3A_71, %select_n3A_89 : vector<16xf32>
        %get3A_91 = arith.constant 2 : i32
        %get3A_92 = arith.index_cast %get3A_91 : i32 to index
        %get3A_93 = arith.index_cast %multiple_of3A : i32 to index
        %get3A_94 = tpu.vector_load %arg11[%get3A_92, %get3A_93] {strides = array<i32>} : memref<10x400xi32, #tpu.memory_space<vmem>>, vector<16xi32>,
        %gather3A_95 = tpu.vector_load_idx %arg9[%get3A_94] : memref<16384xf32, #tpu.memory_space<vmem>>[vector<16xi32>], vector<16xf32>,
        %gather3A_96 = tpu.vector_load_idx %arg10[%get3A_94] : memref<16384xf32, #tpu.memory_space<vmem>>[vector<16xi32>], vector<16xf32>,
        %mul3A_97 = arith.mulf %gather3A_95, %get3A_47 : vector<16xf32>
        %mul3A_98 = arith.mulf %gather3A_96, %get3A_49 : vector<16xf32>
        %add3A_99 = arith.addf %mul3A_97, %mul3A_98 : vector<16xf32>
        %add3A_100 = arith.addf %add3A_81, %add3A_99 : vector<16xf32>
        %gt3A_101 = arith.constant 5.000000e-02 : f32
        %gt3A_102 = vector.broadcast %gt3A_101 : f32 to vector<16xf32>
        %gt3A_103 = arith.cmpf ogt, %add3A_99, %gt3A_102 : vector<16xf32>
        %jit3A_104 = arith.constant 1.000000e+00 : f32
        %jit3A_105 = arith.constant 0.000000e+00 : f32
        %broadcast_in_dim3A_106 = vector.broadcast %jit3A_104 : f32 to vector<16xf32>
        %broadcast_in_dim3A_107 = vector.broadcast %jit3A_105 : f32 to vector<16xf32>
        %select_n3A_108 = arith.select %gt3A_103, %broadcast_in_dim3A_106, %broadcast_in_dim3A_107 : vector<16xi1>, vector<16xf32>
        %add3A_109 = arith.addf %add3A_90, %select_n3A_108 : vector<16xf32>
        %get3A_110 = arith.constant 3 : i32
        %get3A_111 = arith.index_cast %get3A_110 : i32 to index
        %get3A_112 = arith.index_cast %multiple_of3A : i32 to index
        %get3A_113 = tpu.vector_load %arg11[%get3A_111, %get3A_112] {strides = array<i32>} : memref<10x400xi32, #tpu.memory_space<vmem>>, vector<16xi32>,
        %gather3A_114 = tpu.vector_load_idx %arg9[%get3A_113] : memref<16384xf32, #tpu.memory_space<vmem>>[vector<16xi32>], vector<16xf32>,
        %gather3A_115 = tpu.vector_load_idx %arg10[%get3A_113] : memref<16384xf32, #tpu.memory_space<vmem>>[vector<16xi32>], vector<16xf32>,
        %mul3A_116 = arith.mulf %gather3A_114, %get3A_47 : vector<16xf32>
        %mul3A_117 = arith.mulf %gather3A_115, %get3A_49 : vector<16xf32>
        %add3A_118 = arith.addf %mul3A_116, %mul3A_117 : vector<16xf32>
        %add3A_119 = arith.addf %add3A_100, %add3A_118 : vector<16xf32>
        %gt3A_120 = arith.constant 5.000000e-02 : f32
        %gt3A_121 = vector.broadcast %gt3A_120 : f32 to vector<16xf32>
        %gt3A_122 = arith.cmpf ogt, %add3A_118, %gt3A_121 : vector<16xf32>
        %jit3A_123 = arith.constant 1.000000e+00 : f32
        %jit3A_124 = arith.constant 0.000000e+00 : f32
        %broadcast_in_dim3A_125 = vector.broadcast %jit3A_123 : f32 to vector<16xf32>
        %broadcast_in_dim3A_126 = vector.broadcast %jit3A_124 : f32 to vector<16xf32>
        %select_n3A_127 = arith.select %gt3A_122, %broadcast_in_dim3A_125, %broadcast_in_dim3A_126 : vector<16xi1>, vector<16xf32>
        %add3A_128 = arith.addf %add3A_109, %select_n3A_127 : vector<16xf32>
        %get3A_129 = arith.constant 4 : i32
        %get3A_130 = arith.index_cast %get3A_129 : i32 to index
        %get3A_131 = arith.index_cast %multiple_of3A : i32 to index
        %get3A_132 = tpu.vector_load %arg11[%get3A_130, %get3A_131] {strides = array<i32>} : memref<10x400xi32, #tpu.memory_space<vmem>>, vector<16xi32>,
        %gather3A_133 = tpu.vector_load_idx %arg9[%get3A_132] : memref<16384xf32, #tpu.memory_space<vmem>>[vector<16xi32>], vector<16xf32>,
        %gather3A_134 = tpu.vector_load_idx %arg10[%get3A_132] : memref<16384xf32, #tpu.memory_space<vmem>>[vector<16xi32>], vector<16xf32>,
        %mul3A_135 = arith.mulf %gather3A_133, %get3A_47 : vector<16xf32>
        %mul3A_136 = arith.mulf %gather3A_134, %get3A_49 : vector<16xf32>
        %add3A_137 = arith.addf %mul3A_135, %mul3A_136 : vector<16xf32>
        %add3A_138 = arith.addf %add3A_119, %add3A_137 : vector<16xf32>
        %gt3A_139 = arith.constant 5.000000e-02 : f32
        %gt3A_140 = vector.broadcast %gt3A_139 : f32 to vector<16xf32>
        %gt3A_141 = arith.cmpf ogt, %add3A_137, %gt3A_140 : vector<16xf32>
        %jit3A_142 = arith.constant 1.000000e+00 : f32
        %jit3A_143 = arith.constant 0.000000e+00 : f32
        %broadcast_in_dim3A_144 = vector.broadcast %jit3A_142 : f32 to vector<16xf32>
        %broadcast_in_dim3A_145 = vector.broadcast %jit3A_143 : f32 to vector<16xf32>
        %select_n3A_146 = arith.select %gt3A_141, %broadcast_in_dim3A_144, %broadcast_in_dim3A_145 : vector<16xi1>, vector<16xf32>
        %add3A_147 = arith.addf %add3A_128, %select_n3A_146 : vector<16xf32>
        %get3A_148 = arith.constant 5 : i32
        %get3A_149 = arith.index_cast %get3A_148 : i32 to index
        %get3A_150 = arith.index_cast %multiple_of3A : i32 to index
        %get3A_151 = tpu.vector_load %arg11[%get3A_149, %get3A_150] {strides = array<i32>} : memref<10x400xi32, #tpu.memory_space<vmem>>, vector<16xi32>,
        %gather3A_152 = tpu.vector_load_idx %arg9[%get3A_151] : memref<16384xf32, #tpu.memory_space<vmem>>[vector<16xi32>], vector<16xf32>,
        %gather3A_153 = tpu.vector_load_idx %arg10[%get3A_151] : memref<16384xf32, #tpu.memory_space<vmem>>[vector<16xi32>], vector<16xf32>,
        %mul3A_154 = arith.mulf %gather3A_152, %get3A_47 : vector<16xf32>
        %mul3A_155 = arith.mulf %gather3A_153, %get3A_49 : vector<16xf32>
        %add3A_156 = arith.addf %mul3A_154, %mul3A_155 : vector<16xf32>
        %add3A_157 = arith.addf %add3A_138, %add3A_156 : vector<16xf32>
        %gt3A_158 = arith.constant 5.000000e-02 : f32
        %gt3A_159 = vector.broadcast %gt3A_158 : f32 to vector<16xf32>
        %gt3A_160 = arith.cmpf ogt, %add3A_156, %gt3A_159 : vector<16xf32>
        %jit3A_161 = arith.constant 1.000000e+00 : f32
        %jit3A_162 = arith.constant 0.000000e+00 : f32
        %broadcast_in_dim3A_163 = vector.broadcast %jit3A_161 : f32 to vector<16xf32>
        %broadcast_in_dim3A_164 = vector.broadcast %jit3A_162 : f32 to vector<16xf32>
        %select_n3A_165 = arith.select %gt3A_160, %broadcast_in_dim3A_163, %broadcast_in_dim3A_164 : vector<16xi1>, vector<16xf32>
        %add3A_166 = arith.addf %add3A_147, %select_n3A_165 : vector<16xf32>
        %get3A_167 = arith.constant 6 : i32
        %get3A_168 = arith.index_cast %get3A_167 : i32 to index
        %get3A_169 = arith.index_cast %multiple_of3A : i32 to index
        %get3A_170 = tpu.vector_load %arg11[%get3A_168, %get3A_169] {strides = array<i32>} : memref<10x400xi32, #tpu.memory_space<vmem>>, vector<16xi32>,
        %gather3A_171 = tpu.vector_load_idx %arg9[%get3A_170] : memref<16384xf32, #tpu.memory_space<vmem>>[vector<16xi32>], vector<16xf32>,
        %gather3A_172 = tpu.vector_load_idx %arg10[%get3A_170] : memref<16384xf32, #tpu.memory_space<vmem>>[vector<16xi32>], vector<16xf32>,
        %mul3A_173 = arith.mulf %gather3A_171, %get3A_47 : vector<16xf32>
        %mul3A_174 = arith.mulf %gather3A_172, %get3A_49 : vector<16xf32>
        %add3A_175 = arith.addf %mul3A_173, %mul3A_174 : vector<16xf32>
        %add3A_176 = arith.addf %add3A_157, %add3A_175 : vector<16xf32>
        %gt3A_177 = arith.constant 5.000000e-02 : f32
        %gt3A_178 = vector.broadcast %gt3A_177 : f32 to vector<16xf32>
        %gt3A_179 = arith.cmpf ogt, %add3A_175, %gt3A_178 : vector<16xf32>
        %jit3A_180 = arith.constant 1.000000e+00 : f32
        %jit3A_181 = arith.constant 0.000000e+00 : f32
        %broadcast_in_dim3A_182 = vector.broadcast %jit3A_180 : f32 to vector<16xf32>
        %broadcast_in_dim3A_183 = vector.broadcast %jit3A_181 : f32 to vector<16xf32>
        %select_n3A_184 = arith.select %gt3A_179, %broadcast_in_dim3A_182, %broadcast_in_dim3A_183 : vector<16xi1>, vector<16xf32>
        %add3A_185 = arith.addf %add3A_166, %select_n3A_184 : vector<16xf32>
        %get3A_186 = arith.constant 7 : i32
        %get3A_187 = arith.index_cast %get3A_186 : i32 to index
        %get3A_188 = arith.index_cast %multiple_of3A : i32 to index
        %get3A_189 = tpu.vector_load %arg11[%get3A_187, %get3A_188] {strides = array<i32>} : memref<10x400xi32, #tpu.memory_space<vmem>>, vector<16xi32>,
        %gather3A_190 = tpu.vector_load_idx %arg9[%get3A_189] : memref<16384xf32, #tpu.memory_space<vmem>>[vector<16xi32>], vector<16xf32>,
        %gather3A_191 = tpu.vector_load_idx %arg10[%get3A_189] : memref<16384xf32, #tpu.memory_space<vmem>>[vector<16xi32>], vector<16xf32>,
        %mul3A_192 = arith.mulf %gather3A_190, %get3A_47 : vector<16xf32>
        %mul3A_193 = arith.mulf %gather3A_191, %get3A_49 : vector<16xf32>
        %add3A_194 = arith.addf %mul3A_192, %mul3A_193 : vector<16xf32>
        %add3A_195 = arith.addf %add3A_176, %add3A_194 : vector<16xf32>
        %gt3A_196 = arith.constant 5.000000e-02 : f32
        %gt3A_197 = vector.broadcast %gt3A_196 : f32 to vector<16xf32>
        %gt3A_198 = arith.cmpf ogt, %add3A_194, %gt3A_197 : vector<16xf32>
        %jit3A_199 = arith.constant 1.000000e+00 : f32
        %jit3A_200 = arith.constant 0.000000e+00 : f32
        %broadcast_in_dim3A_201 = vector.broadcast %jit3A_199 : f32 to vector<16xf32>
        %broadcast_in_dim3A_202 = vector.broadcast %jit3A_200 : f32 to vector<16xf32>
        %select_n3A_203 = arith.select %gt3A_198, %broadcast_in_dim3A_201, %broadcast_in_dim3A_202 : vector<16xi1>, vector<16xf32>
        %add3A_204 = arith.addf %add3A_185, %select_n3A_203 : vector<16xf32>
        %get3A_205 = arith.constant 8 : i32
        %get3A_206 = arith.index_cast %get3A_205 : i32 to index
        %get3A_207 = arith.index_cast %multiple_of3A : i32 to index
        %get3A_208 = tpu.vector_load %arg11[%get3A_206, %get3A_207] {strides = array<i32>} : memref<10x400xi32, #tpu.memory_space<vmem>>, vector<16xi32>,
        %gather3A_209 = tpu.vector_load_idx %arg9[%get3A_208] : memref<16384xf32, #tpu.memory_space<vmem>>[vector<16xi32>], vector<16xf32>,
        %gather3A_210 = tpu.vector_load_idx %arg10[%get3A_208] : memref<16384xf32, #tpu.memory_space<vmem>>[vector<16xi32>], vector<16xf32>,
        %mul3A_211 = arith.mulf %gather3A_209, %get3A_47 : vector<16xf32>
        %mul3A_212 = arith.mulf %gather3A_210, %get3A_49 : vector<16xf32>
        %add3A_213 = arith.addf %mul3A_211, %mul3A_212 : vector<16xf32>
        %add3A_214 = arith.addf %add3A_195, %add3A_213 : vector<16xf32>
        %gt3A_215 = arith.constant 5.000000e-02 : f32
        %gt3A_216 = vector.broadcast %gt3A_215 : f32 to vector<16xf32>
        %gt3A_217 = arith.cmpf ogt, %add3A_213, %gt3A_216 : vector<16xf32>
        %jit3A_218 = arith.constant 1.000000e+00 : f32
        %jit3A_219 = arith.constant 0.000000e+00 : f32
        %broadcast_in_dim3A_220 = vector.broadcast %jit3A_218 : f32 to vector<16xf32>
        %broadcast_in_dim3A_221 = vector.broadcast %jit3A_219 : f32 to vector<16xf32>
        %select_n3A_222 = arith.select %gt3A_217, %broadcast_in_dim3A_220, %broadcast_in_dim3A_221 : vector<16xi1>, vector<16xf32>
        %add3A_223 = arith.addf %add3A_204, %select_n3A_222 : vector<16xf32>
        %get3A_224 = arith.constant 9 : i32
        %get3A_225 = arith.index_cast %get3A_224 : i32 to index
        %get3A_226 = arith.index_cast %multiple_of3A : i32 to index
        %get3A_227 = tpu.vector_load %arg11[%get3A_225, %get3A_226] {strides = array<i32>} : memref<10x400xi32, #tpu.memory_space<vmem>>, vector<16xi32>,
        %gather3A_228 = tpu.vector_load_idx %arg9[%get3A_227] : memref<16384xf32, #tpu.memory_space<vmem>>[vector<16xi32>], vector<16xf32>,
        %gather3A_229 = tpu.vector_load_idx %arg10[%get3A_227] : memref<16384xf32, #tpu.memory_space<vmem>>[vector<16xi32>], vector<16xf32>,
        %mul3A_230 = arith.mulf %gather3A_228, %get3A_47 : vector<16xf32>
        %mul3A_231 = arith.mulf %gather3A_229, %get3A_49 : vector<16xf32>
        %add3A_232 = arith.addf %mul3A_230, %mul3A_231 : vector<16xf32>
        %add3A_233 = arith.addf %add3A_214, %add3A_232 : vector<16xf32>
        %gt3A_234 = arith.constant 5.000000e-02 : f32
        %gt3A_235 = vector.broadcast %gt3A_234 : f32 to vector<16xf32>
        %gt3A_236 = arith.cmpf ogt, %add3A_232, %gt3A_235 : vector<16xf32>
        %jit3A_237 = arith.constant 1.000000e+00 : f32
        %jit3A_238 = arith.constant 0.000000e+00 : f32
        %broadcast_in_dim3A_239 = vector.broadcast %jit3A_237 : f32 to vector<16xf32>
        %broadcast_in_dim3A_240 = vector.broadcast %jit3A_238 : f32 to vector<16xf32>
        %select_n3A_241 = arith.select %gt3A_236, %broadcast_in_dim3A_239, %broadcast_in_dim3A_240 : vector<16xi1>, vector<16xf32>
        %add3A_242 = arith.addf %add3A_223, %select_n3A_241 : vector<16xf32>
        %div3A = arith.constant 1.000000e+01 : f32
        %div3A_243 = vector.broadcast %div3A : f32 to vector<16xf32>
        %div3A_244 = arith.divf %add3A_233, %div3A_243 : vector<16xf32>
        %gt3A_245 = arith.constant 0.000000e+00 : f32
        %gt3A_246 = vector.broadcast %gt3A_245 : f32 to vector<16xf32>
        %gt3A_247 = arith.cmpf ogt, %div3A_244, %gt3A_246 : vector<16xf32>
        %gt3A_248 = arith.constant 8.000000e+00 : f32
        %gt3A_249 = vector.broadcast %gt3A_248 : f32 to vector<16xf32>
        %gt3A_250 = arith.cmpf ogt, %add3A_242, %gt3A_249 : vector<16xf32>
        %and3A = arith.andi %gt3A_247, %gt3A_250 : vector<16xi1>
        %gt3A_251 = arith.constant 5.000000e-01 : f32
        %gt3A_252 = vector.broadcast %gt3A_251 : f32 to vector<16xf32>
        %gt3A_253 = arith.cmpf ogt, %get3A_51, %gt3A_252 : vector<16xf32>
        %and3A_254 = arith.andi %and3A, %gt3A_253 : vector<16xi1>
        %add3A_255 = arith.addf %div3A_244, %get3A_53 : vector<16xf32>
        %jit3A_256 = arith.constant 0.000000e+00 : f32
        %broadcast_in_dim3A_257 = vector.broadcast %jit3A_256 : f32 to vector<16xf32>
        %select_n3A_258 = arith.select %and3A_254, %add3A_255, %broadcast_in_dim3A_257 : vector<16xi1>, vector<16xf32>
        %swap3A = arith.index_cast %multiple_of3A : i32 to index
        %swap3A_259 = tpu.vector_load %arg16[%swap3A] {strides = array<i32>} : memref<400xf32, #tpu.memory_space<vmem>>, vector<16xf32>,
        tpu.vector_store %arg16[%swap3A], %select_n3A_258 {strides = array<i32>} : memref<400xf32, #tpu.memory_space<vmem>>, vector<16xf32>,
      }
      %scan3A_43 = arith.constant 25 : i32
      "tpu.region"() ({
        %run_scoped3A = tpu.sem_alloc : memref<!tpu.dma_semaphore, #tpu.memory_space<semaphore_mem>>
        %dma_start3A = arith.constant 0 : i32
        %dma_start3A_44 = tpu.memref_slice %arg8[%add3A_27, %dma_start3A] : memref<152x400xf32, #tpu.memory_space<hbm>> -> memref<1x400xf32, #tpu.memory_space<hbm>>
        %dma_start3A_45 = tpu.memref_squeeze %dma_start3A_44 : memref<1x400xf32, #tpu.memory_space<hbm>> -> memref<400xf32, #tpu.memory_space<hbm>>
        %dma_start3A_46 = arith.constant 0 : i32
        %dma_start3A_47 = tpu.memref_slice %arg8[%add3A_27, %dma_start3A_46] : memref<152x400xf32, #tpu.memory_space<hbm>> -> memref<1x400xf32, #tpu.memory_space<hbm>>
        %dma_start3A_48 = tpu.memref_squeeze %dma_start3A_47 : memref<1x400xf32, #tpu.memory_space<hbm>> -> memref<400xf32, #tpu.memory_space<hbm>>
        tpu.enqueue_dma source(%arg16 : memref<400xf32, #tpu.memory_space<vmem>>) target(%dma_start3A_48 : memref<400xf32, #tpu.memory_space<hbm>>) target_semaphore(%run_scoped3A : memref<!tpu.dma_semaphore, #tpu.memory_space<semaphore_mem>>)
        %dma_wait3A = arith.constant 0 : i32
        %dma_wait3A_49 = tpu.memref_slice %arg8[%add3A_27, %dma_wait3A] : memref<152x400xf32, #tpu.memory_space<hbm>> -> memref<1x400xf32, #tpu.memory_space<hbm>>
        %dma_wait3A_50 = tpu.memref_squeeze %dma_wait3A_49 : memref<1x400xf32, #tpu.memory_space<hbm>> -> memref<400xf32, #tpu.memory_space<hbm>>
        %dma_wait3A_51 = arith.constant 0 : i32
        %dma_wait3A_52 = tpu.memref_slice %arg8[%add3A_27, %dma_wait3A_51] : memref<152x400xf32, #tpu.memory_space<hbm>> -> memref<1x400xf32, #tpu.memory_space<hbm>>
        %dma_wait3A_53 = tpu.memref_squeeze %dma_wait3A_52 : memref<1x400xf32, #tpu.memory_space<hbm>> -> memref<400xf32, #tpu.memory_space<hbm>>
        tpu.wait_dma2 semaphore(%run_scoped3A : memref<!tpu.dma_semaphore, #tpu.memory_space<semaphore_mem>>) src(%arg16 : memref<400xf32, #tpu.memory_space<vmem>>) dst(%dma_wait3A_53 : memref<400xf32, #tpu.memory_space<hbm>>)
        tpu.yield
      }) : () -> ()
    } else {
    }
    return
  }
}

module attributes {stable_mosaic.version = 14 : i64} {
  func.func @_peaks_body(%arg0: i32, %arg1: memref<8x128x128xf32, #tpu.memory_space<vmem>>, %arg2: memref<8x20xf32, #tpu.memory_space<vmem>>, %arg3: memref<8x20xf32, #tpu.memory_space<vmem>>, %arg4: memref<8x20xf32, #tpu.memory_space<vmem>>, %arg5: memref<8x20xf32, #tpu.memory_space<vmem>>, %arg6: memref<8x128x128xf32, #tpu.memory_space<vmem>>) attributes {dimension_semantics = [#tpu.dimension_semantics<arbitrary>], iteration_bounds = array<i64: 17>, scalar_prefetch = 0 : i64, scratch_operands = 1 : i64, tpu.core_type = #tpu.core_type<tc>, window_params = [{transform_indices = @transform_0, window_bounds = array<i64: 8, 128, 128>}, {transform_indices = @transform_1, window_bounds = array<i64: 8, 20>}, {transform_indices = @transform_2, window_bounds = array<i64: 8, 20>}, {transform_indices = @transform_3, window_bounds = array<i64: 8, 20>}, {transform_indices = @transform_4, window_bounds = array<i64: 8, 20>}]} {
    %get3A = arith.constant 0 : index
    %get3A_0 = arith.constant 0 : index
    %get3A_1 = arith.constant 0 : index
    %get3A_2 = vector.load %arg1[%get3A, %get3A_0, %get3A_1] : memref<8x128x128xf32, #tpu.memory_space<vmem>>, vector<8x128x128xf32>
    %broadcast_in_dim3A = arith.constant 0xFF800000 : f32
    %broadcast_in_dim3A_3 = vector.broadcast %broadcast_in_dim3A : f32 to vector<8x128x1xf32>
    %slice3A = vector.extract_strided_slice %get3A_2 {offsets = [0, 0, 1], sizes = [8, 128, 127], strides = [1, 1, 1]} : vector<8x128x128xf32> to vector<8x128x127xf32>
    %concatenate3A = tpu.concatenate %slice3A, %broadcast_in_dim3A_3 in 2 : vector<8x128x127xf32>, vector<8x128x1xf32> -> vector<8x128x128xf32>
    %slice3A_4 = vector.extract_strided_slice %get3A_2 {offsets = [0, 0, 0], sizes = [8, 128, 127], strides = [1, 1, 1]} : vector<8x128x128xf32> to vector<8x128x127xf32>
    %concatenate3A_5 = tpu.concatenate %broadcast_in_dim3A_3, %slice3A_4 in 2 : vector<8x128x1xf32>, vector<8x128x127xf32> -> vector<8x128x128xf32>
    %max3A = arith.maximumf %concatenate3A, %concatenate3A_5 : vector<8x128x128xf32>
    %max3A_6 = arith.maximumf %get3A_2, %max3A : vector<8x128x128xf32>
    %broadcast_in_dim3A_7 = arith.constant 0xFF800000 : f32
    %broadcast_in_dim3A_8 = vector.broadcast %broadcast_in_dim3A_7 : f32 to vector<8x1x128xf32>
    %slice3A_9 = vector.extract_strided_slice %max3A_6 {offsets = [0, 1, 0], sizes = [8, 127, 128], strides = [1, 1, 1]} : vector<8x128x128xf32> to vector<8x127x128xf32>
    %concatenate3A_10 = tpu.concatenate %slice3A_9, %broadcast_in_dim3A_8 in 1 : vector<8x127x128xf32>, vector<8x1x128xf32> -> vector<8x128x128xf32>
    %slice3A_11 = vector.extract_strided_slice %max3A_6 {offsets = [0, 0, 0], sizes = [8, 127, 128], strides = [1, 1, 1]} : vector<8x128x128xf32> to vector<8x127x128xf32>
    %concatenate3A_12 = tpu.concatenate %broadcast_in_dim3A_8, %slice3A_11 in 1 : vector<8x1x128xf32>, vector<8x127x128xf32> -> vector<8x128x128xf32>
    %max3A_13 = arith.maximumf %concatenate3A_10, %concatenate3A_12 : vector<8x128x128xf32>
    %max3A_14 = arith.maximumf %max3A_6, %max3A_13 : vector<8x128x128xf32>
    %eq3A = arith.cmpf oeq, %get3A_2, %max3A_14 : vector<8x128x128xf32>
    %gt3A = arith.constant 1.000000e-01 : f32
    %gt3A_15 = vector.broadcast %gt3A : f32 to vector<8x128x128xf32>
    %gt3A_16 = arith.cmpf ogt, %get3A_2, %gt3A_15 : vector<8x128x128xf32>
    %and3A = arith.andi %eq3A, %gt3A_16 : vector<8x128x128xi1>
    %jit3A = arith.constant -1.000000e+09 : f32
    %broadcast_in_dim3A_17 = vector.broadcast %jit3A : f32 to vector<8x128x128xf32>
    %select_n3A = arith.select %and3A, %get3A_2, %broadcast_in_dim3A_17 : vector<8x128x128xi1>, vector<8x128x128xf32>
    %swap3A = arith.constant 0 : index
    %swap3A_18 = arith.constant 0 : index
    %swap3A_19 = arith.constant 0 : index
    %swap3A_20 = vector.load %arg6[%swap3A, %swap3A_18, %swap3A_19] : memref<8x128x128xf32, #tpu.memory_space<vmem>>, vector<8x128x128xf32>
    tpu.vector_store %arg6[%swap3A, %swap3A_18, %swap3A_19], %select_n3A {strides = array<i32>} : memref<8x128x128xf32, #tpu.memory_space<vmem>>, vector<8x128x128xf32>,
    %reduce_max3A = arith.constant dense<0xFF800000> : vector<8x128xf32>
    %reduce_max3A_21 = vector.multi_reduction <maximumf>, %select_n3A, %reduce_max3A [2] : vector<8x128x128xf32> to vector<8x128xf32>
    %iota3A = tpu.iota {dimensions = array<i32: 1>} : vector<8x128xi32>
    %iota3A_22 = tpu.iota {dimensions = array<i32: 1>} : vector<8x128xi32>
    %iota3A_23 = tpu.iota {dimensions = array<i32: 1>} : vector<8x20xi32>
    %broadcast_in_dim3A_24 = arith.constant 0.000000e+00 : f32
    %broadcast_in_dim3A_25 = vector.broadcast %broadcast_in_dim3A_24 : f32 to vector<8x20xf32>
    %scan3A = arith.constant 1073741824 : i32
    %scan3A_26 = arith.constant 0 : i32
    %scan3A_27 = arith.constant 20 : i32
    %scan3A_28 = arith.addi %scan3A_26, %scan3A_27 : i32
    %scan3A_29 = arith.constant 1 : i32
    %scan3A_30:5 = scf.for %scan3A_44 = %scan3A_26 to %scan3A_28 step %scan3A_29 iter_args(%scan3A_45 = %reduce_max3A_21, %scan3A_46 = %broadcast_in_dim3A_25, %scan3A_47 = %broadcast_in_dim3A_25, %scan3A_48 = %broadcast_in_dim3A_25, %scan3A_49 = %broadcast_in_dim3A_25) -> (vector<8x128xf32>, vector<8x20xf32>, vector<8x20xf32>, vector<8x20xf32>, vector<8x20xf32>)  : i32 {
      %reduce_max3A_50 = arith.constant dense<0xFF800000> : vector<8xf32>
      %reduce_max3A_51 = vector.multi_reduction <maximumf>, %scan3A_45, %reduce_max3A_50 [1] : vector<8x128xf32> to vector<8xf32>
      %broadcast_in_dim3A_52 = vector.shape_cast %reduce_max3A_51 : vector<8xf32> to vector<8x1xf32>
      %eq3A_53 = vector.broadcast %broadcast_in_dim3A_52 : vector<8x1xf32> to vector<8x128xf32>
      %eq3A_54 = arith.cmpf oeq, %scan3A_45, %eq3A_53 : vector<8x128xf32>
      %broadcast_in_dim3A_55 = vector.broadcast %scan3A : i32 to vector<8x128xi32>
      %select_n3A_56 = arith.select %eq3A_54, %iota3A, %broadcast_in_dim3A_55 : vector<8x128xi1>, vector<8x128xi32>
      %reduce_min3A = arith.constant dense<2147483647> : vector<8xi32>
      %reduce_min3A_57 = vector.multi_reduction <minsi>, %select_n3A_56, %reduce_min3A [1] : vector<8x128xi32> to vector<8xi32>
      %broadcast_in_dim3A_58 = vector.shape_cast %reduce_min3A_57 : vector<8xi32> to vector<8x1xi32>
      %slice3A_59 = vector.extract_strided_slice %broadcast_in_dim3A_58 {offsets = [0, 0], sizes = [1, 1], strides = [1, 1]} : vector<8x1xi32> to vector<1x1xi32>
      %squeeze3A = vector.extract %slice3A_59[0, 0] : i32 from vector<1x1xi32>
      %get3A_60 = arith.constant 0 : index
      %get3A_61 = arith.index_cast %squeeze3A : i32 to index
      %get3A_62 = arith.constant 0 : index
      %get3A_63 = vector.load %arg6[%get3A_60, %get3A_61, %get3A_62] : memref<8x128x128xf32, #tpu.memory_space<vmem>>, vector<1x1x128xf32>
      %get3A_64 = vector.shape_cast %get3A_63 : vector<1x1x128xf32> to vector<1x128xf32>
      %add3A = arith.constant 1 : i32
      %add3A_65 = arith.addi %squeeze3A, %add3A : i32
      %min3A = arith.constant 127 : i32
      %min3A_66 = arith.minsi %add3A_65, %min3A : i32
      %get3A_67 = arith.constant 0 : index
      %get3A_68 = arith.index_cast %min3A_66 : i32 to index
      %get3A_69 = arith.constant 0 : index
      %get3A_70 = vector.load %arg1[%get3A_67, %get3A_68, %get3A_69] : memref<8x128x128xf32, #tpu.memory_space<vmem>>, vector<1x1x128xf32>
      %get3A_71 = vector.shape_cast %get3A_70 : vector<1x1x128xf32> to vector<1x128xf32>
      %sub3A = arith.constant 1 : i32
      %sub3A_72 = arith.subi %squeeze3A, %sub3A : i32
      %max3A_73 = arith.constant 0 : i32
      %max3A_74 = arith.maxsi %sub3A_72, %max3A_73 : i32
      %get3A_75 = arith.constant 0 : index
      %get3A_76 = arith.index_cast %max3A_74 : i32 to index
      %get3A_77 = arith.constant 0 : index
      %get3A_78 = vector.load %arg1[%get3A_75, %get3A_76, %get3A_77] : memref<8x128x128xf32, #tpu.memory_space<vmem>>, vector<1x1x128xf32>
      %get3A_79 = vector.shape_cast %get3A_78 : vector<1x1x128xf32> to vector<1x128xf32>
      %slice3A_80 = vector.extract_strided_slice %broadcast_in_dim3A_58 {offsets = [1, 0], sizes = [1, 1], strides = [1, 1]} : vector<8x1xi32> to vector<1x1xi32>
      %squeeze3A_81 = vector.extract %slice3A_80[0, 0] : i32 from vector<1x1xi32>
      %get3A_82 = arith.constant 1 : index
      %get3A_83 = arith.index_cast %squeeze3A_81 : i32 to index
      %get3A_84 = arith.constant 0 : index
      %get3A_85 = vector.load %arg6[%get3A_82, %get3A_83, %get3A_84] : memref<8x128x128xf32, #tpu.memory_space<vmem>>, vector<1x1x128xf32>
      %get3A_86 = vector.shape_cast %get3A_85 : vector<1x1x128xf32> to vector<1x128xf32>
      %add3A_87 = arith.constant 1 : i32
      %add3A_88 = arith.addi %squeeze3A_81, %add3A_87 : i32
      %min3A_89 = arith.constant 127 : i32
      %min3A_90 = arith.minsi %add3A_88, %min3A_89 : i32
      %get3A_91 = arith.constant 1 : index
      %get3A_92 = arith.index_cast %min3A_90 : i32 to index
      %get3A_93 = arith.constant 0 : index
      %get3A_94 = vector.load %arg1[%get3A_91, %get3A_92, %get3A_93] : memref<8x128x128xf32, #tpu.memory_space<vmem>>, vector<1x1x128xf32>
      %get3A_95 = vector.shape_cast %get3A_94 : vector<1x1x128xf32> to vector<1x128xf32>
      %sub3A_96 = arith.constant 1 : i32
      %sub3A_97 = arith.subi %squeeze3A_81, %sub3A_96 : i32
      %max3A_98 = arith.constant 0 : i32
      %max3A_99 = arith.maxsi %sub3A_97, %max3A_98 : i32
      %get3A_100 = arith.constant 1 : index
      %get3A_101 = arith.index_cast %max3A_99 : i32 to index
      %get3A_102 = arith.constant 0 : index
      %get3A_103 = vector.load %arg1[%get3A_100, %get3A_101, %get3A_102] : memref<8x128x128xf32, #tpu.memory_space<vmem>>, vector<1x1x128xf32>
      %get3A_104 = vector.shape_cast %get3A_103 : vector<1x1x128xf32> to vector<1x128xf32>
      %slice3A_105 = vector.extract_strided_slice %broadcast_in_dim3A_58 {offsets = [2, 0], sizes = [1, 1], strides = [1, 1]} : vector<8x1xi32> to vector<1x1xi32>
      %squeeze3A_106 = vector.extract %slice3A_105[0, 0] : i32 from vector<1x1xi32>
      %get3A_107 = arith.constant 2 : index
      %get3A_108 = arith.index_cast %squeeze3A_106 : i32 to index
      %get3A_109 = arith.constant 0 : index
      %get3A_110 = vector.load %arg6[%get3A_107, %get3A_108, %get3A_109] : memref<8x128x128xf32, #tpu.memory_space<vmem>>, vector<1x1x128xf32>
      %get3A_111 = vector.shape_cast %get3A_110 : vector<1x1x128xf32> to vector<1x128xf32>
      %add3A_112 = arith.constant 1 : i32
      %add3A_113 = arith.addi %squeeze3A_106, %add3A_112 : i32
      %min3A_114 = arith.constant 127 : i32
      %min3A_115 = arith.minsi %add3A_113, %min3A_114 : i32
      %get3A_116 = arith.constant 2 : index
      %get3A_117 = arith.index_cast %min3A_115 : i32 to index
      %get3A_118 = arith.constant 0 : index
      %get3A_119 = vector.load %arg1[%get3A_116, %get3A_117, %get3A_118] : memref<8x128x128xf32, #tpu.memory_space<vmem>>, vector<1x1x128xf32>
      %get3A_120 = vector.shape_cast %get3A_119 : vector<1x1x128xf32> to vector<1x128xf32>
      %sub3A_121 = arith.constant 1 : i32
      %sub3A_122 = arith.subi %squeeze3A_106, %sub3A_121 : i32
      %max3A_123 = arith.constant 0 : i32
      %max3A_124 = arith.maxsi %sub3A_122, %max3A_123 : i32
      %get3A_125 = arith.constant 2 : index
      %get3A_126 = arith.index_cast %max3A_124 : i32 to index
      %get3A_127 = arith.constant 0 : index
      %get3A_128 = vector.load %arg1[%get3A_125, %get3A_126, %get3A_127] : memref<8x128x128xf32, #tpu.memory_space<vmem>>, vector<1x1x128xf32>
      %get3A_129 = vector.shape_cast %get3A_128 : vector<1x1x128xf32> to vector<1x128xf32>
      %slice3A_130 = vector.extract_strided_slice %broadcast_in_dim3A_58 {offsets = [3, 0], sizes = [1, 1], strides = [1, 1]} : vector<8x1xi32> to vector<1x1xi32>
      %squeeze3A_131 = vector.extract %slice3A_130[0, 0] : i32 from vector<1x1xi32>
      %get3A_132 = arith.constant 3 : index
      %get3A_133 = arith.index_cast %squeeze3A_131 : i32 to index
      %get3A_134 = arith.constant 0 : index
      %get3A_135 = vector.load %arg6[%get3A_132, %get3A_133, %get3A_134] : memref<8x128x128xf32, #tpu.memory_space<vmem>>, vector<1x1x128xf32>
      %get3A_136 = vector.shape_cast %get3A_135 : vector<1x1x128xf32> to vector<1x128xf32>
      %add3A_137 = arith.constant 1 : i32
      %add3A_138 = arith.addi %squeeze3A_131, %add3A_137 : i32
      %min3A_139 = arith.constant 127 : i32
      %min3A_140 = arith.minsi %add3A_138, %min3A_139 : i32
      %get3A_141 = arith.constant 3 : index
      %get3A_142 = arith.index_cast %min3A_140 : i32 to index
      %get3A_143 = arith.constant 0 : index
      %get3A_144 = vector.load %arg1[%get3A_141, %get3A_142, %get3A_143] : memref<8x128x128xf32, #tpu.memory_space<vmem>>, vector<1x1x128xf32>
      %get3A_145 = vector.shape_cast %get3A_144 : vector<1x1x128xf32> to vector<1x128xf32>
      %sub3A_146 = arith.constant 1 : i32
      %sub3A_147 = arith.subi %squeeze3A_131, %sub3A_146 : i32
      %max3A_148 = arith.constant 0 : i32
      %max3A_149 = arith.maxsi %sub3A_147, %max3A_148 : i32
      %get3A_150 = arith.constant 3 : index
      %get3A_151 = arith.index_cast %max3A_149 : i32 to index
      %get3A_152 = arith.constant 0 : index
      %get3A_153 = vector.load %arg1[%get3A_150, %get3A_151, %get3A_152] : memref<8x128x128xf32, #tpu.memory_space<vmem>>, vector<1x1x128xf32>
      %get3A_154 = vector.shape_cast %get3A_153 : vector<1x1x128xf32> to vector<1x128xf32>
      %slice3A_155 = vector.extract_strided_slice %broadcast_in_dim3A_58 {offsets = [4, 0], sizes = [1, 1], strides = [1, 1]} : vector<8x1xi32> to vector<1x1xi32>
      %squeeze3A_156 = vector.extract %slice3A_155[0, 0] : i32 from vector<1x1xi32>
      %get3A_157 = arith.constant 4 : index
      %get3A_158 = arith.index_cast %squeeze3A_156 : i32 to index
      %get3A_159 = arith.constant 0 : index
      %get3A_160 = vector.load %arg6[%get3A_157, %get3A_158, %get3A_159] : memref<8x128x128xf32, #tpu.memory_space<vmem>>, vector<1x1x128xf32>
      %get3A_161 = vector.shape_cast %get3A_160 : vector<1x1x128xf32> to vector<1x128xf32>
      %add3A_162 = arith.constant 1 : i32
      %add3A_163 = arith.addi %squeeze3A_156, %add3A_162 : i32
      %min3A_164 = arith.constant 127 : i32
      %min3A_165 = arith.minsi %add3A_163, %min3A_164 : i32
      %get3A_166 = arith.constant 4 : index
      %get3A_167 = arith.index_cast %min3A_165 : i32 to index
      %get3A_168 = arith.constant 0 : index
      %get3A_169 = vector.load %arg1[%get3A_166, %get3A_167, %get3A_168] : memref<8x128x128xf32, #tpu.memory_space<vmem>>, vector<1x1x128xf32>
      %get3A_170 = vector.shape_cast %get3A_169 : vector<1x1x128xf32> to vector<1x128xf32>
      %sub3A_171 = arith.constant 1 : i32
      %sub3A_172 = arith.subi %squeeze3A_156, %sub3A_171 : i32
      %max3A_173 = arith.constant 0 : i32
      %max3A_174 = arith.maxsi %sub3A_172, %max3A_173 : i32
      %get3A_175 = arith.constant 4 : index
      %get3A_176 = arith.index_cast %max3A_174 : i32 to index
      %get3A_177 = arith.constant 0 : index
      %get3A_178 = vector.load %arg1[%get3A_175, %get3A_176, %get3A_177] : memref<8x128x128xf32, #tpu.memory_space<vmem>>, vector<1x1x128xf32>
      %get3A_179 = vector.shape_cast %get3A_178 : vector<1x1x128xf32> to vector<1x128xf32>
      %slice3A_180 = vector.extract_strided_slice %broadcast_in_dim3A_58 {offsets = [5, 0], sizes = [1, 1], strides = [1, 1]} : vector<8x1xi32> to vector<1x1xi32>
      %squeeze3A_181 = vector.extract %slice3A_180[0, 0] : i32 from vector<1x1xi32>
      %get3A_182 = arith.constant 5 : index
      %get3A_183 = arith.index_cast %squeeze3A_181 : i32 to index
      %get3A_184 = arith.constant 0 : index
      %get3A_185 = vector.load %arg6[%get3A_182, %get3A_183, %get3A_184] : memref<8x128x128xf32, #tpu.memory_space<vmem>>, vector<1x1x128xf32>
      %get3A_186 = vector.shape_cast %get3A_185 : vector<1x1x128xf32> to vector<1x128xf32>
      %add3A_187 = arith.constant 1 : i32
      %add3A_188 = arith.addi %squeeze3A_181, %add3A_187 : i32
      %min3A_189 = arith.constant 127 : i32
      %min3A_190 = arith.minsi %add3A_188, %min3A_189 : i32
      %get3A_191 = arith.constant 5 : index
      %get3A_192 = arith.index_cast %min3A_190 : i32 to index
      %get3A_193 = arith.constant 0 : index
      %get3A_194 = vector.load %arg1[%get3A_191, %get3A_192, %get3A_193] : memref<8x128x128xf32, #tpu.memory_space<vmem>>, vector<1x1x128xf32>
      %get3A_195 = vector.shape_cast %get3A_194 : vector<1x1x128xf32> to vector<1x128xf32>
      %sub3A_196 = arith.constant 1 : i32
      %sub3A_197 = arith.subi %squeeze3A_181, %sub3A_196 : i32
      %max3A_198 = arith.constant 0 : i32
      %max3A_199 = arith.maxsi %sub3A_197, %max3A_198 : i32
      %get3A_200 = arith.constant 5 : index
      %get3A_201 = arith.index_cast %max3A_199 : i32 to index
      %get3A_202 = arith.constant 0 : index
      %get3A_203 = vector.load %arg1[%get3A_200, %get3A_201, %get3A_202] : memref<8x128x128xf32, #tpu.memory_space<vmem>>, vector<1x1x128xf32>
      %get3A_204 = vector.shape_cast %get3A_203 : vector<1x1x128xf32> to vector<1x128xf32>
      %slice3A_205 = vector.extract_strided_slice %broadcast_in_dim3A_58 {offsets = [6, 0], sizes = [1, 1], strides = [1, 1]} : vector<8x1xi32> to vector<1x1xi32>
      %squeeze3A_206 = vector.extract %slice3A_205[0, 0] : i32 from vector<1x1xi32>
      %get3A_207 = arith.constant 6 : index
      %get3A_208 = arith.index_cast %squeeze3A_206 : i32 to index
      %get3A_209 = arith.constant 0 : index
      %get3A_210 = vector.load %arg6[%get3A_207, %get3A_208, %get3A_209] : memref<8x128x128xf32, #tpu.memory_space<vmem>>, vector<1x1x128xf32>
      %get3A_211 = vector.shape_cast %get3A_210 : vector<1x1x128xf32> to vector<1x128xf32>
      %add3A_212 = arith.constant 1 : i32
      %add3A_213 = arith.addi %squeeze3A_206, %add3A_212 : i32
      %min3A_214 = arith.constant 127 : i32
      %min3A_215 = arith.minsi %add3A_213, %min3A_214 : i32
      %get3A_216 = arith.constant 6 : index
      %get3A_217 = arith.index_cast %min3A_215 : i32 to index
      %get3A_218 = arith.constant 0 : index
      %get3A_219 = vector.load %arg1[%get3A_216, %get3A_217, %get3A_218] : memref<8x128x128xf32, #tpu.memory_space<vmem>>, vector<1x1x128xf32>
      %get3A_220 = vector.shape_cast %get3A_219 : vector<1x1x128xf32> to vector<1x128xf32>
      %sub3A_221 = arith.constant 1 : i32
      %sub3A_222 = arith.subi %squeeze3A_206, %sub3A_221 : i32
      %max3A_223 = arith.constant 0 : i32
      %max3A_224 = arith.maxsi %sub3A_222, %max3A_223 : i32
      %get3A_225 = arith.constant 6 : index
      %get3A_226 = arith.index_cast %max3A_224 : i32 to index
      %get3A_227 = arith.constant 0 : index
      %get3A_228 = vector.load %arg1[%get3A_225, %get3A_226, %get3A_227] : memref<8x128x128xf32, #tpu.memory_space<vmem>>, vector<1x1x128xf32>
      %get3A_229 = vector.shape_cast %get3A_228 : vector<1x1x128xf32> to vector<1x128xf32>
      %slice3A_230 = vector.extract_strided_slice %broadcast_in_dim3A_58 {offsets = [7, 0], sizes = [1, 1], strides = [1, 1]} : vector<8x1xi32> to vector<1x1xi32>
      %squeeze3A_231 = vector.extract %slice3A_230[0, 0] : i32 from vector<1x1xi32>
      %get3A_232 = arith.constant 7 : index
      %get3A_233 = arith.index_cast %squeeze3A_231 : i32 to index
      %get3A_234 = arith.constant 0 : index
      %get3A_235 = vector.load %arg6[%get3A_232, %get3A_233, %get3A_234] : memref<8x128x128xf32, #tpu.memory_space<vmem>>, vector<1x1x128xf32>
      %get3A_236 = vector.shape_cast %get3A_235 : vector<1x1x128xf32> to vector<1x128xf32>
      %add3A_237 = arith.constant 1 : i32
      %add3A_238 = arith.addi %squeeze3A_231, %add3A_237 : i32
      %min3A_239 = arith.constant 127 : i32
      %min3A_240 = arith.minsi %add3A_238, %min3A_239 : i32
      %get3A_241 = arith.constant 7 : index
      %get3A_242 = arith.index_cast %min3A_240 : i32 to index
      %get3A_243 = arith.constant 0 : index
      %get3A_244 = vector.load %arg1[%get3A_241, %get3A_242, %get3A_243] : memref<8x128x128xf32, #tpu.memory_space<vmem>>, vector<1x1x128xf32>
      %get3A_245 = vector.shape_cast %get3A_244 : vector<1x1x128xf32> to vector<1x128xf32>
      %sub3A_246 = arith.constant 1 : i32
      %sub3A_247 = arith.subi %squeeze3A_231, %sub3A_246 : i32
      %max3A_248 = arith.constant 0 : i32
      %max3A_249 = arith.maxsi %sub3A_247, %max3A_248 : i32
      %get3A_250 = arith.constant 7 : index
      %get3A_251 = arith.index_cast %max3A_249 : i32 to index
      %get3A_252 = arith.constant 0 : index
      %get3A_253 = vector.load %arg1[%get3A_250, %get3A_251, %get3A_252] : memref<8x128x128xf32, #tpu.memory_space<vmem>>, vector<1x1x128xf32>
      %get3A_254 = vector.shape_cast %get3A_253 : vector<1x1x128xf32> to vector<1x128xf32>
      %concatenate3A_255 = tpu.concatenate %get3A_64, %get3A_86, %get3A_111, %get3A_136, %get3A_161, %get3A_186, %get3A_211, %get3A_236 in 0 : vector<1x128xf32>, vector<1x128xf32>, vector<1x128xf32>, vector<1x128xf32>, vector<1x128xf32>, vector<1x128xf32>, vector<1x128xf32>, vector<1x128xf32> -> vector<8x128xf32>
      %concatenate3A_256 = tpu.concatenate %get3A_71, %get3A_95, %get3A_120, %get3A_145, %get3A_170, %get3A_195, %get3A_220, %get3A_245 in 0 : vector<1x128xf32>, vector<1x128xf32>, vector<1x128xf32>, vector<1x128xf32>, vector<1x128xf32>, vector<1x128xf32>, vector<1x128xf32>, vector<1x128xf32> -> vector<8x128xf32>
      %concatenate3A_257 = tpu.concatenate %get3A_79, %get3A_104, %get3A_129, %get3A_154, %get3A_179, %get3A_204, %get3A_229, %get3A_254 in 0 : vector<1x128xf32>, vector<1x128xf32>, vector<1x128xf32>, vector<1x128xf32>, vector<1x128xf32>, vector<1x128xf32>, vector<1x128xf32>, vector<1x128xf32> -> vector<8x128xf32>
      %eq3A_258 = vector.broadcast %broadcast_in_dim3A_52 : vector<8x1xf32> to vector<8x128xf32>
      %eq3A_259 = arith.cmpf oeq, %concatenate3A_255, %eq3A_258 : vector<8x128xf32>
      %broadcast_in_dim3A_260 = vector.broadcast %scan3A : i32 to vector<8x128xi32>
      %select_n3A_261 = arith.select %eq3A_259, %iota3A_22, %broadcast_in_dim3A_260 : vector<8x128xi1>, vector<8x128xi32>
      %reduce_min3A_262 = arith.constant dense<2147483647> : vector<8xi32>
      %reduce_min3A_263 = vector.multi_reduction <minsi>, %select_n3A_261, %reduce_min3A_262 [1] : vector<8x128xi32> to vector<8xi32>
      %broadcast_in_dim3A_264 = vector.shape_cast %reduce_min3A_263 : vector<8xi32> to vector<8x1xi32>
      %eq3A_265 = vector.broadcast %broadcast_in_dim3A_264 : vector<8x1xi32> to vector<8x128xi32>
      %eq3A_266 = arith.cmpi eq, %iota3A_22, %eq3A_265 : vector<8x128xi32>
      %jit3A_267 = arith.constant -2.000000e+09 : f32
      %broadcast_in_dim3A_268 = vector.broadcast %jit3A_267 : f32 to vector<8x128xf32>
      %select_n3A_269 = arith.select %eq3A_266, %broadcast_in_dim3A_268, %concatenate3A_255 : vector<8x128xi1>, vector<8x128xf32>
      %slice3A_270 = vector.extract_strided_slice %select_n3A_269 {offsets = [0, 0], sizes = [1, 128], strides = [1, 1]} : vector<8x128xf32> to vector<1x128xf32>
      %slice3A_271 = vector.extract_strided_slice %broadcast_in_dim3A_58 {offsets = [0, 0], sizes = [1, 1], strides = [1, 1]} : vector<8x1xi32> to vector<1x1xi32>
      %squeeze3A_272 = vector.extract %slice3A_271[0, 0] : i32 from vector<1x1xi32>
      %swap3A_273 = arith.constant 0 : index
      %swap3A_274 = arith.index_cast %squeeze3A_272 : i32 to index
      %swap3A_275 = arith.constant 0 : index
      %swap3A_276 = vector.load %arg6[%swap3A_273, %swap3A_274, %swap3A_275] : memref<8x128x128xf32, #tpu.memory_space<vmem>>, vector<1x1x128xf32>
      %swap3A_277 = vector.shape_cast %swap3A_276 : vector<1x1x128xf32> to vector<1x128xf32>
      %swap3A_278 = vector.shape_cast %slice3A_270 : vector<1x128xf32> to vector<1x1x128xf32>
      tpu.vector_store %arg6[%swap3A_273, %swap3A_274, %swap3A_275], %swap3A_278 {strides = array<i32>} : memref<8x128x128xf32, #tpu.memory_space<vmem>>, vector<1x1x128xf32>,
      %slice3A_279 = vector.extract_strided_slice %select_n3A_269 {offsets = [1, 0], sizes = [1, 128], strides = [1, 1]} : vector<8x128xf32> to vector<1x128xf32>
      %slice3A_280 = vector.extract_strided_slice %broadcast_in_dim3A_58 {offsets = [1, 0], sizes = [1, 1], strides = [1, 1]} : vector<8x1xi32> to vector<1x1xi32>
      %squeeze3A_281 = vector.extract %slice3A_280[0, 0] : i32 from vector<1x1xi32>
      %swap3A_282 = arith.constant 1 : index
      %swap3A_283 = arith.index_cast %squeeze3A_281 : i32 to index
      %swap3A_284 = arith.constant 0 : index
      %swap3A_285 = vector.load %arg6[%swap3A_282, %swap3A_283, %swap3A_284] : memref<8x128x128xf32, #tpu.memory_space<vmem>>, vector<1x1x128xf32>
      %swap3A_286 = vector.shape_cast %swap3A_285 : vector<1x1x128xf32> to vector<1x128xf32>
      %swap3A_287 = vector.shape_cast %slice3A_279 : vector<1x128xf32> to vector<1x1x128xf32>
      tpu.vector_store %arg6[%swap3A_282, %swap3A_283, %swap3A_284], %swap3A_287 {strides = array<i32>} : memref<8x128x128xf32, #tpu.memory_space<vmem>>, vector<1x1x128xf32>,
      %slice3A_288 = vector.extract_strided_slice %select_n3A_269 {offsets = [2, 0], sizes = [1, 128], strides = [1, 1]} : vector<8x128xf32> to vector<1x128xf32>
      %slice3A_289 = vector.extract_strided_slice %broadcast_in_dim3A_58 {offsets = [2, 0], sizes = [1, 1], strides = [1, 1]} : vector<8x1xi32> to vector<1x1xi32>
      %squeeze3A_290 = vector.extract %slice3A_289[0, 0] : i32 from vector<1x1xi32>
      %swap3A_291 = arith.constant 2 : index
      %swap3A_292 = arith.index_cast %squeeze3A_290 : i32 to index
      %swap3A_293 = arith.constant 0 : index
      %swap3A_294 = vector.load %arg6[%swap3A_291, %swap3A_292, %swap3A_293] : memref<8x128x128xf32, #tpu.memory_space<vmem>>, vector<1x1x128xf32>
      %swap3A_295 = vector.shape_cast %swap3A_294 : vector<1x1x128xf32> to vector<1x128xf32>
      %swap3A_296 = vector.shape_cast %slice3A_288 : vector<1x128xf32> to vector<1x1x128xf32>
      tpu.vector_store %arg6[%swap3A_291, %swap3A_292, %swap3A_293], %swap3A_296 {strides = array<i32>} : memref<8x128x128xf32, #tpu.memory_space<vmem>>, vector<1x1x128xf32>,
      %slice3A_297 = vector.extract_strided_slice %select_n3A_269 {offsets = [3, 0], sizes = [1, 128], strides = [1, 1]} : vector<8x128xf32> to vector<1x128xf32>
      %slice3A_298 = vector.extract_strided_slice %broadcast_in_dim3A_58 {offsets = [3, 0], sizes = [1, 1], strides = [1, 1]} : vector<8x1xi32> to vector<1x1xi32>
      %squeeze3A_299 = vector.extract %slice3A_298[0, 0] : i32 from vector<1x1xi32>
      %swap3A_300 = arith.constant 3 : index
      %swap3A_301 = arith.index_cast %squeeze3A_299 : i32 to index
      %swap3A_302 = arith.constant 0 : index
      %swap3A_303 = vector.load %arg6[%swap3A_300, %swap3A_301, %swap3A_302] : memref<8x128x128xf32, #tpu.memory_space<vmem>>, vector<1x1x128xf32>
      %swap3A_304 = vector.shape_cast %swap3A_303 : vector<1x1x128xf32> to vector<1x128xf32>
      %swap3A_305 = vector.shape_cast %slice3A_297 : vector<1x128xf32> to vector<1x1x128xf32>
      tpu.vector_store %arg6[%swap3A_300, %swap3A_301, %swap3A_302], %swap3A_305 {strides = array<i32>} : memref<8x128x128xf32, #tpu.memory_space<vmem>>, vector<1x1x128xf32>,
      %slice3A_306 = vector.extract_strided_slice %select_n3A_269 {offsets = [4, 0], sizes = [1, 128], strides = [1, 1]} : vector<8x128xf32> to vector<1x128xf32>
      %slice3A_307 = vector.extract_strided_slice %broadcast_in_dim3A_58 {offsets = [4, 0], sizes = [1, 1], strides = [1, 1]} : vector<8x1xi32> to vector<1x1xi32>
      %squeeze3A_308 = vector.extract %slice3A_307[0, 0] : i32 from vector<1x1xi32>
      %swap3A_309 = arith.constant 4 : index
      %swap3A_310 = arith.index_cast %squeeze3A_308 : i32 to index
      %swap3A_311 = arith.constant 0 : index
      %swap3A_312 = vector.load %arg6[%swap3A_309, %swap3A_310, %swap3A_311] : memref<8x128x128xf32, #tpu.memory_space<vmem>>, vector<1x1x128xf32>
      %swap3A_313 = vector.shape_cast %swap3A_312 : vector<1x1x128xf32> to vector<1x128xf32>
      %swap3A_314 = vector.shape_cast %slice3A_306 : vector<1x128xf32> to vector<1x1x128xf32>
      tpu.vector_store %arg6[%swap3A_309, %swap3A_310, %swap3A_311], %swap3A_314 {strides = array<i32>} : memref<8x128x128xf32, #tpu.memory_space<vmem>>, vector<1x1x128xf32>,
      %slice3A_315 = vector.extract_strided_slice %select_n3A_269 {offsets = [5, 0], sizes = [1, 128], strides = [1, 1]} : vector<8x128xf32> to vector<1x128xf32>
      %slice3A_316 = vector.extract_strided_slice %broadcast_in_dim3A_58 {offsets = [5, 0], sizes = [1, 1], strides = [1, 1]} : vector<8x1xi32> to vector<1x1xi32>
      %squeeze3A_317 = vector.extract %slice3A_316[0, 0] : i32 from vector<1x1xi32>
      %swap3A_318 = arith.constant 5 : index
      %swap3A_319 = arith.index_cast %squeeze3A_317 : i32 to index
      %swap3A_320 = arith.constant 0 : index
      %swap3A_321 = vector.load %arg6[%swap3A_318, %swap3A_319, %swap3A_320] : memref<8x128x128xf32, #tpu.memory_space<vmem>>, vector<1x1x128xf32>
      %swap3A_322 = vector.shape_cast %swap3A_321 : vector<1x1x128xf32> to vector<1x128xf32>
      %swap3A_323 = vector.shape_cast %slice3A_315 : vector<1x128xf32> to vector<1x1x128xf32>
      tpu.vector_store %arg6[%swap3A_318, %swap3A_319, %swap3A_320], %swap3A_323 {strides = array<i32>} : memref<8x128x128xf32, #tpu.memory_space<vmem>>, vector<1x1x128xf32>,
      %slice3A_324 = vector.extract_strided_slice %select_n3A_269 {offsets = [6, 0], sizes = [1, 128], strides = [1, 1]} : vector<8x128xf32> to vector<1x128xf32>
      %slice3A_325 = vector.extract_strided_slice %broadcast_in_dim3A_58 {offsets = [6, 0], sizes = [1, 1], strides = [1, 1]} : vector<8x1xi32> to vector<1x1xi32>
      %squeeze3A_326 = vector.extract %slice3A_325[0, 0] : i32 from vector<1x1xi32>
      %swap3A_327 = arith.constant 6 : index
      %swap3A_328 = arith.index_cast %squeeze3A_326 : i32 to index
      %swap3A_329 = arith.constant 0 : index
      %swap3A_330 = vector.load %arg6[%swap3A_327, %swap3A_328, %swap3A_329] : memref<8x128x128xf32, #tpu.memory_space<vmem>>, vector<1x1x128xf32>
      %swap3A_331 = vector.shape_cast %swap3A_330 : vector<1x1x128xf32> to vector<1x128xf32>
      %swap3A_332 = vector.shape_cast %slice3A_324 : vector<1x128xf32> to vector<1x1x128xf32>
      tpu.vector_store %arg6[%swap3A_327, %swap3A_328, %swap3A_329], %swap3A_332 {strides = array<i32>} : memref<8x128x128xf32, #tpu.memory_space<vmem>>, vector<1x1x128xf32>,
      %slice3A_333 = vector.extract_strided_slice %select_n3A_269 {offsets = [7, 0], sizes = [1, 128], strides = [1, 1]} : vector<8x128xf32> to vector<1x128xf32>
      %slice3A_334 = vector.extract_strided_slice %broadcast_in_dim3A_58 {offsets = [7, 0], sizes = [1, 1], strides = [1, 1]} : vector<8x1xi32> to vector<1x1xi32>
      %squeeze3A_335 = vector.extract %slice3A_334[0, 0] : i32 from vector<1x1xi32>
      %swap3A_336 = arith.constant 7 : index
      %swap3A_337 = arith.index_cast %squeeze3A_335 : i32 to index
      %swap3A_338 = arith.constant 0 : index
      %swap3A_339 = vector.load %arg6[%swap3A_336, %swap3A_337, %swap3A_338] : memref<8x128x128xf32, #tpu.memory_space<vmem>>, vector<1x1x128xf32>
      %swap3A_340 = vector.shape_cast %swap3A_339 : vector<1x1x128xf32> to vector<1x128xf32>
      %swap3A_341 = vector.shape_cast %slice3A_333 : vector<1x128xf32> to vector<1x1x128xf32>
      tpu.vector_store %arg6[%swap3A_336, %swap3A_337, %swap3A_338], %swap3A_341 {strides = array<i32>} : memref<8x128x128xf32, #tpu.memory_space<vmem>>, vector<1x1x128xf32>,
      %eq3A_342 = vector.broadcast %broadcast_in_dim3A_58 : vector<8x1xi32> to vector<8x128xi32>
      %eq3A_343 = arith.cmpi eq, %iota3A, %eq3A_342 : vector<8x128xi32>
      %reduce_max3A_344 = arith.constant dense<0xFF800000> : vector<8xf32>
      %reduce_max3A_345 = vector.multi_reduction <maximumf>, %select_n3A_269, %reduce_max3A_344 [1] : vector<8x128xf32> to vector<8xf32>
      %broadcast_in_dim3A_346 = vector.shape_cast %reduce_max3A_345 : vector<8xf32> to vector<8x1xf32>
      %broadcast_in_dim3A_347 = vector.shape_cast %broadcast_in_dim3A_346 : vector<8x1xf32> to vector<8x1xf32>
      %broadcast_in_dim3A_348 = vector.broadcast %broadcast_in_dim3A_347 : vector<8x1xf32> to vector<8x128xf32>
      %select_n3A_349 = arith.select %eq3A_343, %broadcast_in_dim3A_348, %scan3A_45 : vector<8x128xi1>, vector<8x128xf32>
      %slice3A_350 = vector.extract_strided_slice %broadcast_in_dim3A_58 {offsets = [0, 0], sizes = [1, 1], strides = [1, 1]} : vector<8x1xi32> to vector<1x1xi32>
      %squeeze3A_351 = vector.extract %slice3A_350[0, 0] : i32 from vector<1x1xi32>
      %get3A_352 = arith.constant 0 : index
      %get3A_353 = arith.index_cast %squeeze3A_351 : i32 to index
      %get3A_354 = arith.constant 0 : index
      %get3A_355 = vector.load %arg1[%get3A_352, %get3A_353, %get3A_354] : memref<8x128x128xf32, #tpu.memory_space<vmem>>, vector<1x1x128xf32>
      %get3A_356 = vector.shape_cast %get3A_355 : vector<1x1x128xf32> to vector<1x128xf32>
      %slice3A_357 = vector.extract_strided_slice %broadcast_in_dim3A_58 {offsets = [1, 0], sizes = [1, 1], strides = [1, 1]} : vector<8x1xi32> to vector<1x1xi32>
      %squeeze3A_358 = vector.extract %slice3A_357[0, 0] : i32 from vector<1x1xi32>
      %get3A_359 = arith.constant 1 : index
      %get3A_360 = arith.index_cast %squeeze3A_358 : i32 to index
      %get3A_361 = arith.constant 0 : index
      %get3A_362 = vector.load %arg1[%get3A_359, %get3A_360, %get3A_361] : memref<8x128x128xf32, #tpu.memory_space<vmem>>, vector<1x1x128xf32>
      %get3A_363 = vector.shape_cast %get3A_362 : vector<1x1x128xf32> to vector<1x128xf32>
      %slice3A_364 = vector.extract_strided_slice %broadcast_in_dim3A_58 {offsets = [2, 0], sizes = [1, 1], strides = [1, 1]} : vector<8x1xi32> to vector<1x1xi32>
      %squeeze3A_365 = vector.extract %slice3A_364[0, 0] : i32 from vector<1x1xi32>
      %get3A_366 = arith.constant 2 : index
      %get3A_367 = arith.index_cast %squeeze3A_365 : i32 to index
      %get3A_368 = arith.constant 0 : index
      %get3A_369 = vector.load %arg1[%get3A_366, %get3A_367, %get3A_368] : memref<8x128x128xf32, #tpu.memory_space<vmem>>, vector<1x1x128xf32>
      %get3A_370 = vector.shape_cast %get3A_369 : vector<1x1x128xf32> to vector<1x128xf32>
      %slice3A_371 = vector.extract_strided_slice %broadcast_in_dim3A_58 {offsets = [3, 0], sizes = [1, 1], strides = [1, 1]} : vector<8x1xi32> to vector<1x1xi32>
      %squeeze3A_372 = vector.extract %slice3A_371[0, 0] : i32 from vector<1x1xi32>
      %get3A_373 = arith.constant 3 : index
      %get3A_374 = arith.index_cast %squeeze3A_372 : i32 to index
      %get3A_375 = arith.constant 0 : index
      %get3A_376 = vector.load %arg1[%get3A_373, %get3A_374, %get3A_375] : memref<8x128x128xf32, #tpu.memory_space<vmem>>, vector<1x1x128xf32>
      %get3A_377 = vector.shape_cast %get3A_376 : vector<1x1x128xf32> to vector<1x128xf32>
      %slice3A_378 = vector.extract_strided_slice %broadcast_in_dim3A_58 {offsets = [4, 0], sizes = [1, 1], strides = [1, 1]} : vector<8x1xi32> to vector<1x1xi32>
      %squeeze3A_379 = vector.extract %slice3A_378[0, 0] : i32 from vector<1x1xi32>
      %get3A_380 = arith.constant 4 : index
      %get3A_381 = arith.index_cast %squeeze3A_379 : i32 to index
      %get3A_382 = arith.constant 0 : index
      %get3A_383 = vector.load %arg1[%get3A_380, %get3A_381, %get3A_382] : memref<8x128x128xf32, #tpu.memory_space<vmem>>, vector<1x1x128xf32>
      %get3A_384 = vector.shape_cast %get3A_383 : vector<1x1x128xf32> to vector<1x128xf32>
      %slice3A_385 = vector.extract_strided_slice %broadcast_in_dim3A_58 {offsets = [5, 0], sizes = [1, 1], strides = [1, 1]} : vector<8x1xi32> to vector<1x1xi32>
      %squeeze3A_386 = vector.extract %slice3A_385[0, 0] : i32 from vector<1x1xi32>
      %get3A_387 = arith.constant 5 : index
      %get3A_388 = arith.index_cast %squeeze3A_386 : i32 to index
      %get3A_389 = arith.constant 0 : index
      %get3A_390 = vector.load %arg1[%get3A_387, %get3A_388, %get3A_389] : memref<8x128x128xf32, #tpu.memory_space<vmem>>, vector<1x1x128xf32>
      %get3A_391 = vector.shape_cast %get3A_390 : vector<1x1x128xf32> to vector<1x128xf32>
      %slice3A_392 = vector.extract_strided_slice %broadcast_in_dim3A_58 {offsets = [6, 0], sizes = [1, 1], strides = [1, 1]} : vector<8x1xi32> to vector<1x1xi32>
      %squeeze3A_393 = vector.extract %slice3A_392[0, 0] : i32 from vector<1x1xi32>
      %get3A_394 = arith.constant 6 : index
      %get3A_395 = arith.index_cast %squeeze3A_393 : i32 to index
      %get3A_396 = arith.constant 0 : index
      %get3A_397 = vector.load %arg1[%get3A_394, %get3A_395, %get3A_396] : memref<8x128x128xf32, #tpu.memory_space<vmem>>, vector<1x1x128xf32>
      %get3A_398 = vector.shape_cast %get3A_397 : vector<1x1x128xf32> to vector<1x128xf32>
      %slice3A_399 = vector.extract_strided_slice %broadcast_in_dim3A_58 {offsets = [7, 0], sizes = [1, 1], strides = [1, 1]} : vector<8x1xi32> to vector<1x1xi32>
      %squeeze3A_400 = vector.extract %slice3A_399[0, 0] : i32 from vector<1x1xi32>
      %get3A_401 = arith.constant 7 : index
      %get3A_402 = arith.index_cast %squeeze3A_400 : i32 to index
      %get3A_403 = arith.constant 0 : index
      %get3A_404 = vector.load %arg1[%get3A_401, %get3A_402, %get3A_403] : memref<8x128x128xf32, #tpu.memory_space<vmem>>, vector<1x1x128xf32>
      %get3A_405 = vector.shape_cast %get3A_404 : vector<1x1x128xf32> to vector<1x128xf32>
      %concatenate3A_406 = tpu.concatenate %get3A_356, %get3A_363, %get3A_370, %get3A_377, %get3A_384, %get3A_391, %get3A_398, %get3A_405 in 0 : vector<1x128xf32>, vector<1x128xf32>, vector<1x128xf32>, vector<1x128xf32>, vector<1x128xf32>, vector<1x128xf32>, vector<1x128xf32>, vector<1x128xf32> -> vector<8x128xf32>
      %add3A_407 = arith.constant 1 : i32
      %add3A_408 = vector.broadcast %add3A_407 : i32 to vector<8x1xi32>
      %add3A_409 = arith.addi %broadcast_in_dim3A_264, %add3A_408 : vector<8x1xi32>
      %min3A_410 = arith.constant 127 : i32
      %min3A_411 = vector.broadcast %min3A_410 : i32 to vector<8x1xi32>
      %min3A_412 = arith.minsi %add3A_409, %min3A_411 : vector<8x1xi32>
      %sub3A_413 = arith.constant 1 : i32
      %sub3A_414 = vector.broadcast %sub3A_413 : i32 to vector<8x1xi32>
      %sub3A_415 = arith.subi %broadcast_in_dim3A_264, %sub3A_414 : vector<8x1xi32>
      %max3A_416 = arith.constant 0 : i32
      %max3A_417 = vector.broadcast %max3A_416 : i32 to vector<8x1xi32>
      %max3A_418 = arith.maxsi %sub3A_415, %max3A_417 : vector<8x1xi32>
      %eq3A_419 = vector.broadcast %broadcast_in_dim3A_264 : vector<8x1xi32> to vector<8x128xi32>
      %eq3A_420 = arith.cmpi eq, %iota3A_22, %eq3A_419 : vector<8x128xi32>
      %jit3A_421 = arith.constant 0.000000e+00 : f32
      %broadcast_in_dim3A_422 = vector.broadcast %jit3A_421 : f32 to vector<8x128xf32>
      %select_n3A_423 = arith.select %eq3A_420, %concatenate3A_406, %broadcast_in_dim3A_422 : vector<8x128xi1>, vector<8x128xf32>
      %reduce_sum3A = arith.constant dense<0.000000e+00> : vector<8xf32>
      %reduce_sum3A_424 = vector.multi_reduction <add>, %select_n3A_423, %reduce_sum3A [1] : vector<8x128xf32> to vector<8xf32>
      %broadcast_in_dim3A_425 = vector.shape_cast %reduce_sum3A_424 : vector<8xf32> to vector<8x1xf32>
      %eq3A_426 = vector.broadcast %min3A_412 : vector<8x1xi32> to vector<8x128xi32>
      %eq3A_427 = arith.cmpi eq, %iota3A_22, %eq3A_426 : vector<8x128xi32>
      %jit3A_428 = arith.constant 0.000000e+00 : f32
      %broadcast_in_dim3A_429 = vector.broadcast %jit3A_428 : f32 to vector<8x128xf32>
      %select_n3A_430 = arith.select %eq3A_427, %concatenate3A_406, %broadcast_in_dim3A_429 : vector<8x128xi1>, vector<8x128xf32>
      %reduce_sum3A_431 = arith.constant dense<0.000000e+00> : vector<8xf32>
      %reduce_sum3A_432 = vector.multi_reduction <add>, %select_n3A_430, %reduce_sum3A_431 [1] : vector<8x128xf32> to vector<8xf32>
      %broadcast_in_dim3A_433 = vector.shape_cast %reduce_sum3A_432 : vector<8xf32> to vector<8x1xf32>
      %eq3A_434 = vector.broadcast %max3A_418 : vector<8x1xi32> to vector<8x128xi32>
      %eq3A_435 = arith.cmpi eq, %iota3A_22, %eq3A_434 : vector<8x128xi32>
      %jit3A_436 = arith.constant 0.000000e+00 : f32
      %broadcast_in_dim3A_437 = vector.broadcast %jit3A_436 : f32 to vector<8x128xf32>
      %select_n3A_438 = arith.select %eq3A_435, %concatenate3A_406, %broadcast_in_dim3A_437 : vector<8x128xi1>, vector<8x128xf32>
      %reduce_sum3A_439 = arith.constant dense<0.000000e+00> : vector<8xf32>
      %reduce_sum3A_440 = vector.multi_reduction <add>, %select_n3A_438, %reduce_sum3A_439 [1] : vector<8x128xf32> to vector<8xf32>
      %broadcast_in_dim3A_441 = vector.shape_cast %reduce_sum3A_440 : vector<8xf32> to vector<8x1xf32>
      %eq3A_442 = vector.broadcast %broadcast_in_dim3A_264 : vector<8x1xi32> to vector<8x128xi32>
      %eq3A_443 = arith.cmpi eq, %iota3A_22, %eq3A_442 : vector<8x128xi32>
      %jit3A_444 = arith.constant 0.000000e+00 : f32
      %broadcast_in_dim3A_445 = vector.broadcast %jit3A_444 : f32 to vector<8x128xf32>
      %select_n3A_446 = arith.select %eq3A_443, %concatenate3A_256, %broadcast_in_dim3A_445 : vector<8x128xi1>, vector<8x128xf32>
      %reduce_sum3A_447 = arith.constant dense<0.000000e+00> : vector<8xf32>
      %reduce_sum3A_448 = vector.multi_reduction <add>, %select_n3A_446, %reduce_sum3A_447 [1] : vector<8x128xf32> to vector<8xf32>
      %broadcast_in_dim3A_449 = vector.shape_cast %reduce_sum3A_448 : vector<8xf32> to vector<8x1xf32>
      %eq3A_450 = vector.broadcast %broadcast_in_dim3A_264 : vector<8x1xi32> to vector<8x128xi32>
      %eq3A_451 = arith.cmpi eq, %iota3A_22, %eq3A_450 : vector<8x128xi32>
      %jit3A_452 = arith.constant 0.000000e+00 : f32
      %broadcast_in_dim3A_453 = vector.broadcast %jit3A_452 : f32 to vector<8x128xf32>
      %select_n3A_454 = arith.select %eq3A_451, %concatenate3A_257, %broadcast_in_dim3A_453 : vector<8x128xi1>, vector<8x128xf32>
      %reduce_sum3A_455 = arith.constant dense<0.000000e+00> : vector<8xf32>
      %reduce_sum3A_456 = vector.multi_reduction <add>, %select_n3A_454, %reduce_sum3A_455 [1] : vector<8x128xf32> to vector<8xf32>
      %broadcast_in_dim3A_457 = vector.shape_cast %reduce_sum3A_456 : vector<8xf32> to vector<8x1xf32>
      %sub3A_458 = arith.subf %broadcast_in_dim3A_433, %broadcast_in_dim3A_441 : vector<8x1xf32>
      %mul3A = arith.constant 5.000000e-01 : f32
      %mul3A_459 = vector.broadcast %mul3A : f32 to vector<8x1xf32>
      %mul3A_460 = arith.mulf %mul3A_459, %sub3A_458 : vector<8x1xf32>
      %sub3A_461 = arith.subf %broadcast_in_dim3A_449, %broadcast_in_dim3A_457 : vector<8x1xf32>
      %mul3A_462 = arith.constant 5.000000e-01 : f32
      %mul3A_463 = vector.broadcast %mul3A_462 : f32 to vector<8x1xf32>
      %mul3A_464 = arith.mulf %mul3A_463, %sub3A_461 : vector<8x1xf32>
      %add3A_465 = arith.addf %broadcast_in_dim3A_433, %broadcast_in_dim3A_441 : vector<8x1xf32>
      %mul3A_466 = arith.constant 2.000000e+00 : f32
      %mul3A_467 = vector.broadcast %mul3A_466 : f32 to vector<8x1xf32>
      %mul3A_468 = arith.mulf %mul3A_467, %broadcast_in_dim3A_425 : vector<8x1xf32>
      %sub3A_469 = arith.subf %add3A_465, %mul3A_468 : vector<8x1xf32>
      %add3A_470 = arith.addf %broadcast_in_dim3A_449, %broadcast_in_dim3A_457 : vector<8x1xf32>
      %mul3A_471 = arith.constant 2.000000e+00 : f32
      %mul3A_472 = vector.broadcast %mul3A_471 : f32 to vector<8x1xf32>
      %mul3A_473 = arith.mulf %mul3A_472, %broadcast_in_dim3A_425 : vector<8x1xf32>
      %sub3A_474 = arith.subf %add3A_470, %mul3A_473 : vector<8x1xf32>
      %abs3A = math.absf %sub3A_469 : vector<8x1xf32>
      %gt3A_475 = arith.constant 9.99999997E-7 : f32
      %gt3A_476 = vector.broadcast %gt3A_475 : f32 to vector<8x1xf32>
      %gt3A_477 = arith.cmpf ogt, %abs3A, %gt3A_476 : vector<8x1xf32>
      %abs3A_478 = math.absf %sub3A_474 : vector<8x1xf32>
      %gt3A_479 = arith.constant 9.99999997E-7 : f32
      %gt3A_480 = vector.broadcast %gt3A_479 : f32 to vector<8x1xf32>
      %gt3A_481 = arith.cmpf ogt, %abs3A_478, %gt3A_480 : vector<8x1xf32>
      %jit3A_482 = arith.constant 1.000000e+00 : f32
      %broadcast_in_dim3A_483 = vector.broadcast %jit3A_482 : f32 to vector<8x1xf32>
      %select_n3A_484 = arith.select %gt3A_477, %sub3A_469, %broadcast_in_dim3A_483 : vector<8x1xi1>, vector<8x1xf32>
      %neg3A = arith.constant 0.000000e+00 : f32
      %neg3A_485 = vector.broadcast %neg3A : f32 to vector<8x1xf32>
      %neg3A_486 = arith.subf %neg3A_485, %select_n3A_484 : vector<8x1xf32>
      %div3A = arith.divf %mul3A_460, %neg3A_486 : vector<8x1xf32>
      %select_n3A_487 = arith.select %gt3A_477, %div3A, %mul3A_460 : vector<8x1xi1>, vector<8x1xf32>
      %jit3A_488 = arith.constant 1.000000e+00 : f32
      %broadcast_in_dim3A_489 = vector.broadcast %jit3A_488 : f32 to vector<8x1xf32>
      %select_n3A_490 = arith.select %gt3A_481, %sub3A_474, %broadcast_in_dim3A_489 : vector<8x1xi1>, vector<8x1xf32>
      %neg3A_491 = arith.constant 0.000000e+00 : f32
      %neg3A_492 = vector.broadcast %neg3A_491 : f32 to vector<8x1xf32>
      %neg3A_493 = arith.subf %neg3A_492, %select_n3A_490 : vector<8x1xf32>
      %div3A_494 = arith.divf %mul3A_464, %neg3A_493 : vector<8x1xf32>
      %select_n3A_495 = arith.select %gt3A_481, %div3A_494, %mul3A_464 : vector<8x1xi1>, vector<8x1xf32>
      %gt3A_496 = arith.constant 0 : i32
      %gt3A_497 = vector.broadcast %gt3A_496 : i32 to vector<8x1xi32>
      %gt3A_498 = arith.cmpi sgt, %broadcast_in_dim3A_264, %gt3A_497 : vector<8x1xi32>
      %lt3A = arith.constant 127 : i32
      %lt3A_499 = vector.broadcast %lt3A : i32 to vector<8x1xi32>
      %lt3A_500 = arith.cmpi slt, %broadcast_in_dim3A_264, %lt3A_499 : vector<8x1xi32>
      %and3A_501 = arith.andi %gt3A_498, %lt3A_500 : vector<8x1xi1>
      %gt3A_502 = arith.constant 0 : i32
      %gt3A_503 = vector.broadcast %gt3A_502 : i32 to vector<8x1xi32>
      %gt3A_504 = arith.cmpi sgt, %broadcast_in_dim3A_58, %gt3A_503 : vector<8x1xi32>
      %and3A_505 = arith.andi %and3A_501, %gt3A_504 : vector<8x1xi1>
      %lt3A_506 = arith.constant 127 : i32
      %lt3A_507 = vector.broadcast %lt3A_506 : i32 to vector<8x1xi32>
      %lt3A_508 = arith.cmpi slt, %broadcast_in_dim3A_58, %lt3A_507 : vector<8x1xi32>
      %and3A_509 = arith.andi %and3A_505, %lt3A_508 : vector<8x1xi1>
      %convert_element_type3A = arith.sitofp %broadcast_in_dim3A_264 : vector<8x1xi32> to vector<8x1xf32>
      %jit3A_510 = arith.constant 0.000000e+00 : f32
      %broadcast_in_dim3A_511 = vector.broadcast %jit3A_510 : f32 to vector<8x1xf32>
      %select_n3A_512 = arith.select %and3A_509, %select_n3A_487, %broadcast_in_dim3A_511 : vector<8x1xi1>, vector<8x1xf32>
      %add3A_513 = arith.addf %convert_element_type3A, %select_n3A_512 : vector<8x1xf32>
      %convert_element_type3A_514 = arith.sitofp %broadcast_in_dim3A_58 : vector<8x1xi32> to vector<8x1xf32>
      %jit3A_515 = arith.constant 0.000000e+00 : f32
      %broadcast_in_dim3A_516 = vector.broadcast %jit3A_515 : f32 to vector<8x1xf32>
      %select_n3A_517 = arith.select %and3A_509, %select_n3A_495, %broadcast_in_dim3A_516 : vector<8x1xi1>, vector<8x1xf32>
      %add3A_518 = arith.addf %convert_element_type3A_514, %select_n3A_517 : vector<8x1xf32>
      %gt3A_519 = arith.constant 1.000000e-01 : f32
      %gt3A_520 = vector.broadcast %gt3A_519 : f32 to vector<8x1xf32>
      %gt3A_521 = arith.cmpf ogt, %broadcast_in_dim3A_52, %gt3A_520 : vector<8x1xf32>
      %eq3A_522 = vector.broadcast %scan3A_44 : i32 to vector<8x20xi32>
      %eq3A_523 = arith.cmpi eq, %iota3A_23, %eq3A_522 : vector<8x20xi32>
      %broadcast_in_dim3A_524 = vector.shape_cast %add3A_513 : vector<8x1xf32> to vector<8x1xf32>
      %broadcast_in_dim3A_525 = vector.broadcast %broadcast_in_dim3A_524 : vector<8x1xf32> to vector<8x20xf32>
      %select_n3A_526 = arith.select %eq3A_523, %broadcast_in_dim3A_525, %scan3A_46 : vector<8x20xi1>, vector<8x20xf32>
      %broadcast_in_dim3A_527 = vector.shape_cast %add3A_518 : vector<8x1xf32> to vector<8x1xf32>
      %broadcast_in_dim3A_528 = vector.broadcast %broadcast_in_dim3A_527 : vector<8x1xf32> to vector<8x20xf32>
      %select_n3A_529 = arith.select %eq3A_523, %broadcast_in_dim3A_528, %scan3A_47 : vector<8x20xi1>, vector<8x20xf32>
      %jit3A_530 = arith.constant 0.000000e+00 : f32
      %broadcast_in_dim3A_531 = vector.broadcast %jit3A_530 : f32 to vector<8x1xf32>
      %select_n3A_532 = arith.select %gt3A_521, %broadcast_in_dim3A_52, %broadcast_in_dim3A_531 : vector<8x1xi1>, vector<8x1xf32>
      %broadcast_in_dim3A_533 = vector.shape_cast %select_n3A_532 : vector<8x1xf32> to vector<8x1xf32>
      %broadcast_in_dim3A_534 = vector.broadcast %broadcast_in_dim3A_533 : vector<8x1xf32> to vector<8x20xf32>
      %select_n3A_535 = arith.select %eq3A_523, %broadcast_in_dim3A_534, %scan3A_48 : vector<8x20xi1>, vector<8x20xf32>
      %jit3A_536 = arith.constant 1.000000e+00 : f32
      %jit3A_537 = arith.constant 0.000000e+00 : f32
      %broadcast_in_dim3A_538 = vector.broadcast %jit3A_536 : f32 to vector<8x1xf32>
      %broadcast_in_dim3A_539 = vector.broadcast %jit3A_537 : f32 to vector<8x1xf32>
      %select_n3A_540 = arith.select %gt3A_521, %broadcast_in_dim3A_538, %broadcast_in_dim3A_539 : vector<8x1xi1>, vector<8x1xf32>
      %broadcast_in_dim3A_541 = vector.shape_cast %select_n3A_540 : vector<8x1xf32> to vector<8x1xf32>
      %broadcast_in_dim3A_542 = vector.broadcast %broadcast_in_dim3A_541 : vector<8x1xf32> to vector<8x20xf32>
      %select_n3A_543 = arith.select %eq3A_523, %broadcast_in_dim3A_542, %scan3A_49 : vector<8x20xi1>, vector<8x20xf32>
      scf.yield %select_n3A_349, %select_n3A_526, %select_n3A_529, %select_n3A_535, %select_n3A_543 : vector<8x128xf32>, vector<8x20xf32>, vector<8x20xf32>, vector<8x20xf32>, vector<8x20xf32>
    }
    %scan3A_31 = arith.constant 20 : i32
    %swap3A_32 = arith.constant 0 : index
    %swap3A_33 = arith.constant 0 : index
    %swap3A_34 = vector.load %arg2[%swap3A_32, %swap3A_33] : memref<8x20xf32, #tpu.memory_space<vmem>>, vector<8x20xf32>
    tpu.vector_store %arg2[%swap3A_32, %swap3A_33], %scan3A_30#1 {strides = array<i32>} : memref<8x20xf32, #tpu.memory_space<vmem>>, vector<8x20xf32>,
    %swap3A_35 = arith.constant 0 : index
    %swap3A_36 = arith.constant 0 : index
    %swap3A_37 = vector.load %arg3[%swap3A_35, %swap3A_36] : memref<8x20xf32, #tpu.memory_space<vmem>>, vector<8x20xf32>
    tpu.vector_store %arg3[%swap3A_35, %swap3A_36], %scan3A_30#2 {strides = array<i32>} : memref<8x20xf32, #tpu.memory_space<vmem>>, vector<8x20xf32>,
    %swap3A_38 = arith.constant 0 : index
    %swap3A_39 = arith.constant 0 : index
    %swap3A_40 = vector.load %arg4[%swap3A_38, %swap3A_39] : memref<8x20xf32, #tpu.memory_space<vmem>>, vector<8x20xf32>
    tpu.vector_store %arg4[%swap3A_38, %swap3A_39], %scan3A_30#3 {strides = array<i32>} : memref<8x20xf32, #tpu.memory_space<vmem>>, vector<8x20xf32>,
    %swap3A_41 = arith.constant 0 : index
    %swap3A_42 = arith.constant 0 : index
    %swap3A_43 = vector.load %arg5[%swap3A_41, %swap3A_42] : memref<8x20xf32, #tpu.memory_space<vmem>>, vector<8x20xf32>
    tpu.vector_store %arg5[%swap3A_41, %swap3A_42], %scan3A_30#4 {strides = array<i32>} : memref<8x20xf32, #tpu.memory_space<vmem>>, vector<8x20xf32>,
    return
  }
  func.func @transform_0(%arg0: i32) -> (i32, i32, i32) {
    %c0_i32 = arith.constant 0 : i32
    %c0_i32_0 = arith.constant 0 : i32
    %c0_i32_1 = arith.constant 0 : i32
    return %arg0, %c0_i32, %c0_i32_0 : i32, i32, i32
  }
  func.func @transform_1(%arg0: i32) -> (i32, i32) {
    %c0_i32 = arith.constant 0 : i32
    %c0_i32_0 = arith.constant 0 : i32
    return %arg0, %c0_i32 : i32, i32
  }
  func.func @transform_2(%arg0: i32) -> (i32, i32) {
    %c0_i32 = arith.constant 0 : i32
    %c0_i32_0 = arith.constant 0 : i32
    return %arg0, %c0_i32 : i32, i32
  }
  func.func @transform_3(%arg0: i32) -> (i32, i32) {
    %c0_i32 = arith.constant 0 : i32
    %c0_i32_0 = arith.constant 0 : i32
    return %arg0, %c0_i32 : i32, i32
  }
  func.func @transform_4(%arg0: i32) -> (i32, i32) {
    %c0_i32 = arith.constant 0 : i32
    %c0_i32_0 = arith.constant 0 : i32
    return %arg0, %c0_i32 : i32, i32
  }
}

module attributes {stable_mosaic.version = 14 : i64} {
  func.func @_geom_body(%arg0: i32, %arg1: memref<8x20xf32, #tpu.memory_space<vmem>>, %arg2: memref<8x20xf32, #tpu.memory_space<vmem>>, %arg3: memref<8x20xf32, #tpu.memory_space<vmem>>, %arg4: memref<8x20xf32, #tpu.memory_space<vmem>>, %arg5: memref<8x20xf32, #tpu.memory_space<vmem>>, %arg6: memref<8x20xf32, #tpu.memory_space<vmem>>, %arg7: memref<8x20xf32, #tpu.memory_space<vmem>>, %arg8: memref<8x20xf32, #tpu.memory_space<vmem>>, %arg9: memref<1x1x16xf32, #tpu.memory_space<vmem>>, %arg10: memref<8x10x20x20xi32, #tpu.memory_space<vmem>>, %arg11: memref<8x20x20xf32, #tpu.memory_space<vmem>>, %arg12: memref<8x20x20xf32, #tpu.memory_space<vmem>>, %arg13: memref<8x20x20xf32, #tpu.memory_space<vmem>>, %arg14: memref<8x20x20xf32, #tpu.memory_space<vmem>>) attributes {dimension_semantics = [#tpu.dimension_semantics<arbitrary>], iteration_bounds = array<i64: 19>, scalar_prefetch = 0 : i64, scratch_operands = 0 : i64, tpu.core_type = #tpu.core_type<tc>, window_params = [{transform_indices = @transform_0, window_bounds = array<i64: 8, 20>}, {transform_indices = @transform_1, window_bounds = array<i64: 8, 20>}, {transform_indices = @transform_2, window_bounds = array<i64: 8, 20>}, {transform_indices = @transform_3, window_bounds = array<i64: 8, 20>}, {transform_indices = @transform_4, window_bounds = array<i64: 8, 20>}, {transform_indices = @transform_5, window_bounds = array<i64: 8, 20>}, {transform_indices = @transform_6, window_bounds = array<i64: 8, 20>}, {transform_indices = @transform_7, window_bounds = array<i64: 8, 20>}, {pipeline_mode = #tpu.pipeline_mode<synchronous>, transform_indices = @transform_8, window_bounds = array<i64: 1, 1, 16>}, {transform_indices = @transform_9, window_bounds = array<i64: 8, 10, 20, 20>}, {transform_indices = @transform_10, window_bounds = array<i64: 8, 20, 20>}, {transform_indices = @transform_11, window_bounds = array<i64: 8, 20, 20>}, {transform_indices = @transform_12, window_bounds = array<i64: 8, 20, 20>}, {transform_indices = @transform_13, window_bounds = array<i64: 8, 20, 20>}]} {
    %get3A = arith.constant 0 : index
    %get3A_0 = arith.constant 0 : index
    %get3A_1 = vector.load %arg1[%get3A, %get3A_0] : memref<8x20xf32, #tpu.memory_space<vmem>>, vector<8x20xf32>
    %broadcast_in_dim3A = vector.shape_cast %get3A_1 : vector<8x20xf32> to vector<8x20x1xf32>
    %broadcast_in_dim3A_2 = vector.shape_cast %broadcast_in_dim3A : vector<8x20x1xf32> to vector<8x20x1xf32>
    %broadcast_in_dim3A_3 = vector.broadcast %broadcast_in_dim3A_2 : vector<8x20x1xf32> to vector<8x20x20xf32>
    %get3A_4 = arith.constant 0 : index
    %get3A_5 = arith.constant 0 : index
    %get3A_6 = vector.load %arg2[%get3A_4, %get3A_5] : memref<8x20xf32, #tpu.memory_space<vmem>>, vector<8x20xf32>
    %broadcast_in_dim3A_7 = vector.shape_cast %get3A_6 : vector<8x20xf32> to vector<8x20x1xf32>
    %broadcast_in_dim3A_8 = vector.shape_cast %broadcast_in_dim3A_7 : vector<8x20x1xf32> to vector<8x20x1xf32>
    %broadcast_in_dim3A_9 = vector.broadcast %broadcast_in_dim3A_8 : vector<8x20x1xf32> to vector<8x20x20xf32>
    %get3A_10 = arith.constant 0 : index
    %get3A_11 = arith.constant 0 : index
    %get3A_12 = vector.load %arg5[%get3A_10, %get3A_11] : memref<8x20xf32, #tpu.memory_space<vmem>>, vector<8x20xf32>
    %broadcast_in_dim3A_13 = vector.shape_cast %get3A_12 : vector<8x20xf32> to vector<8x1x20xf32>
    %broadcast_in_dim3A_14 = vector.shape_cast %broadcast_in_dim3A_13 : vector<8x1x20xf32> to vector<8x1x20xf32>
    %broadcast_in_dim3A_15 = vector.broadcast %broadcast_in_dim3A_14 : vector<8x1x20xf32> to vector<8x20x20xf32>
    %get3A_16 = arith.constant 0 : index
    %get3A_17 = arith.constant 0 : index
    %get3A_18 = vector.load %arg6[%get3A_16, %get3A_17] : memref<8x20xf32, #tpu.memory_space<vmem>>, vector<8x20xf32>
    %broadcast_in_dim3A_19 = vector.shape_cast %get3A_18 : vector<8x20xf32> to vector<8x1x20xf32>
    %broadcast_in_dim3A_20 = vector.shape_cast %broadcast_in_dim3A_19 : vector<8x1x20xf32> to vector<8x1x20xf32>
    %broadcast_in_dim3A_21 = vector.broadcast %broadcast_in_dim3A_20 : vector<8x1x20xf32> to vector<8x20x20xf32>
    %sub3A = arith.subf %broadcast_in_dim3A_15, %broadcast_in_dim3A_3 : vector<8x20x20xf32>
    %sub3A_22 = arith.subf %broadcast_in_dim3A_21, %broadcast_in_dim3A_9 : vector<8x20x20xf32>
    %mul3A = arith.mulf %sub3A, %sub3A : vector<8x20x20xf32>
    %mul3A_23 = arith.mulf %sub3A_22, %sub3A_22 : vector<8x20x20xf32>
    %add3A = arith.addf %mul3A, %mul3A_23 : vector<8x20x20xf32>
    %add3A_24 = arith.constant 9.99999996E-13 : f32
    %add3A_25 = vector.broadcast %add3A_24 : f32 to vector<8x20x20xf32>
    %add3A_26 = arith.addf %add3A, %add3A_25 : vector<8x20x20xf32>
    %sqrt3A = math.sqrt %add3A_26 : vector<8x20x20xf32>
    %add3A_27 = arith.constant 9.99999993E-9 : f32
    %add3A_28 = vector.broadcast %add3A_27 : f32 to vector<8x20x20xf32>
    %add3A_29 = arith.addf %sqrt3A, %add3A_28 : vector<8x20x20xf32>
    %div3A = arith.divf %sub3A, %add3A_29 : vector<8x20x20xf32>
    %swap3A = arith.constant 0 : index
    %swap3A_30 = arith.constant 0 : index
    %swap3A_31 = arith.constant 0 : index
    %swap3A_32 = vector.load %arg11[%swap3A, %swap3A_30, %swap3A_31] : memref<8x20x20xf32, #tpu.memory_space<vmem>>, vector<8x20x20xf32>
    tpu.vector_store %arg11[%swap3A, %swap3A_30, %swap3A_31], %div3A {strides = array<i32>} : memref<8x20x20xf32, #tpu.memory_space<vmem>>, vector<8x20x20xf32>,
    %div3A_33 = arith.divf %sub3A_22, %add3A_29 : vector<8x20x20xf32>
    %swap3A_34 = arith.constant 0 : index
    %swap3A_35 = arith.constant 0 : index
    %swap3A_36 = arith.constant 0 : index
    %swap3A_37 = vector.load %arg12[%swap3A_34, %swap3A_35, %swap3A_36] : memref<8x20x20xf32, #tpu.memory_space<vmem>>, vector<8x20x20xf32>
    tpu.vector_store %arg12[%swap3A_34, %swap3A_35, %swap3A_36], %div3A_33 {strides = array<i32>} : memref<8x20x20xf32, #tpu.memory_space<vmem>>, vector<8x20x20xf32>,
    %get3A_38 = arith.constant 0 : index
    %get3A_39 = arith.constant 0 : index
    %get3A_40 = vector.load %arg4[%get3A_38, %get3A_39] : memref<8x20xf32, #tpu.memory_space<vmem>>, vector<8x20xf32>
    %broadcast_in_dim3A_41 = vector.shape_cast %get3A_40 : vector<8x20xf32> to vector<8x20x1xf32>
    %broadcast_in_dim3A_42 = vector.shape_cast %broadcast_in_dim3A_41 : vector<8x20x1xf32> to vector<8x20x1xf32>
    %broadcast_in_dim3A_43 = vector.broadcast %broadcast_in_dim3A_42 : vector<8x20x1xf32> to vector<8x20x20xf32>
    %get3A_44 = arith.constant 0 : index
    %get3A_45 = arith.constant 0 : index
    %get3A_46 = vector.load %arg8[%get3A_44, %get3A_45] : memref<8x20xf32, #tpu.memory_space<vmem>>, vector<8x20xf32>
    %broadcast_in_dim3A_47 = vector.shape_cast %get3A_46 : vector<8x20xf32> to vector<8x1x20xf32>
    %broadcast_in_dim3A_48 = vector.shape_cast %broadcast_in_dim3A_47 : vector<8x1x20xf32> to vector<8x1x20xf32>
    %broadcast_in_dim3A_49 = vector.broadcast %broadcast_in_dim3A_48 : vector<8x1x20xf32> to vector<8x20x20xf32>
    %mul3A_50 = arith.mulf %broadcast_in_dim3A_43, %broadcast_in_dim3A_49 : vector<8x20x20xf32>
    %swap3A_51 = arith.constant 0 : index
    %swap3A_52 = arith.constant 0 : index
    %swap3A_53 = arith.constant 0 : index
    %swap3A_54 = vector.load %arg13[%swap3A_51, %swap3A_52, %swap3A_53] : memref<8x20x20xf32, #tpu.memory_space<vmem>>, vector<8x20x20xf32>
    tpu.vector_store %arg13[%swap3A_51, %swap3A_52, %swap3A_53], %mul3A_50 {strides = array<i32>} : memref<8x20x20xf32, #tpu.memory_space<vmem>>, vector<8x20x20xf32>,
    %get3A_55 = arith.constant 0 : index
    %get3A_56 = arith.constant 0 : index
    %get3A_57 = vector.load %arg3[%get3A_55, %get3A_56] : memref<8x20xf32, #tpu.memory_space<vmem>>, vector<8x20xf32>
    %broadcast_in_dim3A_58 = vector.shape_cast %get3A_57 : vector<8x20xf32> to vector<8x20x1xf32>
    %broadcast_in_dim3A_59 = vector.shape_cast %broadcast_in_dim3A_58 : vector<8x20x1xf32> to vector<8x20x1xf32>
    %broadcast_in_dim3A_60 = vector.broadcast %broadcast_in_dim3A_59 : vector<8x20x1xf32> to vector<8x20x20xf32>
    %get3A_61 = arith.constant 0 : index
    %get3A_62 = arith.constant 0 : index
    %get3A_63 = vector.load %arg7[%get3A_61, %get3A_62] : memref<8x20xf32, #tpu.memory_space<vmem>>, vector<8x20xf32>
    %broadcast_in_dim3A_64 = vector.shape_cast %get3A_63 : vector<8x20xf32> to vector<8x1x20xf32>
    %broadcast_in_dim3A_65 = vector.shape_cast %broadcast_in_dim3A_64 : vector<8x1x20xf32> to vector<8x1x20xf32>
    %broadcast_in_dim3A_66 = vector.broadcast %broadcast_in_dim3A_65 : vector<8x1x20xf32> to vector<8x20x20xf32>
    %add3A_67 = arith.addf %broadcast_in_dim3A_60, %broadcast_in_dim3A_66 : vector<8x20x20xf32>
    %mul3A_68 = arith.constant 5.000000e-01 : f32
    %mul3A_69 = vector.broadcast %mul3A_68 : f32 to vector<8x20x20xf32>
    %mul3A_70 = arith.mulf %mul3A_69, %add3A_67 : vector<8x20x20xf32>
    %swap3A_71 = arith.constant 0 : index
    %swap3A_72 = arith.constant 0 : index
    %swap3A_73 = arith.constant 0 : index
    %swap3A_74 = vector.load %arg14[%swap3A_71, %swap3A_72, %swap3A_73] : memref<8x20x20xf32, #tpu.memory_space<vmem>>, vector<8x20x20xf32>
    tpu.vector_store %arg14[%swap3A_71, %swap3A_72, %swap3A_73], %mul3A_70 {strides = array<i32>} : memref<8x20x20xf32, #tpu.memory_space<vmem>>, vector<8x20x20xf32>,
    %get3A_75 = arith.constant 0 : index
    %get3A_76 = arith.constant 0 : index
    %get3A_77 = arith.constant 0 : index
    %get3A_78 = vector.load %arg9[%get3A_75, %get3A_76, %get3A_77] : memref<1x1x16xf32, #tpu.memory_space<vmem>>, vector<1x1x1xf32>
    %get3A_79 = vector.extract %get3A_78[0, 0, 0] : f32 from vector<1x1x1xf32>
    %mul3A_80 = vector.broadcast %get3A_79 : f32 to vector<8x20x20xf32>
    %mul3A_81 = arith.mulf %sub3A, %mul3A_80 : vector<8x20x20xf32>
    %add3A_82 = arith.addf %broadcast_in_dim3A_3, %mul3A_81 : vector<8x20x20xf32>
    %mul3A_83 = vector.broadcast %get3A_79 : f32 to vector<8x20x20xf32>
    %mul3A_84 = arith.mulf %sub3A_22, %mul3A_83 : vector<8x20x20xf32>
    %add3A_85 = arith.addf %broadcast_in_dim3A_9, %mul3A_84 : vector<8x20x20xf32>
    %round3A = math.roundeven %add3A_82 : vector<8x20x20xf32>
    %convert_element_type3A = arith.fptosi %round3A : vector<8x20x20xf32> to vector<8x20x20xi32>
    %jit3A = arith.constant 0 : i32
    %jit3A_86 = arith.constant 127 : i32
    %max3A = vector.broadcast %jit3A : i32 to vector<8x20x20xi32>
    %max3A_87 = arith.maxsi %max3A, %convert_element_type3A : vector<8x20x20xi32>
    %min3A = vector.broadcast %jit3A_86 : i32 to vector<8x20x20xi32>
    %min3A_88 = arith.minsi %min3A, %max3A_87 : vector<8x20x20xi32>
    %round3A_89 = math.roundeven %add3A_85 : vector<8x20x20xf32>
    %convert_element_type3A_90 = arith.fptosi %round3A_89 : vector<8x20x20xf32> to vector<8x20x20xi32>
    %jit3A_91 = arith.constant 0 : i32
    %jit3A_92 = arith.constant 127 : i32
    %max3A_93 = vector.broadcast %jit3A_91 : i32 to vector<8x20x20xi32>
    %max3A_94 = arith.maxsi %max3A_93, %convert_element_type3A_90 : vector<8x20x20xi32>
    %min3A_95 = vector.broadcast %jit3A_92 : i32 to vector<8x20x20xi32>
    %min3A_96 = arith.minsi %min3A_95, %max3A_94 : vector<8x20x20xi32>
    %mul3A_97 = arith.constant 128 : i32
    %mul3A_98 = vector.broadcast %mul3A_97 : i32 to vector<8x20x20xi32>
    %mul3A_99 = arith.muli %min3A_96, %mul3A_98 : vector<8x20x20xi32>
    %add3A_100 = arith.addi %mul3A_99, %min3A_88 : vector<8x20x20xi32>
    %swap3A_101 = arith.constant 0 : index
    %swap3A_102 = arith.constant 0 : index
    %swap3A_103 = arith.constant 0 : index
    %swap3A_104 = arith.constant 0 : index
    %swap3A_105 = vector.load %arg10[%swap3A_101, %swap3A_102, %swap3A_103, %swap3A_104] : memref<8x10x20x20xi32, #tpu.memory_space<vmem>>, vector<8x1x20x20xi32>
    %swap3A_106 = vector.shape_cast %swap3A_105 : vector<8x1x20x20xi32> to vector<8x20x20xi32>
    %swap3A_107 = vector.shape_cast %add3A_100 : vector<8x20x20xi32> to vector<8x1x20x20xi32>
    tpu.vector_store %arg10[%swap3A_101, %swap3A_102, %swap3A_103, %swap3A_104], %swap3A_107 {strides = array<i32>} : memref<8x10x20x20xi32, #tpu.memory_space<vmem>>, vector<8x1x20x20xi32>,
    %get3A_108 = arith.constant 0 : index
    %get3A_109 = arith.constant 0 : index
    %get3A_110 = arith.constant 1 : index
    %get3A_111 = vector.load %arg9[%get3A_108, %get3A_109, %get3A_110] : memref<1x1x16xf32, #tpu.memory_space<vmem>>, vector<1x1x1xf32>
    %get3A_112 = vector.extract %get3A_111[0, 0, 0] : f32 from vector<1x1x1xf32>
    %mul3A_113 = vector.broadcast %get3A_112 : f32 to vector<8x20x20xf32>
    %mul3A_114 = arith.mulf %sub3A, %mul3A_113 : vector<8x20x20xf32>
    %add3A_115 = arith.addf %broadcast_in_dim3A_3, %mul3A_114 : vector<8x20x20xf32>
    %mul3A_116 = vector.broadcast %get3A_112 : f32 to vector<8x20x20xf32>
    %mul3A_117 = arith.mulf %sub3A_22, %mul3A_116 : vector<8x20x20xf32>
    %add3A_118 = arith.addf %broadcast_in_dim3A_9, %mul3A_117 : vector<8x20x20xf32>
    %round3A_119 = math.roundeven %add3A_115 : vector<8x20x20xf32>
    %convert_element_type3A_120 = arith.fptosi %round3A_119 : vector<8x20x20xf32> to vector<8x20x20xi32>
    %jit3A_121 = arith.constant 0 : i32
    %jit3A_122 = arith.constant 127 : i32
    %max3A_123 = vector.broadcast %jit3A_121 : i32 to vector<8x20x20xi32>
    %max3A_124 = arith.maxsi %max3A_123, %convert_element_type3A_120 : vector<8x20x20xi32>
    %min3A_125 = vector.broadcast %jit3A_122 : i32 to vector<8x20x20xi32>
    %min3A_126 = arith.minsi %min3A_125, %max3A_124 : vector<8x20x20xi32>
    %round3A_127 = math.roundeven %add3A_118 : vector<8x20x20xf32>
    %convert_element_type3A_128 = arith.fptosi %round3A_127 : vector<8x20x20xf32> to vector<8x20x20xi32>
    %jit3A_129 = arith.constant 0 : i32
    %jit3A_130 = arith.constant 127 : i32
    %max3A_131 = vector.broadcast %jit3A_129 : i32 to vector<8x20x20xi32>
    %max3A_132 = arith.maxsi %max3A_131, %convert_element_type3A_128 : vector<8x20x20xi32>
    %min3A_133 = vector.broadcast %jit3A_130 : i32 to vector<8x20x20xi32>
    %min3A_134 = arith.minsi %min3A_133, %max3A_132 : vector<8x20x20xi32>
    %mul3A_135 = arith.constant 128 : i32
    %mul3A_136 = vector.broadcast %mul3A_135 : i32 to vector<8x20x20xi32>
    %mul3A_137 = arith.muli %min3A_134, %mul3A_136 : vector<8x20x20xi32>
    %add3A_138 = arith.addi %mul3A_137, %min3A_126 : vector<8x20x20xi32>
    %swap3A_139 = arith.constant 0 : index
    %swap3A_140 = arith.constant 1 : index
    %swap3A_141 = arith.constant 0 : index
    %swap3A_142 = arith.constant 0 : index
    %swap3A_143 = vector.load %arg10[%swap3A_139, %swap3A_140, %swap3A_141, %swap3A_142] : memref<8x10x20x20xi32, #tpu.memory_space<vmem>>, vector<8x1x20x20xi32>
    %swap3A_144 = vector.shape_cast %swap3A_143 : vector<8x1x20x20xi32> to vector<8x20x20xi32>
    %swap3A_145 = vector.shape_cast %add3A_138 : vector<8x20x20xi32> to vector<8x1x20x20xi32>
    tpu.vector_store %arg10[%swap3A_139, %swap3A_140, %swap3A_141, %swap3A_142], %swap3A_145 {strides = array<i32>} : memref<8x10x20x20xi32, #tpu.memory_space<vmem>>, vector<8x1x20x20xi32>,
    %get3A_146 = arith.constant 0 : index
    %get3A_147 = arith.constant 0 : index
    %get3A_148 = arith.constant 2 : index
    %get3A_149 = vector.load %arg9[%get3A_146, %get3A_147, %get3A_148] : memref<1x1x16xf32, #tpu.memory_space<vmem>>, vector<1x1x1xf32>
    %get3A_150 = vector.extract %get3A_149[0, 0, 0] : f32 from vector<1x1x1xf32>
    %mul3A_151 = vector.broadcast %get3A_150 : f32 to vector<8x20x20xf32>
    %mul3A_152 = arith.mulf %sub3A, %mul3A_151 : vector<8x20x20xf32>
    %add3A_153 = arith.addf %broadcast_in_dim3A_3, %mul3A_152 : vector<8x20x20xf32>
    %mul3A_154 = vector.broadcast %get3A_150 : f32 to vector<8x20x20xf32>
    %mul3A_155 = arith.mulf %sub3A_22, %mul3A_154 : vector<8x20x20xf32>
    %add3A_156 = arith.addf %broadcast_in_dim3A_9, %mul3A_155 : vector<8x20x20xf32>
    %round3A_157 = math.roundeven %add3A_153 : vector<8x20x20xf32>
    %convert_element_type3A_158 = arith.fptosi %round3A_157 : vector<8x20x20xf32> to vector<8x20x20xi32>
    %jit3A_159 = arith.constant 0 : i32
    %jit3A_160 = arith.constant 127 : i32
    %max3A_161 = vector.broadcast %jit3A_159 : i32 to vector<8x20x20xi32>
    %max3A_162 = arith.maxsi %max3A_161, %convert_element_type3A_158 : vector<8x20x20xi32>
    %min3A_163 = vector.broadcast %jit3A_160 : i32 to vector<8x20x20xi32>
    %min3A_164 = arith.minsi %min3A_163, %max3A_162 : vector<8x20x20xi32>
    %round3A_165 = math.roundeven %add3A_156 : vector<8x20x20xf32>
    %convert_element_type3A_166 = arith.fptosi %round3A_165 : vector<8x20x20xf32> to vector<8x20x20xi32>
    %jit3A_167 = arith.constant 0 : i32
    %jit3A_168 = arith.constant 127 : i32
    %max3A_169 = vector.broadcast %jit3A_167 : i32 to vector<8x20x20xi32>
    %max3A_170 = arith.maxsi %max3A_169, %convert_element_type3A_166 : vector<8x20x20xi32>
    %min3A_171 = vector.broadcast %jit3A_168 : i32 to vector<8x20x20xi32>
    %min3A_172 = arith.minsi %min3A_171, %max3A_170 : vector<8x20x20xi32>
    %mul3A_173 = arith.constant 128 : i32
    %mul3A_174 = vector.broadcast %mul3A_173 : i32 to vector<8x20x20xi32>
    %mul3A_175 = arith.muli %min3A_172, %mul3A_174 : vector<8x20x20xi32>
    %add3A_176 = arith.addi %mul3A_175, %min3A_164 : vector<8x20x20xi32>
    %swap3A_177 = arith.constant 0 : index
    %swap3A_178 = arith.constant 2 : index
    %swap3A_179 = arith.constant 0 : index
    %swap3A_180 = arith.constant 0 : index
    %swap3A_181 = vector.load %arg10[%swap3A_177, %swap3A_178, %swap3A_179, %swap3A_180] : memref<8x10x20x20xi32, #tpu.memory_space<vmem>>, vector<8x1x20x20xi32>
    %swap3A_182 = vector.shape_cast %swap3A_181 : vector<8x1x20x20xi32> to vector<8x20x20xi32>
    %swap3A_183 = vector.shape_cast %add3A_176 : vector<8x20x20xi32> to vector<8x1x20x20xi32>
    tpu.vector_store %arg10[%swap3A_177, %swap3A_178, %swap3A_179, %swap3A_180], %swap3A_183 {strides = array<i32>} : memref<8x10x20x20xi32, #tpu.memory_space<vmem>>, vector<8x1x20x20xi32>,
    %get3A_184 = arith.constant 0 : index
    %get3A_185 = arith.constant 0 : index
    %get3A_186 = arith.constant 3 : index
    %get3A_187 = vector.load %arg9[%get3A_184, %get3A_185, %get3A_186] : memref<1x1x16xf32, #tpu.memory_space<vmem>>, vector<1x1x1xf32>
    %get3A_188 = vector.extract %get3A_187[0, 0, 0] : f32 from vector<1x1x1xf32>
    %mul3A_189 = vector.broadcast %get3A_188 : f32 to vector<8x20x20xf32>
    %mul3A_190 = arith.mulf %sub3A, %mul3A_189 : vector<8x20x20xf32>
    %add3A_191 = arith.addf %broadcast_in_dim3A_3, %mul3A_190 : vector<8x20x20xf32>
    %mul3A_192 = vector.broadcast %get3A_188 : f32 to vector<8x20x20xf32>
    %mul3A_193 = arith.mulf %sub3A_22, %mul3A_192 : vector<8x20x20xf32>
    %add3A_194 = arith.addf %broadcast_in_dim3A_9, %mul3A_193 : vector<8x20x20xf32>
    %round3A_195 = math.roundeven %add3A_191 : vector<8x20x20xf32>
    %convert_element_type3A_196 = arith.fptosi %round3A_195 : vector<8x20x20xf32> to vector<8x20x20xi32>
    %jit3A_197 = arith.constant 0 : i32
    %jit3A_198 = arith.constant 127 : i32
    %max3A_199 = vector.broadcast %jit3A_197 : i32 to vector<8x20x20xi32>
    %max3A_200 = arith.maxsi %max3A_199, %convert_element_type3A_196 : vector<8x20x20xi32>
    %min3A_201 = vector.broadcast %jit3A_198 : i32 to vector<8x20x20xi32>
    %min3A_202 = arith.minsi %min3A_201, %max3A_200 : vector<8x20x20xi32>
    %round3A_203 = math.roundeven %add3A_194 : vector<8x20x20xf32>
    %convert_element_type3A_204 = arith.fptosi %round3A_203 : vector<8x20x20xf32> to vector<8x20x20xi32>
    %jit3A_205 = arith.constant 0 : i32
    %jit3A_206 = arith.constant 127 : i32
    %max3A_207 = vector.broadcast %jit3A_205 : i32 to vector<8x20x20xi32>
    %max3A_208 = arith.maxsi %max3A_207, %convert_element_type3A_204 : vector<8x20x20xi32>
    %min3A_209 = vector.broadcast %jit3A_206 : i32 to vector<8x20x20xi32>
    %min3A_210 = arith.minsi %min3A_209, %max3A_208 : vector<8x20x20xi32>
    %mul3A_211 = arith.constant 128 : i32
    %mul3A_212 = vector.broadcast %mul3A_211 : i32 to vector<8x20x20xi32>
    %mul3A_213 = arith.muli %min3A_210, %mul3A_212 : vector<8x20x20xi32>
    %add3A_214 = arith.addi %mul3A_213, %min3A_202 : vector<8x20x20xi32>
    %swap3A_215 = arith.constant 0 : index
    %swap3A_216 = arith.constant 3 : index
    %swap3A_217 = arith.constant 0 : index
    %swap3A_218 = arith.constant 0 : index
    %swap3A_219 = vector.load %arg10[%swap3A_215, %swap3A_216, %swap3A_217, %swap3A_218] : memref<8x10x20x20xi32, #tpu.memory_space<vmem>>, vector<8x1x20x20xi32>
    %swap3A_220 = vector.shape_cast %swap3A_219 : vector<8x1x20x20xi32> to vector<8x20x20xi32>
    %swap3A_221 = vector.shape_cast %add3A_214 : vector<8x20x20xi32> to vector<8x1x20x20xi32>
    tpu.vector_store %arg10[%swap3A_215, %swap3A_216, %swap3A_217, %swap3A_218], %swap3A_221 {strides = array<i32>} : memref<8x10x20x20xi32, #tpu.memory_space<vmem>>, vector<8x1x20x20xi32>,
    %get3A_222 = arith.constant 0 : index
    %get3A_223 = arith.constant 0 : index
    %get3A_224 = arith.constant 4 : index
    %get3A_225 = vector.load %arg9[%get3A_222, %get3A_223, %get3A_224] : memref<1x1x16xf32, #tpu.memory_space<vmem>>, vector<1x1x1xf32>
    %get3A_226 = vector.extract %get3A_225[0, 0, 0] : f32 from vector<1x1x1xf32>
    %mul3A_227 = vector.broadcast %get3A_226 : f32 to vector<8x20x20xf32>
    %mul3A_228 = arith.mulf %sub3A, %mul3A_227 : vector<8x20x20xf32>
    %add3A_229 = arith.addf %broadcast_in_dim3A_3, %mul3A_228 : vector<8x20x20xf32>
    %mul3A_230 = vector.broadcast %get3A_226 : f32 to vector<8x20x20xf32>
    %mul3A_231 = arith.mulf %sub3A_22, %mul3A_230 : vector<8x20x20xf32>
    %add3A_232 = arith.addf %broadcast_in_dim3A_9, %mul3A_231 : vector<8x20x20xf32>
    %round3A_233 = math.roundeven %add3A_229 : vector<8x20x20xf32>
    %convert_element_type3A_234 = arith.fptosi %round3A_233 : vector<8x20x20xf32> to vector<8x20x20xi32>
    %jit3A_235 = arith.constant 0 : i32
    %jit3A_236 = arith.constant 127 : i32
    %max3A_237 = vector.broadcast %jit3A_235 : i32 to vector<8x20x20xi32>
    %max3A_238 = arith.maxsi %max3A_237, %convert_element_type3A_234 : vector<8x20x20xi32>
    %min3A_239 = vector.broadcast %jit3A_236 : i32 to vector<8x20x20xi32>
    %min3A_240 = arith.minsi %min3A_239, %max3A_238 : vector<8x20x20xi32>
    %round3A_241 = math.roundeven %add3A_232 : vector<8x20x20xf32>
    %convert_element_type3A_242 = arith.fptosi %round3A_241 : vector<8x20x20xf32> to vector<8x20x20xi32>
    %jit3A_243 = arith.constant 0 : i32
    %jit3A_244 = arith.constant 127 : i32
    %max3A_245 = vector.broadcast %jit3A_243 : i32 to vector<8x20x20xi32>
    %max3A_246 = arith.maxsi %max3A_245, %convert_element_type3A_242 : vector<8x20x20xi32>
    %min3A_247 = vector.broadcast %jit3A_244 : i32 to vector<8x20x20xi32>
    %min3A_248 = arith.minsi %min3A_247, %max3A_246 : vector<8x20x20xi32>
    %mul3A_249 = arith.constant 128 : i32
    %mul3A_250 = vector.broadcast %mul3A_249 : i32 to vector<8x20x20xi32>
    %mul3A_251 = arith.muli %min3A_248, %mul3A_250 : vector<8x20x20xi32>
    %add3A_252 = arith.addi %mul3A_251, %min3A_240 : vector<8x20x20xi32>
    %swap3A_253 = arith.constant 0 : index
    %swap3A_254 = arith.constant 4 : index
    %swap3A_255 = arith.constant 0 : index
    %swap3A_256 = arith.constant 0 : index
    %swap3A_257 = vector.load %arg10[%swap3A_253, %swap3A_254, %swap3A_255, %swap3A_256] : memref<8x10x20x20xi32, #tpu.memory_space<vmem>>, vector<8x1x20x20xi32>
    %swap3A_258 = vector.shape_cast %swap3A_257 : vector<8x1x20x20xi32> to vector<8x20x20xi32>
    %swap3A_259 = vector.shape_cast %add3A_252 : vector<8x20x20xi32> to vector<8x1x20x20xi32>
    tpu.vector_store %arg10[%swap3A_253, %swap3A_254, %swap3A_255, %swap3A_256], %swap3A_259 {strides = array<i32>} : memref<8x10x20x20xi32, #tpu.memory_space<vmem>>, vector<8x1x20x20xi32>,
    %get3A_260 = arith.constant 0 : index
    %get3A_261 = arith.constant 0 : index
    %get3A_262 = arith.constant 5 : index
    %get3A_263 = vector.load %arg9[%get3A_260, %get3A_261, %get3A_262] : memref<1x1x16xf32, #tpu.memory_space<vmem>>, vector<1x1x1xf32>
    %get3A_264 = vector.extract %get3A_263[0, 0, 0] : f32 from vector<1x1x1xf32>
    %mul3A_265 = vector.broadcast %get3A_264 : f32 to vector<8x20x20xf32>
    %mul3A_266 = arith.mulf %sub3A, %mul3A_265 : vector<8x20x20xf32>
    %add3A_267 = arith.addf %broadcast_in_dim3A_3, %mul3A_266 : vector<8x20x20xf32>
    %mul3A_268 = vector.broadcast %get3A_264 : f32 to vector<8x20x20xf32>
    %mul3A_269 = arith.mulf %sub3A_22, %mul3A_268 : vector<8x20x20xf32>
    %add3A_270 = arith.addf %broadcast_in_dim3A_9, %mul3A_269 : vector<8x20x20xf32>
    %round3A_271 = math.roundeven %add3A_267 : vector<8x20x20xf32>
    %convert_element_type3A_272 = arith.fptosi %round3A_271 : vector<8x20x20xf32> to vector<8x20x20xi32>
    %jit3A_273 = arith.constant 0 : i32
    %jit3A_274 = arith.constant 127 : i32
    %max3A_275 = vector.broadcast %jit3A_273 : i32 to vector<8x20x20xi32>
    %max3A_276 = arith.maxsi %max3A_275, %convert_element_type3A_272 : vector<8x20x20xi32>
    %min3A_277 = vector.broadcast %jit3A_274 : i32 to vector<8x20x20xi32>
    %min3A_278 = arith.minsi %min3A_277, %max3A_276 : vector<8x20x20xi32>
    %round3A_279 = math.roundeven %add3A_270 : vector<8x20x20xf32>
    %convert_element_type3A_280 = arith.fptosi %round3A_279 : vector<8x20x20xf32> to vector<8x20x20xi32>
    %jit3A_281 = arith.constant 0 : i32
    %jit3A_282 = arith.constant 127 : i32
    %max3A_283 = vector.broadcast %jit3A_281 : i32 to vector<8x20x20xi32>
    %max3A_284 = arith.maxsi %max3A_283, %convert_element_type3A_280 : vector<8x20x20xi32>
    %min3A_285 = vector.broadcast %jit3A_282 : i32 to vector<8x20x20xi32>
    %min3A_286 = arith.minsi %min3A_285, %max3A_284 : vector<8x20x20xi32>
    %mul3A_287 = arith.constant 128 : i32
    %mul3A_288 = vector.broadcast %mul3A_287 : i32 to vector<8x20x20xi32>
    %mul3A_289 = arith.muli %min3A_286, %mul3A_288 : vector<8x20x20xi32>
    %add3A_290 = arith.addi %mul3A_289, %min3A_278 : vector<8x20x20xi32>
    %swap3A_291 = arith.constant 0 : index
    %swap3A_292 = arith.constant 5 : index
    %swap3A_293 = arith.constant 0 : index
    %swap3A_294 = arith.constant 0 : index
    %swap3A_295 = vector.load %arg10[%swap3A_291, %swap3A_292, %swap3A_293, %swap3A_294] : memref<8x10x20x20xi32, #tpu.memory_space<vmem>>, vector<8x1x20x20xi32>
    %swap3A_296 = vector.shape_cast %swap3A_295 : vector<8x1x20x20xi32> to vector<8x20x20xi32>
    %swap3A_297 = vector.shape_cast %add3A_290 : vector<8x20x20xi32> to vector<8x1x20x20xi32>
    tpu.vector_store %arg10[%swap3A_291, %swap3A_292, %swap3A_293, %swap3A_294], %swap3A_297 {strides = array<i32>} : memref<8x10x20x20xi32, #tpu.memory_space<vmem>>, vector<8x1x20x20xi32>,
    %get3A_298 = arith.constant 0 : index
    %get3A_299 = arith.constant 0 : index
    %get3A_300 = arith.constant 6 : index
    %get3A_301 = vector.load %arg9[%get3A_298, %get3A_299, %get3A_300] : memref<1x1x16xf32, #tpu.memory_space<vmem>>, vector<1x1x1xf32>
    %get3A_302 = vector.extract %get3A_301[0, 0, 0] : f32 from vector<1x1x1xf32>
    %mul3A_303 = vector.broadcast %get3A_302 : f32 to vector<8x20x20xf32>
    %mul3A_304 = arith.mulf %sub3A, %mul3A_303 : vector<8x20x20xf32>
    %add3A_305 = arith.addf %broadcast_in_dim3A_3, %mul3A_304 : vector<8x20x20xf32>
    %mul3A_306 = vector.broadcast %get3A_302 : f32 to vector<8x20x20xf32>
    %mul3A_307 = arith.mulf %sub3A_22, %mul3A_306 : vector<8x20x20xf32>
    %add3A_308 = arith.addf %broadcast_in_dim3A_9, %mul3A_307 : vector<8x20x20xf32>
    %round3A_309 = math.roundeven %add3A_305 : vector<8x20x20xf32>
    %convert_element_type3A_310 = arith.fptosi %round3A_309 : vector<8x20x20xf32> to vector<8x20x20xi32>
    %jit3A_311 = arith.constant 0 : i32
    %jit3A_312 = arith.constant 127 : i32
    %max3A_313 = vector.broadcast %jit3A_311 : i32 to vector<8x20x20xi32>
    %max3A_314 = arith.maxsi %max3A_313, %convert_element_type3A_310 : vector<8x20x20xi32>
    %min3A_315 = vector.broadcast %jit3A_312 : i32 to vector<8x20x20xi32>
    %min3A_316 = arith.minsi %min3A_315, %max3A_314 : vector<8x20x20xi32>
    %round3A_317 = math.roundeven %add3A_308 : vector<8x20x20xf32>
    %convert_element_type3A_318 = arith.fptosi %round3A_317 : vector<8x20x20xf32> to vector<8x20x20xi32>
    %jit3A_319 = arith.constant 0 : i32
    %jit3A_320 = arith.constant 127 : i32
    %max3A_321 = vector.broadcast %jit3A_319 : i32 to vector<8x20x20xi32>
    %max3A_322 = arith.maxsi %max3A_321, %convert_element_type3A_318 : vector<8x20x20xi32>
    %min3A_323 = vector.broadcast %jit3A_320 : i32 to vector<8x20x20xi32>
    %min3A_324 = arith.minsi %min3A_323, %max3A_322 : vector<8x20x20xi32>
    %mul3A_325 = arith.constant 128 : i32
    %mul3A_326 = vector.broadcast %mul3A_325 : i32 to vector<8x20x20xi32>
    %mul3A_327 = arith.muli %min3A_324, %mul3A_326 : vector<8x20x20xi32>
    %add3A_328 = arith.addi %mul3A_327, %min3A_316 : vector<8x20x20xi32>
    %swap3A_329 = arith.constant 0 : index
    %swap3A_330 = arith.constant 6 : index
    %swap3A_331 = arith.constant 0 : index
    %swap3A_332 = arith.constant 0 : index
    %swap3A_333 = vector.load %arg10[%swap3A_329, %swap3A_330, %swap3A_331, %swap3A_332] : memref<8x10x20x20xi32, #tpu.memory_space<vmem>>, vector<8x1x20x20xi32>
    %swap3A_334 = vector.shape_cast %swap3A_333 : vector<8x1x20x20xi32> to vector<8x20x20xi32>
    %swap3A_335 = vector.shape_cast %add3A_328 : vector<8x20x20xi32> to vector<8x1x20x20xi32>
    tpu.vector_store %arg10[%swap3A_329, %swap3A_330, %swap3A_331, %swap3A_332], %swap3A_335 {strides = array<i32>} : memref<8x10x20x20xi32, #tpu.memory_space<vmem>>, vector<8x1x20x20xi32>,
    %get3A_336 = arith.constant 0 : index
    %get3A_337 = arith.constant 0 : index
    %get3A_338 = arith.constant 7 : index
    %get3A_339 = vector.load %arg9[%get3A_336, %get3A_337, %get3A_338] : memref<1x1x16xf32, #tpu.memory_space<vmem>>, vector<1x1x1xf32>
    %get3A_340 = vector.extract %get3A_339[0, 0, 0] : f32 from vector<1x1x1xf32>
    %mul3A_341 = vector.broadcast %get3A_340 : f32 to vector<8x20x20xf32>
    %mul3A_342 = arith.mulf %sub3A, %mul3A_341 : vector<8x20x20xf32>
    %add3A_343 = arith.addf %broadcast_in_dim3A_3, %mul3A_342 : vector<8x20x20xf32>
    %mul3A_344 = vector.broadcast %get3A_340 : f32 to vector<8x20x20xf32>
    %mul3A_345 = arith.mulf %sub3A_22, %mul3A_344 : vector<8x20x20xf32>
    %add3A_346 = arith.addf %broadcast_in_dim3A_9, %mul3A_345 : vector<8x20x20xf32>
    %round3A_347 = math.roundeven %add3A_343 : vector<8x20x20xf32>
    %convert_element_type3A_348 = arith.fptosi %round3A_347 : vector<8x20x20xf32> to vector<8x20x20xi32>
    %jit3A_349 = arith.constant 0 : i32
    %jit3A_350 = arith.constant 127 : i32
    %max3A_351 = vector.broadcast %jit3A_349 : i32 to vector<8x20x20xi32>
    %max3A_352 = arith.maxsi %max3A_351, %convert_element_type3A_348 : vector<8x20x20xi32>
    %min3A_353 = vector.broadcast %jit3A_350 : i32 to vector<8x20x20xi32>
    %min3A_354 = arith.minsi %min3A_353, %max3A_352 : vector<8x20x20xi32>
    %round3A_355 = math.roundeven %add3A_346 : vector<8x20x20xf32>
    %convert_element_type3A_356 = arith.fptosi %round3A_355 : vector<8x20x20xf32> to vector<8x20x20xi32>
    %jit3A_357 = arith.constant 0 : i32
    %jit3A_358 = arith.constant 127 : i32
    %max3A_359 = vector.broadcast %jit3A_357 : i32 to vector<8x20x20xi32>
    %max3A_360 = arith.maxsi %max3A_359, %convert_element_type3A_356 : vector<8x20x20xi32>
    %min3A_361 = vector.broadcast %jit3A_358 : i32 to vector<8x20x20xi32>
    %min3A_362 = arith.minsi %min3A_361, %max3A_360 : vector<8x20x20xi32>
    %mul3A_363 = arith.constant 128 : i32
    %mul3A_364 = vector.broadcast %mul3A_363 : i32 to vector<8x20x20xi32>
    %mul3A_365 = arith.muli %min3A_362, %mul3A_364 : vector<8x20x20xi32>
    %add3A_366 = arith.addi %mul3A_365, %min3A_354 : vector<8x20x20xi32>
    %swap3A_367 = arith.constant 0 : index
    %swap3A_368 = arith.constant 7 : index
    %swap3A_369 = arith.constant 0 : index
    %swap3A_370 = arith.constant 0 : index
    %swap3A_371 = vector.load %arg10[%swap3A_367, %swap3A_368, %swap3A_369, %swap3A_370] : memref<8x10x20x20xi32, #tpu.memory_space<vmem>>, vector<8x1x20x20xi32>
    %swap3A_372 = vector.shape_cast %swap3A_371 : vector<8x1x20x20xi32> to vector<8x20x20xi32>
    %swap3A_373 = vector.shape_cast %add3A_366 : vector<8x20x20xi32> to vector<8x1x20x20xi32>
    tpu.vector_store %arg10[%swap3A_367, %swap3A_368, %swap3A_369, %swap3A_370], %swap3A_373 {strides = array<i32>} : memref<8x10x20x20xi32, #tpu.memory_space<vmem>>, vector<8x1x20x20xi32>,
    %get3A_374 = arith.constant 0 : index
    %get3A_375 = arith.constant 0 : index
    %get3A_376 = arith.constant 8 : index
    %get3A_377 = vector.load %arg9[%get3A_374, %get3A_375, %get3A_376] : memref<1x1x16xf32, #tpu.memory_space<vmem>>, vector<1x1x1xf32>
    %get3A_378 = vector.extract %get3A_377[0, 0, 0] : f32 from vector<1x1x1xf32>
    %mul3A_379 = vector.broadcast %get3A_378 : f32 to vector<8x20x20xf32>
    %mul3A_380 = arith.mulf %sub3A, %mul3A_379 : vector<8x20x20xf32>
    %add3A_381 = arith.addf %broadcast_in_dim3A_3, %mul3A_380 : vector<8x20x20xf32>
    %mul3A_382 = vector.broadcast %get3A_378 : f32 to vector<8x20x20xf32>
    %mul3A_383 = arith.mulf %sub3A_22, %mul3A_382 : vector<8x20x20xf32>
    %add3A_384 = arith.addf %broadcast_in_dim3A_9, %mul3A_383 : vector<8x20x20xf32>
    %round3A_385 = math.roundeven %add3A_381 : vector<8x20x20xf32>
    %convert_element_type3A_386 = arith.fptosi %round3A_385 : vector<8x20x20xf32> to vector<8x20x20xi32>
    %jit3A_387 = arith.constant 0 : i32
    %jit3A_388 = arith.constant 127 : i32
    %max3A_389 = vector.broadcast %jit3A_387 : i32 to vector<8x20x20xi32>
    %max3A_390 = arith.maxsi %max3A_389, %convert_element_type3A_386 : vector<8x20x20xi32>
    %min3A_391 = vector.broadcast %jit3A_388 : i32 to vector<8x20x20xi32>
    %min3A_392 = arith.minsi %min3A_391, %max3A_390 : vector<8x20x20xi32>
    %round3A_393 = math.roundeven %add3A_384 : vector<8x20x20xf32>
    %convert_element_type3A_394 = arith.fptosi %round3A_393 : vector<8x20x20xf32> to vector<8x20x20xi32>
    %jit3A_395 = arith.constant 0 : i32
    %jit3A_396 = arith.constant 127 : i32
    %max3A_397 = vector.broadcast %jit3A_395 : i32 to vector<8x20x20xi32>
    %max3A_398 = arith.maxsi %max3A_397, %convert_element_type3A_394 : vector<8x20x20xi32>
    %min3A_399 = vector.broadcast %jit3A_396 : i32 to vector<8x20x20xi32>
    %min3A_400 = arith.minsi %min3A_399, %max3A_398 : vector<8x20x20xi32>
    %mul3A_401 = arith.constant 128 : i32
    %mul3A_402 = vector.broadcast %mul3A_401 : i32 to vector<8x20x20xi32>
    %mul3A_403 = arith.muli %min3A_400, %mul3A_402 : vector<8x20x20xi32>
    %add3A_404 = arith.addi %mul3A_403, %min3A_392 : vector<8x20x20xi32>
    %swap3A_405 = arith.constant 0 : index
    %swap3A_406 = arith.constant 8 : index
    %swap3A_407 = arith.constant 0 : index
    %swap3A_408 = arith.constant 0 : index
    %swap3A_409 = vector.load %arg10[%swap3A_405, %swap3A_406, %swap3A_407, %swap3A_408] : memref<8x10x20x20xi32, #tpu.memory_space<vmem>>, vector<8x1x20x20xi32>
    %swap3A_410 = vector.shape_cast %swap3A_409 : vector<8x1x20x20xi32> to vector<8x20x20xi32>
    %swap3A_411 = vector.shape_cast %add3A_404 : vector<8x20x20xi32> to vector<8x1x20x20xi32>
    tpu.vector_store %arg10[%swap3A_405, %swap3A_406, %swap3A_407, %swap3A_408], %swap3A_411 {strides = array<i32>} : memref<8x10x20x20xi32, #tpu.memory_space<vmem>>, vector<8x1x20x20xi32>,
    %get3A_412 = arith.constant 0 : index
    %get3A_413 = arith.constant 0 : index
    %get3A_414 = arith.constant 9 : index
    %get3A_415 = vector.load %arg9[%get3A_412, %get3A_413, %get3A_414] : memref<1x1x16xf32, #tpu.memory_space<vmem>>, vector<1x1x1xf32>
    %get3A_416 = vector.extract %get3A_415[0, 0, 0] : f32 from vector<1x1x1xf32>
    %mul3A_417 = vector.broadcast %get3A_416 : f32 to vector<8x20x20xf32>
    %mul3A_418 = arith.mulf %sub3A, %mul3A_417 : vector<8x20x20xf32>
    %add3A_419 = arith.addf %broadcast_in_dim3A_3, %mul3A_418 : vector<8x20x20xf32>
    %mul3A_420 = vector.broadcast %get3A_416 : f32 to vector<8x20x20xf32>
    %mul3A_421 = arith.mulf %sub3A_22, %mul3A_420 : vector<8x20x20xf32>
    %add3A_422 = arith.addf %broadcast_in_dim3A_9, %mul3A_421 : vector<8x20x20xf32>
    %round3A_423 = math.roundeven %add3A_419 : vector<8x20x20xf32>
    %convert_element_type3A_424 = arith.fptosi %round3A_423 : vector<8x20x20xf32> to vector<8x20x20xi32>
    %jit3A_425 = arith.constant 0 : i32
    %jit3A_426 = arith.constant 127 : i32
    %max3A_427 = vector.broadcast %jit3A_425 : i32 to vector<8x20x20xi32>
    %max3A_428 = arith.maxsi %max3A_427, %convert_element_type3A_424 : vector<8x20x20xi32>
    %min3A_429 = vector.broadcast %jit3A_426 : i32 to vector<8x20x20xi32>
    %min3A_430 = arith.minsi %min3A_429, %max3A_428 : vector<8x20x20xi32>
    %round3A_431 = math.roundeven %add3A_422 : vector<8x20x20xf32>
    %convert_element_type3A_432 = arith.fptosi %round3A_431 : vector<8x20x20xf32> to vector<8x20x20xi32>
    %jit3A_433 = arith.constant 0 : i32
    %jit3A_434 = arith.constant 127 : i32
    %max3A_435 = vector.broadcast %jit3A_433 : i32 to vector<8x20x20xi32>
    %max3A_436 = arith.maxsi %max3A_435, %convert_element_type3A_432 : vector<8x20x20xi32>
    %min3A_437 = vector.broadcast %jit3A_434 : i32 to vector<8x20x20xi32>
    %min3A_438 = arith.minsi %min3A_437, %max3A_436 : vector<8x20x20xi32>
    %mul3A_439 = arith.constant 128 : i32
    %mul3A_440 = vector.broadcast %mul3A_439 : i32 to vector<8x20x20xi32>
    %mul3A_441 = arith.muli %min3A_438, %mul3A_440 : vector<8x20x20xi32>
    %add3A_442 = arith.addi %mul3A_441, %min3A_430 : vector<8x20x20xi32>
    %swap3A_443 = arith.constant 0 : index
    %swap3A_444 = arith.constant 9 : index
    %swap3A_445 = arith.constant 0 : index
    %swap3A_446 = arith.constant 0 : index
    %swap3A_447 = vector.load %arg10[%swap3A_443, %swap3A_444, %swap3A_445, %swap3A_446] : memref<8x10x20x20xi32, #tpu.memory_space<vmem>>, vector<8x1x20x20xi32>
    %swap3A_448 = vector.shape_cast %swap3A_447 : vector<8x1x20x20xi32> to vector<8x20x20xi32>
    %swap3A_449 = vector.shape_cast %add3A_442 : vector<8x20x20xi32> to vector<8x1x20x20xi32>
    tpu.vector_store %arg10[%swap3A_443, %swap3A_444, %swap3A_445, %swap3A_446], %swap3A_449 {strides = array<i32>} : memref<8x10x20x20xi32, #tpu.memory_space<vmem>>, vector<8x1x20x20xi32>,
    return
  }
  func.func @transform_0(%arg0: i32) -> (i32, i32) {
    %c0_i32 = arith.constant 0 : i32
    %c0_i32_0 = arith.constant 0 : i32
    return %arg0, %c0_i32 : i32, i32
  }
  func.func @transform_1(%arg0: i32) -> (i32, i32) {
    %c0_i32 = arith.constant 0 : i32
    %c0_i32_0 = arith.constant 0 : i32
    return %arg0, %c0_i32 : i32, i32
  }
  func.func @transform_2(%arg0: i32) -> (i32, i32) {
    %c0_i32 = arith.constant 0 : i32
    %c0_i32_0 = arith.constant 0 : i32
    return %arg0, %c0_i32 : i32, i32
  }
  func.func @transform_3(%arg0: i32) -> (i32, i32) {
    %c0_i32 = arith.constant 0 : i32
    %c0_i32_0 = arith.constant 0 : i32
    return %arg0, %c0_i32 : i32, i32
  }
  func.func @transform_4(%arg0: i32) -> (i32, i32) {
    %c0_i32 = arith.constant 0 : i32
    %c0_i32_0 = arith.constant 0 : i32
    return %arg0, %c0_i32 : i32, i32
  }
  func.func @transform_5(%arg0: i32) -> (i32, i32) {
    %c0_i32 = arith.constant 0 : i32
    %c0_i32_0 = arith.constant 0 : i32
    return %arg0, %c0_i32 : i32, i32
  }
  func.func @transform_6(%arg0: i32) -> (i32, i32) {
    %c0_i32 = arith.constant 0 : i32
    %c0_i32_0 = arith.constant 0 : i32
    return %arg0, %c0_i32 : i32, i32
  }
  func.func @transform_7(%arg0: i32) -> (i32, i32) {
    %c0_i32 = arith.constant 0 : i32
    %c0_i32_0 = arith.constant 0 : i32
    return %arg0, %c0_i32 : i32, i32
  }
  func.func @transform_8(%arg0: i32) -> (i32, i32, i32) {
    %c0_i32 = arith.constant 0 : i32
    %c0_i32_0 = arith.constant 0 : i32
    %c0_i32_1 = arith.constant 0 : i32
    %c0_i32_2 = arith.constant 0 : i32
    return %c0_i32, %c0_i32_0, %c0_i32_1 : i32, i32, i32
  }
  func.func @transform_9(%arg0: i32) -> (i32, i32, i32, i32) {
    %c0_i32 = arith.constant 0 : i32
    %c0_i32_0 = arith.constant 0 : i32
    %c0_i32_1 = arith.constant 0 : i32
    %c0_i32_2 = arith.constant 0 : i32
    return %arg0, %c0_i32, %c0_i32_0, %c0_i32_1 : i32, i32, i32, i32
  }
  func.func @transform_10(%arg0: i32) -> (i32, i32, i32) {
    %c0_i32 = arith.constant 0 : i32
    %c0_i32_0 = arith.constant 0 : i32
    %c0_i32_1 = arith.constant 0 : i32
    return %arg0, %c0_i32, %c0_i32_0 : i32, i32, i32
  }
  func.func @transform_11(%arg0: i32) -> (i32, i32, i32) {
    %c0_i32 = arith.constant 0 : i32
    %c0_i32_0 = arith.constant 0 : i32
    %c0_i32_1 = arith.constant 0 : i32
    return %arg0, %c0_i32, %c0_i32_0 : i32, i32, i32
  }
  func.func @transform_12(%arg0: i32) -> (i32, i32, i32) {
    %c0_i32 = arith.constant 0 : i32
    %c0_i32_0 = arith.constant 0 : i32
    %c0_i32_1 = arith.constant 0 : i32
    return %arg0, %c0_i32, %c0_i32_0 : i32, i32, i32
  }
  func.func @transform_13(%arg0: i32) -> (i32, i32, i32) {
    %c0_i32 = arith.constant 0 : i32
    %c0_i32_0 = arith.constant 0 : i32
    %c0_i32_1 = arith.constant 0 : i32
    return %arg0, %c0_i32, %c0_i32_0 : i32, i32, i32
  }
}

</mosaic_0001>

<sc_bundles>
// kernel: kernel.5.cloned.1.call-start
scs
__scs_entry_jumppad:
0x0: {  	(pc) =	sbr.rel $0x88, $3  }
0x1: {  	(tag) =	ssettag $0x0;
	lr =	simm.s32 $0x1  }
0x2: {  	[smem:$0x3F9F] =	sst lr;
	_ =	strace $0xD0000000  }
0x3: {  	_ = 	snop  }
0x4: {  	_ = 	snop  }
0x5: {  	_ = 	snop  }
0x6: {  	_ = 	snop  }
0x7: {  	_ = 	snop  }
__scs_overlays_trampoline_lowered:
0x8: {  	[smem:$0x3FAE] =	sst s0  }
0x9: {  	[smem:$0x3FAF] =	sst s1  }
0xa: {  	[smem:$0x3FB0] =	sst s2  }
0xb: {  	[smem:$0x3FB1] =	sst s3  }
0xc: {  	[smem:$0x3FB2] =	sst s4  }
0xd: {  	[smem:$0x3FB3] =	sst s5  }
0xe: {  	[smem:$0x3FB4] =	sst s6  }
0xf: {  	[smem:$0x3FB5] =	sst s7  }
0x10: {  	[smem:$0x3FB6] =	sst s8  }
0x11: {  	[smem:$0x3FB7] =	sst s9;
	s0 =	simm.s32 @!p0 $0x0  }
0x12: {  	s1 =	sld [smem:$0x3F9D];
	s0 =	simm.s32 @p0 $0x1  }
0x13: {  	[smem:$0x3FB8] =	sst s0;
	s0 =	simm.s32 @!p1 $0x0  }
0x14: {  	s2 =	sld [smem:$0x3F9C];
	s0 =	simm.s32 @p1 $0x1  }
0x15: {  	[smem:$0x3FB9] =	sst s0;
	s0 =	simm.s32 @!p2 $0x0  }
0x16: {  	s3 =	sld [smem:$0x3FDB];
	s0 =	simm.s32 @p2 $0x1  }
0x17: {  	s4 =	simm.s32 $0x1BF5;
	[smem:$0x3FBB] =	sst s0  }
0x18: {  	s0 =	sld [smem:$0x3F9E];
	_ =	swait.ge [sflag:s4], $0x0  }
0x19: {  	s7 =	sld [smem:$0x3F9F]  }
0x1a: {  	s8 =	sadd.s32 $0xFFFFE003, lr  }
0x1b: {  	s9 =	sadd.s32 $0xFFFFFEF7, lr;
	s5 =	simm.s32 $0xFFFFFFFF;
	p2 =	slt.u32 s8, $0xFFFFF086  }
0x1c: {  	p1 =	slt.u32 s9, $0xF7A;
	s5 =	simm.s32 @!p2 $0x0  }
0x1d: {  	s5 =	simm.s32 @p1 $0x1;
	p0 =	seq.s32 s7, s2  }
0x1e: {  	s7 =	smul.u32 @!p0 $0xF7A, s2;
	p2 =	seq.s32 @!p0 s5, $0x0  }
0x1f: {  	s9 =	smul.u32 $0xF7A, s1;
	s8 =	simm.s32 @!p0 $0x1BF5;
	p2 =	por !p2, p0  }
0x20: {  	[sflag:s8] =	ssyncset.s32 @!p0 $0xFFFFF086;
	s6 =	sadd.s32 @!p0 s3, s7;
	s7 =	simm.s32 @!p0 $0x108  }
0x21: {  	s3 =	sadd.s32 s3, s9;
	s6 =	sadd.s32 @!p0 $0x88, s6;
	s7 =	simm.s32 @p2 $0x1082  }
0x22: {  	[simem:s7], [sflag:s8] =	dma.local @!p0 [hbm:s6], $0xF7A  }
0x23: {  	s9 =	sor.u32 $0xD0000000, s2;
	s6 =	simm.s32 $0x108;
	_ =	swait.ge @!p0 [sflag:s8], $0x0  }
0x24: {  	s3 =	sadd.s32 $0x88, s3;
	s6 =	simm.s32 @!p1 $0x1082;
	[sflag:s4] =	ssyncset.s32 $0xFFFFF086  }
0x25: {  	[simem:s6], [sflag:s4] =	dma.local [hbm:s3], $0xF7A  }
0x26: {  	[smem:$0x3F9F] =	sst s1;
	(tag) =	ssettag s2;
	_ =	strace s9  }
0x27: {  	s1 =	sld [smem:$0x3FAF]  }
0x28: {  	s2 =	sld [smem:$0x3FB0]  }
0x29: {  	s4 =	sld [smem:$0x3FB2]  }
0x2a: {  	p0 =	seq.s32 s5, $0x0;
	s5 =	sld [smem:$0x3FB3]  }
0x2b: {  	s6 =	sld [smem:$0x3FB4]  }
0x2c: {  	s7 =	sld [smem:$0x3FB5]  }
0x2d: {  	s3 =	simm.s32 $0x108;
	s8 =	sld [smem:$0x3FB6]  }
0x2e: {  	s3 =	simm.s32 @!p0 $0x1082;
	s9 =	sld [smem:$0x3FB7]  }
0x2f: {  	lr =	sadd.s32 s0, s3;
	s0 =	sld [smem:$0x3FAE]  }
0x30: {  	s3 =	sld [smem:$0x3FB1]  }
0x31: {  	[smem:$0x3FBA] =	sst s10  }
0x32: {  	s10 =	sld [smem:$0x3FB8];
	_ =	sdelay $0x3  }
0x33: {  	p0 =	seq.s32 s10, $0x1;
	s10 =	sld [smem:$0x3FBA];
	_ =	sdelay $0x3  }
0x34: {  	[smem:$0x3FBA] =	sst s10  }
0x35: {  	s10 =	sld [smem:$0x3FB9];
	_ =	sdelay $0x3  }
0x36: {  	p1 =	seq.s32 s10, $0x1;
	s10 =	sld [smem:$0x3FBA];
	_ =	sdelay $0x3  }
0x37: {  	[smem:$0x3FBA] =	sst s10  }
0x38: {  	s10 =	sld [smem:$0x3FBB]  }
0x39: {  	_ = 	snop;
	(pc) =	sbr.ind lr, $3  }
0x3a: {  	_ = 	snop  }
0x3b: {  	_ = 	snop  }
0x3c: {  	p2 =	seq.s32 s10, $0x1;
	s10 =	sld [smem:$0x3FBA]  }
0x3d: {  	_ =	shalt  }
0x3e: {  	_ =	shalt  }
0x3f: {  	_ =	shalt  }
0x40: {  	_ =	shalt  }
0x41: {  	_ =	shalt  }
0x42: {  	_ =	shalt  }
0x43: {  	_ =	shalt  }
0x44: {  	_ =	shalt  }
0x45: {  	_ =	shalt  }
0x46: {  	_ =	shalt  }
0x47: {  	_ =	shalt  }
0x48: {  	_ =	shalt  }
0x49: {  	_ =	shalt  }
0x4a: {  	_ =	shalt  }
0x4b: {  	_ =	shalt  }
0x4c: {  	_ =	shalt  }
0x4d: {  	_ =	shalt  }
0x4e: {  	_ =	shalt  }
0x4f: {  	_ =	shalt  }
0x50: {  	_ =	shalt  }
0x51: {  	_ =	shalt  }
0x52: {  	_ =	shalt  }
0x53: {  	_ =	shalt  }
0x54: {  	_ =	shalt  }
0x55: {  	_ =	shalt  }
0x56: {  	_ =	shalt  }
0x57: {  	_ =	shalt  }
0x58: {  	_ =	shalt  }
0x59: {  	_ =	shalt  }
0x5a: {  	_ =	shalt  }
0x5b: {  	_ =	shalt  }
0x5c: {  	_ =	shalt  }
0x5d: {  	_ =	shalt  }
0x5e: {  	_ =	shalt  }
0x5f: {  	_ =	shalt  }
0x60: {  	_ =	shalt  }
0x61: {  	_ =	shalt  }
0x62: {  	_ =	shalt  }
0x63: {  	_ =	shalt  }
0x64: {  	_ =	shalt  }
0x65: {  	_ =	shalt  }
0x66: {  	_ =	shalt  }
0x67: {  	_ =	shalt  }
0x68: {  	_ =	shalt  }
0x69: {  	_ =	shalt  }
0x6a: {  	_ =	shalt  }
0x6b: {  	_ =	shalt  }
0x6c: {  	_ =	shalt  }
0x6d: {  	_ =	shalt  }
0x6e: {  	_ =	shalt  }
0x6f: {  	_ =	shalt  }
0x70: {  	_ =	shalt  }
0x71: {  	_ =	shalt  }
0x72: {  	_ =	shalt  }
0x73: {  	_ =	shalt  }
0x74: {  	_ =	shalt  }
0x75: {  	_ =	shalt  }
0x76: {  	_ =	shalt  }
0x77: {  	_ =	shalt  }
0x78: {  	_ =	shalt  }
0x79: {  	_ =	shalt  }
0x7a: {  	_ =	shalt  }
0x7b: {  	_ =	shalt  }
0x7c: {  	_ =	shalt  }
0x7d: {  	_ =	shalt  }
0x7e: {  	_ =	shalt  }
0x7f: {  	_ =	shalt  }
0x80: {  	_ =	shalt  }
0x81: {  	_ =	shalt  }
0x82: {  	_ =	shalt  }
0x83: {  	_ =	shalt  }
0x84: {  	_ =	shalt  }
0x85: {  	_ =	shalt  }
0x86: {  	_ =	shalt  }
0x87: {  	_ =	shalt  }
.Lfunc_end0:
.L_simem_size_0:
called_computation_lowered:
.L_overlay_start_0:
0x88: {  	s2 =	sld [smem:$0x3FD9]  }
0x89: {  	s3 =	sld [smem:$0x3FFE];
	_ =	sdelay $0x1  }
0x8a: {  	s1 =	srdreg.scid  }
0x8b: {  	s0 =	sand.u32 $0x1, s1  }
0x8c: {  	s14 =	sshll.u32 s0, $0xA;
	s2 =	sadd.s32 s3, s2  }
0x8d: {  	s2 =	sadd.s32 s2, s14  }
0x8e: {  	[smem:$0x3FC6] =	sst s2  }
0x8f: {  	_ = 	snop  }
0x90: {  	s2 =	sld [smem:$0x3FD0];
	_ =	sdelay $0x2  }
0x91: {  	s15 =	simm.s32 $0xA;
	s4 =	simm.s32 $0x10  }
0x92: {  	[smem:s4], [sflag:s15] =	dma.local [hbm:s2], $0x1  }
0x93: {  	_ =	swait.eq [sflag:s15], $0x1  }
0x94: {  	[sflag:s15] =	ssyncset.done $0x0  }
0x95: {  	[sflag:s15] =	ssyncadd.s32 $0xFFFFFFFF  }
0x96: {  	s16 =	sld [smem:$0x13];
	(tm) =	ssettm $0x1  }
0x97: {  	s17 =	sld [smem:$0x3FFB];
	_ =	sdelay $0x3  }
0x98: {  	_ =	strace s17  }
0x99: {  	s3 =	sld [smem:$0x3FFC];
	_ =	sdelay $0x3  }
0x9a: {  	_ =	strace s3  }
0x9b: {  	s3 =	sld [smem:$0x3FFD];
	_ =	sdelay $0x3  }
0x9c: {  	_ =	strace s3  }
0x9d: {  	_ =	strace $0x8FFFFFFF  }
0x9e: {  	s18 =	sld [smem:$0x3FDB];
	_ =	sdelay $0x1  }
0x9f: {  	s19 =	simm.s32 $_scs_section_size  }
0xa0: {  	s5 =	simm.s32 $_size__tile_overlayer_lowered;
	s6 =	simm.s32 $_tile_overlayer_lowered  }
0xa1: {  	s22 =	simm.s32 $0x1BFF;
	s21 =	sshll.u32 s6, $0x1;
	s3 =	sadd.s32 s19, s18  }
0xa2: {  	s7 =	simm.s32 $0x0;
	s20 =	sshll.u32 s5, $0x1;
	s5 =	sadd.s32 s21, s3  }
0xa3: {  	[timem:s7], [sflag:s22] =	dma.local [hbm:s5], s20  }
0xa4: {  	_ =	swait.ge [sflag:s22], s20  }
0xa5: {  	s4 =	ssub.s32 $0x0, s20;
	[sflag:s22] =	ssyncset.done $0x0  }
0xa6: {  	[sflag:s22] =	ssyncadd.s32 s4;
	_ =	sdelay $0x1  }
0xa7: {  	s23 =	simm.s32 $0x1B8B  }
0xa8: {  	_ =	swait.ge [sflag:s23], $0x1  }
0xa9: {  	[sflag:s23] =	ssyncset.done $0x0  }
0xaa: {  	s25 =	simm.s32 $0x1B8E;
	s24 =	sld [smem:$0x3FFE];
	[sflag:s23] =	ssyncadd.s32 $0xFFFFFFFF  }
0xab: {  	s26 =	simm.s32 $execute0_lowered;
	[smem:$0x3FD2] =	sst s25  }
0xac: {  	s5 =	sshll.u32 s26, $0x1;
	_ =	strace $0x80000046;
	[dreg:$0x1] =	wrdreg $0xFFFFFFFF  }
0xad: {  	s28 =	simm.s32 $_size_execute0_lowered;
	s3 =	sadd.s32 s3, s5;
	[dreg:$0x0] =	wrdreg $0x0  }
0xae: {  	s5 =	sshll.u32 s28, $0x1;
	[dreg:$0x2] =	wrdreg s3  }
0xaf: {  	[dreg:$0x3] =	wrdreg s5  }
0xb0: {  	[dreg:$0x4] =	wrdreg $0xC0  }
0xb1: {  	_ =	task [dreg:s7], $0x5FFFF  }
0xb2: {  	[dreg:$0x1] =	wrdreg $0xFFFFFFFF  }
0xb3: {  	[dreg:$0x0] =	wrdreg $0x60  }
0xb4: {  	[dreg:$0x2] =	wrdreg s24  }
0xb5: {  	[dreg:$0x3] =	wrdreg s16  }
0xb6: {  	[dreg:$0x4] =	wrdreg $0x9  }
0xb7: {  	_ =	task.clear_ibuf [dreg:s7], $0x5FFFF;
	_ =	strace $0x90000046  }
0xb8: {  	s29 =	simm.s32 $0x9;
	_ =	strace $0x80000048  }
0xb9: {  	_ =	swait.ge [sflag:s29], $0x1  }
0xba: {  	[sflag:s29] =	ssyncadd.s32 $0xFFFFFFFF  }
0xbb: {  	_ =	strace $0x90000048  }
0xbc: {  	_ =	sfence  }
0xbd: {  	s30 =	sld [smem:$0x0];
	_ =	sdelay $0x2  }
0xbe: {  	s31 =	sshll.u32 s1, $0xD;
	s1 =	sshrl.u32 s1, $0x2  }
0xbf: {  	s3 =	sand.u32 $0x4000, s31;
	s1 =	sadd.s32 s1, s30  }
0xc0: {  	s0 =	sor.u32 s3, s0;
	s1 =	sshll.u32 s1, $0x11  }
0xc1: {  	s0 =	sor.u32 s1, s0  }
0xc2: {  	s0 =	sadd.s32 $0x8F2B, s0  }
0xc3: {  	[sflag:s0] =	ssyncadd.remote.s32 $0x1  }
0xc4: {  	_ =	sfence.sel $0xFFFF  }
0xc5: {  	[dreg:$0x0] =	wrdreg $0xFFFFFFFF;
	(pc) =	sbr.abs _section_cstart, $3  }
0xc6: {  	[dreg:$0x1] =	wrdreg $0xFFFFFFFF  }
0xc7: {  	_ =	task.clear_ibuf [dreg:s7], $0x2FFFF;
	_ =	strace $0x9FFFFFFF  }
0xc8: {  	(tm) =	ssettm $0x7FFFFFFF  }
0xc9: {  	_ =	shalt  }
tec
execute0_lowered:
.L_overlay_start_1:
0x0: {  	(tag) =	ssettag $0x1  }
0x1: {  	s0 =	rddreg [dreg:$0x0]  }
0x2: {  	s4 =	rddreg [dreg:$0x1]  }
0x3: {  	s2 =	srdreg.scid;
	s18 =	stileid.u32  }
0x4: {  	s1 =	simm.s32 $0x0;
	s3 =	sand.u32 $0x1, s2;
	s26 =	sshll.u32 s18, $0x1  }
0x5: {  	[smem:$0x7FF] =	sst s1;
	s6 =	sadd.s32 $0xB7000, s0;
	s7 =	sadd.s32 $0x91000, s0  }
0x6: {  	s9 =	sshll.u32 s18, $0x10;
	p0 =	sgt.u32 s18, $0xB;
	s2 =	sor.u32 s3, s26  }
0x7: {  	s3 =	ssub.s32 $0x2, s3;
	s28 =	sand.u32 $0xE0000, s9;
	s5 =	sshll.u32 s2, $0x8  }
0x8: {  	s8 =	sshrl.u32 s3, $0x1;
	s11 =	sor.u32 $0x20, s2;
	s14 =	sshll.u32 s2, $0xA  }
0x9: {  	s13 =	sor.u32 $0x40, s2;
	s10 =	sand.u32 $0x300, s5;
	s5 =	ssub.s32 s3, s8  }
0xa: {  	s12 =	sshll.u32 s11, $0xF;
	s16 =	sshll.u32 s13, $0xF;
	s19 =	sshll.u32 s11, $0xA  }
0xb: {  	s23 =	sshll.u32 s13, $0xA;
	s8 =	sor.u32 $0x80, s10;
	s9 =	sor.u32 s28, s10  }
0xc: {  	s29 =	sand.u32 $0x1E0000, s12;
	s17 =	sand.u32 $0x2E0000, s16;
	s20 =	sadd.s32 s7, s19  }
0xd: {  	s25 =	sadd.s32 s7, s23;
	s3 =	sor.u32 s28, s8;
	s9 =	sshrl.u32 s9, $0x3  }
0xe: {  	s12 =	sor.u32 s10, s29;
	[dreg:$0x8] =	wrdreg s20;
	s22 =	sor.u32 s8, s17  }
0xf: {  	[dreg:$0xb] =	wrdreg s25;
	s3 =	sshrl.u32 s3, $0x3;
	s9 =	sadd.s32 s6, s9  }
0x10: {  	s20 =	sshll.u32 s18, $0xA;
	[dreg:$0x3] =	wrdreg s9;
	s3 =	sadd.s32 s6, s3  }
0x11: {  	s25 =	sadd.s32 $0x2800, s0;
	s9 =	sadd.s32 s7, s14;
	[dreg:$0x4] =	wrdreg s3  }
0x12: {  	s15 =	sshrl.u32 s12, $0x3;
	s14 =	sor.u32 s10, s17;
	[dreg:$0x5] =	wrdreg s9  }
0x13: {  	s9 =	sadd.s32 s6, s15;
	s3 =	sor.u32 s8, s29;
	s21 =	sshrl.u32 s14, $0x3  }
0x14: {  	s29 =	sor.u32 $0x80, s2;
	[dreg:$0x6] =	wrdreg s9;
	s3 =	sshrl.u32 s3, $0x3  }
0x15: {  	s9 =	sor.u32 $0x60, s2;
	s15 =	sshll.u32 s29, $0xF;
	s19 =	sshll.u32 s29, $0xA  }
0x16: {  	s2 =	sshll.u32 s2, $0x7;
	s3 =	sadd.s32 s6, s3;
	s24 =	sshll.u32 s9, $0xF  }
0x17: {  	s15 =	sand.u32 $0x4E0000, s15;
	s16 =	sshll.u32 s9, $0xA;
	s23 =	sshll.u32 s9, $0x9  }
0x18: {  	[dreg:$0x7] =	wrdreg s3;
	s3 =	sadd.s32 s6, s21;
	s26 =	sand.u32 $0x3E0000, s24  }
0x19: {  	s21 =	sshll.u32 s11, $0x9;
	s24 =	sshll.u32 s29, $0x9;
	s11 =	sadd.s32 $0x7400, s0  }
0x1a: {  	[dreg:$0x9] =	wrdreg s3;
	s3 =	sshrl.u32 s22, $0x3;
	s28 =	sor.u32 s10, s26  }
0x1b: {  	s10 =	sor.u32 s10, s15;
	s22 =	sshll.u32 s13, $0x9;
	s9 =	sand.u32 $0x13000, s24  }
0x1c: {  	s3 =	sadd.s32 s6, s3;
	s12 =	sshrl.u32 s28, $0x3;
	s17 =	sshrl.u32 s10, $0x3  }
0x1d: {  	s10 =	simm.s32 $0x0;
	[dreg:$0xa] =	wrdreg s3;
	s3 =	sor.u32 s8, s26  }
0x1e: {  	s12 =	sadd.s32 s6, s12;
	s26 =	sadd.s32 $0x4E00, s0;
	s3 =	sshrl.u32 s3, $0x3  }
0x1f: {  	[dreg:$0xc] =	wrdreg s12;
	s12 =	sadd.s32 $0x9A00, s0;
	s3 =	sadd.s32 s6, s3  }
0x20: {  	[dreg:$0xd] =	wrdreg s3;
	s3 =	sor.u32 s8, s15;
	s8 =	sadd.s32 s7, s16  }
0x21: {  	[dreg:$0xe] =	wrdreg s8;
	s3 =	sshrl.u32 s3, $0x3;
	s8 =	sadd.s32 s6, s17  }
0x22: {  	[dreg:$0xf] =	wrdreg s8;
	s3 =	sadd.s32 s6, s3;
	s6 =	sand.u32 $0x7000, s21  }
0x23: {  	s8 =	sand.u32 $0xF000, s23;
	[dreg:$0x10] =	wrdreg s3;
	s3 =	sadd.s32 s7, s19  }
0x24: {  	[dreg:$0x11] =	wrdreg s3;
	s3 =	sor.u32 s20, s2;
	s2 =	sand.u32 $0x380, s2  }
0x25: {  	s7 =	sand.u32 $0xB000, s22;
	s3 =	sand.u32 $0x3380, s3;
	s6 =	sor.u32 s2, s6  }
0x26: {  	s7 =	sor.u32 s2, s7;
	s8 =	sor.u32 s2, s8;
	s3 =	sshrl.u32 s3, $0x3  }
0x27: {  	s2 =	sor.u32 s2, s9;
	_ =	strace $0x80000047;
	s29 =	sadd.s32 s4, s3  }
0x28: {  	s9 =	simm.s32 $0x8000;
	s13 =	sadd.s32 s25, s3;
	[dreg:$0x12] =	wrdreg s29  }
0x29: {  	s28 =	sshrl.u32 s6, $0x3;
	s14 =	sadd.s32 s26, s3;
	[dreg:$0x13] =	wrdreg s13  }
0x2a: {  	s16 =	sshrl.u32 s7, $0x3;
	s15 =	sadd.s32 s11, s3;
	[dreg:$0x14] =	wrdreg s14  }
0x2b: {  	s22 =	sshrl.u32 s8, $0x3;
	s3 =	sadd.s32 s12, s3;
	[dreg:$0x15] =	wrdreg s15  }
0x2c: {  	s24 =	sshrl.u32 s2, $0x3;
	s17 =	sadd.s32 s4, s28;
	[dreg:$0x16] =	wrdreg s3  }
0x2d: {  	s6 =	simm.s32 $0x400;
	s19 =	sadd.s32 s25, s28;
	[dreg:$0x17] =	wrdreg s17  }
0x2e: {  	v0 =	vimm.f32 $1.000000000e+01;
	s7 =	simm.s32 $0x1;
	s20 =	sadd.s32 s26, s28;
	[dreg:$0x18] =	wrdreg s19  }
0x2f: {  	(erf) = vrcp.f32 v0;
	s8 =	simm.s32 $0x4000;
	s21 =	sadd.s32 s11, s28;
	[dreg:$0x19] =	wrdreg s20  }
0x30: {  	s0 =	sadd.s32 s12, s28;
	s23 =	sadd.s32 s4, s16;
	[dreg:$0x1a] =	wrdreg s21  }
0x31: {  	s30 =	sadd.s32 s25, s16;
	s31 =	sadd.s32 s26, s16;
	[dreg:$0x1b] =	wrdreg s0  }
0x32: {  	s2 =	sadd.s32 s11, s22;
	s28 =	sadd.s32 s11, s24;
	[dreg:$0x1c] =	wrdreg s23  }
0x33: {  	s17 =	sadd.s32 s11, s16;
	s0 =	sadd.s32 s12, s16;
	s14 =	sadd.s32 s4, s22  }
.Ltmp0:
0x34: {  	s4 =	sadd.s32 s4, s24;
	[smem:$0x7FC] =	sst s28;
	(pc) =	sbr.rel .LBB2_1-.Ltmp0, $4  }
0x35: {  	s15 =	sadd.s32 s25, s22;
	s25 =	sadd.s32 s25, s24;
	[dreg:$0x1d] =	wrdreg s4  }
0x36: {  	s16 =	sadd.s32 s26, s22;
	s26 =	sadd.s32 s26, s24;
	[dreg:$0x1e] =	wrdreg s25  }
0x37: {  	s3 =	sadd.s32 s12, s22;
	s29 =	sadd.s32 s12, s24;
	[dreg:$0x1f] =	wrdreg s26  }
0x38: {  	v1 =	vimm.f32 $0.0e+00;
	[smem:$0x7FD] =	sst s29;
	s4 =	smax.u32 s5, $0x1;
	s5 =	simm.s32 $0x80;
	v0 =	vpop (erf)  }
.LBB2_12:
0x39: {  	_ =	sdelay $0x3  }
0x3a: {  	v14 =	vld.idx.msk [tilespmem:v8+s8+$0x0], $0xffff  }
0x3b: {  	v32 =	vld.idx.msk [tilespmem:v8+s1+$0x0], $0xffff  }
0x3c: {  	v15 =	vld [tilespmem:s21+$0x8300]  }
0x3d: {  	v16 =	vld [tilespmem:s26+$0x8000]  }
0x3e: {  	v17 =	vld [tilespmem:s21+$0x9000]  }
0x3f: {  	v11 =	vmul.f32 v11, v2;
	v12 =	vmul.f32 v12, v3;
	v33 =	vld.idx.msk [tilespmem:v6+s1+$0x0], $0xffff  }
0x40: {  	v13 =	vmul.f32 v13, v2;
	v10 =	vmul.f32 v10, v3;
	v34 =	vld.idx.msk [tilespmem:v6+s8+$0x0], $0xffff  }
0x41: {  	v9 =	vmul.f32 v9, v3;
	v7 =	vmul.f32 v7, v2;
	v35 =	vld.idx.msk [tilespmem:v5+s8+$0x0], $0xffff;
	v11 =	vadd.f32 v11, v12  }
0x42: {  	v36 =	vld.idx.msk [tilespmem:v5+s1+$0x0], $0xffff;
	v10 =	vadd.f32 v13, v10  }
0x43: {  	v7 =	vadd.f32 v7, v9;
	vm0 =	vgt.f32 v11, $5.000000070e-02  }
0x44: {  	v37 =	vadd.f32 $0.0e+00, v10;
	vm1 =	vgt.f32 v10, $5.000000070e-02;
	v14 =	vmul.f32 v14, v2  }
0x45: {  	v50 =	vld.idx.msk [tilespmem:v4+s8+$0x0], $0xffff;
	v8 =	vmul.f32 v32, v3;
	v10 =	vsel vm1, $0x3F800000, v1;
	v12 =	vmul.f32 v33, v3  }
0x46: {  	v38 =	vsel vm0, $0x3F800000, v1;
	v6 =	vmul.f32 v34, v2;
	v43 =	vmul.f32 v35, v2;
	v18 =	vld.idx.msk [tilespmem:v15+s1+$0x0], $0xffff  }
0x47: {  	v5 =	vmul.f32 v36, v3;
	v9 =	vadd.f32 v11, v37;
	v10 =	vadd.f32 v38, v10;
	v39 =	vld.idx.msk [tilespmem:v15+s8+$0x0], $0xffff  }
0x48: {  	vm5 =	vgt.f32 v7, $5.000000070e-02;
	v8 =	vadd.f32 v14, v8;
	v6 =	vadd.f32 v6, v12;
	v41 =	vld.idx.msk [tilespmem:v16+s1+$0x0], $0xffff  }
0x49: {  	v40 =	vsel vm5, $0x3F800000, v1;
	v5 =	vadd.f32 v43, v5;
	v7 =	vadd.f32 v7, v9;
	v44 =	vld.idx.msk [tilespmem:v16+s8+$0x0], $0xffff  }
0x4a: {  	v42 =	vadd.f32 v40, v10;
	v46 =	vld.idx.msk [tilespmem:v17+s8+$0x0], $0xffff;
	vm6 =	vgt.f32 v8, $5.000000070e-02;
	vm7 =	vgt.f32 v6, $5.000000070e-02  }
0x4b: {  	v48 =	vld.idx.msk [tilespmem:v17+s1+$0x0], $0xffff;
	vm8 =	vgt.f32 v5, $5.000000070e-02;
	v45 =	vsel vm6, $0x3F800000, v1;
	v7 =	vadd.f32 v8, v7  }
0x4c: {  	v51 =	vsel vm7, $0x3F800000, v1;
	v54 =	vsel vm8, $0x3F800000, v1;
	v47 =	vadd.f32 v45, v42  }
0x4d: {  	v52 =	vld.idx.msk [tilespmem:v4+s1+$0x0], $0xffff;
	v6 =	vadd.f32 v6, v7;
	v49 =	vmul.f32 v18, v3;
	v11 =	vmul.f32 v39, v2  }
0x4e: {  	v7 =	vadd.f32 v51, v47;
	v53 =	vmul.f32 v41, v3;
	v55 =	vmul.f32 v44, v2  }
0x4f: {  	v57 =	vmul.f32 v46, v2;
	v5 =	vadd.f32 v5, v6;
	v10 =	vadd.f32 v11, v49  }
0x50: {  	v9 =	vmul.f32 v48, v3;
	v2 =	vmul.f32 v50, v2;
	v56 =	vadd.f32 v54, v7  }
0x51: {  	v8 =	vadd.f32 v55, v53;
	vm9 =	vgt.f32 v10, $5.000000070e-02;
	v5 =	vadd.f32 v10, v5  }
0x52: {  	v3 =	vmul.f32 v52, v3;
	v7 =	vadd.f32 v57, v9;
	v58 =	vsel vm9, $0x3F800000, v1  }
0x53: {  	vm10 =	vgt.f32 v8, $5.000000070e-02;
	v6 =	vadd.f32 v58, v56;
	v59 =	vadd.f32 v8, v5  }
0x54: {  	v2 =	vadd.f32 v2, v3;
	v60 =	vsel vm10, $0x3F800000, v1  }
0x55: {  	vm11 =	vgt.f32 v7, $5.000000070e-02;
	v5 =	vadd.f32 v60, v6;
	v3 =	vadd.f32 v7, v59  }
0x56: {  	v61 =	vld [tilespmem:s12+$0x0];
	v62 =	vsel vm11, $0x3F800000, v1  }
0x57: {  	v63 =	vld [tilespmem:s11+$0x0];
	vm12 =	vgt.f32 v2, $5.000000070e-02;
	v5 =	vadd.f32 v62, v5;
	v2 =	vadd.f32 v2, v3  }
0x58: {  	v3 =	vsel vm12, $0x3F800000, v1  }
0x59: {  	v3 =	vadd.f32 v3, v5;
	v2 =	vmul.f32 v2, v0;
	_ =	sdelay $0x1  }
0x5a: {  	vm13 =	vgt.f32 v2, $0.0e+00;
	vm14 =	vgt.f32 v3, $8.000000000e+00  }
0x5b: {  	vm15 =	vgt.f32 v63, $5.000000000e-01;
	v2 =	vadd.f32 v2, v61;
	vm0 =	vmand vm13, vm14  }
0x5c: {  	s28 =	sld [smem:$0x7FD];
	vm0 =	vmand vm15, vm0  }
0x5d: {  	v2 =	vnsel vm0, $0x0, v2  }
0x5e: {  	s29 =	simm.s32 $0xA800;
	[tilespmem:s13+$0x0] =	vst v2  }
0x5f: {  	[hbm4b:s28+s5] =	stream.strided.scatter [tilespmem:s29], [sflag:$0x1], $0x200, s6, s5, $0x38;
	[tilespmem:$0xAA00] =	vst v63  }
0x60: {  	_ =	swait.ge [sflag:s7], $0x200  }
0x61: {  	[sflag:s7] =	ssyncset.done $0x0  }
0x62: {  	[sflag:s7] =	ssyncadd.s32 $0xFFFFFE00  }
.LBB2_13:
0x63: {  	s10 =	sadd.s32 $0x1, s10  }
0x64: {  	p1 =	sne.s32 s10, s4  }
.Ltmp1:
0x65: {  	_ = 	snop;
	(pc) =	sbr.rel @!p1 .LBB2_14-.Ltmp1, $1  }
0x66: {  	_ =	sdelay $0x3  }
.LBB2_1:
0x67: {  	s11 =	rddreg [dreg:$0x3]  }
0x68: {  	[tilespmem:s1], [sflag:$0x1] =	stream.strided.gather [hbm4b:s11+s5], $0x4000, s6, s5, $0x38;
	[tilespmem:$0xAA00] =	vst v63  }
0x69: {  	_ =	swait.ge [sflag:s7], $0x4000  }
0x6a: {  	[sflag:s7] =	ssyncset.done $0x0  }
0x6b: {  	s23 =	rddreg [dreg:$0x4];
	[sflag:s7] =	ssyncadd.s32 $0xFFFFC000  }
0x6c: {  	[tilespmem:s8], [sflag:$0x1] =	stream.strided.gather [hbm4b:s23+s5], $0x4000, s6, s5, $0x38;
	[tilespmem:$0xAA00] =	vst v63  }
0x6d: {  	_ =	swait.ge [sflag:s7], $0x4000  }
0x6e: {  	[sflag:s7] =	ssyncset.done $0x0  }
0x6f: {  	s24 =	rddreg [dreg:$0x5];
	[sflag:s7] =	ssyncadd.s32 $0xFFFFC000  }
0x70: {  	[tilespmem:s9], [sflag:$0x1] =	stream.linear.gather [hbm4b:s24+s1], $0x2000, $0x38;
	[tilespmem:$0xAA00] =	vst v63  }
0x71: {  	_ =	swait.ge [sflag:s7], $0x2000  }
0x72: {  	[sflag:s7] =	ssyncset.done $0x0  }
0x73: {  	s18 =	simm.s32 $0xA000;
	s25 =	rddreg [dreg:$0x12];
	[sflag:s7] =	ssyncadd.s32 $0xFFFFE000  }
0x74: {  	[tilespmem:s18], [sflag:$0x1] =	stream.strided.gather [hbm4b:s25+s5], $0x200, s6, s5, $0x38;
	[tilespmem:$0xAA00] =	vst v63  }
0x75: {  	_ =	swait.ge [sflag:s7], $0x200  }
0x76: {  	[sflag:s7] =	ssyncset.done $0x0  }
0x77: {  	s19 =	simm.s32 $0xA200;
	s26 =	rddreg [dreg:$0x13];
	[sflag:s7] =	ssyncadd.s32 $0xFFFFFE00  }
0x78: {  	[tilespmem:s19], [sflag:$0x1] =	stream.strided.gather [hbm4b:s26+s5], $0x200, s6, s5, $0x38;
	[tilespmem:$0xAA00] =	vst v63  }
0x79: {  	_ =	swait.ge [sflag:s7], $0x200  }
0x7a: {  	[sflag:s7] =	ssyncset.done $0x0  }
0x7b: {  	s11 =	simm.s32 $0xA400;
	s12 =	rddreg [dreg:$0x14];
	[sflag:s7] =	ssyncadd.s32 $0xFFFFFE00  }
0x7c: {  	[tilespmem:s11], [sflag:$0x1] =	stream.strided.gather [hbm4b:s12+s5], $0x200, s6, s5, $0x38;
	[tilespmem:$0xAA00] =	vst v63  }
0x7d: {  	_ =	swait.ge [sflag:s7], $0x200  }
0x7e: {  	[sflag:s7] =	ssyncset.done $0x0  }
0x7f: {  	s12 =	simm.s32 $0xA600;
	s13 =	rddreg [dreg:$0x15];
	[sflag:s7] =	ssyncadd.s32 $0xFFFFFE00  }
0x80: {  	[tilespmem:s12], [sflag:$0x1] =	stream.strided.gather [hbm4b:s13+s5], $0x200, s6, s5, $0x38;
	[tilespmem:$0xAA00] =	vst v63  }
0x81: {  	_ =	swait.ge [sflag:s7], $0x200  }
0x82: {  	s28 =	sand.u32 $0x70, s1;
	s20 =	sand.u32 $0xC00, s1;
	[sflag:s7] =	ssyncset.done $0x0  }
0x83: {  	s20 =	sor.u32 s28, s20;
	[sflag:s7] =	ssyncadd.s32 $0xFFFFFE00  }
0x84: {  	v9 =	vld [tilespmem:s20+$0x8100]  }
0x85: {  	v10 =	vld [tilespmem:s20+$0x8080]  }
0x86: {  	v2 =	vld [tilespmem:s19+$0x0]  }
0x87: {  	v14 =	vld [tilespmem:s20+$0x8000]  }
0x88: {  	v6 =	vld [tilespmem:s20+$0x8200]  }
0x89: {  	v8 =	vld [tilespmem:s20+$0x8180]  }
0x8a: {  	v4 =	vld [tilespmem:s20+$0x9080]  }
0x8b: {  	v5 =	vld [tilespmem:s20+$0x8280]  }
0x8c: {  	v3 =	vld [tilespmem:s18+$0x0]  }
0x8d: {  	v7 =	vld.idx.msk [tilespmem:v9+s8+$0x0], $0xffff  }
0x8e: {  	v9 =	vld.idx.msk [tilespmem:v9+s1+$0x0], $0xffff  }
0x8f: {  	v11 =	vld.idx.msk [tilespmem:v10+s8+$0x0], $0xffff  }
0x90: {  	s21 =	simm.s32 $0x10;
	s29 =	sor.u32 s1, s1;
	v13 =	vld.idx.msk [tilespmem:v10+s1+$0x0], $0xffff  }
0x91: {  	s22 =	simm.s32 $0xA410;
	s23 =	simm.s32 $0xA610;
	s24 =	simm.s32 $0xA810;
	v12 =	vld.idx.msk [tilespmem:v14+s8+$0x0], $0xffff  }
0x92: {  	s25 =	sor.u32 $0x380, s29;
	s26 =	simm.s32 $0x0;
	s13 =	simm.s32 $0xA800;
	v10 =	vld.idx.msk [tilespmem:v14+s1+$0x0], $0xffff  }
.LBB2_2:
0x93: {  	v14 =	vld.idx.msk [tilespmem:v8+s8+$0x0], $0xffff;
	s26 =	sadd.s32 $0x80, s26;
	s18 =	sadd.s32 $0x10, s18;
	s19 =	sadd.s32 $0x10, s19  }
0x94: {  	p1 =	sne.s32 s21, $0x180;
	v9 =	vmul.f32 v9, v3;
	s28 =	smov.u32 s21;
	s21 =	sadd.s32 $0x10, s21;
	v8 =	vld.idx.msk [tilespmem:v8+s1+$0x0], $0xffff  }
0x95: {  	v11 =	vmul.f32 v11, v2;
	v15 =	vld [tilespmem:s20+$0x8300]  }
0x96: {  	v13 =	vmul.f32 v13, v3;
	v16 =	vld [tilespmem:s25+$0x8000]  }
0x97: {  	v12 =	vmul.f32 v12, v2;
	v17 =	vld [tilespmem:s20+$0x9000]  }
0x98: {  	s20 =	sor.u32 s26, s28;
	v10 =	vmul.f32 v10, v3;
	v11 =	vadd.f32 v11, v13;
	v13 =	vld.idx.msk [tilespmem:v6+s1+$0x0], $0xffff  }
0x99: {  	v7 =	vmul.f32 v7, v2;
	s29 =	sand.u32 $0xC00, s26;
	s28 =	sand.u32 $0x70, s28;
	s25 =	sor.u32 $0x380, s20;
	v14 =	vmul.f32 v14, v2;
	v6 =	vld.idx.msk [tilespmem:v6+s8+$0x0], $0xffff  }
0x9a: {  	s20 =	sor.u32 s28, s29;
	v10 =	vadd.f32 v12, v10;
	vm0 =	vgt.f32 v11, $5.000000070e-02;
	v8 =	vmul.f32 v8, v3;
	v12 =	vld.idx.msk [tilespmem:v5+s8+$0x0], $0xffff  }
0x9b: {  	v7 =	vadd.f32 v7, v9;
	v5 =	vld.idx.msk [tilespmem:v5+s1+$0x0], $0xffff  }
0x9c: {  	v9 =	vadd.f32 $0.0e+00, v10;
	vm1 =	vgt.f32 v10, $5.000000070e-02;
	v8 =	vadd.f32 v14, v8  }
0x9d: {  	v14 =	vsel vm0, $0x3F800000, v1;
	vm0 =	vgt.f32 v7, $5.000000070e-02;
	v10 =	vsel vm1, $0x3F800000, v1;
	v18 =	vld.idx.msk [tilespmem:v15+s1+$0x0], $0xffff  }
0x9e: {  	v9 =	vadd.f32 v11, v9;
	v10 =	vadd.f32 v14, v10;
	vm1 =	vgt.f32 v8, $5.000000070e-02;
	v11 =	vld.idx.msk [tilespmem:v15+s8+$0x0], $0xffff  }
0x9f: {  	v14 =	vsel vm0, $0x3F800000, v1;
	v13 =	vmul.f32 v13, v3;
	v6 =	vmul.f32 v6, v2;
	v15 =	vld.idx.msk [tilespmem:v16+s1+$0x0], $0xffff  }
0xa0: {  	v7 =	vadd.f32 v7, v9;
	v9 =	vadd.f32 v14, v10;
	v10 =	vmul.f32 v12, v2;
	v12 =	vld.idx.msk [tilespmem:v16+s8+$0x0], $0xffff  }
0xa1: {  	v14 =	vsel vm1, $0x3F800000, v1;
	v6 =	vadd.f32 v6, v13;
	v5 =	vmul.f32 v5, v3;
	v13 =	vld.idx.msk [tilespmem:v17+s8+$0x0], $0xffff  }
0xa2: {  	v7 =	vadd.f32 v8, v7;
	v8 =	vadd.f32 v14, v9;
	v9 =	vld.idx.msk [tilespmem:v17+s1+$0x0], $0xffff  }
0xa3: {  	vm0 =	vgt.f32 v6, $5.000000070e-02;
	v5 =	vadd.f32 v10, v5;
	v10 =	vmul.f32 v18, v3;
	v14 =	vld.idx.msk [tilespmem:v4+s8+$0x0], $0xffff  }
0xa4: {  	v6 =	vadd.f32 v6, v7;
	v7 =	vsel vm0, $0x3F800000, v1;
	v11 =	vmul.f32 v11, v2;
	v4 =	vld.idx.msk [tilespmem:v4+s1+$0x0], $0xffff  }
0xa5: {  	v7 =	vadd.f32 v7, v8;
	vm0 =	vgt.f32 v5, $5.000000070e-02;
	v8 =	vmul.f32 v15, v3  }
0xa6: {  	v15 =	vsel vm0, $0x3F800000, v1;
	v10 =	vadd.f32 v11, v10;
	v11 =	vmul.f32 v12, v2  }
0xa7: {  	v5 =	vadd.f32 v5, v6;
	v6 =	vadd.f32 v15, v7;
	v7 =	vmul.f32 v13, v2  }
0xa8: {  	vm0 =	vgt.f32 v10, $5.000000070e-02;
	v8 =	vadd.f32 v11, v8;
	v9 =	vmul.f32 v9, v3  }
0xa9: {  	v5 =	vadd.f32 v10, v5;
	v10 =	vsel vm0, $0x3F800000, v1;
	v2 =	vmul.f32 v14, v2  }
0xaa: {  	v6 =	vadd.f32 v10, v6;
	vm0 =	vgt.f32 v8, $5.000000070e-02;
	v3 =	vmul.f32 v4, v3  }
0xab: {  	v4 =	vadd.f32 v8, v5;
	v7 =	vadd.f32 v7, v9;
	v5 =	vsel vm0, $0x3F800000, v1  }
0xac: {  	v5 =	vadd.f32 v5, v6;
	v2 =	vadd.f32 v2, v3  }
0xad: {  	v3 =	vadd.f32 v7, v4;
	vm0 =	vgt.f32 v7, $5.000000070e-02  }
0xae: {  	v6 =	vsel vm0, $0x3F800000, v1;
	vm0 =	vgt.f32 v2, $5.000000070e-02;
	v4 =	vld [tilespmem:s12+$0x0];
	s12 =	smov.u32 s23  }
0xaf: {  	v5 =	vadd.f32 v6, v5;
	v2 =	vadd.f32 v2, v3;
	v3 =	vsel vm0, $0x3F800000, v1;
	v7 =	vld [tilespmem:s11+$0x0];
	s11 =	smov.u32 s22;
	_ =	sdelay $0x1  }
0xb0: {  	v3 =	vadd.f32 v3, v5;
	v2 =	vmul.f32 v2, v0;
	_ =	sdelay $0x1  }
0xb1: {  	vm0 =	vgt.f32 v2, $0.0e+00;
	vm1 =	vgt.f32 v3, $8.000000000e+00  }
0xb2: {  	vm0 =	vmand vm0, vm1;
	v2 =	vadd.f32 v2, v4;
	vm1 =	vgt.f32 v7, $5.000000000e-01  }
0xb3: {  	vm0 =	vmand vm1, vm0  }
0xb4: {  	v2 =	vnsel vm0, $0x0, v2  }
0xb5: {  	[tilespmem:s13+$0x0] =	vst v2;
	s13 =	smov.u32 s24  }
0xb6: {  	v9 =	vld [tilespmem:s20+$0x8100]  }
0xb7: {  	v10 =	vld [tilespmem:s20+$0x8080]  }
0xb8: {  	v2 =	vld [tilespmem:s19+$0x0]  }
0xb9: {  	v14 =	vld [tilespmem:s20+$0x8000]  }
0xba: {  	v6 =	vld [tilespmem:s20+$0x8200]  }
0xbb: {  	v8 =	vld [tilespmem:s20+$0x8180]  }
0xbc: {  	v4 =	vld [tilespmem:s20+$0x9080]  }
0xbd: {  	v5 =	vld [tilespmem:s20+$0x8280]  }
0xbe: {  	v3 =	vld [tilespmem:s18+$0x0]  }
0xbf: {  	v7 =	vld.idx.msk [tilespmem:v9+s8+$0x0], $0xffff  }
.Ltmp2:
0xc0: {  	v9 =	vld.idx.msk [tilespmem:v9+s1+$0x0], $0xffff;
	(pc) =	sbr.rel @p1 .LBB2_2-.Ltmp2, $4  }
0xc1: {  	v11 =	vld.idx.msk [tilespmem:v10+s8+$0x0], $0xffff  }
0xc2: {  	v13 =	vld.idx.msk [tilespmem:v10+s1+$0x0], $0xffff  }
0xc3: {  	v12 =	vld.idx.msk [tilespmem:v14+s8+$0x0], $0xffff  }
0xc4: {  	s23 =	sadd.s32 $0x10, s23;
	s22 =	sadd.s32 $0x10, s22;
	s24 =	sadd.s32 $0x10, s24;
	v10 =	vld.idx.msk [tilespmem:v14+s1+$0x0], $0xffff  }
0xc5: {  	_ =	sdelay $0x3  }
0xc6: {  	v14 =	vld.idx.msk [tilespmem:v8+s8+$0x0], $0xffff  }
0xc7: {  	v8 =	vld.idx.msk [tilespmem:v8+s1+$0x0], $0xffff  }
0xc8: {  	v15 =	vld [tilespmem:s20+$0x8300];
	v11 =	vmul.f32 v11, v2;
	v13 =	vmul.f32 v13, v3  }
0xc9: {  	v16 =	vld [tilespmem:s25+$0x8000]  }
0xca: {  	v12 =	vmul.f32 v12, v2;
	v10 =	vmul.f32 v10, v3;
	v11 =	vadd.f32 v11, v13;
	v13 =	vld.idx.msk [tilespmem:v6+s1+$0x0], $0xffff  }
0xcb: {  	v9 =	vmul.f32 v9, v3;
	v7 =	vmul.f32 v7, v2;
	v6 =	vld.idx.msk [tilespmem:v6+s8+$0x0], $0xffff  }
0xcc: {  	v17 =	vld [tilespmem:s20+$0x9000];
	v10 =	vadd.f32 v12, v10  }
0xcd: {  	v7 =	vadd.f32 v7, v9;
	v14 =	vmul.f32 v14, v2;
	v8 =	vmul.f32 v8, v3;
	v12 =	vld.idx.msk [tilespmem:v5+s8+$0x0], $0xffff  }
0xce: {  	vm0 =	vgt.f32 v11, $5.000000070e-02;
	v5 =	vld.idx.msk [tilespmem:v5+s1+$0x0], $0xffff;
	v9 =	vadd.f32 $0.0e+00, v10;
	vm1 =	vgt.f32 v10, $5.000000070e-02  }
0xcf: {  	v8 =	vadd.f32 v14, v8;
	v14 =	vsel vm0, $0x3F800000, v1;
	v10 =	vsel vm1, $0x3F800000, v1  }
0xd0: {  	v18 =	vld.idx.msk [tilespmem:v15+s1+$0x0], $0xffff;
	v13 =	vmul.f32 v13, v3;
	v6 =	vmul.f32 v6, v2;
	v9 =	vadd.f32 v11, v9  }
0xd1: {  	vm5 =	vgt.f32 v7, $5.000000070e-02;
	vm6 =	vgt.f32 v8, $5.000000070e-02;
	v10 =	vadd.f32 v14, v10;
	v11 =	vld.idx.msk [tilespmem:v15+s8+$0x0], $0xffff  }
0xd2: {  	v14 =	vsel vm5, $0x3F800000, v1;
	v15 =	vld.idx.msk [tilespmem:v16+s1+$0x0], $0xffff;
	v6 =	vadd.f32 v6, v13;
	v7 =	vadd.f32 v7, v9  }
0xd3: {  	v5 =	vmul.f32 v5, v3;
	v9 =	vadd.f32 v14, v10;
	v10 =	vmul.f32 v12, v2;
	v12 =	vld.idx.msk [tilespmem:v16+s8+$0x0], $0xffff  }
0xd4: {  	v13 =	vld.idx.msk [tilespmem:v17+s8+$0x0], $0xffff;
	v14 =	vsel vm6, $0x3F800000, v1;
	vm7 =	vgt.f32 v6, $5.000000070e-02;
	v7 =	vadd.f32 v8, v7  }
0xd5: {  	v8 =	vadd.f32 v14, v9;
	v9 =	vld.idx.msk [tilespmem:v17+s1+$0x0], $0xffff;
	v5 =	vadd.f32 v10, v5;
	v10 =	vmul.f32 v18, v3  }
0xd6: {  	v14 =	vld.idx.msk [tilespmem:v4+s8+$0x0], $0xffff;
	v11 =	vmul.f32 v11, v2;
	v6 =	vadd.f32 v6, v7;
	v7 =	vsel vm7, $0x3F800000, v1  }
0xd7: {  	v4 =	vld.idx.msk [tilespmem:v4+s1+$0x0], $0xffff;
	vm8 =	vgt.f32 v5, $5.000000070e-02;
	v7 =	vadd.f32 v7, v8;
	v8 =	vmul.f32 v15, v3  }
0xd8: {  	v15 =	vsel vm8, $0x3F800000, v1;
	v10 =	vadd.f32 v11, v10;
	v11 =	vmul.f32 v12, v2  }
0xd9: {  	v5 =	vadd.f32 v5, v6;
	v6 =	vadd.f32 v15, v7  }
0xda: {  	v7 =	vmul.f32 v13, v2;
	vm9 =	vgt.f32 v10, $5.000000070e-02;
	v8 =	vadd.f32 v11, v8  }
0xdb: {  	v9 =	vmul.f32 v9, v3;
	v5 =	vadd.f32 v10, v5;
	v10 =	vsel vm9, $0x3F800000, v1  }
0xdc: {  	v2 =	vmul.f32 v14, v2;
	v3 =	vmul.f32 v4, v3;
	v6 =	vadd.f32 v10, v6  }
0xdd: {  	vm10 =	vgt.f32 v8, $5.000000070e-02;
	v7 =	vadd.f32 v7, v9;
	v4 =	vadd.f32 v8, v5  }
0xde: {  	v2 =	vadd.f32 v2, v3;
	v5 =	vsel vm10, $0x3F800000, v1  }
0xdf: {  	v5 =	vadd.f32 v5, v6;
	vm11 =	vgt.f32 v7, $5.000000070e-02;
	v3 =	vadd.f32 v7, v4  }
0xe0: {  	v4 =	vld [tilespmem:s12+$0x0];
	v6 =	vsel vm11, $0x3F800000, v1  }
0xe1: {  	vm12 =	vgt.f32 v2, $5.000000070e-02;
	v7 =	vld [tilespmem:s11+$0x0];
	v5 =	vadd.f32 v6, v5;
	v2 =	vadd.f32 v2, v3  }
0xe2: {  	v3 =	vsel vm12, $0x3F800000, v1  }
0xe3: {  	v3 =	vadd.f32 v3, v5;
	v2 =	vmul.f32 v2, v0;
	_ =	sdelay $0x1  }
0xe4: {  	vm14 =	vgt.f32 v3, $8.000000000e+00;
	vm13 =	vgt.f32 v2, $0.0e+00  }
0xe5: {  	vm15 =	vgt.f32 v7, $5.000000000e-01;
	v2 =	vadd.f32 v2, v4;
	vm0 =	vmand vm13, vm14  }
0xe6: {  	vm0 =	vmand vm15, vm0  }
0xe7: {  	v2 =	vnsel vm0, $0x0, v2  }
0xe8: {  	s21 =	rddreg [dreg:$0x16];
	s11 =	simm.s32 $0xA800;
	[tilespmem:s13+$0x0] =	vst v2  }
0xe9: {  	[hbm4b:s21+s5] =	stream.strided.scatter [tilespmem:s11], [sflag:$0x1], $0x200, s6, s5, $0x38;
	[tilespmem:$0xAA00] =	vst v63  }
0xea: {  	_ =	swait.ge [sflag:s7], $0x200  }
0xeb: {  	[sflag:s7] =	ssyncset.done $0x0  }
0xec: {  	s18 =	simm.s32 $0x0;
	s22 =	rddreg [dreg:$0x6];
	[sflag:s7] =	ssyncadd.s32 $0xFFFFFE00  }
0xed: {  	[tilespmem:s18], [sflag:$0x1] =	stream.strided.gather [hbm4b:s22+s5], $0x4000, s6, s5, $0x38;
	[tilespmem:$0xAA00] =	vst v63  }
0xee: {  	_ =	swait.ge [sflag:s7], $0x4000  }
0xef: {  	[sflag:s7] =	ssyncset.done $0x0  }
0xf0: {  	s23 =	rddreg [dreg:$0x7];
	[sflag:s7] =	ssyncadd.s32 $0xFFFFC000  }
0xf1: {  	[tilespmem:s8], [sflag:$0x1] =	stream.strided.gather [hbm4b:s23+s5], $0x4000, s6, s5, $0x38;
	[tilespmem:$0xAA00] =	vst v63  }
0xf2: {  	_ =	swait.ge [sflag:s7], $0x4000  }
0xf3: {  	[sflag:s7] =	ssyncset.done $0x0  }
0xf4: {  	s24 =	rddreg [dreg:$0x8];
	[sflag:s7] =	ssyncadd.s32 $0xFFFFC000  }
0xf5: {  	[tilespmem:s9], [sflag:$0x1] =	stream.linear.gather [hbm4b:s24+s18], $0x2000, $0x38;
	[tilespmem:$0xAA00] =	vst v63  }
0xf6: {  	_ =	swait.ge [sflag:s7], $0x2000  }
0xf7: {  	[sflag:s7] =	ssyncset.done $0x0  }
0xf8: {  	s19 =	simm.s32 $0xA000;
	s25 =	rddreg [dreg:$0x17];
	[sflag:s7] =	ssyncadd.s32 $0xFFFFE000  }
0xf9: {  	[tilespmem:s19], [sflag:$0x1] =	stream.strided.gather [hbm4b:s25+s5], $0x200, s6, s5, $0x38;
	[tilespmem:$0xAA00] =	vst v63  }
0xfa: {  	_ =	swait.ge [sflag:s7], $0x200  }
0xfb: {  	[sflag:s7] =	ssyncset.done $0x0  }
0xfc: {  	s20 =	simm.s32 $0xA200;
	s26 =	rddreg [dreg:$0x18];
	[sflag:s7] =	ssyncadd.s32 $0xFFFFFE00  }
0xfd: {  	[tilespmem:s20], [sflag:$0x1] =	stream.strided.gather [hbm4b:s26+s5], $0x200, s6, s5, $0x38;
	[tilespmem:$0xAA00] =	vst v63  }
0xfe: {  	_ =	swait.ge [sflag:s7], $0x200  }
0xff: {  	[sflag:s7] =	ssyncset.done $0x0  }
0x100: {  	s12 =	simm.s32 $0xA400;
	s28 =	rddreg [dreg:$0x19];
	[sflag:s7] =	ssyncadd.s32 $0xFFFFFE00  }
0x101: {  	[tilespmem:s12], [sflag:$0x1] =	stream.strided.gather [hbm4b:s28+s5], $0x200, s6, s5, $0x38;
	[tilespmem:$0xAA00] =	vst v63  }
0x102: {  	_ =	swait.ge [sflag:s7], $0x200  }
0x103: {  	[sflag:s7] =	ssyncset.done $0x0  }
0x104: {  	s13 =	simm.s32 $0xA600;
	s21 =	rddreg [dreg:$0x1a];
	[sflag:s7] =	ssyncadd.s32 $0xFFFFFE00  }
0x105: {  	[tilespmem:s13], [sflag:$0x1] =	stream.strided.gather [hbm4b:s21+s5], $0x200, s6, s5, $0x38;
	[tilespmem:$0xAA00] =	vst v63  }
0x106: {  	_ =	swait.ge [sflag:s7], $0x200  }
0x107: {  	s29 =	sand.u32 $0x70, s18;
	s22 =	sand.u32 $0xC00, s18;
	[sflag:s7] =	ssyncset.done $0x0  }
0x108: {  	s21 =	sor.u32 s29, s22;
	[sflag:s7] =	ssyncadd.s32 $0xFFFFFE00  }
0x109: {  	v9 =	vld [tilespmem:s21+$0x8100]  }
0x10a: {  	v10 =	vld [tilespmem:s21+$0x8080]  }
0x10b: {  	v2 =	vld [tilespmem:s20+$0x0]  }
0x10c: {  	v14 =	vld [tilespmem:s21+$0x8000]  }
0x10d: {  	v6 =	vld [tilespmem:s21+$0x8200]  }
0x10e: {  	v8 =	vld [tilespmem:s21+$0x8180]  }
0x10f: {  	v4 =	vld [tilespmem:s21+$0x9080]  }
0x110: {  	v5 =	vld [tilespmem:s21+$0x8280]  }
0x111: {  	v3 =	vld [tilespmem:s19+$0x0]  }
0x112: {  	v7 =	vld.idx.msk [tilespmem:v9+s8+$0x0], $0xffff  }
0x113: {  	v9 =	vld.idx.msk [tilespmem:v9+s1+$0x0], $0xffff  }
0x114: {  	v11 =	vld.idx.msk [tilespmem:v10+s8+$0x0], $0xffff  }
0x115: {  	v12 =	vld.idx.msk [tilespmem:v10+s1+$0x0], $0xffff  }
0x116: {  	s23 =	sor.u32 s18, s18;
	s24 =	simm.s32 $0xA610;
	s25 =	simm.s32 $0xA810;
	v13 =	vld.idx.msk [tilespmem:v14+s8+$0x0], $0xffff  }
0x117: {  	s26 =	sor.u32 $0x380, s23;
	s23 =	simm.s32 $0xA410;
	s22 =	simm.s32 $0x10;
	v10 =	vld.idx.msk [tilespmem:v14+s1+$0x0], $0xffff  }
.LBB2_4:
0x118: {  	v14 =	vld.idx.msk [tilespmem:v8+s8+$0x0], $0xffff;
	s18 =	sadd.s32 $0x80, s18;
	s19 =	sadd.s32 $0x10, s19;
	s20 =	sadd.s32 $0x10, s20  }
0x119: {  	p1 =	sne.s32 s22, $0x180;
	v9 =	vmul.f32 v9, v3;
	s28 =	smov.u32 s22;
	s22 =	sadd.s32 $0x10, s22;
	v8 =	vld.idx.msk [tilespmem:v8+s1+$0x0], $0xffff  }
0x11a: {  	v11 =	vmul.f32 v11, v2;
	v15 =	vld [tilespmem:s21+$0x8300]  }
0x11b: {  	v12 =	vmul.f32 v12, v3;
	v16 =	vld [tilespmem:s26+$0x8000]  }
0x11c: {  	v13 =	vmul.f32 v13, v2;
	v17 =	vld [tilespmem:s21+$0x9000]  }
0x11d: {  	s21 =	sor.u32 s18, s28;
	v10 =	vmul.f32 v10, v3;
	v11 =	vadd.f32 v11, v12;
	v12 =	vld.idx.msk [tilespmem:v6+s1+$0x0], $0xffff  }
0x11e: {  	v7 =	vmul.f32 v7, v2;
	s29 =	sand.u32 $0xC00, s18;
	s28 =	sand.u32 $0x70, s28;
	s26 =	sor.u32 $0x380, s21;
	v14 =	vmul.f32 v14, v2;
	v6 =	vld.idx.msk [tilespmem:v6+s8+$0x0], $0xffff  }
0x11f: {  	s21 =	sor.u32 s28, s29;
	v10 =	vadd.f32 v13, v10;
	vm0 =	vgt.f32 v11, $5.000000070e-02;
	v8 =	vmul.f32 v8, v3;
	v13 =	vld.idx.msk [tilespmem:v5+s8+$0x0], $0xffff  }
0x120: {  	v7 =	vadd.f32 v7, v9;
	v5 =	vld.idx.msk [tilespmem:v5+s1+$0x0], $0xffff  }
0x121: {  	v9 =	vadd.f32 $0.0e+00, v10;
	vm1 =	vgt.f32 v10, $5.000000070e-02;
	v8 =	vadd.f32 v14, v8  }
0x122: {  	v14 =	vsel vm0, $0x3F800000, v1;
	vm0 =	vgt.f32 v7, $5.000000070e-02;
	v10 =	vsel vm1, $0x3F800000, v1;
	v18 =	vld.idx.msk [tilespmem:v15+s1+$0x0], $0xffff  }
0x123: {  	v9 =	vadd.f32 v11, v9;
	v10 =	vadd.f32 v14, v10;
	vm1 =	vgt.f32 v8, $5.000000070e-02;
	v11 =	vld.idx.msk [tilespmem:v15+s8+$0x0], $0xffff  }
0x124: {  	v14 =	vsel vm0, $0x3F800000, v1;
	v12 =	vmul.f32 v12, v3;
	v6 =	vmul.f32 v6, v2;
	v15 =	vld.idx.msk [tilespmem:v16+s1+$0x0], $0xffff  }
0x125: {  	v7 =	vadd.f32 v7, v9;
	v9 =	vadd.f32 v14, v10;
	v10 =	vmul.f32 v13, v2;
	v13 =	vld.idx.msk [tilespmem:v16+s8+$0x0], $0xffff  }
0x126: {  	v14 =	vsel vm1, $0x3F800000, v1;
	v6 =	vadd.f32 v6, v12;
	v5 =	vmul.f32 v5, v3;
	v12 =	vld.idx.msk [tilespmem:v17+s8+$0x0], $0xffff  }
0x127: {  	v7 =	vadd.f32 v8, v7;
	v8 =	vadd.f32 v14, v9;
	v9 =	vld.idx.msk [tilespmem:v17+s1+$0x0], $0xffff  }
0x128: {  	vm0 =	vgt.f32 v6, $5.000000070e-02;
	v5 =	vadd.f32 v10, v5;
	v10 =	vmul.f32 v18, v3;
	v14 =	vld.idx.msk [tilespmem:v4+s8+$0x0], $0xffff  }
0x129: {  	v6 =	vadd.f32 v6, v7;
	v7 =	vsel vm0, $0x3F800000, v1;
	v11 =	vmul.f32 v11, v2;
	v4 =	vld.idx.msk [tilespmem:v4+s1+$0x0], $0xffff  }
0x12a: {  	v7 =	vadd.f32 v7, v8;
	vm0 =	vgt.f32 v5, $5.000000070e-02;
	v8 =	vmul.f32 v15, v3  }
0x12b: {  	v15 =	vsel vm0, $0x3F800000, v1;
	v10 =	vadd.f32 v11, v10;
	v11 =	vmul.f32 v13, v2  }
0x12c: {  	v5 =	vadd.f32 v5, v6;
	v6 =	vadd.f32 v15, v7;
	v7 =	vmul.f32 v12, v2  }
0x12d: {  	vm0 =	vgt.f32 v10, $5.000000070e-02;
	v8 =	vadd.f32 v11, v8;
	v9 =	vmul.f32 v9, v3  }
0x12e: {  	v5 =	vadd.f32 v10, v5;
	v10 =	vsel vm0, $0x3F800000, v1;
	v2 =	vmul.f32 v14, v2  }
0x12f: {  	v6 =	vadd.f32 v10, v6;
	vm0 =	vgt.f32 v8, $5.000000070e-02;
	v3 =	vmul.f32 v4, v3  }
0x130: {  	v4 =	vadd.f32 v8, v5;
	v7 =	vadd.f32 v7, v9;
	v5 =	vsel vm0, $0x3F800000, v1  }
0x131: {  	v5 =	vadd.f32 v5, v6;
	v2 =	vadd.f32 v2, v3  }
0x132: {  	v3 =	vadd.f32 v7, v4;
	vm0 =	vgt.f32 v7, $5.000000070e-02  }
0x133: {  	v6 =	vsel vm0, $0x3F800000, v1;
	vm0 =	vgt.f32 v2, $5.000000070e-02;
	v4 =	vld [tilespmem:s13+$0x0];
	s13 =	smov.u32 s24  }
0x134: {  	v5 =	vadd.f32 v6, v5;
	v2 =	vadd.f32 v2, v3;
	v3 =	vsel vm0, $0x3F800000, v1;
	v7 =	vld [tilespmem:s12+$0x0];
	s12 =	smov.u32 s23;
	_ =	sdelay $0x1  }
0x135: {  	v3 =	vadd.f32 v3, v5;
	v2 =	vmul.f32 v2, v0;
	_ =	sdelay $0x1  }
0x136: {  	vm0 =	vgt.f32 v2, $0.0e+00;
	vm1 =	vgt.f32 v3, $8.000000000e+00  }
0x137: {  	vm0 =	vmand vm0, vm1;
	v2 =	vadd.f32 v2, v4;
	vm1 =	vgt.f32 v7, $5.000000000e-01  }
0x138: {  	vm0 =	vmand vm1, vm0  }
0x139: {  	v2 =	vnsel vm0, $0x0, v2  }
0x13a: {  	[tilespmem:s11+$0x0] =	vst v2;
	s11 =	smov.u32 s25  }
0x13b: {  	v9 =	vld [tilespmem:s21+$0x8100]  }
0x13c: {  	v10 =	vld [tilespmem:s21+$0x8080]  }
0x13d: {  	v2 =	vld [tilespmem:s20+$0x0]  }
0x13e: {  	v14 =	vld [tilespmem:s21+$0x8000]  }
0x13f: {  	v6 =	vld [tilespmem:s21+$0x8200]  }
0x140: {  	v8 =	vld [tilespmem:s21+$0x8180]  }
0x141: {  	v4 =	vld [tilespmem:s21+$0x9080]  }
0x142: {  	v5 =	vld [tilespmem:s21+$0x8280]  }
0x143: {  	v3 =	vld [tilespmem:s19+$0x0]  }
0x144: {  	v7 =	vld.idx.msk [tilespmem:v9+s8+$0x0], $0xffff  }
.Ltmp3:
0x145: {  	v9 =	vld.idx.msk [tilespmem:v9+s1+$0x0], $0xffff;
	(pc) =	sbr.rel @p1 .LBB2_4-.Ltmp3, $4  }
0x146: {  	v11 =	vld.idx.msk [tilespmem:v10+s8+$0x0], $0xffff  }
0x147: {  	v12 =	vld.idx.msk [tilespmem:v10+s1+$0x0], $0xffff  }
0x148: {  	v13 =	vld.idx.msk [tilespmem:v14+s8+$0x0], $0xffff  }
0x149: {  	s24 =	sadd.s32 $0x10, s24;
	s23 =	sadd.s32 $0x10, s23;
	s25 =	sadd.s32 $0x10, s25;
	v10 =	vld.idx.msk [tilespmem:v14+s1+$0x0], $0xffff  }
0x14a: {  	_ =	sdelay $0x3  }
0x14b: {  	v14 =	vld.idx.msk [tilespmem:v8+s8+$0x0], $0xffff  }
0x14c: {  	v8 =	vld.idx.msk [tilespmem:v8+s1+$0x0], $0xffff  }
0x14d: {  	v15 =	vld [tilespmem:s21+$0x8300];
	v11 =	vmul.f32 v11, v2;
	v12 =	vmul.f32 v12, v3  }
0x14e: {  	v16 =	vld [tilespmem:s26+$0x8000]  }
0x14f: {  	v13 =	vmul.f32 v13, v2;
	v10 =	vmul.f32 v10, v3;
	v11 =	vadd.f32 v11, v12;
	v12 =	vld.idx.msk [tilespmem:v6+s1+$0x0], $0xffff  }
0x150: {  	v9 =	vmul.f32 v9, v3;
	v7 =	vmul.f32 v7, v2;
	v6 =	vld.idx.msk [tilespmem:v6+s8+$0x0], $0xffff  }
0x151: {  	v17 =	vld [tilespmem:s21+$0x9000];
	v10 =	vadd.f32 v13, v10  }
0x152: {  	v7 =	vadd.f32 v7, v9;
	v14 =	vmul.f32 v14, v2;
	v8 =	vmul.f32 v8, v3;
	v13 =	vld.idx.msk [tilespmem:v5+s8+$0x0], $0xffff  }
0x153: {  	vm0 =	vgt.f32 v11, $5.000000070e-02;
	v5 =	vld.idx.msk [tilespmem:v5+s1+$0x0], $0xffff;
	v9 =	vadd.f32 $0.0e+00, v10;
	vm1 =	vgt.f32 v10, $5.000000070e-02  }
0x154: {  	v8 =	vadd.f32 v14, v8;
	v14 =	vsel vm0, $0x3F800000, v1;
	v10 =	vsel vm1, $0x3F800000, v1  }
0x155: {  	v18 =	vld.idx.msk [tilespmem:v15+s1+$0x0], $0xffff;
	v12 =	vmul.f32 v12, v3;
	v6 =	vmul.f32 v6, v2;
	v9 =	vadd.f32 v11, v9  }
0x156: {  	vm5 =	vgt.f32 v7, $5.000000070e-02;
	vm6 =	vgt.f32 v8, $5.000000070e-02;
	v10 =	vadd.f32 v14, v10;
	v11 =	vld.idx.msk [tilespmem:v15+s8+$0x0], $0xffff  }
0x157: {  	v14 =	vsel vm5, $0x3F800000, v1;
	v15 =	vld.idx.msk [tilespmem:v16+s1+$0x0], $0xffff;
	v6 =	vadd.f32 v6, v12;
	v7 =	vadd.f32 v7, v9  }
0x158: {  	v5 =	vmul.f32 v5, v3;
	v9 =	vadd.f32 v14, v10;
	v10 =	vmul.f32 v13, v2;
	v13 =	vld.idx.msk [tilespmem:v16+s8+$0x0], $0xffff  }
0x159: {  	v12 =	vld.idx.msk [tilespmem:v17+s8+$0x0], $0xffff;
	v14 =	vsel vm6, $0x3F800000, v1;
	vm7 =	vgt.f32 v6, $5.000000070e-02;
	v7 =	vadd.f32 v8, v7  }
0x15a: {  	v8 =	vadd.f32 v14, v9;
	v9 =	vld.idx.msk [tilespmem:v17+s1+$0x0], $0xffff;
	v5 =	vadd.f32 v10, v5;
	v10 =	vmul.f32 v18, v3  }
0x15b: {  	v14 =	vld.idx.msk [tilespmem:v4+s8+$0x0], $0xffff;
	v11 =	vmul.f32 v11, v2;
	v6 =	vadd.f32 v6, v7;
	v7 =	vsel vm7, $0x3F800000, v1  }
0x15c: {  	v4 =	vld.idx.msk [tilespmem:v4+s1+$0x0], $0xffff;
	vm8 =	vgt.f32 v5, $5.000000070e-02;
	v7 =	vadd.f32 v7, v8;
	v8 =	vmul.f32 v15, v3  }
0x15d: {  	v15 =	vsel vm8, $0x3F800000, v1;
	v10 =	vadd.f32 v11, v10;
	v11 =	vmul.f32 v13, v2  }
0x15e: {  	v5 =	vadd.f32 v5, v6;
	v6 =	vadd.f32 v15, v7  }
0x15f: {  	v7 =	vmul.f32 v12, v2;
	vm9 =	vgt.f32 v10, $5.000000070e-02;
	v8 =	vadd.f32 v11, v8  }
0x160: {  	v9 =	vmul.f32 v9, v3;
	v5 =	vadd.f32 v10, v5;
	v10 =	vsel vm9, $0x3F800000, v1  }
0x161: {  	v2 =	vmul.f32 v14, v2;
	v3 =	vmul.f32 v4, v3;
	v6 =	vadd.f32 v10, v6  }
0x162: {  	vm10 =	vgt.f32 v8, $5.000000070e-02;
	v7 =	vadd.f32 v7, v9;
	v4 =	vadd.f32 v8, v5  }
0x163: {  	v2 =	vadd.f32 v2, v3;
	v5 =	vsel vm10, $0x3F800000, v1  }
0x164: {  	v5 =	vadd.f32 v5, v6;
	vm11 =	vgt.f32 v7, $5.000000070e-02;
	v3 =	vadd.f32 v7, v4  }
0x165: {  	v4 =	vld [tilespmem:s13+$0x0];
	v6 =	vsel vm11, $0x3F800000, v1  }
0x166: {  	vm12 =	vgt.f32 v2, $5.000000070e-02;
	v7 =	vld [tilespmem:s12+$0x0];
	v5 =	vadd.f32 v6, v5;
	v2 =	vadd.f32 v2, v3  }
0x167: {  	v3 =	vsel vm12, $0x3F800000, v1  }
0x168: {  	v3 =	vadd.f32 v3, v5;
	v2 =	vmul.f32 v2, v0;
	_ =	sdelay $0x1  }
0x169: {  	vm14 =	vgt.f32 v3, $8.000000000e+00;
	vm13 =	vgt.f32 v2, $0.0e+00  }
0x16a: {  	vm15 =	vgt.f32 v7, $5.000000000e-01;
	v2 =	vadd.f32 v2, v4;
	vm0 =	vmand vm13, vm14  }
0x16b: {  	vm0 =	vmand vm15, vm0  }
0x16c: {  	v2 =	vnsel vm0, $0x0, v2  }
0x16d: {  	s23 =	rddreg [dreg:$0x1b];
	[tilespmem:s11+$0x0] =	vst v2;
	s11 =	simm.s32 $0xA800  }
0x16e: {  	[hbm4b:s23+s5] =	stream.strided.scatter [tilespmem:s11], [sflag:$0x1], $0x200, s6, s5, $0x38;
	[tilespmem:$0xAA00] =	vst v63  }
0x16f: {  	_ =	swait.ge [sflag:s7], $0x200  }
0x170: {  	[sflag:s7] =	ssyncset.done $0x0  }
0x171: {  	s18 =	simm.s32 $0x0;
	s24 =	rddreg [dreg:$0x9];
	[sflag:s7] =	ssyncadd.s32 $0xFFFFFE00  }
0x172: {  	[tilespmem:s18], [sflag:$0x1] =	stream.strided.gather [hbm4b:s24+s5], $0x4000, s6, s5, $0x38;
	[tilespmem:$0xAA00] =	vst v63  }
0x173: {  	_ =	swait.ge [sflag:s7], $0x4000  }
0x174: {  	[sflag:s7] =	ssyncset.done $0x0  }
0x175: {  	s25 =	rddreg [dreg:$0xa];
	[sflag:s7] =	ssyncadd.s32 $0xFFFFC000  }
0x176: {  	[tilespmem:s8], [sflag:$0x1] =	stream.strided.gather [hbm4b:s25+s5], $0x4000, s6, s5, $0x38;
	[tilespmem:$0xAA00] =	vst v63  }
0x177: {  	_ =	swait.ge [sflag:s7], $0x4000  }
0x178: {  	[sflag:s7] =	ssyncset.done $0x0  }
0x179: {  	s26 =	rddreg [dreg:$0xb];
	[sflag:s7] =	ssyncadd.s32 $0xFFFFC000  }
0x17a: {  	[tilespmem:s9], [sflag:$0x1] =	stream.linear.gather [hbm4b:s26+s18], $0x2000, $0x38;
	[tilespmem:$0xAA00] =	vst v63  }
0x17b: {  	_ =	swait.ge [sflag:s7], $0x2000  }
0x17c: {  	[sflag:s7] =	ssyncset.done $0x0  }
0x17d: {  	s19 =	simm.s32 $0xA000;
	s28 =	rddreg [dreg:$0x1c];
	[sflag:s7] =	ssyncadd.s32 $0xFFFFE000  }
0x17e: {  	[tilespmem:s19], [sflag:$0x1] =	stream.strided.gather [hbm4b:s28+s5], $0x200, s6, s5, $0x38;
	[tilespmem:$0xAA00] =	vst v63  }
0x17f: {  	_ =	swait.ge [sflag:s7], $0x200  }
0x180: {  	[sflag:s7] =	ssyncset.done $0x0  }
0x181: {  	s20 =	simm.s32 $0xA200;
	[sflag:s7] =	ssyncadd.s32 $0xFFFFFE00  }
0x182: {  	[tilespmem:s20], [sflag:$0x1] =	stream.strided.gather [hbm4b:s30+s5], $0x200, s6, s5, $0x38;
	[tilespmem:$0xAA00] =	vst v63  }
0x183: {  	_ =	swait.ge [sflag:s7], $0x200  }
0x184: {  	[sflag:s7] =	ssyncset.done $0x0  }
0x185: {  	s12 =	simm.s32 $0xA400;
	[sflag:s7] =	ssyncadd.s32 $0xFFFFFE00  }
0x186: {  	[tilespmem:s12], [sflag:$0x1] =	stream.strided.gather [hbm4b:s31+s5], $0x200, s6, s5, $0x38;
	[tilespmem:$0xAA00] =	vst v63  }
0x187: {  	_ =	swait.ge [sflag:s7], $0x200  }
0x188: {  	[sflag:s7] =	ssyncset.done $0x0  }
0x189: {  	s13 =	simm.s32 $0xA600;
	[sflag:s7] =	ssyncadd.s32 $0xFFFFFE00  }
0x18a: {  	[tilespmem:s13], [sflag:$0x1] =	stream.strided.gather [hbm4b:s17+s5], $0x200, s6, s5, $0x38;
	[tilespmem:$0xAA00] =	vst v63  }
0x18b: {  	_ =	swait.ge [sflag:s7], $0x200  }
0x18c: {  	s29 =	sand.u32 $0x70, s18;
	s22 =	sand.u32 $0xC00, s18;
	[sflag:s7] =	ssyncset.done $0x0  }
0x18d: {  	s21 =	sor.u32 s29, s22;
	[sflag:s7] =	ssyncadd.s32 $0xFFFFFE00  }
0x18e: {  	v9 =	vld [tilespmem:s21+$0x8100]  }
0x18f: {  	v10 =	vld [tilespmem:s21+$0x8080]  }
0x190: {  	v2 =	vld [tilespmem:s20+$0x0]  }
0x191: {  	v14 =	vld [tilespmem:s21+$0x8000]  }
0x192: {  	v6 =	vld [tilespmem:s21+$0x8200]  }
0x193: {  	v8 =	vld [tilespmem:s21+$0x8180]  }
0x194: {  	v4 =	vld [tilespmem:s21+$0x9080]  }
0x195: {  	v5 =	vld [tilespmem:s21+$0x8280]  }
0x196: {  	v3 =	vld [tilespmem:s19+$0x0]  }
0x197: {  	v7 =	vld.idx.msk [tilespmem:v9+s8+$0x0], $0xffff  }
0x198: {  	v9 =	vld.idx.msk [tilespmem:v9+s1+$0x0], $0xffff  }
0x199: {  	v11 =	vld.idx.msk [tilespmem:v10+s8+$0x0], $0xffff  }
0x19a: {  	v12 =	vld.idx.msk [tilespmem:v10+s1+$0x0], $0xffff  }
0x19b: {  	s22 =	simm.s32 $0x10;
	s23 =	sor.u32 s18, s18;
	s24 =	simm.s32 $0xA610;
	v13 =	vld.idx.msk [tilespmem:v14+s8+$0x0], $0xffff  }
0x19c: {  	s25 =	simm.s32 $0xA810;
	s26 =	sor.u32 $0x380, s23;
	s23 =	simm.s32 $0xA410;
	v10 =	vld.idx.msk [tilespmem:v14+s1+$0x0], $0xffff  }
.LBB2_6:
0x19d: {  	v14 =	vld.idx.msk [tilespmem:v8+s8+$0x0], $0xffff;
	s18 =	sadd.s32 $0x80, s18;
	s19 =	sadd.s32 $0x10, s19;
	s20 =	sadd.s32 $0x10, s20  }
0x19e: {  	p1 =	sne.s32 s22, $0x180;
	v9 =	vmul.f32 v9, v3;
	s28 =	smov.u32 s22;
	s22 =	sadd.s32 $0x10, s22;
	v8 =	vld.idx.msk [tilespmem:v8+s1+$0x0], $0xffff  }
0x19f: {  	v11 =	vmul.f32 v11, v2;
	v15 =	vld [tilespmem:s21+$0x8300]  }
0x1a0: {  	v12 =	vmul.f32 v12, v3;
	v16 =	vld [tilespmem:s26+$0x8000]  }
0x1a1: {  	v13 =	vmul.f32 v13, v2;
	v17 =	vld [tilespmem:s21+$0x9000]  }
0x1a2: {  	s21 =	sor.u32 s18, s28;
	v10 =	vmul.f32 v10, v3;
	v11 =	vadd.f32 v11, v12;
	v12 =	vld.idx.msk [tilespmem:v6+s1+$0x0], $0xffff  }
0x1a3: {  	v7 =	vmul.f32 v7, v2;
	s29 =	sand.u32 $0xC00, s18;
	s28 =	sand.u32 $0x70, s28;
	s26 =	sor.u32 $0x380, s21;
	v14 =	vmul.f32 v14, v2;
	v6 =	vld.idx.msk [tilespmem:v6+s8+$0x0], $0xffff  }
0x1a4: {  	s21 =	sor.u32 s28, s29;
	v10 =	vadd.f32 v13, v10;
	vm0 =	vgt.f32 v11, $5.000000070e-02;
	v8 =	vmul.f32 v8, v3;
	v13 =	vld.idx.msk [tilespmem:v5+s8+$0x0], $0xffff  }
0x1a5: {  	v7 =	vadd.f32 v7, v9;
	v5 =	vld.idx.msk [tilespmem:v5+s1+$0x0], $0xffff  }
0x1a6: {  	v9 =	vadd.f32 $0.0e+00, v10;
	vm1 =	vgt.f32 v10, $5.000000070e-02;
	v8 =	vadd.f32 v14, v8  }
0x1a7: {  	v14 =	vsel vm0, $0x3F800000, v1;
	vm0 =	vgt.f32 v7, $5.000000070e-02;
	v10 =	vsel vm1, $0x3F800000, v1;
	v18 =	vld.idx.msk [tilespmem:v15+s1+$0x0], $0xffff  }
0x1a8: {  	v9 =	vadd.f32 v11, v9;
	v10 =	vadd.f32 v14, v10;
	vm1 =	vgt.f32 v8, $5.000000070e-02;
	v11 =	vld.idx.msk [tilespmem:v15+s8+$0x0], $0xffff  }
0x1a9: {  	v14 =	vsel vm0, $0x3F800000, v1;
	v12 =	vmul.f32 v12, v3;
	v6 =	vmul.f32 v6, v2;
	v15 =	vld.idx.msk [tilespmem:v16+s1+$0x0], $0xffff  }
0x1aa: {  	v7 =	vadd.f32 v7, v9;
	v9 =	vadd.f32 v14, v10;
	v10 =	vmul.f32 v13, v2;
	v13 =	vld.idx.msk [tilespmem:v16+s8+$0x0], $0xffff  }
0x1ab: {  	v14 =	vsel vm1, $0x3F800000, v1;
	v6 =	vadd.f32 v6, v12;
	v5 =	vmul.f32 v5, v3;
	v12 =	vld.idx.msk [tilespmem:v17+s8+$0x0], $0xffff  }
0x1ac: {  	v7 =	vadd.f32 v8, v7;
	v8 =	vadd.f32 v14, v9;
	v9 =	vld.idx.msk [tilespmem:v17+s1+$0x0], $0xffff  }
0x1ad: {  	vm0 =	vgt.f32 v6, $5.000000070e-02;
	v5 =	vadd.f32 v10, v5;
	v10 =	vmul.f32 v18, v3;
	v14 =	vld.idx.msk [tilespmem:v4+s8+$0x0], $0xffff  }
0x1ae: {  	v6 =	vadd.f32 v6, v7;
	v7 =	vsel vm0, $0x3F800000, v1;
	v11 =	vmul.f32 v11, v2;
	v4 =	vld.idx.msk [tilespmem:v4+s1+$0x0], $0xffff  }
0x1af: {  	v7 =	vadd.f32 v7, v8;
	vm0 =	vgt.f32 v5, $5.000000070e-02;
	v8 =	vmul.f32 v15, v3  }
0x1b0: {  	v15 =	vsel vm0, $0x3F800000, v1;
	v10 =	vadd.f32 v11, v10;
	v11 =	vmul.f32 v13, v2  }
0x1b1: {  	v5 =	vadd.f32 v5, v6;
	v6 =	vadd.f32 v15, v7;
	v7 =	vmul.f32 v12, v2  }
0x1b2: {  	vm0 =	vgt.f32 v10, $5.000000070e-02;
	v8 =	vadd.f32 v11, v8;
	v9 =	vmul.f32 v9, v3  }
0x1b3: {  	v5 =	vadd.f32 v10, v5;
	v10 =	vsel vm0, $0x3F800000, v1;
	v2 =	vmul.f32 v14, v2  }
0x1b4: {  	v6 =	vadd.f32 v10, v6;
	vm0 =	vgt.f32 v8, $5.000000070e-02;
	v3 =	vmul.f32 v4, v3  }
0x1b5: {  	v4 =	vadd.f32 v8, v5;
	v7 =	vadd.f32 v7, v9;
	v5 =	vsel vm0, $0x3F800000, v1  }
0x1b6: {  	v5 =	vadd.f32 v5, v6;
	v2 =	vadd.f32 v2, v3  }
0x1b7: {  	v3 =	vadd.f32 v7, v4;
	vm0 =	vgt.f32 v7, $5.000000070e-02  }
0x1b8: {  	v6 =	vsel vm0, $0x3F800000, v1;
	vm0 =	vgt.f32 v2, $5.000000070e-02;
	v4 =	vld [tilespmem:s13+$0x0];
	s13 =	smov.u32 s24  }
0x1b9: {  	v5 =	vadd.f32 v6, v5;
	v2 =	vadd.f32 v2, v3;
	v3 =	vsel vm0, $0x3F800000, v1;
	v7 =	vld [tilespmem:s12+$0x0];
	s12 =	smov.u32 s23;
	_ =	sdelay $0x1  }
0x1ba: {  	v3 =	vadd.f32 v3, v5;
	v2 =	vmul.f32 v2, v0;
	_ =	sdelay $0x1  }
0x1bb: {  	vm0 =	vgt.f32 v2, $0.0e+00;
	vm1 =	vgt.f32 v3, $8.000000000e+00  }
0x1bc: {  	vm0 =	vmand vm0, vm1;
	v2 =	vadd.f32 v2, v4;
	vm1 =	vgt.f32 v7, $5.000000000e-01  }
0x1bd: {  	vm0 =	vmand vm1, vm0  }
0x1be: {  	v2 =	vnsel vm0, $0x0, v2  }
0x1bf: {  	[tilespmem:s11+$0x0] =	vst v2;
	s11 =	smov.u32 s25  }
0x1c0: {  	v9 =	vld [tilespmem:s21+$0x8100]  }
0x1c1: {  	v10 =	vld [tilespmem:s21+$0x8080]  }
0x1c2: {  	v2 =	vld [tilespmem:s20+$0x0]  }
0x1c3: {  	v14 =	vld [tilespmem:s21+$0x8000]  }
0x1c4: {  	v6 =	vld [tilespmem:s21+$0x8200]  }
0x1c5: {  	v8 =	vld [tilespmem:s21+$0x8180]  }
0x1c6: {  	v4 =	vld [tilespmem:s21+$0x9080]  }
0x1c7: {  	v5 =	vld [tilespmem:s21+$0x8280]  }
0x1c8: {  	v3 =	vld [tilespmem:s19+$0x0]  }
0x1c9: {  	v7 =	vld.idx.msk [tilespmem:v9+s8+$0x0], $0xffff  }
.Ltmp4:
0x1ca: {  	v9 =	vld.idx.msk [tilespmem:v9+s1+$0x0], $0xffff;
	(pc) =	sbr.rel @p1 .LBB2_6-.Ltmp4, $4  }
0x1cb: {  	v11 =	vld.idx.msk [tilespmem:v10+s8+$0x0], $0xffff  }
0x1cc: {  	v12 =	vld.idx.msk [tilespmem:v10+s1+$0x0], $0xffff  }
0x1cd: {  	v13 =	vld.idx.msk [tilespmem:v14+s8+$0x0], $0xffff  }
0x1ce: {  	s24 =	sadd.s32 $0x10, s24;
	s23 =	sadd.s32 $0x10, s23;
	s25 =	sadd.s32 $0x10, s25;
	v10 =	vld.idx.msk [tilespmem:v14+s1+$0x0], $0xffff  }
0x1cf: {  	_ =	sdelay $0x3  }
0x1d0: {  	v14 =	vld.idx.msk [tilespmem:v8+s8+$0x0], $0xffff  }
0x1d1: {  	v8 =	vld.idx.msk [tilespmem:v8+s1+$0x0], $0xffff  }
0x1d2: {  	v15 =	vld [tilespmem:s21+$0x8300];
	v11 =	vmul.f32 v11, v2;
	v12 =	vmul.f32 v12, v3  }
0x1d3: {  	v16 =	vld [tilespmem:s26+$0x8000]  }
0x1d4: {  	v13 =	vmul.f32 v13, v2;
	v10 =	vmul.f32 v10, v3;
	v11 =	vadd.f32 v11, v12;
	v12 =	vld.idx.msk [tilespmem:v6+s1+$0x0], $0xffff  }
0x1d5: {  	v9 =	vmul.f32 v9, v3;
	v7 =	vmul.f32 v7, v2;
	v6 =	vld.idx.msk [tilespmem:v6+s8+$0x0], $0xffff  }
0x1d6: {  	v17 =	vld [tilespmem:s21+$0x9000];
	v10 =	vadd.f32 v13, v10  }
0x1d7: {  	v7 =	vadd.f32 v7, v9;
	v14 =	vmul.f32 v14, v2;
	v8 =	vmul.f32 v8, v3;
	v13 =	vld.idx.msk [tilespmem:v5+s8+$0x0], $0xffff  }
0x1d8: {  	vm0 =	vgt.f32 v11, $5.000000070e-02;
	v5 =	vld.idx.msk [tilespmem:v5+s1+$0x0], $0xffff;
	v9 =	vadd.f32 $0.0e+00, v10;
	vm1 =	vgt.f32 v10, $5.000000070e-02  }
0x1d9: {  	v8 =	vadd.f32 v14, v8;
	v14 =	vsel vm0, $0x3F800000, v1;
	v10 =	vsel vm1, $0x3F800000, v1  }
0x1da: {  	v18 =	vld.idx.msk [tilespmem:v15+s1+$0x0], $0xffff;
	v12 =	vmul.f32 v12, v3;
	v6 =	vmul.f32 v6, v2;
	v9 =	vadd.f32 v11, v9  }
0x1db: {  	vm5 =	vgt.f32 v7, $5.000000070e-02;
	vm6 =	vgt.f32 v8, $5.000000070e-02;
	v10 =	vadd.f32 v14, v10;
	v11 =	vld.idx.msk [tilespmem:v15+s8+$0x0], $0xffff  }
0x1dc: {  	v14 =	vsel vm5, $0x3F800000, v1;
	v15 =	vld.idx.msk [tilespmem:v16+s1+$0x0], $0xffff;
	v6 =	vadd.f32 v6, v12;
	v7 =	vadd.f32 v7, v9  }
0x1dd: {  	v5 =	vmul.f32 v5, v3;
	v9 =	vadd.f32 v14, v10;
	v10 =	vmul.f32 v13, v2;
	v13 =	vld.idx.msk [tilespmem:v16+s8+$0x0], $0xffff  }
0x1de: {  	v12 =	vld.idx.msk [tilespmem:v17+s8+$0x0], $0xffff;
	v14 =	vsel vm6, $0x3F800000, v1;
	vm7 =	vgt.f32 v6, $5.000000070e-02;
	v7 =	vadd.f32 v8, v7  }
0x1df: {  	v8 =	vadd.f32 v14, v9;
	v9 =	vld.idx.msk [tilespmem:v17+s1+$0x0], $0xffff;
	v5 =	vadd.f32 v10, v5;
	v10 =	vmul.f32 v18, v3  }
0x1e0: {  	v14 =	vld.idx.msk [tilespmem:v4+s8+$0x0], $0xffff;
	v11 =	vmul.f32 v11, v2;
	v6 =	vadd.f32 v6, v7;
	v7 =	vsel vm7, $0x3F800000, v1  }
0x1e1: {  	v4 =	vld.idx.msk [tilespmem:v4+s1+$0x0], $0xffff;
	vm8 =	vgt.f32 v5, $5.000000070e-02;
	v7 =	vadd.f32 v7, v8;
	v8 =	vmul.f32 v15, v3  }
0x1e2: {  	v15 =	vsel vm8, $0x3F800000, v1;
	v10 =	vadd.f32 v11, v10;
	v11 =	vmul.f32 v13, v2  }
0x1e3: {  	v5 =	vadd.f32 v5, v6;
	v6 =	vadd.f32 v15, v7  }
0x1e4: {  	v7 =	vmul.f32 v12, v2;
	vm9 =	vgt.f32 v10, $5.000000070e-02;
	v8 =	vadd.f32 v11, v8  }
0x1e5: {  	v9 =	vmul.f32 v9, v3;
	v5 =	vadd.f32 v10, v5;
	v10 =	vsel vm9, $0x3F800000, v1  }
0x1e6: {  	v2 =	vmul.f32 v14, v2;
	v3 =	vmul.f32 v4, v3;
	v6 =	vadd.f32 v10, v6  }
0x1e7: {  	vm10 =	vgt.f32 v8, $5.000000070e-02;
	v7 =	vadd.f32 v7, v9;
	v4 =	vadd.f32 v8, v5  }
0x1e8: {  	v2 =	vadd.f32 v2, v3;
	v5 =	vsel vm10, $0x3F800000, v1  }
0x1e9: {  	v5 =	vadd.f32 v5, v6;
	vm11 =	vgt.f32 v7, $5.000000070e-02;
	v3 =	vadd.f32 v7, v4  }
0x1ea: {  	v4 =	vld [tilespmem:s13+$0x0];
	v6 =	vsel vm11, $0x3F800000, v1  }
0x1eb: {  	vm12 =	vgt.f32 v2, $5.000000070e-02;
	v7 =	vld [tilespmem:s12+$0x0];
	v5 =	vadd.f32 v6, v5;
	v2 =	vadd.f32 v2, v3  }
0x1ec: {  	v3 =	vsel vm12, $0x3F800000, v1  }
0x1ed: {  	v3 =	vadd.f32 v3, v5;
	v2 =	vmul.f32 v2, v0;
	_ =	sdelay $0x1  }
0x1ee: {  	vm14 =	vgt.f32 v3, $8.000000000e+00;
	vm13 =	vgt.f32 v2, $0.0e+00  }
0x1ef: {  	vm15 =	vgt.f32 v7, $5.000000000e-01;
	v2 =	vadd.f32 v2, v4;
	vm0 =	vmand vm13, vm14  }
0x1f0: {  	vm0 =	vmand vm15, vm0  }
0x1f1: {  	v2 =	vnsel vm0, $0x0, v2  }
0x1f2: {  	[tilespmem:s11+$0x0] =	vst v2;
	s11 =	simm.s32 $0xA800  }
0x1f3: {  	[hbm4b:s0+s5] =	stream.strided.scatter [tilespmem:s11], [sflag:$0x1], $0x200, s6, s5, $0x38;
	[tilespmem:$0xAA00] =	vst v63  }
0x1f4: {  	_ =	swait.ge [sflag:s7], $0x200  }
0x1f5: {  	[sflag:s7] =	ssyncset.done $0x0  }
0x1f6: {  	s18 =	simm.s32 $0x0;
	s25 =	rddreg [dreg:$0xc];
	[sflag:s7] =	ssyncadd.s32 $0xFFFFFE00  }
0x1f7: {  	[tilespmem:s18], [sflag:$0x1] =	stream.strided.gather [hbm4b:s25+s5], $0x4000, s6, s5, $0x38;
	[tilespmem:$0xAA00] =	vst v63  }
0x1f8: {  	_ =	swait.ge [sflag:s7], $0x4000  }
0x1f9: {  	[sflag:s7] =	ssyncset.done $0x0  }
0x1fa: {  	s26 =	rddreg [dreg:$0xd];
	[sflag:s7] =	ssyncadd.s32 $0xFFFFC000  }
0x1fb: {  	[tilespmem:s8], [sflag:$0x1] =	stream.strided.gather [hbm4b:s26+s5], $0x4000, s6, s5, $0x38;
	[tilespmem:$0xAA00] =	vst v63  }
0x1fc: {  	_ =	swait.ge [sflag:s7], $0x4000  }
0x1fd: {  	[sflag:s7] =	ssyncset.done $0x0  }
0x1fe: {  	s28 =	rddreg [dreg:$0xe];
	[sflag:s7] =	ssyncadd.s32 $0xFFFFC000  }
0x1ff: {  	[tilespmem:s9], [sflag:$0x1] =	stream.linear.gather [hbm4b:s28+s18], $0x2000, $0x38;
	[tilespmem:$0xAA00] =	vst v63  }
0x200: {  	_ =	swait.ge [sflag:s7], $0x2000  }
0x201: {  	[sflag:s7] =	ssyncset.done $0x0  }
0x202: {  	s19 =	simm.s32 $0xA000;
	[sflag:s7] =	ssyncadd.s32 $0xFFFFE000  }
0x203: {  	[tilespmem:s19], [sflag:$0x1] =	stream.strided.gather [hbm4b:s14+s5], $0x200, s6, s5, $0x38;
	[tilespmem:$0xAA00] =	vst v63  }
0x204: {  	_ =	swait.ge [sflag:s7], $0x200  }
0x205: {  	[sflag:s7] =	ssyncset.done $0x0  }
0x206: {  	s20 =	simm.s32 $0xA200;
	[sflag:s7] =	ssyncadd.s32 $0xFFFFFE00  }
0x207: {  	[tilespmem:s20], [sflag:$0x1] =	stream.strided.gather [hbm4b:s15+s5], $0x200, s6, s5, $0x38;
	[tilespmem:$0xAA00] =	vst v63  }
0x208: {  	_ =	swait.ge [sflag:s7], $0x200  }
0x209: {  	[sflag:s7] =	ssyncset.done $0x0  }
0x20a: {  	s12 =	simm.s32 $0xA400;
	[sflag:s7] =	ssyncadd.s32 $0xFFFFFE00  }
0x20b: {  	[tilespmem:s12], [sflag:$0x1] =	stream.strided.gather [hbm4b:s16+s5], $0x200, s6, s5, $0x38;
	[tilespmem:$0xAA00] =	vst v63  }
0x20c: {  	_ =	swait.ge [sflag:s7], $0x200  }
0x20d: {  	[sflag:s7] =	ssyncset.done $0x0  }
0x20e: {  	s13 =	simm.s32 $0xA600;
	[sflag:s7] =	ssyncadd.s32 $0xFFFFFE00  }
0x20f: {  	[tilespmem:s13], [sflag:$0x1] =	stream.strided.gather [hbm4b:s2+s5], $0x200, s6, s5, $0x38;
	[tilespmem:$0xAA00] =	vst v63  }
0x210: {  	_ =	swait.ge [sflag:s7], $0x200  }
0x211: {  	s29 =	sand.u32 $0x70, s18;
	s22 =	sand.u32 $0xC00, s18;
	[sflag:s7] =	ssyncset.done $0x0  }
0x212: {  	s21 =	sor.u32 s29, s22;
	[sflag:s7] =	ssyncadd.s32 $0xFFFFFE00  }
0x213: {  	v9 =	vld [tilespmem:s21+$0x8100]  }
0x214: {  	v10 =	vld [tilespmem:s21+$0x8080]  }
0x215: {  	v2 =	vld [tilespmem:s20+$0x0]  }
0x216: {  	v14 =	vld [tilespmem:s21+$0x8000]  }
0x217: {  	v6 =	vld [tilespmem:s21+$0x8200]  }
0x218: {  	v8 =	vld [tilespmem:s21+$0x8180]  }
0x219: {  	v4 =	vld [tilespmem:s21+$0x9080]  }
0x21a: {  	v5 =	vld [tilespmem:s21+$0x8280]  }
0x21b: {  	v3 =	vld [tilespmem:s19+$0x0]  }
0x21c: {  	v7 =	vld.idx.msk [tilespmem:v9+s8+$0x0], $0xffff  }
0x21d: {  	v9 =	vld.idx.msk [tilespmem:v9+s1+$0x0], $0xffff  }
0x21e: {  	v11 =	vld.idx.msk [tilespmem:v10+s8+$0x0], $0xffff  }
0x21f: {  	v12 =	vld.idx.msk [tilespmem:v10+s1+$0x0], $0xffff  }
0x220: {  	s24 =	simm.s32 $0xA610;
	s23 =	sor.u32 s18, s18;
	s22 =	simm.s32 $0x10;
	v13 =	vld.idx.msk [tilespmem:v14+s8+$0x0], $0xffff  }
0x221: {  	s25 =	simm.s32 $0xA810;
	s26 =	sor.u32 $0x380, s23;
	s23 =	simm.s32 $0xA410;
	v10 =	vld.idx.msk [tilespmem:v14+s1+$0x0], $0xffff  }
.LBB2_8:
0x222: {  	v14 =	vld.idx.msk [tilespmem:v8+s8+$0x0], $0xffff;
	s18 =	sadd.s32 $0x80, s18;
	s19 =	sadd.s32 $0x10, s19;
	s20 =	sadd.s32 $0x10, s20  }
0x223: {  	p1 =	sne.s32 s22, $0x180;
	v9 =	vmul.f32 v9, v3;
	s28 =	smov.u32 s22;
	s22 =	sadd.s32 $0x10, s22;
	v8 =	vld.idx.msk [tilespmem:v8+s1+$0x0], $0xffff  }
0x224: {  	v11 =	vmul.f32 v11, v2;
	v15 =	vld [tilespmem:s21+$0x8300]  }
0x225: {  	v12 =	vmul.f32 v12, v3;
	v16 =	vld [tilespmem:s26+$0x8000]  }
0x226: {  	v13 =	vmul.f32 v13, v2;
	v17 =	vld [tilespmem:s21+$0x9000]  }
0x227: {  	s21 =	sor.u32 s18, s28;
	v10 =	vmul.f32 v10, v3;
	v11 =	vadd.f32 v11, v12;
	v12 =	vld.idx.msk [tilespmem:v6+s1+$0x0], $0xffff  }
0x228: {  	v7 =	vmul.f32 v7, v2;
	s29 =	sand.u32 $0xC00, s18;
	s28 =	sand.u32 $0x70, s28;
	s26 =	sor.u32 $0x380, s21;
	v14 =	vmul.f32 v14, v2;
	v6 =	vld.idx.msk [tilespmem:v6+s8+$0x0], $0xffff  }
0x229: {  	s21 =	sor.u32 s28, s29;
	v10 =	vadd.f32 v13, v10;
	vm0 =	vgt.f32 v11, $5.000000070e-02;
	v8 =	vmul.f32 v8, v3;
	v13 =	vld.idx.msk [tilespmem:v5+s8+$0x0], $0xffff  }
0x22a: {  	v7 =	vadd.f32 v7, v9;
	v5 =	vld.idx.msk [tilespmem:v5+s1+$0x0], $0xffff  }
0x22b: {  	v9 =	vadd.f32 $0.0e+00, v10;
	vm1 =	vgt.f32 v10, $5.000000070e-02;
	v8 =	vadd.f32 v14, v8  }
0x22c: {  	v14 =	vsel vm0, $0x3F800000, v1;
	vm0 =	vgt.f32 v7, $5.000000070e-02;
	v10 =	vsel vm1, $0x3F800000, v1;
	v18 =	vld.idx.msk [tilespmem:v15+s1+$0x0], $0xffff  }
0x22d: {  	v9 =	vadd.f32 v11, v9;
	v10 =	vadd.f32 v14, v10;
	vm1 =	vgt.f32 v8, $5.000000070e-02;
	v11 =	vld.idx.msk [tilespmem:v15+s8+$0x0], $0xffff  }
0x22e: {  	v14 =	vsel vm0, $0x3F800000, v1;
	v12 =	vmul.f32 v12, v3;
	v6 =	vmul.f32 v6, v2;
	v15 =	vld.idx.msk [tilespmem:v16+s1+$0x0], $0xffff  }
0x22f: {  	v7 =	vadd.f32 v7, v9;
	v9 =	vadd.f32 v14, v10;
	v10 =	vmul.f32 v13, v2;
	v13 =	vld.idx.msk [tilespmem:v16+s8+$0x0], $0xffff  }
0x230: {  	v14 =	vsel vm1, $0x3F800000, v1;
	v6 =	vadd.f32 v6, v12;
	v5 =	vmul.f32 v5, v3;
	v12 =	vld.idx.msk [tilespmem:v17+s8+$0x0], $0xffff  }
0x231: {  	v7 =	vadd.f32 v8, v7;
	v8 =	vadd.f32 v14, v9;
	v9 =	vld.idx.msk [tilespmem:v17+s1+$0x0], $0xffff  }
0x232: {  	vm0 =	vgt.f32 v6, $5.000000070e-02;
	v5 =	vadd.f32 v10, v5;
	v10 =	vmul.f32 v18, v3;
	v14 =	vld.idx.msk [tilespmem:v4+s8+$0x0], $0xffff  }
0x233: {  	v6 =	vadd.f32 v6, v7;
	v7 =	vsel vm0, $0x3F800000, v1;
	v11 =	vmul.f32 v11, v2;
	v4 =	vld.idx.msk [tilespmem:v4+s1+$0x0], $0xffff  }
0x234: {  	v7 =	vadd.f32 v7, v8;
	vm0 =	vgt.f32 v5, $5.000000070e-02;
	v8 =	vmul.f32 v15, v3  }
0x235: {  	v15 =	vsel vm0, $0x3F800000, v1;
	v10 =	vadd.f32 v11, v10;
	v11 =	vmul.f32 v13, v2  }
0x236: {  	v5 =	vadd.f32 v5, v6;
	v6 =	vadd.f32 v15, v7;
	v7 =	vmul.f32 v12, v2  }
0x237: {  	vm0 =	vgt.f32 v10, $5.000000070e-02;
	v8 =	vadd.f32 v11, v8;
	v9 =	vmul.f32 v9, v3  }
0x238: {  	v5 =	vadd.f32 v10, v5;
	v10 =	vsel vm0, $0x3F800000, v1;
	v2 =	vmul.f32 v14, v2  }
0x239: {  	v6 =	vadd.f32 v10, v6;
	vm0 =	vgt.f32 v8, $5.000000070e-02;
	v3 =	vmul.f32 v4, v3  }
0x23a: {  	v4 =	vadd.f32 v8, v5;
	v7 =	vadd.f32 v7, v9;
	v5 =	vsel vm0, $0x3F800000, v1  }
0x23b: {  	v5 =	vadd.f32 v5, v6;
	v2 =	vadd.f32 v2, v3  }
0x23c: {  	v3 =	vadd.f32 v7, v4;
	vm0 =	vgt.f32 v7, $5.000000070e-02  }
0x23d: {  	v6 =	vsel vm0, $0x3F800000, v1;
	vm0 =	vgt.f32 v2, $5.000000070e-02;
	v4 =	vld [tilespmem:s13+$0x0];
	s13 =	smov.u32 s24  }
0x23e: {  	v5 =	vadd.f32 v6, v5;
	v2 =	vadd.f32 v2, v3;
	v3 =	vsel vm0, $0x3F800000, v1;
	v7 =	vld [tilespmem:s12+$0x0];
	s12 =	smov.u32 s23;
	_ =	sdelay $0x1  }
0x23f: {  	v3 =	vadd.f32 v3, v5;
	v2 =	vmul.f32 v2, v0;
	_ =	sdelay $0x1  }
0x240: {  	vm0 =	vgt.f32 v2, $0.0e+00;
	vm1 =	vgt.f32 v3, $8.000000000e+00  }
0x241: {  	vm0 =	vmand vm0, vm1;
	v2 =	vadd.f32 v2, v4;
	vm1 =	vgt.f32 v7, $5.000000000e-01  }
0x242: {  	vm0 =	vmand vm1, vm0  }
0x243: {  	v2 =	vnsel vm0, $0x0, v2  }
0x244: {  	[tilespmem:s11+$0x0] =	vst v2;
	s11 =	smov.u32 s25  }
0x245: {  	v9 =	vld [tilespmem:s21+$0x8100]  }
0x246: {  	v10 =	vld [tilespmem:s21+$0x8080]  }
0x247: {  	v2 =	vld [tilespmem:s20+$0x0]  }
0x248: {  	v14 =	vld [tilespmem:s21+$0x8000]  }
0x249: {  	v6 =	vld [tilespmem:s21+$0x8200]  }
0x24a: {  	v8 =	vld [tilespmem:s21+$0x8180]  }
0x24b: {  	v4 =	vld [tilespmem:s21+$0x9080]  }
0x24c: {  	v5 =	vld [tilespmem:s21+$0x8280]  }
0x24d: {  	v3 =	vld [tilespmem:s19+$0x0]  }
0x24e: {  	v7 =	vld.idx.msk [tilespmem:v9+s8+$0x0], $0xffff  }
.Ltmp5:
0x24f: {  	v9 =	vld.idx.msk [tilespmem:v9+s1+$0x0], $0xffff;
	(pc) =	sbr.rel @p1 .LBB2_8-.Ltmp5, $4  }
0x250: {  	v11 =	vld.idx.msk [tilespmem:v10+s8+$0x0], $0xffff  }
0x251: {  	v12 =	vld.idx.msk [tilespmem:v10+s1+$0x0], $0xffff  }
0x252: {  	v13 =	vld.idx.msk [tilespmem:v14+s8+$0x0], $0xffff  }
0x253: {  	s24 =	sadd.s32 $0x10, s24;
	s23 =	sadd.s32 $0x10, s23;
	s25 =	sadd.s32 $0x10, s25;
	v10 =	vld.idx.msk [tilespmem:v14+s1+$0x0], $0xffff  }
0x254: {  	_ =	sdelay $0x3  }
0x255: {  	v14 =	vld.idx.msk [tilespmem:v8+s8+$0x0], $0xffff  }
0x256: {  	v32 =	vld.idx.msk [tilespmem:v8+s1+$0x0], $0xffff  }
0x257: {  	v15 =	vld [tilespmem:s21+$0x8300]  }
0x258: {  	v16 =	vld [tilespmem:s26+$0x8000]  }
0x259: {  	v33 =	vld.idx.msk [tilespmem:v6+s1+$0x0], $0xffff  }
0x25a: {  	v9 =	vmul.f32 v9, v3;
	v7 =	vmul.f32 v7, v2;
	v34 =	vld.idx.msk [tilespmem:v6+s8+$0x0], $0xffff  }
0x25b: {  	v35 =	vld.idx.msk [tilespmem:v5+s8+$0x0], $0xffff;
	v11 =	vmul.f32 v11, v2;
	v12 =	vmul.f32 v12, v3  }
0x25c: {  	v36 =	vld.idx.msk [tilespmem:v5+s1+$0x0], $0xffff;
	v13 =	vmul.f32 v13, v2;
	v10 =	vmul.f32 v10, v3  }
0x25d: {  	v17 =	vld [tilespmem:s21+$0x9000];
	v7 =	vadd.f32 v7, v9  }
0x25e: {  	v11 =	vadd.f32 v11, v12;
	v14 =	vmul.f32 v14, v2;
	v10 =	vadd.f32 v13, v10  }
0x25f: {  	vm5 =	vgt.f32 v7, $5.000000070e-02;
	v8 =	vmul.f32 v32, v3;
	v12 =	vmul.f32 v33, v3  }
0x260: {  	v50 =	vld.idx.msk [tilespmem:v4+s8+$0x0], $0xffff;
	v6 =	vmul.f32 v34, v2;
	v43 =	vmul.f32 v35, v2;
	v37 =	vadd.f32 $0.0e+00, v10  }
0x261: {  	v5 =	vmul.f32 v36, v3;
	vm0 =	vgt.f32 v11, $5.000000070e-02;
	v8 =	vadd.f32 v14, v8;
	v18 =	vld.idx.msk [tilespmem:v15+s1+$0x0], $0xffff  }
0x262: {  	v38 =	vsel vm0, $0x3F800000, v1;
	vm1 =	vgt.f32 v10, $5.000000070e-02;
	v39 =	vld.idx.msk [tilespmem:v15+s8+$0x0], $0xffff;
	v9 =	vadd.f32 v11, v37  }
0x263: {  	v6 =	vadd.f32 v6, v12;
	v5 =	vadd.f32 v43, v5;
	v41 =	vld.idx.msk [tilespmem:v16+s1+$0x0], $0xffff;
	v10 =	vsel vm1, $0x3F800000, v1  }
0x264: {  	v40 =	vsel vm5, $0x3F800000, v1;
	v44 =	vld.idx.msk [tilespmem:v16+s8+$0x0], $0xffff;
	v10 =	vadd.f32 v38, v10;
	v7 =	vadd.f32 v7, v9  }
0x265: {  	v46 =	vld.idx.msk [tilespmem:v17+s8+$0x0], $0xffff;
	vm6 =	vgt.f32 v8, $5.000000070e-02;
	vm7 =	vgt.f32 v6, $5.000000070e-02;
	vm8 =	vgt.f32 v5, $5.000000070e-02  }
0x266: {  	v48 =	vld.idx.msk [tilespmem:v17+s1+$0x0], $0xffff;
	v45 =	vsel vm6, $0x3F800000, v1;
	v42 =	vadd.f32 v40, v10;
	v7 =	vadd.f32 v8, v7  }
0x267: {  	v51 =	vsel vm7, $0x3F800000, v1;
	v49 =	vmul.f32 v18, v3;
	v11 =	vmul.f32 v39, v2  }
0x268: {  	v52 =	vld.idx.msk [tilespmem:v4+s1+$0x0], $0xffff;
	v54 =	vsel vm8, $0x3F800000, v1;
	v47 =	vadd.f32 v45, v42;
	v6 =	vadd.f32 v6, v7  }
0x269: {  	v53 =	vmul.f32 v41, v3;
	v55 =	vmul.f32 v44, v2;
	v10 =	vadd.f32 v11, v49  }
0x26a: {  	v57 =	vmul.f32 v46, v2;
	v7 =	vadd.f32 v51, v47;
	v5 =	vadd.f32 v5, v6  }
0x26b: {  	v9 =	vmul.f32 v48, v3;
	v2 =	vmul.f32 v50, v2;
	v8 =	vadd.f32 v55, v53  }
0x26c: {  	vm9 =	vgt.f32 v10, $5.000000070e-02;
	v56 =	vadd.f32 v54, v7;
	v5 =	vadd.f32 v10, v5  }
0x26d: {  	v3 =	vmul.f32 v52, v3;
	v58 =	vsel vm9, $0x3F800000, v1;
	v7 =	vadd.f32 v57, v9  }
0x26e: {  	vm10 =	vgt.f32 v8, $5.000000070e-02;
	v6 =	vadd.f32 v58, v56;
	v59 =	vadd.f32 v8, v5  }
0x26f: {  	v2 =	vadd.f32 v2, v3;
	v60 =	vsel vm10, $0x3F800000, v1  }
0x270: {  	vm11 =	vgt.f32 v7, $5.000000070e-02;
	v5 =	vadd.f32 v60, v6;
	v3 =	vadd.f32 v7, v59  }
0x271: {  	v61 =	vld [tilespmem:s13+$0x0];
	v62 =	vsel vm11, $0x3F800000, v1  }
0x272: {  	v63 =	vld [tilespmem:s12+$0x0];
	vm12 =	vgt.f32 v2, $5.000000070e-02;
	v5 =	vadd.f32 v62, v5;
	v2 =	vadd.f32 v2, v3  }
0x273: {  	v3 =	vsel vm12, $0x3F800000, v1  }
0x274: {  	v3 =	vadd.f32 v3, v5;
	v2 =	vmul.f32 v2, v0;
	_ =	sdelay $0x1  }
0x275: {  	vm14 =	vgt.f32 v3, $8.000000000e+00;
	vm13 =	vgt.f32 v2, $0.0e+00  }
0x276: {  	vm15 =	vgt.f32 v63, $5.000000000e-01;
	v2 =	vadd.f32 v2, v61;
	vm0 =	vmand vm13, vm14  }
0x277: {  	vm0 =	vmand vm15, vm0  }
0x278: {  	v2 =	vnsel vm0, $0x0, v2  }
.Ltmp6:
0x279: {  	s29 =	simm.s32 $0xA800;
	[tilespmem:s11+$0x0] =	vst v2;
	(pc) =	sbr.rel @p0 .LBB2_13-.Ltmp6, $4  }
0x27a: {  	[hbm4b:s3+s5] =	stream.strided.scatter [tilespmem:s29], [sflag:$0x1], $0x200, s6, s5, $0x38;
	[tilespmem:$0xAA00] =	vst v63  }
0x27b: {  	_ =	swait.ge [sflag:s7], $0x200  }
0x27c: {  	[sflag:s7] =	ssyncset.done $0x0  }
0x27d: {  	[sflag:s7] =	ssyncadd.s32 $0xFFFFFE00  }
0x27e: {  	s18 =	simm.s32 $0x0;
	s11 =	rddreg [dreg:$0xf]  }
0x27f: {  	[tilespmem:s18], [sflag:$0x1] =	stream.strided.gather [hbm4b:s11+s5], $0x4000, s6, s5, $0x38;
	[tilespmem:$0xAA00] =	vst v63  }
0x280: {  	_ =	swait.ge [sflag:s7], $0x4000  }
0x281: {  	[sflag:s7] =	ssyncset.done $0x0  }
0x282: {  	s24 =	rddreg [dreg:$0x10];
	[sflag:s7] =	ssyncadd.s32 $0xFFFFC000  }
0x283: {  	[tilespmem:s8], [sflag:$0x1] =	stream.strided.gather [hbm4b:s24+s5], $0x4000, s6, s5, $0x38;
	[tilespmem:$0xAA00] =	vst v63  }
0x284: {  	_ =	swait.ge [sflag:s7], $0x4000  }
0x285: {  	[sflag:s7] =	ssyncset.done $0x0  }
0x286: {  	s25 =	rddreg [dreg:$0x11];
	[sflag:s7] =	ssyncadd.s32 $0xFFFFC000  }
0x287: {  	[tilespmem:s9], [sflag:$0x1] =	stream.linear.gather [hbm4b:s25+s18], $0x2000, $0x38;
	[tilespmem:$0xAA00] =	vst v63  }
0x288: {  	_ =	swait.ge [sflag:s7], $0x2000  }
0x289: {  	[sflag:s7] =	ssyncset.done $0x0  }
0x28a: {  	s19 =	simm.s32 $0xA000;
	s26 =	rddreg [dreg:$0x1d];
	[sflag:s7] =	ssyncadd.s32 $0xFFFFE000  }
0x28b: {  	[tilespmem:s19], [sflag:$0x1] =	stream.strided.gather [hbm4b:s26+s5], $0x200, s6, s5, $0x38;
	[tilespmem:$0xAA00] =	vst v63  }
0x28c: {  	_ =	swait.ge [sflag:s7], $0x200  }
0x28d: {  	[sflag:s7] =	ssyncset.done $0x0  }
0x28e: {  	s20 =	simm.s32 $0xA200;
	s28 =	rddreg [dreg:$0x1e];
	[sflag:s7] =	ssyncadd.s32 $0xFFFFFE00  }
0x28f: {  	[tilespmem:s20], [sflag:$0x1] =	stream.strided.gather [hbm4b:s28+s5], $0x200, s6, s5, $0x38;
	[tilespmem:$0xAA00] =	vst v63  }
0x290: {  	_ =	swait.ge [sflag:s7], $0x200  }
0x291: {  	[sflag:s7] =	ssyncset.done $0x0  }
0x292: {  	s11 =	simm.s32 $0xA400;
	s12 =	rddreg [dreg:$0x1f];
	[sflag:s7] =	ssyncadd.s32 $0xFFFFFE00  }
0x293: {  	[tilespmem:s11], [sflag:$0x1] =	stream.strided.gather [hbm4b:s12+s5], $0x200, s6, s5, $0x38;
	[tilespmem:$0xAA00] =	vst v63  }
0x294: {  	_ =	swait.ge [sflag:s7], $0x200  }
0x295: {  	s13 =	sld [smem:$0x7FC]  }
0x296: {  	[sflag:s7] =	ssyncset.done $0x0  }
0x297: {  	s12 =	simm.s32 $0xA600;
	[sflag:s7] =	ssyncadd.s32 $0xFFFFFE00  }
0x298: {  	[tilespmem:s12], [sflag:$0x1] =	stream.strided.gather [hbm4b:s13+s5], $0x200, s6, s5, $0x38;
	[tilespmem:$0xAA00] =	vst v63  }
0x299: {  	_ =	swait.ge [sflag:s7], $0x200  }
0x29a: {  	s29 =	sand.u32 $0x70, s18;
	s21 =	sand.u32 $0xC00, s18;
	[sflag:s7] =	ssyncset.done $0x0  }
0x29b: {  	s21 =	sor.u32 s29, s21;
	[sflag:s7] =	ssyncadd.s32 $0xFFFFFE00  }
0x29c: {  	v9 =	vld [tilespmem:s21+$0x8100]  }
0x29d: {  	v10 =	vld [tilespmem:s21+$0x8080]  }
0x29e: {  	v2 =	vld [tilespmem:s20+$0x0]  }
0x29f: {  	v14 =	vld [tilespmem:s21+$0x8000]  }
0x2a0: {  	v6 =	vld [tilespmem:s21+$0x8200]  }
0x2a1: {  	v8 =	vld [tilespmem:s21+$0x8180]  }
0x2a2: {  	v4 =	vld [tilespmem:s21+$0x9080]  }
0x2a3: {  	v5 =	vld [tilespmem:s21+$0x8280]  }
0x2a4: {  	v3 =	vld [tilespmem:s19+$0x0]  }
0x2a5: {  	v7 =	vld.idx.msk [tilespmem:v9+s8+$0x0], $0xffff  }
0x2a6: {  	v9 =	vld.idx.msk [tilespmem:v9+s1+$0x0], $0xffff  }
0x2a7: {  	v11 =	vld.idx.msk [tilespmem:v10+s8+$0x0], $0xffff  }
0x2a8: {  	s22 =	simm.s32 $0x10;
	v12 =	vld.idx.msk [tilespmem:v10+s1+$0x0], $0xffff  }
0x2a9: {  	s23 =	sor.u32 s18, s18;
	s24 =	simm.s32 $0xA610;
	s25 =	simm.s32 $0xA810;
	v13 =	vld.idx.msk [tilespmem:v14+s8+$0x0], $0xffff  }
0x2aa: {  	s26 =	sor.u32 $0x380, s23;
	s23 =	simm.s32 $0xA410;
	s13 =	simm.s32 $0xA800;
	v10 =	vld.idx.msk [tilespmem:v14+s1+$0x0], $0xffff  }
.LBB2_11:
0x2ab: {  	v14 =	vld.idx.msk [tilespmem:v8+s8+$0x0], $0xffff;
	s18 =	sadd.s32 $0x80, s18;
	s19 =	sadd.s32 $0x10, s19;
	s20 =	sadd.s32 $0x10, s20  }
0x2ac: {  	p1 =	sne.s32 s22, $0x180;
	v9 =	vmul.f32 v9, v3;
	s28 =	smov.u32 s22;
	s22 =	sadd.s32 $0x10, s22;
	v8 =	vld.idx.msk [tilespmem:v8+s1+$0x0], $0xffff  }
0x2ad: {  	v11 =	vmul.f32 v11, v2;
	v15 =	vld [tilespmem:s21+$0x8300]  }
0x2ae: {  	v12 =	vmul.f32 v12, v3;
	v16 =	vld [tilespmem:s26+$0x8000]  }
0x2af: {  	v13 =	vmul.f32 v13, v2;
	v17 =	vld [tilespmem:s21+$0x9000]  }
0x2b0: {  	v10 =	vmul.f32 v10, v3;
	v11 =	vadd.f32 v11, v12;
	s21 =	sor.u32 s18, s28;
	v12 =	vld.idx.msk [tilespmem:v6+s1+$0x0], $0xffff  }
0x2b1: {  	v7 =	vmul.f32 v7, v2;
	s29 =	sand.u32 $0xC00, s18;
	s28 =	sand.u32 $0x70, s28;
	s26 =	sor.u32 $0x380, s21;
	v14 =	vmul.f32 v14, v2;
	v6 =	vld.idx.msk [tilespmem:v6+s8+$0x0], $0xffff  }
0x2b2: {  	v10 =	vadd.f32 v13, v10;
	vm0 =	vgt.f32 v11, $5.000000070e-02;
	s21 =	sor.u32 s28, s29;
	v8 =	vmul.f32 v8, v3;
	v13 =	vld.idx.msk [tilespmem:v5+s8+$0x0], $0xffff  }
0x2b3: {  	v7 =	vadd.f32 v7, v9;
	v5 =	vld.idx.msk [tilespmem:v5+s1+$0x0], $0xffff  }
0x2b4: {  	v9 =	vadd.f32 $0.0e+00, v10;
	vm1 =	vgt.f32 v10, $5.000000070e-02;
	v8 =	vadd.f32 v14, v8  }
0x2b5: {  	v10 =	vsel vm1, $0x3F800000, v1;
	v14 =	vsel vm0, $0x3F800000, v1;
	vm0 =	vgt.f32 v7, $5.000000070e-02;
	v18 =	vld.idx.msk [tilespmem:v15+s1+$0x0], $0xffff  }
0x2b6: {  	v9 =	vadd.f32 v11, v9;
	v10 =	vadd.f32 v14, v10;
	vm1 =	vgt.f32 v8, $5.000000070e-02;
	v11 =	vld.idx.msk [tilespmem:v15+s8+$0x0], $0xffff  }
0x2b7: {  	v14 =	vsel vm0, $0x3F800000, v1;
	v12 =	vmul.f32 v12, v3;
	v6 =	vmul.f32 v6, v2;
	v15 =	vld.idx.msk [tilespmem:v16+s1+$0x0], $0xffff  }
0x2b8: {  	v7 =	vadd.f32 v7, v9;
	v9 =	vadd.f32 v14, v10;
	v10 =	vmul.f32 v13, v2;
	v13 =	vld.idx.msk [tilespmem:v16+s8+$0x0], $0xffff  }
0x2b9: {  	v14 =	vsel vm1, $0x3F800000, v1;
	v6 =	vadd.f32 v6, v12;
	v5 =	vmul.f32 v5, v3;
	v12 =	vld.idx.msk [tilespmem:v17+s8+$0x0], $0xffff  }
0x2ba: {  	v7 =	vadd.f32 v8, v7;
	v8 =	vadd.f32 v14, v9;
	v9 =	vld.idx.msk [tilespmem:v17+s1+$0x0], $0xffff  }
0x2bb: {  	vm0 =	vgt.f32 v6, $5.000000070e-02;
	v5 =	vadd.f32 v10, v5;
	v10 =	vmul.f32 v18, v3;
	v14 =	vld.idx.msk [tilespmem:v4+s8+$0x0], $0xffff  }
0x2bc: {  	v6 =	vadd.f32 v6, v7;
	v7 =	vsel vm0, $0x3F800000, v1;
	v11 =	vmul.f32 v11, v2;
	v4 =	vld.idx.msk [tilespmem:v4+s1+$0x0], $0xffff  }
0x2bd: {  	v7 =	vadd.f32 v7, v8;
	vm0 =	vgt.f32 v5, $5.000000070e-02;
	v8 =	vmul.f32 v15, v3  }
0x2be: {  	v15 =	vsel vm0, $0x3F800000, v1;
	v10 =	vadd.f32 v11, v10;
	v11 =	vmul.f32 v13, v2  }
0x2bf: {  	v5 =	vadd.f32 v5, v6;
	v6 =	vadd.f32 v15, v7;
	v7 =	vmul.f32 v12, v2  }
0x2c0: {  	vm0 =	vgt.f32 v10, $5.000000070e-02;
	v8 =	vadd.f32 v11, v8;
	v9 =	vmul.f32 v9, v3  }
0x2c1: {  	v5 =	vadd.f32 v10, v5;
	v10 =	vsel vm0, $0x3F800000, v1;
	v2 =	vmul.f32 v14, v2  }
0x2c2: {  	v6 =	vadd.f32 v10, v6;
	vm0 =	vgt.f32 v8, $5.000000070e-02;
	v3 =	vmul.f32 v4, v3  }
0x2c3: {  	v4 =	vadd.f32 v8, v5;
	v7 =	vadd.f32 v7, v9;
	v5 =	vsel vm0, $0x3F800000, v1  }
0x2c4: {  	v5 =	vadd.f32 v5, v6;
	v2 =	vadd.f32 v2, v3  }
0x2c5: {  	v3 =	vadd.f32 v7, v4;
	vm0 =	vgt.f32 v7, $5.000000070e-02  }
0x2c6: {  	v6 =	vsel vm0, $0x3F800000, v1;
	vm0 =	vgt.f32 v2, $5.000000070e-02;
	v4 =	vld [tilespmem:s12+$0x0];
	s12 =	smov.u32 s24  }
0x2c7: {  	v5 =	vadd.f32 v6, v5;
	v2 =	vadd.f32 v2, v3;
	v3 =	vsel vm0, $0x3F800000, v1;
	v7 =	vld [tilespmem:s11+$0x0];
	s11 =	smov.u32 s23;
	_ =	sdelay $0x1  }
0x2c8: {  	v3 =	vadd.f32 v3, v5;
	v2 =	vmul.f32 v2, v0;
	_ =	sdelay $0x1  }
0x2c9: {  	vm0 =	vgt.f32 v2, $0.0e+00;
	vm1 =	vgt.f32 v3, $8.000000000e+00  }
0x2ca: {  	vm0 =	vmand vm0, vm1;
	v2 =	vadd.f32 v2, v4;
	vm1 =	vgt.f32 v7, $5.000000000e-01  }
0x2cb: {  	vm0 =	vmand vm1, vm0  }
0x2cc: {  	v2 =	vnsel vm0, $0x0, v2  }
0x2cd: {  	[tilespmem:s13+$0x0] =	vst v2;
	s13 =	smov.u32 s25  }
0x2ce: {  	v9 =	vld [tilespmem:s21+$0x8100]  }
0x2cf: {  	v10 =	vld [tilespmem:s21+$0x8080]  }
0x2d0: {  	v2 =	vld [tilespmem:s20+$0x0]  }
0x2d1: {  	v14 =	vld [tilespmem:s21+$0x8000]  }
0x2d2: {  	v6 =	vld [tilespmem:s21+$0x8200]  }
0x2d3: {  	v8 =	vld [tilespmem:s21+$0x8180]  }
0x2d4: {  	v4 =	vld [tilespmem:s21+$0x9080]  }
0x2d5: {  	v5 =	vld [tilespmem:s21+$0x8280]  }
0x2d6: {  	v3 =	vld [tilespmem:s19+$0x0]  }
0x2d7: {  	v7 =	vld.idx.msk [tilespmem:v9+s8+$0x0], $0xffff  }
.Ltmp7:
0x2d8: {  	v9 =	vld.idx.msk [tilespmem:v9+s1+$0x0], $0xffff;
	(pc) =	sbr.rel @p1 .LBB2_11-.Ltmp7, $4  }
0x2d9: {  	v11 =	vld.idx.msk [tilespmem:v10+s8+$0x0], $0xffff  }
0x2da: {  	v12 =	vld.idx.msk [tilespmem:v10+s1+$0x0], $0xffff  }
0x2db: {  	v13 =	vld.idx.msk [tilespmem:v14+s8+$0x0], $0xffff  }
0x2dc: {  	s24 =	sadd.s32 $0x10, s24;
	s23 =	sadd.s32 $0x10, s23;
	s25 =	sadd.s32 $0x10, s25;
	v10 =	vld.idx.msk [tilespmem:v14+s1+$0x0], $0xffff  }
.Ltmp8:
0x2dd: {  	_ = 	snop;
	(pc) =	sbr.rel .LBB2_12-.Ltmp8, $1  }
0x2de: {  	_ =	sdelay $0x3  }
.LBB2_14:
0x2df: {  	_ =	sfence.sel $0x180000  }
0x2e0: {  	[bflag:$0x0] =	sbarrier.arrive $0xFFFF  }
0x2e1: {  	_ =	strace $0x90000047  }
0x2e2: {  	s0 =	stileid.u32;
	[bflag:$0x2] =	sbarrier.arrive $0xFFFF  }
0x2e3: {  	p0 =	sne.s32 s0, $0x0;
	s0 =	rddreg [dreg:$0x2]  }
0x2e4: {  	s0 =	sadd.s32 @!p0 $0x100000, s0  }
0x2e5: {  	[sflag:s0] =	ssyncadd.tile.s32 @!p0 $0x1;
	_ =	shalt  }
.Lfunc_end2:
_tile_overlayer_lowered:
.L_overlay_start_2:
0x2e6: {  	(tag) =	ssettag $0x2  }
0x2e7: {  	s0 =	rddreg [dreg:$0x0];
	s2 =	stileid.u32  }
0x2e8: {  	s1 =	rddreg [dreg:$0x1];
	p0 =	sne.s32 s2, $0x0  }
0x2e9: {  	s3 =	rddreg [dreg:$0x2];
	[bflag:$0x3] =	sbarrier.arrive $0xFFFF;
	s2 =	simm.s32 @!p0 $0x1C01  }
0x2ea: {  	[timem:s3], [sflag:s2] =	dma.local @!p0 [hbm:s0], s1  }
0x2eb: {  	s0 =	simm.s32 @!p0 $0x1  }
0x2ec: {  	_ =	swait.ge @!p0 [sflag:s0], s1  }
0x2ed: {  	s1 =	ssub.s32 @!p0 $0x0, s1;
	[sflag:s0] =	ssyncset.done @!p0 $0x0  }
0x2ee: {  	[sflag:s0] =	ssyncadd.s32 @!p0 s1  }
0x2ef: {  	[bflag:$0x3] =	sbarrier.arrive $0xFFFF  }
0x2f0: {  	_ =	shalt  }

</sc_bundles>
